<compile_context>
chip_gen: v7x
topology: tpu7x:2x2x1
jax: 0.10.2.dev20260603
libtpu: 0.0.44.dev20260713+nightly
codegen_flags: <defaults>
</compile_context>

<pallas_src>
import jax
import jax.numpy as jnp
from jax import lax
from jax.experimental import pallas as pl
from jax.experimental.pallas import tpu as pltpu
from jax.experimental.pallas import tpu_sc as plsc

_H = 32
_NH = 12
_NB = 4
_S = _H * _H
_PW = 32
_HS = 16
_NG = _NH * 2


def _sc_body(tf_hbm, x_hbm, out_hbm, table_v, bias_v,
             buf0, buf1, buf2, buf3, si0, si1, si2, si3,
             so0, so1, so2, so3):
    w = lax.axis_index("s") * 2 + lax.axis_index("c")
    bufs = (buf0, buf1, buf2, buf3)
    sin = (si0, si1, si2, si3)
    sout = (so0, so1, so2, so3)

    def g_body(t, carry):
        h = t // 2
        hs = t % 2
        row0 = w * _PW + hs * _HS
        for b in range(_NB):
            pltpu.async_copy(x_hbm.at[b, h, pl.ds(row0, _HS)], bufs[b], sin[b])
        pltpu.sync_copy(tf_hbm.at[h], table_v)

        def build_body(rl, c):
            pj = hs * _HS + rl
            for qi in range(_H):
                a = w + (_H - 1) - qi
                bias_v[rl, pl.ds(qi * _H, 16)] = \
                    table_v[a, pl.ds(_H - 1 - pj, 16)]
                bias_v[rl, pl.ds(qi * _H + 16, 16)] = \
                    table_v[a, pl.ds(_H - 1 - pj + 16, 16)]
            return c

        lax.fori_loop(0, _HS, build_body, 0)

        for b in range(_NB):
            pltpu.make_async_copy(x_hbm.at[b, h, pl.ds(row0, _HS)],
                                  bufs[b], sin[b]).wait()

            def add_body(row, c):
                buf = bufs[b]
                for cc in range(_S // 16):
                    sl = pl.ds(cc * 16, 16)
                    buf[row, sl] = buf[row, sl] + bias_v[row, sl]
                return c

            lax.fori_loop(0, _HS, add_body, 0)
            pltpu.async_copy(bufs[b], out_hbm.at[b, h, pl.ds(row0, _HS)],
                             sout[b])
        for b in range(_NB):
            pltpu.make_async_copy(bufs[b], out_hbm.at[b, h, pl.ds(row0, _HS)],
                                  sout[b]).wait()
        return carry

    lax.fori_loop(0, _NG, g_body, 0)


def kernel(x, relative_pos):
    tf = jnp.pad(relative_pos[:, :, ::-1], ((0, 0), (0, 1), (0, 1)))
    mesh = plsc.VectorSubcoreMesh(core_axis_name="c", subcore_axis_name="s",
                                  num_cores=2)
    run = pl.kernel(
        _sc_body,
        mesh=mesh,
        out_type=jax.ShapeDtypeStruct(x.shape, x.dtype),
        scratch_types=[
            pltpu.VMEM((64, 64), jnp.float32),
            pltpu.VMEM((_HS, _S), jnp.float32),
            pltpu.VMEM((_HS, _S), jnp.float32),
            pltpu.VMEM((_HS, _S), jnp.float32),
            pltpu.VMEM((_HS, _S), jnp.float32),
            pltpu.VMEM((_HS, _S), jnp.float32),
            pltpu.SemaphoreType.DMA,
            pltpu.SemaphoreType.DMA,
            pltpu.SemaphoreType.DMA,
            pltpu.SemaphoreType.DMA,
            pltpu.SemaphoreType.DMA,
            pltpu.SemaphoreType.DMA,
            pltpu.SemaphoreType.DMA,
            pltpu.SemaphoreType.DMA,
        ],
    )
    return run(tf, x)

# --- scband reference (transcript-rebuilt; emitter-appended) ---
"""Pipeline reference for scband-relative-position-bias2d-25125558682360 (READ-ONLY COPY).

The authoritative reference and input builder live on the scoring server;
editing this copy changes nothing except your own understanding.
"""

import jax, jax.numpy as jnp
import numpy as np

H = 32
W = 32
N_HEADS = 12
MAX_I = 2 * H - 1
MAX_J = 2 * W - 1


def _make_grids():
    rows = jnp.arange(H)
    cols = jnp.arange(W)
    gi, gj = jnp.meshgrid(rows, cols, indexing='ij')
    grid = jnp.stack([gi, gj], axis=-1).reshape(H * W, 2)
    rel = grid[:, None, :] - grid[None, :, :]
    rel_grid_i = rel[..., 0] + MAX_I // 2
    rel_grid_j = rel[..., 1] + MAX_J // 2
    return rel_grid_i, rel_grid_j


def setup_inputs(seed: int = 0) -> dict:
    key = jax.random.key(seed)
    k1, k2 = jax.random.split(key)
    x = jax.random.normal(k1, (4, N_HEADS, H * W, H * W), dtype=jnp.float32)
    relative_pos = 0.02 * jax.random.normal(k2, (N_HEADS, MAX_I, MAX_J), dtype=jnp.float32)
    return {"x": x, "relative_pos": relative_pos}


def reference(x, relative_pos):
    rel_grid_i, rel_grid_j = _make_grids()
    # gather: bias_grid[h, p, q] = relative_pos[h, rel_grid_i[p, q], rel_grid_j[p, q]]
    bias_grid = relative_pos[:, rel_grid_i, rel_grid_j]
    return x + bias_grid[None, :, :, :]

if __name__ == "__main__":
    import jax
    _d = setup_inputs()
    print(jax.jit(kernel)(*tuple(_d.values())))

</pallas_src>

<mosaic_0001>
#map = affine_map<(d0, d1) -> (0, 0, 0)>
#map1 = affine_map<(d0, d1) -> (0, 0, 0, 0)>
module attributes {stable_mosaic.version = 14 : i64} {
  func.func @_sc_body(%arg0: i32, %arg1: i32, %arg2: memref<12x64x64xf32, #tpu.memory_space<hbm>>, %arg3: memref<4x12x1024x1024xf32, #tpu.memory_space<hbm>>, %arg4: memref<4x12x1024x1024xf32, #tpu.memory_space<hbm>>, %arg5: memref<64x64xf32, #tpu.memory_space<vmem>>, %arg6: memref<16x1024xf32, #tpu.memory_space<vmem>>, %arg7: memref<16x1024xf32, #tpu.memory_space<vmem>>, %arg8: memref<16x1024xf32, #tpu.memory_space<vmem>>, %arg9: memref<16x1024xf32, #tpu.memory_space<vmem>>, %arg10: memref<16x1024xf32, #tpu.memory_space<vmem>>, %arg11: memref<!tpu.dma_semaphore, #tpu.memory_space<semaphore_mem>>, %arg12: memref<!tpu.dma_semaphore, #tpu.memory_space<semaphore_mem>>, %arg13: memref<!tpu.dma_semaphore, #tpu.memory_space<semaphore_mem>>, %arg14: memref<!tpu.dma_semaphore, #tpu.memory_space<semaphore_mem>>, %arg15: memref<!tpu.dma_semaphore, #tpu.memory_space<semaphore_mem>>, %arg16: memref<!tpu.dma_semaphore, #tpu.memory_space<semaphore_mem>>, %arg17: memref<!tpu.dma_semaphore, #tpu.memory_space<semaphore_mem>>, %arg18: memref<!tpu.dma_semaphore, #tpu.memory_space<semaphore_mem>>) attributes {dimension_semantics = [#tpu.dimension_semantics<core_parallel>, #tpu.dimension_semantics<subcore_parallel>], iteration_bounds = array<i64: 2, 16>, scalar_prefetch = 0 : i64, scratch_operands = 14 : i64, tpu.core_type = #tpu.core_type<sc_vector_subcore>, window_params = [{transform_indices = #map}, {transform_indices = #map1}, {transform_indices = #map1}]} {
    %mul3A = arith.constant 2 : i32
    %mul3A_0 = arith.muli %arg1, %mul3A : i32
    %add3A = arith.addi %mul3A_0, %arg0 : i32
    %scan3A = arith.constant 0 : i32
    %scan3A_1 = arith.constant 0 : i32
    %scan3A_2 = arith.constant 24 : i32
    %scan3A_3 = arith.addi %scan3A_1, %scan3A_2 : i32
    %scan3A_4 = arith.constant 1 : i32
    scf.for %scan3A_6 = %scan3A_1 to %scan3A_3 step %scan3A_4  : i32 {
      %jit3A = arith.constant 2 : i32
      %div3A = arith.divsi %scan3A_6, %jit3A : i32
      %sign3A = arith.constant 0 : i32
      %sign3A_7 = arith.cmpi sgt, %scan3A_6, %sign3A : i32
      %sign3A_8 = arith.extui %sign3A_7 : i1 to i32
      %sign3A_9 = arith.constant 0 : i32
      %sign3A_10 = arith.cmpi slt, %scan3A_6, %sign3A_9 : i32
      %sign3A_11 = arith.extui %sign3A_10 : i1 to i32
      %sign3A_12 = arith.subi %sign3A_8, %sign3A_11 : i32
      %sign3A_13 = arith.constant 0 : i32
      %sign3A_14 = arith.cmpi sgt, %jit3A, %sign3A_13 : i32
      %sign3A_15 = arith.extui %sign3A_14 : i1 to i32
      %sign3A_16 = arith.constant 0 : i32
      %sign3A_17 = arith.cmpi slt, %jit3A, %sign3A_16 : i32
      %sign3A_18 = arith.extui %sign3A_17 : i1 to i32
      %sign3A_19 = arith.subi %sign3A_15, %sign3A_18 : i32
      %ne3A = arith.cmpi ne, %sign3A_12, %sign3A_19 : i32
      %rem3A = arith.remsi %scan3A_6, %jit3A : i32
      %ne3A_20 = arith.constant 0 : i32
      %ne3A_21 = arith.cmpi ne, %rem3A, %ne3A_20 : i32
      %and3A = arith.andi %ne3A, %ne3A_21 : i1
      %sub3A = arith.constant 1 : i32
      %sub3A_22 = arith.subi %div3A, %sub3A : i32
      %select_n3A = arith.select %and3A, %sub3A_22, %div3A : i32
      %jit3A_23 = arith.constant 2 : i32
      %eq3A = arith.constant 0 : i32
      %eq3A_24 = arith.cmpi eq, %jit3A_23, %eq3A : i32
      %jit3A_25 = arith.constant 1 : i32
      %select_n3A_26 = arith.select %eq3A_24, %jit3A_25, %jit3A_23 : i32
      %rem3A_27 = arith.remsi %scan3A_6, %select_n3A_26 : i32
      %ne3A_28 = arith.constant 0 : i32
      %ne3A_29 = arith.cmpi ne, %rem3A_27, %ne3A_28 : i32
      %lt3A = arith.constant 0 : i32
      %lt3A_30 = arith.cmpi slt, %rem3A_27, %lt3A : i32
      %lt3A_31 = arith.constant 0 : i32
      %lt3A_32 = arith.cmpi slt, %select_n3A_26, %lt3A_31 : i32
      %ne3A_33 = arith.xori %lt3A_30, %lt3A_32 : i1
      %and3A_34 = arith.andi %ne3A_33, %ne3A_29 : i1
      %add3A_35 = arith.addi %rem3A_27, %select_n3A_26 : i32
      %select_n3A_36 = arith.select %and3A_34, %add3A_35, %rem3A_27 : i32
      %mul3A_37 = arith.constant 32 : i32
      %mul3A_38 = arith.muli %add3A, %mul3A_37 : i32
      %mul3A_39 = arith.constant 16 : i32
      %mul3A_40 = arith.muli %select_n3A_36, %mul3A_39 : i32
      %add3A_41 = arith.addi %mul3A_38, %mul3A_40 : i32
      %dma_start3A = arith.constant 0 : i32
      %dma_start3A_42 = arith.constant 0 : i32
      %dma_start3A_43 = tpu.memref_slice %arg3[%dma_start3A, %select_n3A, %add3A_41, %dma_start3A_42] : memref<4x12x1024x1024xf32, #tpu.memory_space<hbm>> -> memref<1x1x16x1024xf32, #tpu.memory_space<hbm>>
      %dma_start3A_44 = tpu.memref_squeeze %dma_start3A_43 : memref<1x1x16x1024xf32, #tpu.memory_space<hbm>> -> memref<16x1024xf32, #tpu.memory_space<hbm>>
      %dma_start3A_45 = arith.constant 0 : i32
      %dma_start3A_46 = tpu.memref_slice %arg3[%dma_start3A, %select_n3A, %add3A_41, %dma_start3A_45] : memref<4x12x1024x1024xf32, #tpu.memory_space<hbm>> -> memref<1x1x16x1024xf32, #tpu.memory_space<hbm>>
      %dma_start3A_47 = tpu.memref_squeeze %dma_start3A_46 : memref<1x1x16x1024xf32, #tpu.memory_space<hbm>> -> memref<16x1024xf32, #tpu.memory_space<hbm>>
      tpu.enqueue_dma source(%dma_start3A_47 : memref<16x1024xf32, #tpu.memory_space<hbm>>) target(%arg7 : memref<16x1024xf32, #tpu.memory_space<vmem>>) target_semaphore(%arg11 : memref<!tpu.dma_semaphore, #tpu.memory_space<semaphore_mem>>)
      %dma_start3A_48 = arith.constant 1 : i32
      %dma_start3A_49 = arith.constant 0 : i32
      %dma_start3A_50 = tpu.memref_slice %arg3[%dma_start3A_48, %select_n3A, %add3A_41, %dma_start3A_49] : memref<4x12x1024x1024xf32, #tpu.memory_space<hbm>> -> memref<1x1x16x1024xf32, #tpu.memory_space<hbm>>
      %dma_start3A_51 = tpu.memref_squeeze %dma_start3A_50 : memref<1x1x16x1024xf32, #tpu.memory_space<hbm>> -> memref<16x1024xf32, #tpu.memory_space<hbm>>
      %dma_start3A_52 = arith.constant 0 : i32
      %dma_start3A_53 = tpu.memref_slice %arg3[%dma_start3A_48, %select_n3A, %add3A_41, %dma_start3A_52] : memref<4x12x1024x1024xf32, #tpu.memory_space<hbm>> -> memref<1x1x16x1024xf32, #tpu.memory_space<hbm>>
      %dma_start3A_54 = tpu.memref_squeeze %dma_start3A_53 : memref<1x1x16x1024xf32, #tpu.memory_space<hbm>> -> memref<16x1024xf32, #tpu.memory_space<hbm>>
      tpu.enqueue_dma source(%dma_start3A_54 : memref<16x1024xf32, #tpu.memory_space<hbm>>) target(%arg8 : memref<16x1024xf32, #tpu.memory_space<vmem>>) target_semaphore(%arg12 : memref<!tpu.dma_semaphore, #tpu.memory_space<semaphore_mem>>)
      %dma_start3A_55 = arith.constant 2 : i32
      %dma_start3A_56 = arith.constant 0 : i32
      %dma_start3A_57 = tpu.memref_slice %arg3[%dma_start3A_55, %select_n3A, %add3A_41, %dma_start3A_56] : memref<4x12x1024x1024xf32, #tpu.memory_space<hbm>> -> memref<1x1x16x1024xf32, #tpu.memory_space<hbm>>
      %dma_start3A_58 = tpu.memref_squeeze %dma_start3A_57 : memref<1x1x16x1024xf32, #tpu.memory_space<hbm>> -> memref<16x1024xf32, #tpu.memory_space<hbm>>
      %dma_start3A_59 = arith.constant 0 : i32
      %dma_start3A_60 = tpu.memref_slice %arg3[%dma_start3A_55, %select_n3A, %add3A_41, %dma_start3A_59] : memref<4x12x1024x1024xf32, #tpu.memory_space<hbm>> -> memref<1x1x16x1024xf32, #tpu.memory_space<hbm>>
      %dma_start3A_61 = tpu.memref_squeeze %dma_start3A_60 : memref<1x1x16x1024xf32, #tpu.memory_space<hbm>> -> memref<16x1024xf32, #tpu.memory_space<hbm>>
      tpu.enqueue_dma source(%dma_start3A_61 : memref<16x1024xf32, #tpu.memory_space<hbm>>) target(%arg9 : memref<16x1024xf32, #tpu.memory_space<vmem>>) target_semaphore(%arg13 : memref<!tpu.dma_semaphore, #tpu.memory_space<semaphore_mem>>)
      %dma_start3A_62 = arith.constant 3 : i32
      %dma_start3A_63 = arith.constant 0 : i32
      %dma_start3A_64 = tpu.memref_slice %arg3[%dma_start3A_62, %select_n3A, %add3A_41, %dma_start3A_63] : memref<4x12x1024x1024xf32, #tpu.memory_space<hbm>> -> memref<1x1x16x1024xf32, #tpu.memory_space<hbm>>
      %dma_start3A_65 = tpu.memref_squeeze %dma_start3A_64 : memref<1x1x16x1024xf32, #tpu.memory_space<hbm>> -> memref<16x1024xf32, #tpu.memory_space<hbm>>
      %dma_start3A_66 = arith.constant 0 : i32
      %dma_start3A_67 = tpu.memref_slice %arg3[%dma_start3A_62, %select_n3A, %add3A_41, %dma_start3A_66] : memref<4x12x1024x1024xf32, #tpu.memory_space<hbm>> -> memref<1x1x16x1024xf32, #tpu.memory_space<hbm>>
      %dma_start3A_68 = tpu.memref_squeeze %dma_start3A_67 : memref<1x1x16x1024xf32, #tpu.memory_space<hbm>> -> memref<16x1024xf32, #tpu.memory_space<hbm>>
      tpu.enqueue_dma source(%dma_start3A_68 : memref<16x1024xf32, #tpu.memory_space<hbm>>) target(%arg10 : memref<16x1024xf32, #tpu.memory_space<vmem>>) target_semaphore(%arg14 : memref<!tpu.dma_semaphore, #tpu.memory_space<semaphore_mem>>)
      "tpu.region"() ({
        %run_scoped3A = tpu.sem_alloc : memref<!tpu.dma_semaphore, #tpu.memory_space<semaphore_mem>>
        %dma_start3A_182 = arith.constant 0 : i32
        %dma_start3A_183 = arith.constant 0 : i32
        %dma_start3A_184 = tpu.memref_slice %arg2[%select_n3A, %dma_start3A_182, %dma_start3A_183] : memref<12x64x64xf32, #tpu.memory_space<hbm>> -> memref<1x64x64xf32, #tpu.memory_space<hbm>>
        %dma_start3A_185 = tpu.memref_squeeze %dma_start3A_184 : memref<1x64x64xf32, #tpu.memory_space<hbm>> -> memref<64x64xf32, #tpu.memory_space<hbm>>
        %dma_start3A_186 = arith.constant 0 : i32
        %dma_start3A_187 = arith.constant 0 : i32
        %dma_start3A_188 = tpu.memref_slice %arg2[%select_n3A, %dma_start3A_186, %dma_start3A_187] : memref<12x64x64xf32, #tpu.memory_space<hbm>> -> memref<1x64x64xf32, #tpu.memory_space<hbm>>
        %dma_start3A_189 = tpu.memref_squeeze %dma_start3A_188 : memref<1x64x64xf32, #tpu.memory_space<hbm>> -> memref<64x64xf32, #tpu.memory_space<hbm>>
        tpu.enqueue_dma source(%dma_start3A_189 : memref<64x64xf32, #tpu.memory_space<hbm>>) target(%arg5 : memref<64x64xf32, #tpu.memory_space<vmem>>) target_semaphore(%run_scoped3A : memref<!tpu.dma_semaphore, #tpu.memory_space<semaphore_mem>>)
        %dma_wait3A_190 = arith.constant 0 : i32
        %dma_wait3A_191 = arith.constant 0 : i32
        %dma_wait3A_192 = tpu.memref_slice %arg2[%select_n3A, %dma_wait3A_190, %dma_wait3A_191] : memref<12x64x64xf32, #tpu.memory_space<hbm>> -> memref<1x64x64xf32, #tpu.memory_space<hbm>>
        %dma_wait3A_193 = tpu.memref_squeeze %dma_wait3A_192 : memref<1x64x64xf32, #tpu.memory_space<hbm>> -> memref<64x64xf32, #tpu.memory_space<hbm>>
        %dma_wait3A_194 = arith.constant 0 : i32
        %dma_wait3A_195 = arith.constant 0 : i32
        %dma_wait3A_196 = tpu.memref_slice %arg2[%select_n3A, %dma_wait3A_194, %dma_wait3A_195] : memref<12x64x64xf32, #tpu.memory_space<hbm>> -> memref<1x64x64xf32, #tpu.memory_space<hbm>>
        %dma_wait3A_197 = tpu.memref_squeeze %dma_wait3A_196 : memref<1x64x64xf32, #tpu.memory_space<hbm>> -> memref<64x64xf32, #tpu.memory_space<hbm>>
        tpu.wait_dma2 semaphore(%run_scoped3A : memref<!tpu.dma_semaphore, #tpu.memory_space<semaphore_mem>>) src(%dma_wait3A_197 : memref<64x64xf32, #tpu.memory_space<hbm>>) dst(%arg5 : memref<64x64xf32, #tpu.memory_space<vmem>>)
        tpu.yield
      }) : () -> ()
      %scan3A_69 = arith.constant 0 : i32
      %scan3A_70 = arith.constant 0 : i32
      %scan3A_71 = arith.constant 16 : i32
      %scan3A_72 = arith.addi %scan3A_70, %scan3A_71 : i32
      %scan3A_73 = arith.constant 1 : i32
      scf.for %scan3A_182 = %scan3A_70 to %scan3A_72 step %scan3A_73  : i32 {
        %mul3A_183 = arith.constant 16 : i32
        %mul3A_184 = arith.muli %select_n3A_36, %mul3A_183 : i32
        %add3A_185 = arith.addi %mul3A_184, %scan3A_182 : i32
        %add3A_186 = arith.constant 31 : i32
        %add3A_187 = arith.addi %add3A, %add3A_186 : i32
        %sub3A_188 = arith.constant 0 : i32
        %sub3A_189 = arith.subi %add3A_187, %sub3A_188 : i32
        %sub3A_190 = arith.constant 31 : i32
        %sub3A_191 = arith.subi %sub3A_190, %add3A_185 : i32
        %get3A = arith.index_cast %sub3A_189 : i32 to index
        %get3A_192 = arith.index_cast %sub3A_191 : i32 to index
        %get3A_193 = tpu.vector_load %arg5[%get3A, %get3A_192] {strides = array<i32>} : memref<64x64xf32, #tpu.memory_space<vmem>>, vector<1x16xf32>,
        %get3A_194 = vector.shape_cast %get3A_193 : vector<1x16xf32> to vector<16xf32>
        %swap3A = arith.index_cast %scan3A_182 : i32 to index
        %swap3A_195 = arith.constant 0 : index
        %swap3A_196 = tpu.vector_load %arg6[%swap3A, %swap3A_195] {strides = array<i32>} : memref<16x1024xf32, #tpu.memory_space<vmem>>, vector<1x16xf32>,
        %swap3A_197 = vector.shape_cast %swap3A_196 : vector<1x16xf32> to vector<16xf32>
        %swap3A_198 = vector.shape_cast %get3A_194 : vector<16xf32> to vector<1x16xf32>
        tpu.vector_store %arg6[%swap3A, %swap3A_195], %swap3A_198 {strides = array<i32>} : memref<16x1024xf32, #tpu.memory_space<vmem>>, vector<1x16xf32>,
        %sub3A_199 = arith.constant 31 : i32
        %sub3A_200 = arith.subi %sub3A_199, %add3A_185 : i32
        %add3A_201 = arith.constant 16 : i32
        %add3A_202 = arith.addi %sub3A_200, %add3A_201 : i32
        %get3A_203 = arith.index_cast %sub3A_189 : i32 to index
        %get3A_204 = arith.index_cast %add3A_202 : i32 to index
        %get3A_205 = tpu.vector_load %arg5[%get3A_203, %get3A_204] {strides = array<i32>} : memref<64x64xf32, #tpu.memory_space<vmem>>, vector<1x16xf32>,
        %get3A_206 = vector.shape_cast %get3A_205 : vector<1x16xf32> to vector<16xf32>
        %swap3A_207 = arith.index_cast %scan3A_182 : i32 to index
        %swap3A_208 = arith.constant 16 : index
        %swap3A_209 = tpu.vector_load %arg6[%swap3A_207, %swap3A_208] {strides = array<i32>} : memref<16x1024xf32, #tpu.memory_space<vmem>>, vector<1x16xf32>,
        %swap3A_210 = vector.shape_cast %swap3A_209 : vector<1x16xf32> to vector<16xf32>
        %swap3A_211 = vector.shape_cast %get3A_206 : vector<16xf32> to vector<1x16xf32>
        tpu.vector_store %arg6[%swap3A_207, %swap3A_208], %swap3A_211 {strides = array<i32>} : memref<16x1024xf32, #tpu.memory_space<vmem>>, vector<1x16xf32>,
        %add3A_212 = arith.constant 31 : i32
        %add3A_213 = arith.addi %add3A, %add3A_212 : i32
        %sub3A_214 = arith.constant 1 : i32
        %sub3A_215 = arith.subi %add3A_213, %sub3A_214 : i32
        %sub3A_216 = arith.constant 31 : i32
        %sub3A_217 = arith.subi %sub3A_216, %add3A_185 : i32
        %get3A_218 = arith.index_cast %sub3A_215 : i32 to index
        %get3A_219 = arith.index_cast %sub3A_217 : i32 to index
        %get3A_220 = tpu.vector_load %arg5[%get3A_218, %get3A_219] {strides = array<i32>} : memref<64x64xf32, #tpu.memory_space<vmem>>, vector<1x16xf32>,
        %get3A_221 = vector.shape_cast %get3A_220 : vector<1x16xf32> to vector<16xf32>
        %swap3A_222 = arith.index_cast %scan3A_182 : i32 to index
        %swap3A_223 = arith.constant 32 : index
        %swap3A_224 = tpu.vector_load %arg6[%swap3A_222, %swap3A_223] {strides = array<i32>} : memref<16x1024xf32, #tpu.memory_space<vmem>>, vector<1x16xf32>,
        %swap3A_225 = vector.shape_cast %swap3A_224 : vector<1x16xf32> to vector<16xf32>
        %swap3A_226 = vector.shape_cast %get3A_221 : vector<16xf32> to vector<1x16xf32>
        tpu.vector_store %arg6[%swap3A_222, %swap3A_223], %swap3A_226 {strides = array<i32>} : memref<16x1024xf32, #tpu.memory_space<vmem>>, vector<1x16xf32>,
        %sub3A_227 = arith.constant 31 : i32
        %sub3A_228 = arith.subi %sub3A_227, %add3A_185 : i32
        %add3A_229 = arith.constant 16 : i32
        %add3A_230 = arith.addi %sub3A_228, %add3A_229 : i32
        %get3A_231 = arith.index_cast %sub3A_215 : i32 to index
        %get3A_232 = arith.index_cast %add3A_230 : i32 to index
        %get3A_233 = tpu.vector_load %arg5[%get3A_231, %get3A_232] {strides = array<i32>} : memref<64x64xf32, #tpu.memory_space<vmem>>, vector<1x16xf32>,
        %get3A_234 = vector.shape_cast %get3A_233 : vector<1x16xf32> to vector<16xf32>
        %swap3A_235 = arith.index_cast %scan3A_182 : i32 to index
        %swap3A_236 = arith.constant 48 : index
        %swap3A_237 = tpu.vector_load %arg6[%swap3A_235, %swap3A_236] {strides = array<i32>} : memref<16x1024xf32, #tpu.memory_space<vmem>>, vector<1x16xf32>,
        %swap3A_238 = vector.shape_cast %swap3A_237 : vector<1x16xf32> to vector<16xf32>
        %swap3A_239 = vector.shape_cast %get3A_234 : vector<16xf32> to vector<1x16xf32>
        tpu.vector_store %arg6[%swap3A_235, %swap3A_236], %swap3A_239 {strides = array<i32>} : memref<16x1024xf32, #tpu.memory_space<vmem>>, vector<1x16xf32>,
        %add3A_240 = arith.constant 31 : i32
        %add3A_241 = arith.addi %add3A, %add3A_240 : i32
        %sub3A_242 = arith.constant 2 : i32
        %sub3A_243 = arith.subi %add3A_241, %sub3A_242 : i32
        %sub3A_244 = arith.constant 31 : i32
        %sub3A_245 = arith.subi %sub3A_244, %add3A_185 : i32
        %get3A_246 = arith.index_cast %sub3A_243 : i32 to index
        %get3A_247 = arith.index_cast %sub3A_245 : i32 to index
        %get3A_248 = tpu.vector_load %arg5[%get3A_246, %get3A_247] {strides = array<i32>} : memref<64x64xf32, #tpu.memory_space<vmem>>, vector<1x16xf32>,
        %get3A_249 = vector.shape_cast %get3A_248 : vector<1x16xf32> to vector<16xf32>
        %swap3A_250 = arith.index_cast %scan3A_182 : i32 to index
        %swap3A_251 = arith.constant 64 : index
        %swap3A_252 = tpu.vector_load %arg6[%swap3A_250, %swap3A_251] {strides = array<i32>} : memref<16x1024xf32, #tpu.memory_space<vmem>>, vector<1x16xf32>,
        %swap3A_253 = vector.shape_cast %swap3A_252 : vector<1x16xf32> to vector<16xf32>
        %swap3A_254 = vector.shape_cast %get3A_249 : vector<16xf32> to vector<1x16xf32>
        tpu.vector_store %arg6[%swap3A_250, %swap3A_251], %swap3A_254 {strides = array<i32>} : memref<16x1024xf32, #tpu.memory_space<vmem>>, vector<1x16xf32>,
        %sub3A_255 = arith.constant 31 : i32
        %sub3A_256 = arith.subi %sub3A_255, %add3A_185 : i32
        %add3A_257 = arith.constant 16 : i32
        %add3A_258 = arith.addi %sub3A_256, %add3A_257 : i32
        %get3A_259 = arith.index_cast %sub3A_243 : i32 to index
        %get3A_260 = arith.index_cast %add3A_258 : i32 to index
        %get3A_261 = tpu.vector_load %arg5[%get3A_259, %get3A_260] {strides = array<i32>} : memref<64x64xf32, #tpu.memory_space<vmem>>, vector<1x16xf32>,
        %get3A_262 = vector.shape_cast %get3A_261 : vector<1x16xf32> to vector<16xf32>
        %swap3A_263 = arith.index_cast %scan3A_182 : i32 to index
        %swap3A_264 = arith.constant 80 : index
        %swap3A_265 = tpu.vector_load %arg6[%swap3A_263, %swap3A_264] {strides = array<i32>} : memref<16x1024xf32, #tpu.memory_space<vmem>>, vector<1x16xf32>,
        %swap3A_266 = vector.shape_cast %swap3A_265 : vector<1x16xf32> to vector<16xf32>
        %swap3A_267 = vector.shape_cast %get3A_262 : vector<16xf32> to vector<1x16xf32>
        tpu.vector_store %arg6[%swap3A_263, %swap3A_264], %swap3A_267 {strides = array<i32>} : memref<16x1024xf32, #tpu.memory_space<vmem>>, vector<1x16xf32>,
        %add3A_268 = arith.constant 31 : i32
        %add3A_269 = arith.addi %add3A, %add3A_268 : i32
        %sub3A_270 = arith.constant 3 : i32
        %sub3A_271 = arith.subi %add3A_269, %sub3A_270 : i32
        %sub3A_272 = arith.constant 31 : i32
        %sub3A_273 = arith.subi %sub3A_272, %add3A_185 : i32
        %get3A_274 = arith.index_cast %sub3A_271 : i32 to index
        %get3A_275 = arith.index_cast %sub3A_273 : i32 to index
        %get3A_276 = tpu.vector_load %arg5[%get3A_274, %get3A_275] {strides = array<i32>} : memref<64x64xf32, #tpu.memory_space<vmem>>, vector<1x16xf32>,
        %get3A_277 = vector.shape_cast %get3A_276 : vector<1x16xf32> to vector<16xf32>
        %swap3A_278 = arith.index_cast %scan3A_182 : i32 to index
        %swap3A_279 = arith.constant 96 : index
        %swap3A_280 = tpu.vector_load %arg6[%swap3A_278, %swap3A_279] {strides = array<i32>} : memref<16x1024xf32, #tpu.memory_space<vmem>>, vector<1x16xf32>,
        %swap3A_281 = vector.shape_cast %swap3A_280 : vector<1x16xf32> to vector<16xf32>
        %swap3A_282 = vector.shape_cast %get3A_277 : vector<16xf32> to vector<1x16xf32>
        tpu.vector_store %arg6[%swap3A_278, %swap3A_279], %swap3A_282 {strides = array<i32>} : memref<16x1024xf32, #tpu.memory_space<vmem>>, vector<1x16xf32>,
        %sub3A_283 = arith.constant 31 : i32
        %sub3A_284 = arith.subi %sub3A_283, %add3A_185 : i32
        %add3A_285 = arith.constant 16 : i32
        %add3A_286 = arith.addi %sub3A_284, %add3A_285 : i32
        %get3A_287 = arith.index_cast %sub3A_271 : i32 to index
        %get3A_288 = arith.index_cast %add3A_286 : i32 to index
        %get3A_289 = tpu.vector_load %arg5[%get3A_287, %get3A_288] {strides = array<i32>} : memref<64x64xf32, #tpu.memory_space<vmem>>, vector<1x16xf32>,
        %get3A_290 = vector.shape_cast %get3A_289 : vector<1x16xf32> to vector<16xf32>
        %swap3A_291 = arith.index_cast %scan3A_182 : i32 to index
        %swap3A_292 = arith.constant 112 : index
        %swap3A_293 = tpu.vector_load %arg6[%swap3A_291, %swap3A_292] {strides = array<i32>} : memref<16x1024xf32, #tpu.memory_space<vmem>>, vector<1x16xf32>,
        %swap3A_294 = vector.shape_cast %swap3A_293 : vector<1x16xf32> to vector<16xf32>
        %swap3A_295 = vector.shape_cast %get3A_290 : vector<16xf32> to vector<1x16xf32>
        tpu.vector_store %arg6[%swap3A_291, %swap3A_292], %swap3A_295 {strides = array<i32>} : memref<16x1024xf32, #tpu.memory_space<vmem>>, vector<1x16xf32>,
        %add3A_296 = arith.constant 31 : i32
        %add3A_297 = arith.addi %add3A, %add3A_296 : i32
        %sub3A_298 = arith.constant 4 : i32
        %sub3A_299 = arith.subi %add3A_297, %sub3A_298 : i32
        %sub3A_300 = arith.constant 31 : i32
        %sub3A_301 = arith.subi %sub3A_300, %add3A_185 : i32
        %get3A_302 = arith.index_cast %sub3A_299 : i32 to index
        %get3A_303 = arith.index_cast %sub3A_301 : i32 to index
        %get3A_304 = tpu.vector_load %arg5[%get3A_302, %get3A_303] {strides = array<i32>} : memref<64x64xf32, #tpu.memory_space<vmem>>, vector<1x16xf32>,
        %get3A_305 = vector.shape_cast %get3A_304 : vector<1x16xf32> to vector<16xf32>
        %swap3A_306 = arith.index_cast %scan3A_182 : i32 to index
        %swap3A_307 = arith.constant 128 : index
        %swap3A_308 = tpu.vector_load %arg6[%swap3A_306, %swap3A_307] {strides = array<i32>} : memref<16x1024xf32, #tpu.memory_space<vmem>>, vector<1x16xf32>,
        %swap3A_309 = vector.shape_cast %swap3A_308 : vector<1x16xf32> to vector<16xf32>
        %swap3A_310 = vector.shape_cast %get3A_305 : vector<16xf32> to vector<1x16xf32>
        tpu.vector_store %arg6[%swap3A_306, %swap3A_307], %swap3A_310 {strides = array<i32>} : memref<16x1024xf32, #tpu.memory_space<vmem>>, vector<1x16xf32>,
        %sub3A_311 = arith.constant 31 : i32
        %sub3A_312 = arith.subi %sub3A_311, %add3A_185 : i32
        %add3A_313 = arith.constant 16 : i32
        %add3A_314 = arith.addi %sub3A_312, %add3A_313 : i32
        %get3A_315 = arith.index_cast %sub3A_299 : i32 to index
        %get3A_316 = arith.index_cast %add3A_314 : i32 to index
        %get3A_317 = tpu.vector_load %arg5[%get3A_315, %get3A_316] {strides = array<i32>} : memref<64x64xf32, #tpu.memory_space<vmem>>, vector<1x16xf32>,
        %get3A_318 = vector.shape_cast %get3A_317 : vector<1x16xf32> to vector<16xf32>
        %swap3A_319 = arith.index_cast %scan3A_182 : i32 to index
        %swap3A_320 = arith.constant 144 : index
        %swap3A_321 = tpu.vector_load %arg6[%swap3A_319, %swap3A_320] {strides = array<i32>} : memref<16x1024xf32, #tpu.memory_space<vmem>>, vector<1x16xf32>,
        %swap3A_322 = vector.shape_cast %swap3A_321 : vector<1x16xf32> to vector<16xf32>
        %swap3A_323 = vector.shape_cast %get3A_318 : vector<16xf32> to vector<1x16xf32>
        tpu.vector_store %arg6[%swap3A_319, %swap3A_320], %swap3A_323 {strides = array<i32>} : memref<16x1024xf32, #tpu.memory_space<vmem>>, vector<1x16xf32>,
        %add3A_324 = arith.constant 31 : i32
        %add3A_325 = arith.addi %add3A, %add3A_324 : i32
        %sub3A_326 = arith.constant 5 : i32
        %sub3A_327 = arith.subi %add3A_325, %sub3A_326 : i32
        %sub3A_328 = arith.constant 31 : i32
        %sub3A_329 = arith.subi %sub3A_328, %add3A_185 : i32
        %get3A_330 = arith.index_cast %sub3A_327 : i32 to index
        %get3A_331 = arith.index_cast %sub3A_329 : i32 to index
        %get3A_332 = tpu.vector_load %arg5[%get3A_330, %get3A_331] {strides = array<i32>} : memref<64x64xf32, #tpu.memory_space<vmem>>, vector<1x16xf32>,
        %get3A_333 = vector.shape_cast %get3A_332 : vector<1x16xf32> to vector<16xf32>
        %swap3A_334 = arith.index_cast %scan3A_182 : i32 to index
        %swap3A_335 = arith.constant 160 : index
        %swap3A_336 = tpu.vector_load %arg6[%swap3A_334, %swap3A_335] {strides = array<i32>} : memref<16x1024xf32, #tpu.memory_space<vmem>>, vector<1x16xf32>,
        %swap3A_337 = vector.shape_cast %swap3A_336 : vector<1x16xf32> to vector<16xf32>
        %swap3A_338 = vector.shape_cast %get3A_333 : vector<16xf32> to vector<1x16xf32>
        tpu.vector_store %arg6[%swap3A_334, %swap3A_335], %swap3A_338 {strides = array<i32>} : memref<16x1024xf32, #tpu.memory_space<vmem>>, vector<1x16xf32>,
        %sub3A_339 = arith.constant 31 : i32
        %sub3A_340 = arith.subi %sub3A_339, %add3A_185 : i32
        %add3A_341 = arith.constant 16 : i32
        %add3A_342 = arith.addi %sub3A_340, %add3A_341 : i32
        %get3A_343 = arith.index_cast %sub3A_327 : i32 to index
        %get3A_344 = arith.index_cast %add3A_342 : i32 to index
        %get3A_345 = tpu.vector_load %arg5[%get3A_343, %get3A_344] {strides = array<i32>} : memref<64x64xf32, #tpu.memory_space<vmem>>, vector<1x16xf32>,
        %get3A_346 = vector.shape_cast %get3A_345 : vector<1x16xf32> to vector<16xf32>
        %swap3A_347 = arith.index_cast %scan3A_182 : i32 to index
        %swap3A_348 = arith.constant 176 : index
        %swap3A_349 = tpu.vector_load %arg6[%swap3A_347, %swap3A_348] {strides = array<i32>} : memref<16x1024xf32, #tpu.memory_space<vmem>>, vector<1x16xf32>,
        %swap3A_350 = vector.shape_cast %swap3A_349 : vector<1x16xf32> to vector<16xf32>
        %swap3A_351 = vector.shape_cast %get3A_346 : vector<16xf32> to vector<1x16xf32>
        tpu.vector_store %arg6[%swap3A_347, %swap3A_348], %swap3A_351 {strides = array<i32>} : memref<16x1024xf32, #tpu.memory_space<vmem>>, vector<1x16xf32>,
        %add3A_352 = arith.constant 31 : i32
        %add3A_353 = arith.addi %add3A, %add3A_352 : i32
        %sub3A_354 = arith.constant 6 : i32
        %sub3A_355 = arith.subi %add3A_353, %sub3A_354 : i32
        %sub3A_356 = arith.constant 31 : i32
        %sub3A_357 = arith.subi %sub3A_356, %add3A_185 : i32
        %get3A_358 = arith.index_cast %sub3A_355 : i32 to index
        %get3A_359 = arith.index_cast %sub3A_357 : i32 to index
        %get3A_360 = tpu.vector_load %arg5[%get3A_358, %get3A_359] {strides = array<i32>} : memref<64x64xf32, #tpu.memory_space<vmem>>, vector<1x16xf32>,
        %get3A_361 = vector.shape_cast %get3A_360 : vector<1x16xf32> to vector<16xf32>
        %swap3A_362 = arith.index_cast %scan3A_182 : i32 to index
        %swap3A_363 = arith.constant 192 : index
        %swap3A_364 = tpu.vector_load %arg6[%swap3A_362, %swap3A_363] {strides = array<i32>} : memref<16x1024xf32, #tpu.memory_space<vmem>>, vector<1x16xf32>,
        %swap3A_365 = vector.shape_cast %swap3A_364 : vector<1x16xf32> to vector<16xf32>
        %swap3A_366 = vector.shape_cast %get3A_361 : vector<16xf32> to vector<1x16xf32>
        tpu.vector_store %arg6[%swap3A_362, %swap3A_363], %swap3A_366 {strides = array<i32>} : memref<16x1024xf32, #tpu.memory_space<vmem>>, vector<1x16xf32>,
        %sub3A_367 = arith.constant 31 : i32
        %sub3A_368 = arith.subi %sub3A_367, %add3A_185 : i32
        %add3A_369 = arith.constant 16 : i32
        %add3A_370 = arith.addi %sub3A_368, %add3A_369 : i32
        %get3A_371 = arith.index_cast %sub3A_355 : i32 to index
        %get3A_372 = arith.index_cast %add3A_370 : i32 to index
        %get3A_373 = tpu.vector_load %arg5[%get3A_371, %get3A_372] {strides = array<i32>} : memref<64x64xf32, #tpu.memory_space<vmem>>, vector<1x16xf32>,
        %get3A_374 = vector.shape_cast %get3A_373 : vector<1x16xf32> to vector<16xf32>
        %swap3A_375 = arith.index_cast %scan3A_182 : i32 to index
        %swap3A_376 = arith.constant 208 : index
        %swap3A_377 = tpu.vector_load %arg6[%swap3A_375, %swap3A_376] {strides = array<i32>} : memref<16x1024xf32, #tpu.memory_space<vmem>>, vector<1x16xf32>,
        %swap3A_378 = vector.shape_cast %swap3A_377 : vector<1x16xf32> to vector<16xf32>
        %swap3A_379 = vector.shape_cast %get3A_374 : vector<16xf32> to vector<1x16xf32>
        tpu.vector_store %arg6[%swap3A_375, %swap3A_376], %swap3A_379 {strides = array<i32>} : memref<16x1024xf32, #tpu.memory_space<vmem>>, vector<1x16xf32>,
        %add3A_380 = arith.constant 31 : i32
        %add3A_381 = arith.addi %add3A, %add3A_380 : i32
        %sub3A_382 = arith.constant 7 : i32
        %sub3A_383 = arith.subi %add3A_381, %sub3A_382 : i32
        %sub3A_384 = arith.constant 31 : i32
        %sub3A_385 = arith.subi %sub3A_384, %add3A_185 : i32
        %get3A_386 = arith.index_cast %sub3A_383 : i32 to index
        %get3A_387 = arith.index_cast %sub3A_385 : i32 to index
        %get3A_388 = tpu.vector_load %arg5[%get3A_386, %get3A_387] {strides = array<i32>} : memref<64x64xf32, #tpu.memory_space<vmem>>, vector<1x16xf32>,
        %get3A_389 = vector.shape_cast %get3A_388 : vector<1x16xf32> to vector<16xf32>
        %swap3A_390 = arith.index_cast %scan3A_182 : i32 to index
        %swap3A_391 = arith.constant 224 : index
        %swap3A_392 = tpu.vector_load %arg6[%swap3A_390, %swap3A_391] {strides = array<i32>} : memref<16x1024xf32, #tpu.memory_space<vmem>>, vector<1x16xf32>,
        %swap3A_393 = vector.shape_cast %swap3A_392 : vector<1x16xf32> to vector<16xf32>
        %swap3A_394 = vector.shape_cast %get3A_389 : vector<16xf32> to vector<1x16xf32>
        tpu.vector_store %arg6[%swap3A_390, %swap3A_391], %swap3A_394 {strides = array<i32>} : memref<16x1024xf32, #tpu.memory_space<vmem>>, vector<1x16xf32>,
        %sub3A_395 = arith.constant 31 : i32
        %sub3A_396 = arith.subi %sub3A_395, %add3A_185 : i32
        %add3A_397 = arith.constant 16 : i32
        %add3A_398 = arith.addi %sub3A_396, %add3A_397 : i32
        %get3A_399 = arith.index_cast %sub3A_383 : i32 to index
        %get3A_400 = arith.index_cast %add3A_398 : i32 to index
        %get3A_401 = tpu.vector_load %arg5[%get3A_399, %get3A_400] {strides = array<i32>} : memref<64x64xf32, #tpu.memory_space<vmem>>, vector<1x16xf32>,
        %get3A_402 = vector.shape_cast %get3A_401 : vector<1x16xf32> to vector<16xf32>
        %swap3A_403 = arith.index_cast %scan3A_182 : i32 to index
        %swap3A_404 = arith.constant 240 : index
        %swap3A_405 = tpu.vector_load %arg6[%swap3A_403, %swap3A_404] {strides = array<i32>} : memref<16x1024xf32, #tpu.memory_space<vmem>>, vector<1x16xf32>,
        %swap3A_406 = vector.shape_cast %swap3A_405 : vector<1x16xf32> to vector<16xf32>
        %swap3A_407 = vector.shape_cast %get3A_402 : vector<16xf32> to vector<1x16xf32>
        tpu.vector_store %arg6[%swap3A_403, %swap3A_404], %swap3A_407 {strides = array<i32>} : memref<16x1024xf32, #tpu.memory_space<vmem>>, vector<1x16xf32>,
        %add3A_408 = arith.constant 31 : i32
        %add3A_409 = arith.addi %add3A, %add3A_408 : i32
        %sub3A_410 = arith.constant 8 : i32
        %sub3A_411 = arith.subi %add3A_409, %sub3A_410 : i32
        %sub3A_412 = arith.constant 31 : i32
        %sub3A_413 = arith.subi %sub3A_412, %add3A_185 : i32
        %get3A_414 = arith.index_cast %sub3A_411 : i32 to index
        %get3A_415 = arith.index_cast %sub3A_413 : i32 to index
        %get3A_416 = tpu.vector_load %arg5[%get3A_414, %get3A_415] {strides = array<i32>} : memref<64x64xf32, #tpu.memory_space<vmem>>, vector<1x16xf32>,
        %get3A_417 = vector.shape_cast %get3A_416 : vector<1x16xf32> to vector<16xf32>
        %swap3A_418 = arith.index_cast %scan3A_182 : i32 to index
        %swap3A_419 = arith.constant 256 : index
        %swap3A_420 = tpu.vector_load %arg6[%swap3A_418, %swap3A_419] {strides = array<i32>} : memref<16x1024xf32, #tpu.memory_space<vmem>>, vector<1x16xf32>,
        %swap3A_421 = vector.shape_cast %swap3A_420 : vector<1x16xf32> to vector<16xf32>
        %swap3A_422 = vector.shape_cast %get3A_417 : vector<16xf32> to vector<1x16xf32>
        tpu.vector_store %arg6[%swap3A_418, %swap3A_419], %swap3A_422 {strides = array<i32>} : memref<16x1024xf32, #tpu.memory_space<vmem>>, vector<1x16xf32>,
        %sub3A_423 = arith.constant 31 : i32
        %sub3A_424 = arith.subi %sub3A_423, %add3A_185 : i32
        %add3A_425 = arith.constant 16 : i32
        %add3A_426 = arith.addi %sub3A_424, %add3A_425 : i32
        %get3A_427 = arith.index_cast %sub3A_411 : i32 to index
        %get3A_428 = arith.index_cast %add3A_426 : i32 to index
        %get3A_429 = tpu.vector_load %arg5[%get3A_427, %get3A_428] {strides = array<i32>} : memref<64x64xf32, #tpu.memory_space<vmem>>, vector<1x16xf32>,
        %get3A_430 = vector.shape_cast %get3A_429 : vector<1x16xf32> to vector<16xf32>
        %swap3A_431 = arith.index_cast %scan3A_182 : i32 to index
        %swap3A_432 = arith.constant 272 : index
        %swap3A_433 = tpu.vector_load %arg6[%swap3A_431, %swap3A_432] {strides = array<i32>} : memref<16x1024xf32, #tpu.memory_space<vmem>>, vector<1x16xf32>,
        %swap3A_434 = vector.shape_cast %swap3A_433 : vector<1x16xf32> to vector<16xf32>
        %swap3A_435 = vector.shape_cast %get3A_430 : vector<16xf32> to vector<1x16xf32>
        tpu.vector_store %arg6[%swap3A_431, %swap3A_432], %swap3A_435 {strides = array<i32>} : memref<16x1024xf32, #tpu.memory_space<vmem>>, vector<1x16xf32>,
        %add3A_436 = arith.constant 31 : i32
        %add3A_437 = arith.addi %add3A, %add3A_436 : i32
        %sub3A_438 = arith.constant 9 : i32
        %sub3A_439 = arith.subi %add3A_437, %sub3A_438 : i32
        %sub3A_440 = arith.constant 31 : i32
        %sub3A_441 = arith.subi %sub3A_440, %add3A_185 : i32
        %get3A_442 = arith.index_cast %sub3A_439 : i32 to index
        %get3A_443 = arith.index_cast %sub3A_441 : i32 to index
        %get3A_444 = tpu.vector_load %arg5[%get3A_442, %get3A_443] {strides = array<i32>} : memref<64x64xf32, #tpu.memory_space<vmem>>, vector<1x16xf32>,
        %get3A_445 = vector.shape_cast %get3A_444 : vector<1x16xf32> to vector<16xf32>
        %swap3A_446 = arith.index_cast %scan3A_182 : i32 to index
        %swap3A_447 = arith.constant 288 : index
        %swap3A_448 = tpu.vector_load %arg6[%swap3A_446, %swap3A_447] {strides = array<i32>} : memref<16x1024xf32, #tpu.memory_space<vmem>>, vector<1x16xf32>,
        %swap3A_449 = vector.shape_cast %swap3A_448 : vector<1x16xf32> to vector<16xf32>
        %swap3A_450 = vector.shape_cast %get3A_445 : vector<16xf32> to vector<1x16xf32>
        tpu.vector_store %arg6[%swap3A_446, %swap3A_447], %swap3A_450 {strides = array<i32>} : memref<16x1024xf32, #tpu.memory_space<vmem>>, vector<1x16xf32>,
        %sub3A_451 = arith.constant 31 : i32
        %sub3A_452 = arith.subi %sub3A_451, %add3A_185 : i32
        %add3A_453 = arith.constant 16 : i32
        %add3A_454 = arith.addi %sub3A_452, %add3A_453 : i32
        %get3A_455 = arith.index_cast %sub3A_439 : i32 to index
        %get3A_456 = arith.index_cast %add3A_454 : i32 to index
        %get3A_457 = tpu.vector_load %arg5[%get3A_455, %get3A_456] {strides = array<i32>} : memref<64x64xf32, #tpu.memory_space<vmem>>, vector<1x16xf32>,
        %get3A_458 = vector.shape_cast %get3A_457 : vector<1x16xf32> to vector<16xf32>
        %swap3A_459 = arith.index_cast %scan3A_182 : i32 to index
        %swap3A_460 = arith.constant 304 : index
        %swap3A_461 = tpu.vector_load %arg6[%swap3A_459, %swap3A_460] {strides = array<i32>} : memref<16x1024xf32, #tpu.memory_space<vmem>>, vector<1x16xf32>,
        %swap3A_462 = vector.shape_cast %swap3A_461 : vector<1x16xf32> to vector<16xf32>
        %swap3A_463 = vector.shape_cast %get3A_458 : vector<16xf32> to vector<1x16xf32>
        tpu.vector_store %arg6[%swap3A_459, %swap3A_460], %swap3A_463 {strides = array<i32>} : memref<16x1024xf32, #tpu.memory_space<vmem>>, vector<1x16xf32>,
        %add3A_464 = arith.constant 31 : i32
        %add3A_465 = arith.addi %add3A, %add3A_464 : i32
        %sub3A_466 = arith.constant 10 : i32
        %sub3A_467 = arith.subi %add3A_465, %sub3A_466 : i32
        %sub3A_468 = arith.constant 31 : i32
        %sub3A_469 = arith.subi %sub3A_468, %add3A_185 : i32
        %get3A_470 = arith.index_cast %sub3A_467 : i32 to index
        %get3A_471 = arith.index_cast %sub3A_469 : i32 to index
        %get3A_472 = tpu.vector_load %arg5[%get3A_470, %get3A_471] {strides = array<i32>} : memref<64x64xf32, #tpu.memory_space<vmem>>, vector<1x16xf32>,
        %get3A_473 = vector.shape_cast %get3A_472 : vector<1x16xf32> to vector<16xf32>
        %swap3A_474 = arith.index_cast %scan3A_182 : i32 to index
        %swap3A_475 = arith.constant 320 : index
        %swap3A_476 = tpu.vector_load %arg6[%swap3A_474, %swap3A_475] {strides = array<i32>} : memref<16x1024xf32, #tpu.memory_space<vmem>>, vector<1x16xf32>,
        %swap3A_477 = vector.shape_cast %swap3A_476 : vector<1x16xf32> to vector<16xf32>
        %swap3A_478 = vector.shape_cast %get3A_473 : vector<16xf32> to vector<1x16xf32>
        tpu.vector_store %arg6[%swap3A_474, %swap3A_475], %swap3A_478 {strides = array<i32>} : memref<16x1024xf32, #tpu.memory_space<vmem>>, vector<1x16xf32>,
        %sub3A_479 = arith.constant 31 : i32
        %sub3A_480 = arith.subi %sub3A_479, %add3A_185 : i32
        %add3A_481 = arith.constant 16 : i32
        %add3A_482 = arith.addi %sub3A_480, %add3A_481 : i32
        %get3A_483 = arith.index_cast %sub3A_467 : i32 to index
        %get3A_484 = arith.index_cast %add3A_482 : i32 to index
        %get3A_485 = tpu.vector_load %arg5[%get3A_483, %get3A_484] {strides = array<i32>} : memref<64x64xf32, #tpu.memory_space<vmem>>, vector<1x16xf32>,
        %get3A_486 = vector.shape_cast %get3A_485 : vector<1x16xf32> to vector<16xf32>
        %swap3A_487 = arith.index_cast %scan3A_182 : i32 to index
        %swap3A_488 = arith.constant 336 : index
        %swap3A_489 = tpu.vector_load %arg6[%swap3A_487, %swap3A_488] {strides = array<i32>} : memref<16x1024xf32, #tpu.memory_space<vmem>>, vector<1x16xf32>,
        %swap3A_490 = vector.shape_cast %swap3A_489 : vector<1x16xf32> to vector<16xf32>
        %swap3A_491 = vector.shape_cast %get3A_486 : vector<16xf32> to vector<1x16xf32>
        tpu.vector_store %arg6[%swap3A_487, %swap3A_488], %swap3A_491 {strides = array<i32>} : memref<16x1024xf32, #tpu.memory_space<vmem>>, vector<1x16xf32>,
        %add3A_492 = arith.constant 31 : i32
        %add3A_493 = arith.addi %add3A, %add3A_492 : i32
        %sub3A_494 = arith.constant 11 : i32
        %sub3A_495 = arith.subi %add3A_493, %sub3A_494 : i32
        %sub3A_496 = arith.constant 31 : i32
        %sub3A_497 = arith.subi %sub3A_496, %add3A_185 : i32
        %get3A_498 = arith.index_cast %sub3A_495 : i32 to index
        %get3A_499 = arith.index_cast %sub3A_497 : i32 to index
        %get3A_500 = tpu.vector_load %arg5[%get3A_498, %get3A_499] {strides = array<i32>} : memref<64x64xf32, #tpu.memory_space<vmem>>, vector<1x16xf32>,
        %get3A_501 = vector.shape_cast %get3A_500 : vector<1x16xf32> to vector<16xf32>
        %swap3A_502 = arith.index_cast %scan3A_182 : i32 to index
        %swap3A_503 = arith.constant 352 : index
        %swap3A_504 = tpu.vector_load %arg6[%swap3A_502, %swap3A_503] {strides = array<i32>} : memref<16x1024xf32, #tpu.memory_space<vmem>>, vector<1x16xf32>,
        %swap3A_505 = vector.shape_cast %swap3A_504 : vector<1x16xf32> to vector<16xf32>
        %swap3A_506 = vector.shape_cast %get3A_501 : vector<16xf32> to vector<1x16xf32>
        tpu.vector_store %arg6[%swap3A_502, %swap3A_503], %swap3A_506 {strides = array<i32>} : memref<16x1024xf32, #tpu.memory_space<vmem>>, vector<1x16xf32>,
        %sub3A_507 = arith.constant 31 : i32
        %sub3A_508 = arith.subi %sub3A_507, %add3A_185 : i32
        %add3A_509 = arith.constant 16 : i32
        %add3A_510 = arith.addi %sub3A_508, %add3A_509 : i32
        %get3A_511 = arith.index_cast %sub3A_495 : i32 to index
        %get3A_512 = arith.index_cast %add3A_510 : i32 to index
        %get3A_513 = tpu.vector_load %arg5[%get3A_511, %get3A_512] {strides = array<i32>} : memref<64x64xf32, #tpu.memory_space<vmem>>, vector<1x16xf32>,
        %get3A_514 = vector.shape_cast %get3A_513 : vector<1x16xf32> to vector<16xf32>
        %swap3A_515 = arith.index_cast %scan3A_182 : i32 to index
        %swap3A_516 = arith.constant 368 : index
        %swap3A_517 = tpu.vector_load %arg6[%swap3A_515, %swap3A_516] {strides = array<i32>} : memref<16x1024xf32, #tpu.memory_space<vmem>>, vector<1x16xf32>,
        %swap3A_518 = vector.shape_cast %swap3A_517 : vector<1x16xf32> to vector<16xf32>
        %swap3A_519 = vector.shape_cast %get3A_514 : vector<16xf32> to vector<1x16xf32>
        tpu.vector_store %arg6[%swap3A_515, %swap3A_516], %swap3A_519 {strides = array<i32>} : memref<16x1024xf32, #tpu.memory_space<vmem>>, vector<1x16xf32>,
        %add3A_520 = arith.constant 31 : i32
        %add3A_521 = arith.addi %add3A, %add3A_520 : i32
        %sub3A_522 = arith.constant 12 : i32
        %sub3A_523 = arith.subi %add3A_521, %sub3A_522 : i32
        %sub3A_524 = arith.constant 31 : i32
        %sub3A_525 = arith.subi %sub3A_524, %add3A_185 : i32
        %get3A_526 = arith.index_cast %sub3A_523 : i32 to index
        %get3A_527 = arith.index_cast %sub3A_525 : i32 to index
        %get3A_528 = tpu.vector_load %arg5[%get3A_526, %get3A_527] {strides = array<i32>} : memref<64x64xf32, #tpu.memory_space<vmem>>, vector<1x16xf32>,
        %get3A_529 = vector.shape_cast %get3A_528 : vector<1x16xf32> to vector<16xf32>
        %swap3A_530 = arith.index_cast %scan3A_182 : i32 to index
        %swap3A_531 = arith.constant 384 : index
        %swap3A_532 = tpu.vector_load %arg6[%swap3A_530, %swap3A_531] {strides = array<i32>} : memref<16x1024xf32, #tpu.memory_space<vmem>>, vector<1x16xf32>,
        %swap3A_533 = vector.shape_cast %swap3A_532 : vector<1x16xf32> to vector<16xf32>
        %swap3A_534 = vector.shape_cast %get3A_529 : vector<16xf32> to vector<1x16xf32>
        tpu.vector_store %arg6[%swap3A_530, %swap3A_531], %swap3A_534 {strides = array<i32>} : memref<16x1024xf32, #tpu.memory_space<vmem>>, vector<1x16xf32>,
        %sub3A_535 = arith.constant 31 : i32
        %sub3A_536 = arith.subi %sub3A_535, %add3A_185 : i32
        %add3A_537 = arith.constant 16 : i32
        %add3A_538 = arith.addi %sub3A_536, %add3A_537 : i32
        %get3A_539 = arith.index_cast %sub3A_523 : i32 to index
        %get3A_540 = arith.index_cast %add3A_538 : i32 to index
        %get3A_541 = tpu.vector_load %arg5[%get3A_539, %get3A_540] {strides = array<i32>} : memref<64x64xf32, #tpu.memory_space<vmem>>, vector<1x16xf32>,
        %get3A_542 = vector.shape_cast %get3A_541 : vector<1x16xf32> to vector<16xf32>
        %swap3A_543 = arith.index_cast %scan3A_182 : i32 to index
        %swap3A_544 = arith.constant 400 : index
        %swap3A_545 = tpu.vector_load %arg6[%swap3A_543, %swap3A_544] {strides = array<i32>} : memref<16x1024xf32, #tpu.memory_space<vmem>>, vector<1x16xf32>,
        %swap3A_546 = vector.shape_cast %swap3A_545 : vector<1x16xf32> to vector<16xf32>
        %swap3A_547 = vector.shape_cast %get3A_542 : vector<16xf32> to vector<1x16xf32>
        tpu.vector_store %arg6[%swap3A_543, %swap3A_544], %swap3A_547 {strides = array<i32>} : memref<16x1024xf32, #tpu.memory_space<vmem>>, vector<1x16xf32>,
        %add3A_548 = arith.constant 31 : i32
        %add3A_549 = arith.addi %add3A, %add3A_548 : i32
        %sub3A_550 = arith.constant 13 : i32
        %sub3A_551 = arith.subi %add3A_549, %sub3A_550 : i32
        %sub3A_552 = arith.constant 31 : i32
        %sub3A_553 = arith.subi %sub3A_552, %add3A_185 : i32
        %get3A_554 = arith.index_cast %sub3A_551 : i32 to index
        %get3A_555 = arith.index_cast %sub3A_553 : i32 to index
        %get3A_556 = tpu.vector_load %arg5[%get3A_554, %get3A_555] {strides = array<i32>} : memref<64x64xf32, #tpu.memory_space<vmem>>, vector<1x16xf32>,
        %get3A_557 = vector.shape_cast %get3A_556 : vector<1x16xf32> to vector<16xf32>
        %swap3A_558 = arith.index_cast %scan3A_182 : i32 to index
        %swap3A_559 = arith.constant 416 : index
        %swap3A_560 = tpu.vector_load %arg6[%swap3A_558, %swap3A_559] {strides = array<i32>} : memref<16x1024xf32, #tpu.memory_space<vmem>>, vector<1x16xf32>,
        %swap3A_561 = vector.shape_cast %swap3A_560 : vector<1x16xf32> to vector<16xf32>
        %swap3A_562 = vector.shape_cast %get3A_557 : vector<16xf32> to vector<1x16xf32>
        tpu.vector_store %arg6[%swap3A_558, %swap3A_559], %swap3A_562 {strides = array<i32>} : memref<16x1024xf32, #tpu.memory_space<vmem>>, vector<1x16xf32>,
        %sub3A_563 = arith.constant 31 : i32
        %sub3A_564 = arith.subi %sub3A_563, %add3A_185 : i32
        %add3A_565 = arith.constant 16 : i32
        %add3A_566 = arith.addi %sub3A_564, %add3A_565 : i32
        %get3A_567 = arith.index_cast %sub3A_551 : i32 to index
        %get3A_568 = arith.index_cast %add3A_566 : i32 to index
        %get3A_569 = tpu.vector_load %arg5[%get3A_567, %get3A_568] {strides = array<i32>} : memref<64x64xf32, #tpu.memory_space<vmem>>, vector<1x16xf32>,
        %get3A_570 = vector.shape_cast %get3A_569 : vector<1x16xf32> to vector<16xf32>
        %swap3A_571 = arith.index_cast %scan3A_182 : i32 to index
        %swap3A_572 = arith.constant 432 : index
        %swap3A_573 = tpu.vector_load %arg6[%swap3A_571, %swap3A_572] {strides = array<i32>} : memref<16x1024xf32, #tpu.memory_space<vmem>>, vector<1x16xf32>,
        %swap3A_574 = vector.shape_cast %swap3A_573 : vector<1x16xf32> to vector<16xf32>
        %swap3A_575 = vector.shape_cast %get3A_570 : vector<16xf32> to vector<1x16xf32>
        tpu.vector_store %arg6[%swap3A_571, %swap3A_572], %swap3A_575 {strides = array<i32>} : memref<16x1024xf32, #tpu.memory_space<vmem>>, vector<1x16xf32>,
        %add3A_576 = arith.constant 31 : i32
        %add3A_577 = arith.addi %add3A, %add3A_576 : i32
        %sub3A_578 = arith.constant 14 : i32
        %sub3A_579 = arith.subi %add3A_577, %sub3A_578 : i32
        %sub3A_580 = arith.constant 31 : i32
        %sub3A_581 = arith.subi %sub3A_580, %add3A_185 : i32
        %get3A_582 = arith.index_cast %sub3A_579 : i32 to index
        %get3A_583 = arith.index_cast %sub3A_581 : i32 to index
        %get3A_584 = tpu.vector_load %arg5[%get3A_582, %get3A_583] {strides = array<i32>} : memref<64x64xf32, #tpu.memory_space<vmem>>, vector<1x16xf32>,
        %get3A_585 = vector.shape_cast %get3A_584 : vector<1x16xf32> to vector<16xf32>
        %swap3A_586 = arith.index_cast %scan3A_182 : i32 to index
        %swap3A_587 = arith.constant 448 : index
        %swap3A_588 = tpu.vector_load %arg6[%swap3A_586, %swap3A_587] {strides = array<i32>} : memref<16x1024xf32, #tpu.memory_space<vmem>>, vector<1x16xf32>,
        %swap3A_589 = vector.shape_cast %swap3A_588 : vector<1x16xf32> to vector<16xf32>
        %swap3A_590 = vector.shape_cast %get3A_585 : vector<16xf32> to vector<1x16xf32>
        tpu.vector_store %arg6[%swap3A_586, %swap3A_587], %swap3A_590 {strides = array<i32>} : memref<16x1024xf32, #tpu.memory_space<vmem>>, vector<1x16xf32>,
        %sub3A_591 = arith.constant 31 : i32
        %sub3A_592 = arith.subi %sub3A_591, %add3A_185 : i32
        %add3A_593 = arith.constant 16 : i32
        %add3A_594 = arith.addi %sub3A_592, %add3A_593 : i32
        %get3A_595 = arith.index_cast %sub3A_579 : i32 to index
        %get3A_596 = arith.index_cast %add3A_594 : i32 to index
        %get3A_597 = tpu.vector_load %arg5[%get3A_595, %get3A_596] {strides = array<i32>} : memref<64x64xf32, #tpu.memory_space<vmem>>, vector<1x16xf32>,
        %get3A_598 = vector.shape_cast %get3A_597 : vector<1x16xf32> to vector<16xf32>
        %swap3A_599 = arith.index_cast %scan3A_182 : i32 to index
        %swap3A_600 = arith.constant 464 : index
        %swap3A_601 = tpu.vector_load %arg6[%swap3A_599, %swap3A_600] {strides = array<i32>} : memref<16x1024xf32, #tpu.memory_space<vmem>>, vector<1x16xf32>,
        %swap3A_602 = vector.shape_cast %swap3A_601 : vector<1x16xf32> to vector<16xf32>
        %swap3A_603 = vector.shape_cast %get3A_598 : vector<16xf32> to vector<1x16xf32>
        tpu.vector_store %arg6[%swap3A_599, %swap3A_600], %swap3A_603 {strides = array<i32>} : memref<16x1024xf32, #tpu.memory_space<vmem>>, vector<1x16xf32>,
        %add3A_604 = arith.constant 31 : i32
        %add3A_605 = arith.addi %add3A, %add3A_604 : i32
        %sub3A_606 = arith.constant 15 : i32
        %sub3A_607 = arith.subi %add3A_605, %sub3A_606 : i32
        %sub3A_608 = arith.constant 31 : i32
        %sub3A_609 = arith.subi %sub3A_608, %add3A_185 : i32
        %get3A_610 = arith.index_cast %sub3A_607 : i32 to index
        %get3A_611 = arith.index_cast %sub3A_609 : i32 to index
        %get3A_612 = tpu.vector_load %arg5[%get3A_610, %get3A_611] {strides = array<i32>} : memref<64x64xf32, #tpu.memory_space<vmem>>, vector<1x16xf32>,
        %get3A_613 = vector.shape_cast %get3A_612 : vector<1x16xf32> to vector<16xf32>
        %swap3A_614 = arith.index_cast %scan3A_182 : i32 to index
        %swap3A_615 = arith.constant 480 : index
        %swap3A_616 = tpu.vector_load %arg6[%swap3A_614, %swap3A_615] {strides = array<i32>} : memref<16x1024xf32, #tpu.memory_space<vmem>>, vector<1x16xf32>,
        %swap3A_617 = vector.shape_cast %swap3A_616 : vector<1x16xf32> to vector<16xf32>
        %swap3A_618 = vector.shape_cast %get3A_613 : vector<16xf32> to vector<1x16xf32>
        tpu.vector_store %arg6[%swap3A_614, %swap3A_615], %swap3A_618 {strides = array<i32>} : memref<16x1024xf32, #tpu.memory_space<vmem>>, vector<1x16xf32>,
        %sub3A_619 = arith.constant 31 : i32
        %sub3A_620 = arith.subi %sub3A_619, %add3A_185 : i32
        %add3A_621 = arith.constant 16 : i32
        %add3A_622 = arith.addi %sub3A_620, %add3A_621 : i32
        %get3A_623 = arith.index_cast %sub3A_607 : i32 to index
        %get3A_624 = arith.index_cast %add3A_622 : i32 to index
        %get3A_625 = tpu.vector_load %arg5[%get3A_623, %get3A_624] {strides = array<i32>} : memref<64x64xf32, #tpu.memory_space<vmem>>, vector<1x16xf32>,
        %get3A_626 = vector.shape_cast %get3A_625 : vector<1x16xf32> to vector<16xf32>
        %swap3A_627 = arith.index_cast %scan3A_182 : i32 to index
        %swap3A_628 = arith.constant 496 : index
        %swap3A_629 = tpu.vector_load %arg6[%swap3A_627, %swap3A_628] {strides = array<i32>} : memref<16x1024xf32, #tpu.memory_space<vmem>>, vector<1x16xf32>,
        %swap3A_630 = vector.shape_cast %swap3A_629 : vector<1x16xf32> to vector<16xf32>
        %swap3A_631 = vector.shape_cast %get3A_626 : vector<16xf32> to vector<1x16xf32>
        tpu.vector_store %arg6[%swap3A_627, %swap3A_628], %swap3A_631 {strides = array<i32>} : memref<16x1024xf32, #tpu.memory_space<vmem>>, vector<1x16xf32>,
        %add3A_632 = arith.constant 31 : i32
        %add3A_633 = arith.addi %add3A, %add3A_632 : i32
        %sub3A_634 = arith.constant 16 : i32
        %sub3A_635 = arith.subi %add3A_633, %sub3A_634 : i32
        %sub3A_636 = arith.constant 31 : i32
        %sub3A_637 = arith.subi %sub3A_636, %add3A_185 : i32
        %get3A_638 = arith.index_cast %sub3A_635 : i32 to index
        %get3A_639 = arith.index_cast %sub3A_637 : i32 to index
        %get3A_640 = tpu.vector_load %arg5[%get3A_638, %get3A_639] {strides = array<i32>} : memref<64x64xf32, #tpu.memory_space<vmem>>, vector<1x16xf32>,
        %get3A_641 = vector.shape_cast %get3A_640 : vector<1x16xf32> to vector<16xf32>
        %swap3A_642 = arith.index_cast %scan3A_182 : i32 to index
        %swap3A_643 = arith.constant 512 : index
        %swap3A_644 = tpu.vector_load %arg6[%swap3A_642, %swap3A_643] {strides = array<i32>} : memref<16x1024xf32, #tpu.memory_space<vmem>>, vector<1x16xf32>,
        %swap3A_645 = vector.shape_cast %swap3A_644 : vector<1x16xf32> to vector<16xf32>
        %swap3A_646 = vector.shape_cast %get3A_641 : vector<16xf32> to vector<1x16xf32>
        tpu.vector_store %arg6[%swap3A_642, %swap3A_643], %swap3A_646 {strides = array<i32>} : memref<16x1024xf32, #tpu.memory_space<vmem>>, vector<1x16xf32>,
        %sub3A_647 = arith.constant 31 : i32
        %sub3A_648 = arith.subi %sub3A_647, %add3A_185 : i32
        %add3A_649 = arith.constant 16 : i32
        %add3A_650 = arith.addi %sub3A_648, %add3A_649 : i32
        %get3A_651 = arith.index_cast %sub3A_635 : i32 to index
        %get3A_652 = arith.index_cast %add3A_650 : i32 to index
        %get3A_653 = tpu.vector_load %arg5[%get3A_651, %get3A_652] {strides = array<i32>} : memref<64x64xf32, #tpu.memory_space<vmem>>, vector<1x16xf32>,
        %get3A_654 = vector.shape_cast %get3A_653 : vector<1x16xf32> to vector<16xf32>
        %swap3A_655 = arith.index_cast %scan3A_182 : i32 to index
        %swap3A_656 = arith.constant 528 : index
        %swap3A_657 = tpu.vector_load %arg6[%swap3A_655, %swap3A_656] {strides = array<i32>} : memref<16x1024xf32, #tpu.memory_space<vmem>>, vector<1x16xf32>,
        %swap3A_658 = vector.shape_cast %swap3A_657 : vector<1x16xf32> to vector<16xf32>
        %swap3A_659 = vector.shape_cast %get3A_654 : vector<16xf32> to vector<1x16xf32>
        tpu.vector_store %arg6[%swap3A_655, %swap3A_656], %swap3A_659 {strides = array<i32>} : memref<16x1024xf32, #tpu.memory_space<vmem>>, vector<1x16xf32>,
        %add3A_660 = arith.constant 31 : i32
        %add3A_661 = arith.addi %add3A, %add3A_660 : i32
        %sub3A_662 = arith.constant 17 : i32
        %sub3A_663 = arith.subi %add3A_661, %sub3A_662 : i32
        %sub3A_664 = arith.constant 31 : i32
        %sub3A_665 = arith.subi %sub3A_664, %add3A_185 : i32
        %get3A_666 = arith.index_cast %sub3A_663 : i32 to index
        %get3A_667 = arith.index_cast %sub3A_665 : i32 to index
        %get3A_668 = tpu.vector_load %arg5[%get3A_666, %get3A_667] {strides = array<i32>} : memref<64x64xf32, #tpu.memory_space<vmem>>, vector<1x16xf32>,
        %get3A_669 = vector.shape_cast %get3A_668 : vector<1x16xf32> to vector<16xf32>
        %swap3A_670 = arith.index_cast %scan3A_182 : i32 to index
        %swap3A_671 = arith.constant 544 : index
        %swap3A_672 = tpu.vector_load %arg6[%swap3A_670, %swap3A_671] {strides = array<i32>} : memref<16x1024xf32, #tpu.memory_space<vmem>>, vector<1x16xf32>,
        %swap3A_673 = vector.shape_cast %swap3A_672 : vector<1x16xf32> to vector<16xf32>
        %swap3A_674 = vector.shape_cast %get3A_669 : vector<16xf32> to vector<1x16xf32>
        tpu.vector_store %arg6[%swap3A_670, %swap3A_671], %swap3A_674 {strides = array<i32>} : memref<16x1024xf32, #tpu.memory_space<vmem>>, vector<1x16xf32>,
        %sub3A_675 = arith.constant 31 : i32
        %sub3A_676 = arith.subi %sub3A_675, %add3A_185 : i32
        %add3A_677 = arith.constant 16 : i32
        %add3A_678 = arith.addi %sub3A_676, %add3A_677 : i32
        %get3A_679 = arith.index_cast %sub3A_663 : i32 to index
        %get3A_680 = arith.index_cast %add3A_678 : i32 to index
        %get3A_681 = tpu.vector_load %arg5[%get3A_679, %get3A_680] {strides = array<i32>} : memref<64x64xf32, #tpu.memory_space<vmem>>, vector<1x16xf32>,
        %get3A_682 = vector.shape_cast %get3A_681 : vector<1x16xf32> to vector<16xf32>
        %swap3A_683 = arith.index_cast %scan3A_182 : i32 to index
        %swap3A_684 = arith.constant 560 : index
        %swap3A_685 = tpu.vector_load %arg6[%swap3A_683, %swap3A_684] {strides = array<i32>} : memref<16x1024xf32, #tpu.memory_space<vmem>>, vector<1x16xf32>,
        %swap3A_686 = vector.shape_cast %swap3A_685 : vector<1x16xf32> to vector<16xf32>
        %swap3A_687 = vector.shape_cast %get3A_682 : vector<16xf32> to vector<1x16xf32>
        tpu.vector_store %arg6[%swap3A_683, %swap3A_684], %swap3A_687 {strides = array<i32>} : memref<16x1024xf32, #tpu.memory_space<vmem>>, vector<1x16xf32>,
        %add3A_688 = arith.constant 31 : i32
        %add3A_689 = arith.addi %add3A, %add3A_688 : i32
        %sub3A_690 = arith.constant 18 : i32
        %sub3A_691 = arith.subi %add3A_689, %sub3A_690 : i32
        %sub3A_692 = arith.constant 31 : i32
        %sub3A_693 = arith.subi %sub3A_692, %add3A_185 : i32
        %get3A_694 = arith.index_cast %sub3A_691 : i32 to index
        %get3A_695 = arith.index_cast %sub3A_693 : i32 to index
        %get3A_696 = tpu.vector_load %arg5[%get3A_694, %get3A_695] {strides = array<i32>} : memref<64x64xf32, #tpu.memory_space<vmem>>, vector<1x16xf32>,
        %get3A_697 = vector.shape_cast %get3A_696 : vector<1x16xf32> to vector<16xf32>
        %swap3A_698 = arith.index_cast %scan3A_182 : i32 to index
        %swap3A_699 = arith.constant 576 : index
        %swap3A_700 = tpu.vector_load %arg6[%swap3A_698, %swap3A_699] {strides = array<i32>} : memref<16x1024xf32, #tpu.memory_space<vmem>>, vector<1x16xf32>,
        %swap3A_701 = vector.shape_cast %swap3A_700 : vector<1x16xf32> to vector<16xf32>
        %swap3A_702 = vector.shape_cast %get3A_697 : vector<16xf32> to vector<1x16xf32>
        tpu.vector_store %arg6[%swap3A_698, %swap3A_699], %swap3A_702 {strides = array<i32>} : memref<16x1024xf32, #tpu.memory_space<vmem>>, vector<1x16xf32>,
        %sub3A_703 = arith.constant 31 : i32
        %sub3A_704 = arith.subi %sub3A_703, %add3A_185 : i32
        %add3A_705 = arith.constant 16 : i32
        %add3A_706 = arith.addi %sub3A_704, %add3A_705 : i32
        %get3A_707 = arith.index_cast %sub3A_691 : i32 to index
        %get3A_708 = arith.index_cast %add3A_706 : i32 to index
        %get3A_709 = tpu.vector_load %arg5[%get3A_707, %get3A_708] {strides = array<i32>} : memref<64x64xf32, #tpu.memory_space<vmem>>, vector<1x16xf32>,
        %get3A_710 = vector.shape_cast %get3A_709 : vector<1x16xf32> to vector<16xf32>
        %swap3A_711 = arith.index_cast %scan3A_182 : i32 to index
        %swap3A_712 = arith.constant 592 : index
        %swap3A_713 = tpu.vector_load %arg6[%swap3A_711, %swap3A_712] {strides = array<i32>} : memref<16x1024xf32, #tpu.memory_space<vmem>>, vector<1x16xf32>,
        %swap3A_714 = vector.shape_cast %swap3A_713 : vector<1x16xf32> to vector<16xf32>
        %swap3A_715 = vector.shape_cast %get3A_710 : vector<16xf32> to vector<1x16xf32>
        tpu.vector_store %arg6[%swap3A_711, %swap3A_712], %swap3A_715 {strides = array<i32>} : memref<16x1024xf32, #tpu.memory_space<vmem>>, vector<1x16xf32>,
        %add3A_716 = arith.constant 31 : i32
        %add3A_717 = arith.addi %add3A, %add3A_716 : i32
        %sub3A_718 = arith.constant 19 : i32
        %sub3A_719 = arith.subi %add3A_717, %sub3A_718 : i32
        %sub3A_720 = arith.constant 31 : i32
        %sub3A_721 = arith.subi %sub3A_720, %add3A_185 : i32
        %get3A_722 = arith.index_cast %sub3A_719 : i32 to index
        %get3A_723 = arith.index_cast %sub3A_721 : i32 to index
        %get3A_724 = tpu.vector_load %arg5[%get3A_722, %get3A_723] {strides = array<i32>} : memref<64x64xf32, #tpu.memory_space<vmem>>, vector<1x16xf32>,
        %get3A_725 = vector.shape_cast %get3A_724 : vector<1x16xf32> to vector<16xf32>
        %swap3A_726 = arith.index_cast %scan3A_182 : i32 to index
        %swap3A_727 = arith.constant 608 : index
        %swap3A_728 = tpu.vector_load %arg6[%swap3A_726, %swap3A_727] {strides = array<i32>} : memref<16x1024xf32, #tpu.memory_space<vmem>>, vector<1x16xf32>,
        %swap3A_729 = vector.shape_cast %swap3A_728 : vector<1x16xf32> to vector<16xf32>
        %swap3A_730 = vector.shape_cast %get3A_725 : vector<16xf32> to vector<1x16xf32>
        tpu.vector_store %arg6[%swap3A_726, %swap3A_727], %swap3A_730 {strides = array<i32>} : memref<16x1024xf32, #tpu.memory_space<vmem>>, vector<1x16xf32>,
        %sub3A_731 = arith.constant 31 : i32
        %sub3A_732 = arith.subi %sub3A_731, %add3A_185 : i32
        %add3A_733 = arith.constant 16 : i32
        %add3A_734 = arith.addi %sub3A_732, %add3A_733 : i32
        %get3A_735 = arith.index_cast %sub3A_719 : i32 to index
        %get3A_736 = arith.index_cast %add3A_734 : i32 to index
        %get3A_737 = tpu.vector_load %arg5[%get3A_735, %get3A_736] {strides = array<i32>} : memref<64x64xf32, #tpu.memory_space<vmem>>, vector<1x16xf32>,
        %get3A_738 = vector.shape_cast %get3A_737 : vector<1x16xf32> to vector<16xf32>
        %swap3A_739 = arith.index_cast %scan3A_182 : i32 to index
        %swap3A_740 = arith.constant 624 : index
        %swap3A_741 = tpu.vector_load %arg6[%swap3A_739, %swap3A_740] {strides = array<i32>} : memref<16x1024xf32, #tpu.memory_space<vmem>>, vector<1x16xf32>,
        %swap3A_742 = vector.shape_cast %swap3A_741 : vector<1x16xf32> to vector<16xf32>
        %swap3A_743 = vector.shape_cast %get3A_738 : vector<16xf32> to vector<1x16xf32>
        tpu.vector_store %arg6[%swap3A_739, %swap3A_740], %swap3A_743 {strides = array<i32>} : memref<16x1024xf32, #tpu.memory_space<vmem>>, vector<1x16xf32>,
        %add3A_744 = arith.constant 31 : i32
        %add3A_745 = arith.addi %add3A, %add3A_744 : i32
        %sub3A_746 = arith.constant 20 : i32
        %sub3A_747 = arith.subi %add3A_745, %sub3A_746 : i32
        %sub3A_748 = arith.constant 31 : i32
        %sub3A_749 = arith.subi %sub3A_748, %add3A_185 : i32
        %get3A_750 = arith.index_cast %sub3A_747 : i32 to index
        %get3A_751 = arith.index_cast %sub3A_749 : i32 to index
        %get3A_752 = tpu.vector_load %arg5[%get3A_750, %get3A_751] {strides = array<i32>} : memref<64x64xf32, #tpu.memory_space<vmem>>, vector<1x16xf32>,
        %get3A_753 = vector.shape_cast %get3A_752 : vector<1x16xf32> to vector<16xf32>
        %swap3A_754 = arith.index_cast %scan3A_182 : i32 to index
        %swap3A_755 = arith.constant 640 : index
        %swap3A_756 = tpu.vector_load %arg6[%swap3A_754, %swap3A_755] {strides = array<i32>} : memref<16x1024xf32, #tpu.memory_space<vmem>>, vector<1x16xf32>,
        %swap3A_757 = vector.shape_cast %swap3A_756 : vector<1x16xf32> to vector<16xf32>
        %swap3A_758 = vector.shape_cast %get3A_753 : vector<16xf32> to vector<1x16xf32>
        tpu.vector_store %arg6[%swap3A_754, %swap3A_755], %swap3A_758 {strides = array<i32>} : memref<16x1024xf32, #tpu.memory_space<vmem>>, vector<1x16xf32>,
        %sub3A_759 = arith.constant 31 : i32
        %sub3A_760 = arith.subi %sub3A_759, %add3A_185 : i32
        %add3A_761 = arith.constant 16 : i32
        %add3A_762 = arith.addi %sub3A_760, %add3A_761 : i32
        %get3A_763 = arith.index_cast %sub3A_747 : i32 to index
        %get3A_764 = arith.index_cast %add3A_762 : i32 to index
        %get3A_765 = tpu.vector_load %arg5[%get3A_763, %get3A_764] {strides = array<i32>} : memref<64x64xf32, #tpu.memory_space<vmem>>, vector<1x16xf32>,
        %get3A_766 = vector.shape_cast %get3A_765 : vector<1x16xf32> to vector<16xf32>
        %swap3A_767 = arith.index_cast %scan3A_182 : i32 to index
        %swap3A_768 = arith.constant 656 : index
        %swap3A_769 = tpu.vector_load %arg6[%swap3A_767, %swap3A_768] {strides = array<i32>} : memref<16x1024xf32, #tpu.memory_space<vmem>>, vector<1x16xf32>,
        %swap3A_770 = vector.shape_cast %swap3A_769 : vector<1x16xf32> to vector<16xf32>
        %swap3A_771 = vector.shape_cast %get3A_766 : vector<16xf32> to vector<1x16xf32>
        tpu.vector_store %arg6[%swap3A_767, %swap3A_768], %swap3A_771 {strides = array<i32>} : memref<16x1024xf32, #tpu.memory_space<vmem>>, vector<1x16xf32>,
        %add3A_772 = arith.constant 31 : i32
        %add3A_773 = arith.addi %add3A, %add3A_772 : i32
        %sub3A_774 = arith.constant 21 : i32
        %sub3A_775 = arith.subi %add3A_773, %sub3A_774 : i32
        %sub3A_776 = arith.constant 31 : i32
        %sub3A_777 = arith.subi %sub3A_776, %add3A_185 : i32
        %get3A_778 = arith.index_cast %sub3A_775 : i32 to index
        %get3A_779 = arith.index_cast %sub3A_777 : i32 to index
        %get3A_780 = tpu.vector_load %arg5[%get3A_778, %get3A_779] {strides = array<i32>} : memref<64x64xf32, #tpu.memory_space<vmem>>, vector<1x16xf32>,
        %get3A_781 = vector.shape_cast %get3A_780 : vector<1x16xf32> to vector<16xf32>
        %swap3A_782 = arith.index_cast %scan3A_182 : i32 to index
        %swap3A_783 = arith.constant 672 : index
        %swap3A_784 = tpu.vector_load %arg6[%swap3A_782, %swap3A_783] {strides = array<i32>} : memref<16x1024xf32, #tpu.memory_space<vmem>>, vector<1x16xf32>,
        %swap3A_785 = vector.shape_cast %swap3A_784 : vector<1x16xf32> to vector<16xf32>
        %swap3A_786 = vector.shape_cast %get3A_781 : vector<16xf32> to vector<1x16xf32>
        tpu.vector_store %arg6[%swap3A_782, %swap3A_783], %swap3A_786 {strides = array<i32>} : memref<16x1024xf32, #tpu.memory_space<vmem>>, vector<1x16xf32>,
        %sub3A_787 = arith.constant 31 : i32
        %sub3A_788 = arith.subi %sub3A_787, %add3A_185 : i32
        %add3A_789 = arith.constant 16 : i32
        %add3A_790 = arith.addi %sub3A_788, %add3A_789 : i32
        %get3A_791 = arith.index_cast %sub3A_775 : i32 to index
        %get3A_792 = arith.index_cast %add3A_790 : i32 to index
        %get3A_793 = tpu.vector_load %arg5[%get3A_791, %get3A_792] {strides = array<i32>} : memref<64x64xf32, #tpu.memory_space<vmem>>, vector<1x16xf32>,
        %get3A_794 = vector.shape_cast %get3A_793 : vector<1x16xf32> to vector<16xf32>
        %swap3A_795 = arith.index_cast %scan3A_182 : i32 to index
        %swap3A_796 = arith.constant 688 : index
        %swap3A_797 = tpu.vector_load %arg6[%swap3A_795, %swap3A_796] {strides = array<i32>} : memref<16x1024xf32, #tpu.memory_space<vmem>>, vector<1x16xf32>,
        %swap3A_798 = vector.shape_cast %swap3A_797 : vector<1x16xf32> to vector<16xf32>
        %swap3A_799 = vector.shape_cast %get3A_794 : vector<16xf32> to vector<1x16xf32>
        tpu.vector_store %arg6[%swap3A_795, %swap3A_796], %swap3A_799 {strides = array<i32>} : memref<16x1024xf32, #tpu.memory_space<vmem>>, vector<1x16xf32>,
        %add3A_800 = arith.constant 31 : i32
        %add3A_801 = arith.addi %add3A, %add3A_800 : i32
        %sub3A_802 = arith.constant 22 : i32
        %sub3A_803 = arith.subi %add3A_801, %sub3A_802 : i32
        %sub3A_804 = arith.constant 31 : i32
        %sub3A_805 = arith.subi %sub3A_804, %add3A_185 : i32
        %get3A_806 = arith.index_cast %sub3A_803 : i32 to index
        %get3A_807 = arith.index_cast %sub3A_805 : i32 to index
        %get3A_808 = tpu.vector_load %arg5[%get3A_806, %get3A_807] {strides = array<i32>} : memref<64x64xf32, #tpu.memory_space<vmem>>, vector<1x16xf32>,
        %get3A_809 = vector.shape_cast %get3A_808 : vector<1x16xf32> to vector<16xf32>
        %swap3A_810 = arith.index_cast %scan3A_182 : i32 to index
        %swap3A_811 = arith.constant 704 : index
        %swap3A_812 = tpu.vector_load %arg6[%swap3A_810, %swap3A_811] {strides = array<i32>} : memref<16x1024xf32, #tpu.memory_space<vmem>>, vector<1x16xf32>,
        %swap3A_813 = vector.shape_cast %swap3A_812 : vector<1x16xf32> to vector<16xf32>
        %swap3A_814 = vector.shape_cast %get3A_809 : vector<16xf32> to vector<1x16xf32>
        tpu.vector_store %arg6[%swap3A_810, %swap3A_811], %swap3A_814 {strides = array<i32>} : memref<16x1024xf32, #tpu.memory_space<vmem>>, vector<1x16xf32>,
        %sub3A_815 = arith.constant 31 : i32
        %sub3A_816 = arith.subi %sub3A_815, %add3A_185 : i32
        %add3A_817 = arith.constant 16 : i32
        %add3A_818 = arith.addi %sub3A_816, %add3A_817 : i32
        %get3A_819 = arith.index_cast %sub3A_803 : i32 to index
        %get3A_820 = arith.index_cast %add3A_818 : i32 to index
        %get3A_821 = tpu.vector_load %arg5[%get3A_819, %get3A_820] {strides = array<i32>} : memref<64x64xf32, #tpu.memory_space<vmem>>, vector<1x16xf32>,
        %get3A_822 = vector.shape_cast %get3A_821 : vector<1x16xf32> to vector<16xf32>
        %swap3A_823 = arith.index_cast %scan3A_182 : i32 to index
        %swap3A_824 = arith.constant 720 : index
        %swap3A_825 = tpu.vector_load %arg6[%swap3A_823, %swap3A_824] {strides = array<i32>} : memref<16x1024xf32, #tpu.memory_space<vmem>>, vector<1x16xf32>,
        %swap3A_826 = vector.shape_cast %swap3A_825 : vector<1x16xf32> to vector<16xf32>
        %swap3A_827 = vector.shape_cast %get3A_822 : vector<16xf32> to vector<1x16xf32>
        tpu.vector_store %arg6[%swap3A_823, %swap3A_824], %swap3A_827 {strides = array<i32>} : memref<16x1024xf32, #tpu.memory_space<vmem>>, vector<1x16xf32>,
        %add3A_828 = arith.constant 31 : i32
        %add3A_829 = arith.addi %add3A, %add3A_828 : i32
        %sub3A_830 = arith.constant 23 : i32
        %sub3A_831 = arith.subi %add3A_829, %sub3A_830 : i32
        %sub3A_832 = arith.constant 31 : i32
        %sub3A_833 = arith.subi %sub3A_832, %add3A_185 : i32
        %get3A_834 = arith.index_cast %sub3A_831 : i32 to index
        %get3A_835 = arith.index_cast %sub3A_833 : i32 to index
        %get3A_836 = tpu.vector_load %arg5[%get3A_834, %get3A_835] {strides = array<i32>} : memref<64x64xf32, #tpu.memory_space<vmem>>, vector<1x16xf32>,
        %get3A_837 = vector.shape_cast %get3A_836 : vector<1x16xf32> to vector<16xf32>
        %swap3A_838 = arith.index_cast %scan3A_182 : i32 to index
        %swap3A_839 = arith.constant 736 : index
        %swap3A_840 = tpu.vector_load %arg6[%swap3A_838, %swap3A_839] {strides = array<i32>} : memref<16x1024xf32, #tpu.memory_space<vmem>>, vector<1x16xf32>,
        %swap3A_841 = vector.shape_cast %swap3A_840 : vector<1x16xf32> to vector<16xf32>
        %swap3A_842 = vector.shape_cast %get3A_837 : vector<16xf32> to vector<1x16xf32>
        tpu.vector_store %arg6[%swap3A_838, %swap3A_839], %swap3A_842 {strides = array<i32>} : memref<16x1024xf32, #tpu.memory_space<vmem>>, vector<1x16xf32>,
        %sub3A_843 = arith.constant 31 : i32
        %sub3A_844 = arith.subi %sub3A_843, %add3A_185 : i32
        %add3A_845 = arith.constant 16 : i32
        %add3A_846 = arith.addi %sub3A_844, %add3A_845 : i32
        %get3A_847 = arith.index_cast %sub3A_831 : i32 to index
        %get3A_848 = arith.index_cast %add3A_846 : i32 to index
        %get3A_849 = tpu.vector_load %arg5[%get3A_847, %get3A_848] {strides = array<i32>} : memref<64x64xf32, #tpu.memory_space<vmem>>, vector<1x16xf32>,
        %get3A_850 = vector.shape_cast %get3A_849 : vector<1x16xf32> to vector<16xf32>
        %swap3A_851 = arith.index_cast %scan3A_182 : i32 to index
        %swap3A_852 = arith.constant 752 : index
        %swap3A_853 = tpu.vector_load %arg6[%swap3A_851, %swap3A_852] {strides = array<i32>} : memref<16x1024xf32, #tpu.memory_space<vmem>>, vector<1x16xf32>,
        %swap3A_854 = vector.shape_cast %swap3A_853 : vector<1x16xf32> to vector<16xf32>
        %swap3A_855 = vector.shape_cast %get3A_850 : vector<16xf32> to vector<1x16xf32>
        tpu.vector_store %arg6[%swap3A_851, %swap3A_852], %swap3A_855 {strides = array<i32>} : memref<16x1024xf32, #tpu.memory_space<vmem>>, vector<1x16xf32>,
        %add3A_856 = arith.constant 31 : i32
        %add3A_857 = arith.addi %add3A, %add3A_856 : i32
        %sub3A_858 = arith.constant 24 : i32
        %sub3A_859 = arith.subi %add3A_857, %sub3A_858 : i32
        %sub3A_860 = arith.constant 31 : i32
        %sub3A_861 = arith.subi %sub3A_860, %add3A_185 : i32
        %get3A_862 = arith.index_cast %sub3A_859 : i32 to index
        %get3A_863 = arith.index_cast %sub3A_861 : i32 to index
        %get3A_864 = tpu.vector_load %arg5[%get3A_862, %get3A_863] {strides = array<i32>} : memref<64x64xf32, #tpu.memory_space<vmem>>, vector<1x16xf32>,
        %get3A_865 = vector.shape_cast %get3A_864 : vector<1x16xf32> to vector<16xf32>
        %swap3A_866 = arith.index_cast %scan3A_182 : i32 to index
        %swap3A_867 = arith.constant 768 : index
        %swap3A_868 = tpu.vector_load %arg6[%swap3A_866, %swap3A_867] {strides = array<i32>} : memref<16x1024xf32, #tpu.memory_space<vmem>>, vector<1x16xf32>,
        %swap3A_869 = vector.shape_cast %swap3A_868 : vector<1x16xf32> to vector<16xf32>
        %swap3A_870 = vector.shape_cast %get3A_865 : vector<16xf32> to vector<1x16xf32>
        tpu.vector_store %arg6[%swap3A_866, %swap3A_867], %swap3A_870 {strides = array<i32>} : memref<16x1024xf32, #tpu.memory_space<vmem>>, vector<1x16xf32>,
        %sub3A_871 = arith.constant 31 : i32
        %sub3A_872 = arith.subi %sub3A_871, %add3A_185 : i32
        %add3A_873 = arith.constant 16 : i32
        %add3A_874 = arith.addi %sub3A_872, %add3A_873 : i32
        %get3A_875 = arith.index_cast %sub3A_859 : i32 to index
        %get3A_876 = arith.index_cast %add3A_874 : i32 to index
        %get3A_877 = tpu.vector_load %arg5[%get3A_875, %get3A_876] {strides = array<i32>} : memref<64x64xf32, #tpu.memory_space<vmem>>, vector<1x16xf32>,
        %get3A_878 = vector.shape_cast %get3A_877 : vector<1x16xf32> to vector<16xf32>
        %swap3A_879 = arith.index_cast %scan3A_182 : i32 to index
        %swap3A_880 = arith.constant 784 : index
        %swap3A_881 = tpu.vector_load %arg6[%swap3A_879, %swap3A_880] {strides = array<i32>} : memref<16x1024xf32, #tpu.memory_space<vmem>>, vector<1x16xf32>,
        %swap3A_882 = vector.shape_cast %swap3A_881 : vector<1x16xf32> to vector<16xf32>
        %swap3A_883 = vector.shape_cast %get3A_878 : vector<16xf32> to vector<1x16xf32>
        tpu.vector_store %arg6[%swap3A_879, %swap3A_880], %swap3A_883 {strides = array<i32>} : memref<16x1024xf32, #tpu.memory_space<vmem>>, vector<1x16xf32>,
        %add3A_884 = arith.constant 31 : i32
        %add3A_885 = arith.addi %add3A, %add3A_884 : i32
        %sub3A_886 = arith.constant 25 : i32
        %sub3A_887 = arith.subi %add3A_885, %sub3A_886 : i32
        %sub3A_888 = arith.constant 31 : i32
        %sub3A_889 = arith.subi %sub3A_888, %add3A_185 : i32
        %get3A_890 = arith.index_cast %sub3A_887 : i32 to index
        %get3A_891 = arith.index_cast %sub3A_889 : i32 to index
        %get3A_892 = tpu.vector_load %arg5[%get3A_890, %get3A_891] {strides = array<i32>} : memref<64x64xf32, #tpu.memory_space<vmem>>, vector<1x16xf32>,
        %get3A_893 = vector.shape_cast %get3A_892 : vector<1x16xf32> to vector<16xf32>
        %swap3A_894 = arith.index_cast %scan3A_182 : i32 to index
        %swap3A_895 = arith.constant 800 : index
        %swap3A_896 = tpu.vector_load %arg6[%swap3A_894, %swap3A_895] {strides = array<i32>} : memref<16x1024xf32, #tpu.memory_space<vmem>>, vector<1x16xf32>,
        %swap3A_897 = vector.shape_cast %swap3A_896 : vector<1x16xf32> to vector<16xf32>
        %swap3A_898 = vector.shape_cast %get3A_893 : vector<16xf32> to vector<1x16xf32>
        tpu.vector_store %arg6[%swap3A_894, %swap3A_895], %swap3A_898 {strides = array<i32>} : memref<16x1024xf32, #tpu.memory_space<vmem>>, vector<1x16xf32>,
        %sub3A_899 = arith.constant 31 : i32
        %sub3A_900 = arith.subi %sub3A_899, %add3A_185 : i32
        %add3A_901 = arith.constant 16 : i32
        %add3A_902 = arith.addi %sub3A_900, %add3A_901 : i32
        %get3A_903 = arith.index_cast %sub3A_887 : i32 to index
        %get3A_904 = arith.index_cast %add3A_902 : i32 to index
        %get3A_905 = tpu.vector_load %arg5[%get3A_903, %get3A_904] {strides = array<i32>} : memref<64x64xf32, #tpu.memory_space<vmem>>, vector<1x16xf32>,
        %get3A_906 = vector.shape_cast %get3A_905 : vector<1x16xf32> to vector<16xf32>
        %swap3A_907 = arith.index_cast %scan3A_182 : i32 to index
        %swap3A_908 = arith.constant 816 : index
        %swap3A_909 = tpu.vector_load %arg6[%swap3A_907, %swap3A_908] {strides = array<i32>} : memref<16x1024xf32, #tpu.memory_space<vmem>>, vector<1x16xf32>,
        %swap3A_910 = vector.shape_cast %swap3A_909 : vector<1x16xf32> to vector<16xf32>
        %swap3A_911 = vector.shape_cast %get3A_906 : vector<16xf32> to vector<1x16xf32>
        tpu.vector_store %arg6[%swap3A_907, %swap3A_908], %swap3A_911 {strides = array<i32>} : memref<16x1024xf32, #tpu.memory_space<vmem>>, vector<1x16xf32>,
        %add3A_912 = arith.constant 31 : i32
        %add3A_913 = arith.addi %add3A, %add3A_912 : i32
        %sub3A_914 = arith.constant 26 : i32
        %sub3A_915 = arith.subi %add3A_913, %sub3A_914 : i32
        %sub3A_916 = arith.constant 31 : i32
        %sub3A_917 = arith.subi %sub3A_916, %add3A_185 : i32
        %get3A_918 = arith.index_cast %sub3A_915 : i32 to index
        %get3A_919 = arith.index_cast %sub3A_917 : i32 to index
        %get3A_920 = tpu.vector_load %arg5[%get3A_918, %get3A_919] {strides = array<i32>} : memref<64x64xf32, #tpu.memory_space<vmem>>, vector<1x16xf32>,
        %get3A_921 = vector.shape_cast %get3A_920 : vector<1x16xf32> to vector<16xf32>
        %swap3A_922 = arith.index_cast %scan3A_182 : i32 to index
        %swap3A_923 = arith.constant 832 : index
        %swap3A_924 = tpu.vector_load %arg6[%swap3A_922, %swap3A_923] {strides = array<i32>} : memref<16x1024xf32, #tpu.memory_space<vmem>>, vector<1x16xf32>,
        %swap3A_925 = vector.shape_cast %swap3A_924 : vector<1x16xf32> to vector<16xf32>
        %swap3A_926 = vector.shape_cast %get3A_921 : vector<16xf32> to vector<1x16xf32>
        tpu.vector_store %arg6[%swap3A_922, %swap3A_923], %swap3A_926 {strides = array<i32>} : memref<16x1024xf32, #tpu.memory_space<vmem>>, vector<1x16xf32>,
        %sub3A_927 = arith.constant 31 : i32
        %sub3A_928 = arith.subi %sub3A_927, %add3A_185 : i32
        %add3A_929 = arith.constant 16 : i32
        %add3A_930 = arith.addi %sub3A_928, %add3A_929 : i32
        %get3A_931 = arith.index_cast %sub3A_915 : i32 to index
        %get3A_932 = arith.index_cast %add3A_930 : i32 to index
        %get3A_933 = tpu.vector_load %arg5[%get3A_931, %get3A_932] {strides = array<i32>} : memref<64x64xf32, #tpu.memory_space<vmem>>, vector<1x16xf32>,
        %get3A_934 = vector.shape_cast %get3A_933 : vector<1x16xf32> to vector<16xf32>
        %swap3A_935 = arith.index_cast %scan3A_182 : i32 to index
        %swap3A_936 = arith.constant 848 : index
        %swap3A_937 = tpu.vector_load %arg6[%swap3A_935, %swap3A_936] {strides = array<i32>} : memref<16x1024xf32, #tpu.memory_space<vmem>>, vector<1x16xf32>,
        %swap3A_938 = vector.shape_cast %swap3A_937 : vector<1x16xf32> to vector<16xf32>
        %swap3A_939 = vector.shape_cast %get3A_934 : vector<16xf32> to vector<1x16xf32>
        tpu.vector_store %arg6[%swap3A_935, %swap3A_936], %swap3A_939 {strides = array<i32>} : memref<16x1024xf32, #tpu.memory_space<vmem>>, vector<1x16xf32>,
        %add3A_940 = arith.constant 31 : i32
        %add3A_941 = arith.addi %add3A, %add3A_940 : i32
        %sub3A_942 = arith.constant 27 : i32
        %sub3A_943 = arith.subi %add3A_941, %sub3A_942 : i32
        %sub3A_944 = arith.constant 31 : i32
        %sub3A_945 = arith.subi %sub3A_944, %add3A_185 : i32
        %get3A_946 = arith.index_cast %sub3A_943 : i32 to index
        %get3A_947 = arith.index_cast %sub3A_945 : i32 to index
        %get3A_948 = tpu.vector_load %arg5[%get3A_946, %get3A_947] {strides = array<i32>} : memref<64x64xf32, #tpu.memory_space<vmem>>, vector<1x16xf32>,
        %get3A_949 = vector.shape_cast %get3A_948 : vector<1x16xf32> to vector<16xf32>
        %swap3A_950 = arith.index_cast %scan3A_182 : i32 to index
        %swap3A_951 = arith.constant 864 : index
        %swap3A_952 = tpu.vector_load %arg6[%swap3A_950, %swap3A_951] {strides = array<i32>} : memref<16x1024xf32, #tpu.memory_space<vmem>>, vector<1x16xf32>,
        %swap3A_953 = vector.shape_cast %swap3A_952 : vector<1x16xf32> to vector<16xf32>
        %swap3A_954 = vector.shape_cast %get3A_949 : vector<16xf32> to vector<1x16xf32>
        tpu.vector_store %arg6[%swap3A_950, %swap3A_951], %swap3A_954 {strides = array<i32>} : memref<16x1024xf32, #tpu.memory_space<vmem>>, vector<1x16xf32>,
        %sub3A_955 = arith.constant 31 : i32
        %sub3A_956 = arith.subi %sub3A_955, %add3A_185 : i32
        %add3A_957 = arith.constant 16 : i32
        %add3A_958 = arith.addi %sub3A_956, %add3A_957 : i32
        %get3A_959 = arith.index_cast %sub3A_943 : i32 to index
        %get3A_960 = arith.index_cast %add3A_958 : i32 to index
        %get3A_961 = tpu.vector_load %arg5[%get3A_959, %get3A_960] {strides = array<i32>} : memref<64x64xf32, #tpu.memory_space<vmem>>, vector<1x16xf32>,
        %get3A_962 = vector.shape_cast %get3A_961 : vector<1x16xf32> to vector<16xf32>
        %swap3A_963 = arith.index_cast %scan3A_182 : i32 to index
        %swap3A_964 = arith.constant 880 : index
        %swap3A_965 = tpu.vector_load %arg6[%swap3A_963, %swap3A_964] {strides = array<i32>} : memref<16x1024xf32, #tpu.memory_space<vmem>>, vector<1x16xf32>,
        %swap3A_966 = vector.shape_cast %swap3A_965 : vector<1x16xf32> to vector<16xf32>
        %swap3A_967 = vector.shape_cast %get3A_962 : vector<16xf32> to vector<1x16xf32>
        tpu.vector_store %arg6[%swap3A_963, %swap3A_964], %swap3A_967 {strides = array<i32>} : memref<16x1024xf32, #tpu.memory_space<vmem>>, vector<1x16xf32>,
        %add3A_968 = arith.constant 31 : i32
        %add3A_969 = arith.addi %add3A, %add3A_968 : i32
        %sub3A_970 = arith.constant 28 : i32
        %sub3A_971 = arith.subi %add3A_969, %sub3A_970 : i32
        %sub3A_972 = arith.constant 31 : i32
        %sub3A_973 = arith.subi %sub3A_972, %add3A_185 : i32
        %get3A_974 = arith.index_cast %sub3A_971 : i32 to index
        %get3A_975 = arith.index_cast %sub3A_973 : i32 to index
        %get3A_976 = tpu.vector_load %arg5[%get3A_974, %get3A_975] {strides = array<i32>} : memref<64x64xf32, #tpu.memory_space<vmem>>, vector<1x16xf32>,
        %get3A_977 = vector.shape_cast %get3A_976 : vector<1x16xf32> to vector<16xf32>
        %swap3A_978 = arith.index_cast %scan3A_182 : i32 to index
        %swap3A_979 = arith.constant 896 : index
        %swap3A_980 = tpu.vector_load %arg6[%swap3A_978, %swap3A_979] {strides = array<i32>} : memref<16x1024xf32, #tpu.memory_space<vmem>>, vector<1x16xf32>,
        %swap3A_981 = vector.shape_cast %swap3A_980 : vector<1x16xf32> to vector<16xf32>
        %swap3A_982 = vector.shape_cast %get3A_977 : vector<16xf32> to vector<1x16xf32>
        tpu.vector_store %arg6[%swap3A_978, %swap3A_979], %swap3A_982 {strides = array<i32>} : memref<16x1024xf32, #tpu.memory_space<vmem>>, vector<1x16xf32>,
        %sub3A_983 = arith.constant 31 : i32
        %sub3A_984 = arith.subi %sub3A_983, %add3A_185 : i32
        %add3A_985 = arith.constant 16 : i32
        %add3A_986 = arith.addi %sub3A_984, %add3A_985 : i32
        %get3A_987 = arith.index_cast %sub3A_971 : i32 to index
        %get3A_988 = arith.index_cast %add3A_986 : i32 to index
        %get3A_989 = tpu.vector_load %arg5[%get3A_987, %get3A_988] {strides = array<i32>} : memref<64x64xf32, #tpu.memory_space<vmem>>, vector<1x16xf32>,
        %get3A_990 = vector.shape_cast %get3A_989 : vector<1x16xf32> to vector<16xf32>
        %swap3A_991 = arith.index_cast %scan3A_182 : i32 to index
        %swap3A_992 = arith.constant 912 : index
        %swap3A_993 = tpu.vector_load %arg6[%swap3A_991, %swap3A_992] {strides = array<i32>} : memref<16x1024xf32, #tpu.memory_space<vmem>>, vector<1x16xf32>,
        %swap3A_994 = vector.shape_cast %swap3A_993 : vector<1x16xf32> to vector<16xf32>
        %swap3A_995 = vector.shape_cast %get3A_990 : vector<16xf32> to vector<1x16xf32>
        tpu.vector_store %arg6[%swap3A_991, %swap3A_992], %swap3A_995 {strides = array<i32>} : memref<16x1024xf32, #tpu.memory_space<vmem>>, vector<1x16xf32>,
        %add3A_996 = arith.constant 31 : i32
        %add3A_997 = arith.addi %add3A, %add3A_996 : i32
        %sub3A_998 = arith.constant 29 : i32
        %sub3A_999 = arith.subi %add3A_997, %sub3A_998 : i32
        %sub3A_1000 = arith.constant 31 : i32
        %sub3A_1001 = arith.subi %sub3A_1000, %add3A_185 : i32
        %get3A_1002 = arith.index_cast %sub3A_999 : i32 to index
        %get3A_1003 = arith.index_cast %sub3A_1001 : i32 to index
        %get3A_1004 = tpu.vector_load %arg5[%get3A_1002, %get3A_1003] {strides = array<i32>} : memref<64x64xf32, #tpu.memory_space<vmem>>, vector<1x16xf32>,
        %get3A_1005 = vector.shape_cast %get3A_1004 : vector<1x16xf32> to vector<16xf32>
        %swap3A_1006 = arith.index_cast %scan3A_182 : i32 to index
        %swap3A_1007 = arith.constant 928 : index
        %swap3A_1008 = tpu.vector_load %arg6[%swap3A_1006, %swap3A_1007] {strides = array<i32>} : memref<16x1024xf32, #tpu.memory_space<vmem>>, vector<1x16xf32>,
        %swap3A_1009 = vector.shape_cast %swap3A_1008 : vector<1x16xf32> to vector<16xf32>
        %swap3A_1010 = vector.shape_cast %get3A_1005 : vector<16xf32> to vector<1x16xf32>
        tpu.vector_store %arg6[%swap3A_1006, %swap3A_1007], %swap3A_1010 {strides = array<i32>} : memref<16x1024xf32, #tpu.memory_space<vmem>>, vector<1x16xf32>,
        %sub3A_1011 = arith.constant 31 : i32
        %sub3A_1012 = arith.subi %sub3A_1011, %add3A_185 : i32
        %add3A_1013 = arith.constant 16 : i32
        %add3A_1014 = arith.addi %sub3A_1012, %add3A_1013 : i32
        %get3A_1015 = arith.index_cast %sub3A_999 : i32 to index
        %get3A_1016 = arith.index_cast %add3A_1014 : i32 to index
        %get3A_1017 = tpu.vector_load %arg5[%get3A_1015, %get3A_1016] {strides = array<i32>} : memref<64x64xf32, #tpu.memory_space<vmem>>, vector<1x16xf32>,
        %get3A_1018 = vector.shape_cast %get3A_1017 : vector<1x16xf32> to vector<16xf32>
        %swap3A_1019 = arith.index_cast %scan3A_182 : i32 to index
        %swap3A_1020 = arith.constant 944 : index
        %swap3A_1021 = tpu.vector_load %arg6[%swap3A_1019, %swap3A_1020] {strides = array<i32>} : memref<16x1024xf32, #tpu.memory_space<vmem>>, vector<1x16xf32>,
        %swap3A_1022 = vector.shape_cast %swap3A_1021 : vector<1x16xf32> to vector<16xf32>
        %swap3A_1023 = vector.shape_cast %get3A_1018 : vector<16xf32> to vector<1x16xf32>
        tpu.vector_store %arg6[%swap3A_1019, %swap3A_1020], %swap3A_1023 {strides = array<i32>} : memref<16x1024xf32, #tpu.memory_space<vmem>>, vector<1x16xf32>,
        %add3A_1024 = arith.constant 31 : i32
        %add3A_1025 = arith.addi %add3A, %add3A_1024 : i32
        %sub3A_1026 = arith.constant 30 : i32
        %sub3A_1027 = arith.subi %add3A_1025, %sub3A_1026 : i32
        %sub3A_1028 = arith.constant 31 : i32
        %sub3A_1029 = arith.subi %sub3A_1028, %add3A_185 : i32
        %get3A_1030 = arith.index_cast %sub3A_1027 : i32 to index
        %get3A_1031 = arith.index_cast %sub3A_1029 : i32 to index
        %get3A_1032 = tpu.vector_load %arg5[%get3A_1030, %get3A_1031] {strides = array<i32>} : memref<64x64xf32, #tpu.memory_space<vmem>>, vector<1x16xf32>,
        %get3A_1033 = vector.shape_cast %get3A_1032 : vector<1x16xf32> to vector<16xf32>
        %swap3A_1034 = arith.index_cast %scan3A_182 : i32 to index
        %swap3A_1035 = arith.constant 960 : index
        %swap3A_1036 = tpu.vector_load %arg6[%swap3A_1034, %swap3A_1035] {strides = array<i32>} : memref<16x1024xf32, #tpu.memory_space<vmem>>, vector<1x16xf32>,
        %swap3A_1037 = vector.shape_cast %swap3A_1036 : vector<1x16xf32> to vector<16xf32>
        %swap3A_1038 = vector.shape_cast %get3A_1033 : vector<16xf32> to vector<1x16xf32>
        tpu.vector_store %arg6[%swap3A_1034, %swap3A_1035], %swap3A_1038 {strides = array<i32>} : memref<16x1024xf32, #tpu.memory_space<vmem>>, vector<1x16xf32>,
        %sub3A_1039 = arith.constant 31 : i32
        %sub3A_1040 = arith.subi %sub3A_1039, %add3A_185 : i32
        %add3A_1041 = arith.constant 16 : i32
        %add3A_1042 = arith.addi %sub3A_1040, %add3A_1041 : i32
        %get3A_1043 = arith.index_cast %sub3A_1027 : i32 to index
        %get3A_1044 = arith.index_cast %add3A_1042 : i32 to index
        %get3A_1045 = tpu.vector_load %arg5[%get3A_1043, %get3A_1044] {strides = array<i32>} : memref<64x64xf32, #tpu.memory_space<vmem>>, vector<1x16xf32>,
        %get3A_1046 = vector.shape_cast %get3A_1045 : vector<1x16xf32> to vector<16xf32>
        %swap3A_1047 = arith.index_cast %scan3A_182 : i32 to index
        %swap3A_1048 = arith.constant 976 : index
        %swap3A_1049 = tpu.vector_load %arg6[%swap3A_1047, %swap3A_1048] {strides = array<i32>} : memref<16x1024xf32, #tpu.memory_space<vmem>>, vector<1x16xf32>,
        %swap3A_1050 = vector.shape_cast %swap3A_1049 : vector<1x16xf32> to vector<16xf32>
        %swap3A_1051 = vector.shape_cast %get3A_1046 : vector<16xf32> to vector<1x16xf32>
        tpu.vector_store %arg6[%swap3A_1047, %swap3A_1048], %swap3A_1051 {strides = array<i32>} : memref<16x1024xf32, #tpu.memory_space<vmem>>, vector<1x16xf32>,
        %add3A_1052 = arith.constant 31 : i32
        %add3A_1053 = arith.addi %add3A, %add3A_1052 : i32
        %sub3A_1054 = arith.constant 31 : i32
        %sub3A_1055 = arith.subi %add3A_1053, %sub3A_1054 : i32
        %sub3A_1056 = arith.constant 31 : i32
        %sub3A_1057 = arith.subi %sub3A_1056, %add3A_185 : i32
        %get3A_1058 = arith.index_cast %sub3A_1055 : i32 to index
        %get3A_1059 = arith.index_cast %sub3A_1057 : i32 to index
        %get3A_1060 = tpu.vector_load %arg5[%get3A_1058, %get3A_1059] {strides = array<i32>} : memref<64x64xf32, #tpu.memory_space<vmem>>, vector<1x16xf32>,
        %get3A_1061 = vector.shape_cast %get3A_1060 : vector<1x16xf32> to vector<16xf32>
        %swap3A_1062 = arith.index_cast %scan3A_182 : i32 to index
        %swap3A_1063 = arith.constant 992 : index
        %swap3A_1064 = tpu.vector_load %arg6[%swap3A_1062, %swap3A_1063] {strides = array<i32>} : memref<16x1024xf32, #tpu.memory_space<vmem>>, vector<1x16xf32>,
        %swap3A_1065 = vector.shape_cast %swap3A_1064 : vector<1x16xf32> to vector<16xf32>
        %swap3A_1066 = vector.shape_cast %get3A_1061 : vector<16xf32> to vector<1x16xf32>
        tpu.vector_store %arg6[%swap3A_1062, %swap3A_1063], %swap3A_1066 {strides = array<i32>} : memref<16x1024xf32, #tpu.memory_space<vmem>>, vector<1x16xf32>,
        %sub3A_1067 = arith.constant 31 : i32
        %sub3A_1068 = arith.subi %sub3A_1067, %add3A_185 : i32
        %add3A_1069 = arith.constant 16 : i32
        %add3A_1070 = arith.addi %sub3A_1068, %add3A_1069 : i32
        %get3A_1071 = arith.index_cast %sub3A_1055 : i32 to index
        %get3A_1072 = arith.index_cast %add3A_1070 : i32 to index
        %get3A_1073 = tpu.vector_load %arg5[%get3A_1071, %get3A_1072] {strides = array<i32>} : memref<64x64xf32, #tpu.memory_space<vmem>>, vector<1x16xf32>,
        %get3A_1074 = vector.shape_cast %get3A_1073 : vector<1x16xf32> to vector<16xf32>
        %swap3A_1075 = arith.index_cast %scan3A_182 : i32 to index
        %swap3A_1076 = arith.constant 1008 : index
        %swap3A_1077 = tpu.vector_load %arg6[%swap3A_1075, %swap3A_1076] {strides = array<i32>} : memref<16x1024xf32, #tpu.memory_space<vmem>>, vector<1x16xf32>,
        %swap3A_1078 = vector.shape_cast %swap3A_1077 : vector<1x16xf32> to vector<16xf32>
        %swap3A_1079 = vector.shape_cast %get3A_1074 : vector<16xf32> to vector<1x16xf32>
        tpu.vector_store %arg6[%swap3A_1075, %swap3A_1076], %swap3A_1079 {strides = array<i32>} : memref<16x1024xf32, #tpu.memory_space<vmem>>, vector<1x16xf32>,
      }
      %scan3A_74 = arith.constant 16 : i32
      %dma_wait3A = arith.constant 0 : i32
      %dma_wait3A_75 = arith.constant 0 : i32
      %dma_wait3A_76 = tpu.memref_slice %arg3[%dma_wait3A, %select_n3A, %add3A_41, %dma_wait3A_75] : memref<4x12x1024x1024xf32, #tpu.memory_space<hbm>> -> memref<1x1x16x1024xf32, #tpu.memory_space<hbm>>
      %dma_wait3A_77 = tpu.memref_squeeze %dma_wait3A_76 : memref<1x1x16x1024xf32, #tpu.memory_space<hbm>> -> memref<16x1024xf32, #tpu.memory_space<hbm>>
      %dma_wait3A_78 = arith.constant 0 : i32
      %dma_wait3A_79 = tpu.memref_slice %arg3[%dma_wait3A, %select_n3A, %add3A_41, %dma_wait3A_78] : memref<4x12x1024x1024xf32, #tpu.memory_space<hbm>> -> memref<1x1x16x1024xf32, #tpu.memory_space<hbm>>
      %dma_wait3A_80 = tpu.memref_squeeze %dma_wait3A_79 : memref<1x1x16x1024xf32, #tpu.memory_space<hbm>> -> memref<16x1024xf32, #tpu.memory_space<hbm>>
      tpu.wait_dma2 semaphore(%arg11 : memref<!tpu.dma_semaphore, #tpu.memory_space<semaphore_mem>>) src(%dma_wait3A_80 : memref<16x1024xf32, #tpu.memory_space<hbm>>) dst(%arg7 : memref<16x1024xf32, #tpu.memory_space<vmem>>)
      %scan3A_81 = arith.constant 0 : i32
      %scan3A_82 = arith.constant 0 : i32
      %scan3A_83 = arith.constant 16 : i32
      %scan3A_84 = arith.addi %scan3A_82, %scan3A_83 : i32
      %scan3A_85 = arith.constant 1 : i32
      scf.for %scan3A_182 = %scan3A_82 to %scan3A_84 step %scan3A_85  : i32 {
        %get3A = arith.index_cast %scan3A_182 : i32 to index
        %get3A_183 = arith.constant 0 : index
        %get3A_184 = tpu.vector_load %arg7[%get3A, %get3A_183] {strides = array<i32>} : memref<16x1024xf32, #tpu.memory_space<vmem>>, vector<1x16xf32>,
        %get3A_185 = vector.shape_cast %get3A_184 : vector<1x16xf32> to vector<16xf32>
        %get3A_186 = arith.index_cast %scan3A_182 : i32 to index
        %get3A_187 = arith.constant 0 : index
        %get3A_188 = tpu.vector_load %arg6[%get3A_186, %get3A_187] {strides = array<i32>} : memref<16x1024xf32, #tpu.memory_space<vmem>>, vector<1x16xf32>,
        %get3A_189 = vector.shape_cast %get3A_188 : vector<1x16xf32> to vector<16xf32>
        %add3A_190 = arith.addf %get3A_185, %get3A_189 : vector<16xf32>
        %swap3A = arith.index_cast %scan3A_182 : i32 to index
        %swap3A_191 = arith.constant 0 : index
        %swap3A_192 = tpu.vector_load %arg7[%swap3A, %swap3A_191] {strides = array<i32>} : memref<16x1024xf32, #tpu.memory_space<vmem>>, vector<1x16xf32>,
        %swap3A_193 = vector.shape_cast %swap3A_192 : vector<1x16xf32> to vector<16xf32>
        %swap3A_194 = vector.shape_cast %add3A_190 : vector<16xf32> to vector<1x16xf32>
        tpu.vector_store %arg7[%swap3A, %swap3A_191], %swap3A_194 {strides = array<i32>} : memref<16x1024xf32, #tpu.memory_space<vmem>>, vector<1x16xf32>,
        %get3A_195 = arith.index_cast %scan3A_182 : i32 to index
        %get3A_196 = arith.constant 16 : index
        %get3A_197 = tpu.vector_load %arg7[%get3A_195, %get3A_196] {strides = array<i32>} : memref<16x1024xf32, #tpu.memory_space<vmem>>, vector<1x16xf32>,
        %get3A_198 = vector.shape_cast %get3A_197 : vector<1x16xf32> to vector<16xf32>
        %get3A_199 = arith.index_cast %scan3A_182 : i32 to index
        %get3A_200 = arith.constant 16 : index
        %get3A_201 = tpu.vector_load %arg6[%get3A_199, %get3A_200] {strides = array<i32>} : memref<16x1024xf32, #tpu.memory_space<vmem>>, vector<1x16xf32>,
        %get3A_202 = vector.shape_cast %get3A_201 : vector<1x16xf32> to vector<16xf32>
        %add3A_203 = arith.addf %get3A_198, %get3A_202 : vector<16xf32>
        %swap3A_204 = arith.index_cast %scan3A_182 : i32 to index
        %swap3A_205 = arith.constant 16 : index
        %swap3A_206 = tpu.vector_load %arg7[%swap3A_204, %swap3A_205] {strides = array<i32>} : memref<16x1024xf32, #tpu.memory_space<vmem>>, vector<1x16xf32>,
        %swap3A_207 = vector.shape_cast %swap3A_206 : vector<1x16xf32> to vector<16xf32>
        %swap3A_208 = vector.shape_cast %add3A_203 : vector<16xf32> to vector<1x16xf32>
        tpu.vector_store %arg7[%swap3A_204, %swap3A_205], %swap3A_208 {strides = array<i32>} : memref<16x1024xf32, #tpu.memory_space<vmem>>, vector<1x16xf32>,
        %get3A_209 = arith.index_cast %scan3A_182 : i32 to index
        %get3A_210 = arith.constant 32 : index
        %get3A_211 = tpu.vector_load %arg7[%get3A_209, %get3A_210] {strides = array<i32>} : memref<16x1024xf32, #tpu.memory_space<vmem>>, vector<1x16xf32>,
        %get3A_212 = vector.shape_cast %get3A_211 : vector<1x16xf32> to vector<16xf32>
        %get3A_213 = arith.index_cast %scan3A_182 : i32 to index
        %get3A_214 = arith.constant 32 : index
        %get3A_215 = tpu.vector_load %arg6[%get3A_213, %get3A_214] {strides = array<i32>} : memref<16x1024xf32, #tpu.memory_space<vmem>>, vector<1x16xf32>,
        %get3A_216 = vector.shape_cast %get3A_215 : vector<1x16xf32> to vector<16xf32>
        %add3A_217 = arith.addf %get3A_212, %get3A_216 : vector<16xf32>
        %swap3A_218 = arith.index_cast %scan3A_182 : i32 to index
        %swap3A_219 = arith.constant 32 : index
        %swap3A_220 = tpu.vector_load %arg7[%swap3A_218, %swap3A_219] {strides = array<i32>} : memref<16x1024xf32, #tpu.memory_space<vmem>>, vector<1x16xf32>,
        %swap3A_221 = vector.shape_cast %swap3A_220 : vector<1x16xf32> to vector<16xf32>
        %swap3A_222 = vector.shape_cast %add3A_217 : vector<16xf32> to vector<1x16xf32>
        tpu.vector_store %arg7[%swap3A_218, %swap3A_219], %swap3A_222 {strides = array<i32>} : memref<16x1024xf32, #tpu.memory_space<vmem>>, vector<1x16xf32>,
        %get3A_223 = arith.index_cast %scan3A_182 : i32 to index
        %get3A_224 = arith.constant 48 : index
        %get3A_225 = tpu.vector_load %arg7[%get3A_223, %get3A_224] {strides = array<i32>} : memref<16x1024xf32, #tpu.memory_space<vmem>>, vector<1x16xf32>,
        %get3A_226 = vector.shape_cast %get3A_225 : vector<1x16xf32> to vector<16xf32>
        %get3A_227 = arith.index_cast %scan3A_182 : i32 to index
        %get3A_228 = arith.constant 48 : index
        %get3A_229 = tpu.vector_load %arg6[%get3A_227, %get3A_228] {strides = array<i32>} : memref<16x1024xf32, #tpu.memory_space<vmem>>, vector<1x16xf32>,
        %get3A_230 = vector.shape_cast %get3A_229 : vector<1x16xf32> to vector<16xf32>
        %add3A_231 = arith.addf %get3A_226, %get3A_230 : vector<16xf32>
        %swap3A_232 = arith.index_cast %scan3A_182 : i32 to index
        %swap3A_233 = arith.constant 48 : index
        %swap3A_234 = tpu.vector_load %arg7[%swap3A_232, %swap3A_233] {strides = array<i32>} : memref<16x1024xf32, #tpu.memory_space<vmem>>, vector<1x16xf32>,
        %swap3A_235 = vector.shape_cast %swap3A_234 : vector<1x16xf32> to vector<16xf32>
        %swap3A_236 = vector.shape_cast %add3A_231 : vector<16xf32> to vector<1x16xf32>
        tpu.vector_store %arg7[%swap3A_232, %swap3A_233], %swap3A_236 {strides = array<i32>} : memref<16x1024xf32, #tpu.memory_space<vmem>>, vector<1x16xf32>,
        %get3A_237 = arith.index_cast %scan3A_182 : i32 to index
        %get3A_238 = arith.constant 64 : index
        %get3A_239 = tpu.vector_load %arg7[%get3A_237, %get3A_238] {strides = array<i32>} : memref<16x1024xf32, #tpu.memory_space<vmem>>, vector<1x16xf32>,
        %get3A_240 = vector.shape_cast %get3A_239 : vector<1x16xf32> to vector<16xf32>
        %get3A_241 = arith.index_cast %scan3A_182 : i32 to index
        %get3A_242 = arith.constant 64 : index
        %get3A_243 = tpu.vector_load %arg6[%get3A_241, %get3A_242] {strides = array<i32>} : memref<16x1024xf32, #tpu.memory_space<vmem>>, vector<1x16xf32>,
        %get3A_244 = vector.shape_cast %get3A_243 : vector<1x16xf32> to vector<16xf32>
        %add3A_245 = arith.addf %get3A_240, %get3A_244 : vector<16xf32>
        %swap3A_246 = arith.index_cast %scan3A_182 : i32 to index
        %swap3A_247 = arith.constant 64 : index
        %swap3A_248 = tpu.vector_load %arg7[%swap3A_246, %swap3A_247] {strides = array<i32>} : memref<16x1024xf32, #tpu.memory_space<vmem>>, vector<1x16xf32>,
        %swap3A_249 = vector.shape_cast %swap3A_248 : vector<1x16xf32> to vector<16xf32>
        %swap3A_250 = vector.shape_cast %add3A_245 : vector<16xf32> to vector<1x16xf32>
        tpu.vector_store %arg7[%swap3A_246, %swap3A_247], %swap3A_250 {strides = array<i32>} : memref<16x1024xf32, #tpu.memory_space<vmem>>, vector<1x16xf32>,
        %get3A_251 = arith.index_cast %scan3A_182 : i32 to index
        %get3A_252 = arith.constant 80 : index
        %get3A_253 = tpu.vector_load %arg7[%get3A_251, %get3A_252] {strides = array<i32>} : memref<16x1024xf32, #tpu.memory_space<vmem>>, vector<1x16xf32>,
        %get3A_254 = vector.shape_cast %get3A_253 : vector<1x16xf32> to vector<16xf32>
        %get3A_255 = arith.index_cast %scan3A_182 : i32 to index
        %get3A_256 = arith.constant 80 : index
        %get3A_257 = tpu.vector_load %arg6[%get3A_255, %get3A_256] {strides = array<i32>} : memref<16x1024xf32, #tpu.memory_space<vmem>>, vector<1x16xf32>,
        %get3A_258 = vector.shape_cast %get3A_257 : vector<1x16xf32> to vector<16xf32>
        %add3A_259 = arith.addf %get3A_254, %get3A_258 : vector<16xf32>
        %swap3A_260 = arith.index_cast %scan3A_182 : i32 to index
        %swap3A_261 = arith.constant 80 : index
        %swap3A_262 = tpu.vector_load %arg7[%swap3A_260, %swap3A_261] {strides = array<i32>} : memref<16x1024xf32, #tpu.memory_space<vmem>>, vector<1x16xf32>,
        %swap3A_263 = vector.shape_cast %swap3A_262 : vector<1x16xf32> to vector<16xf32>
        %swap3A_264 = vector.shape_cast %add3A_259 : vector<16xf32> to vector<1x16xf32>
        tpu.vector_store %arg7[%swap3A_260, %swap3A_261], %swap3A_264 {strides = array<i32>} : memref<16x1024xf32, #tpu.memory_space<vmem>>, vector<1x16xf32>,
        %get3A_265 = arith.index_cast %scan3A_182 : i32 to index
        %get3A_266 = arith.constant 96 : index
        %get3A_267 = tpu.vector_load %arg7[%get3A_265, %get3A_266] {strides = array<i32>} : memref<16x1024xf32, #tpu.memory_space<vmem>>, vector<1x16xf32>,
        %get3A_268 = vector.shape_cast %get3A_267 : vector<1x16xf32> to vector<16xf32>
        %get3A_269 = arith.index_cast %scan3A_182 : i32 to index
        %get3A_270 = arith.constant 96 : index
        %get3A_271 = tpu.vector_load %arg6[%get3A_269, %get3A_270] {strides = array<i32>} : memref<16x1024xf32, #tpu.memory_space<vmem>>, vector<1x16xf32>,
        %get3A_272 = vector.shape_cast %get3A_271 : vector<1x16xf32> to vector<16xf32>
        %add3A_273 = arith.addf %get3A_268, %get3A_272 : vector<16xf32>
        %swap3A_274 = arith.index_cast %scan3A_182 : i32 to index
        %swap3A_275 = arith.constant 96 : index
        %swap3A_276 = tpu.vector_load %arg7[%swap3A_274, %swap3A_275] {strides = array<i32>} : memref<16x1024xf32, #tpu.memory_space<vmem>>, vector<1x16xf32>,
        %swap3A_277 = vector.shape_cast %swap3A_276 : vector<1x16xf32> to vector<16xf32>
        %swap3A_278 = vector.shape_cast %add3A_273 : vector<16xf32> to vector<1x16xf32>
        tpu.vector_store %arg7[%swap3A_274, %swap3A_275], %swap3A_278 {strides = array<i32>} : memref<16x1024xf32, #tpu.memory_space<vmem>>, vector<1x16xf32>,
        %get3A_279 = arith.index_cast %scan3A_182 : i32 to index
        %get3A_280 = arith.constant 112 : index
        %get3A_281 = tpu.vector_load %arg7[%get3A_279, %get3A_280] {strides = array<i32>} : memref<16x1024xf32, #tpu.memory_space<vmem>>, vector<1x16xf32>,
        %get3A_282 = vector.shape_cast %get3A_281 : vector<1x16xf32> to vector<16xf32>
        %get3A_283 = arith.index_cast %scan3A_182 : i32 to index
        %get3A_284 = arith.constant 112 : index
        %get3A_285 = tpu.vector_load %arg6[%get3A_283, %get3A_284] {strides = array<i32>} : memref<16x1024xf32, #tpu.memory_space<vmem>>, vector<1x16xf32>,
        %get3A_286 = vector.shape_cast %get3A_285 : vector<1x16xf32> to vector<16xf32>
        %add3A_287 = arith.addf %get3A_282, %get3A_286 : vector<16xf32>
        %swap3A_288 = arith.index_cast %scan3A_182 : i32 to index
        %swap3A_289 = arith.constant 112 : index
        %swap3A_290 = tpu.vector_load %arg7[%swap3A_288, %swap3A_289] {strides = array<i32>} : memref<16x1024xf32, #tpu.memory_space<vmem>>, vector<1x16xf32>,
        %swap3A_291 = vector.shape_cast %swap3A_290 : vector<1x16xf32> to vector<16xf32>
        %swap3A_292 = vector.shape_cast %add3A_287 : vector<16xf32> to vector<1x16xf32>
        tpu.vector_store %arg7[%swap3A_288, %swap3A_289], %swap3A_292 {strides = array<i32>} : memref<16x1024xf32, #tpu.memory_space<vmem>>, vector<1x16xf32>,
        %get3A_293 = arith.index_cast %scan3A_182 : i32 to index
        %get3A_294 = arith.constant 128 : index
        %get3A_295 = tpu.vector_load %arg7[%get3A_293, %get3A_294] {strides = array<i32>} : memref<16x1024xf32, #tpu.memory_space<vmem>>, vector<1x16xf32>,
        %get3A_296 = vector.shape_cast %get3A_295 : vector<1x16xf32> to vector<16xf32>
        %get3A_297 = arith.index_cast %scan3A_182 : i32 to index
        %get3A_298 = arith.constant 128 : index
        %get3A_299 = tpu.vector_load %arg6[%get3A_297, %get3A_298] {strides = array<i32>} : memref<16x1024xf32, #tpu.memory_space<vmem>>, vector<1x16xf32>,
        %get3A_300 = vector.shape_cast %get3A_299 : vector<1x16xf32> to vector<16xf32>
        %add3A_301 = arith.addf %get3A_296, %get3A_300 : vector<16xf32>
        %swap3A_302 = arith.index_cast %scan3A_182 : i32 to index
        %swap3A_303 = arith.constant 128 : index
        %swap3A_304 = tpu.vector_load %arg7[%swap3A_302, %swap3A_303] {strides = array<i32>} : memref<16x1024xf32, #tpu.memory_space<vmem>>, vector<1x16xf32>,
        %swap3A_305 = vector.shape_cast %swap3A_304 : vector<1x16xf32> to vector<16xf32>
        %swap3A_306 = vector.shape_cast %add3A_301 : vector<16xf32> to vector<1x16xf32>
        tpu.vector_store %arg7[%swap3A_302, %swap3A_303], %swap3A_306 {strides = array<i32>} : memref<16x1024xf32, #tpu.memory_space<vmem>>, vector<1x16xf32>,
        %get3A_307 = arith.index_cast %scan3A_182 : i32 to index
        %get3A_308 = arith.constant 144 : index
        %get3A_309 = tpu.vector_load %arg7[%get3A_307, %get3A_308] {strides = array<i32>} : memref<16x1024xf32, #tpu.memory_space<vmem>>, vector<1x16xf32>,
        %get3A_310 = vector.shape_cast %get3A_309 : vector<1x16xf32> to vector<16xf32>
        %get3A_311 = arith.index_cast %scan3A_182 : i32 to index
        %get3A_312 = arith.constant 144 : index
        %get3A_313 = tpu.vector_load %arg6[%get3A_311, %get3A_312] {strides = array<i32>} : memref<16x1024xf32, #tpu.memory_space<vmem>>, vector<1x16xf32>,
        %get3A_314 = vector.shape_cast %get3A_313 : vector<1x16xf32> to vector<16xf32>
        %add3A_315 = arith.addf %get3A_310, %get3A_314 : vector<16xf32>
        %swap3A_316 = arith.index_cast %scan3A_182 : i32 to index
        %swap3A_317 = arith.constant 144 : index
        %swap3A_318 = tpu.vector_load %arg7[%swap3A_316, %swap3A_317] {strides = array<i32>} : memref<16x1024xf32, #tpu.memory_space<vmem>>, vector<1x16xf32>,
        %swap3A_319 = vector.shape_cast %swap3A_318 : vector<1x16xf32> to vector<16xf32>
        %swap3A_320 = vector.shape_cast %add3A_315 : vector<16xf32> to vector<1x16xf32>
        tpu.vector_store %arg7[%swap3A_316, %swap3A_317], %swap3A_320 {strides = array<i32>} : memref<16x1024xf32, #tpu.memory_space<vmem>>, vector<1x16xf32>,
        %get3A_321 = arith.index_cast %scan3A_182 : i32 to index
        %get3A_322 = arith.constant 160 : index
        %get3A_323 = tpu.vector_load %arg7[%get3A_321, %get3A_322] {strides = array<i32>} : memref<16x1024xf32, #tpu.memory_space<vmem>>, vector<1x16xf32>,
        %get3A_324 = vector.shape_cast %get3A_323 : vector<1x16xf32> to vector<16xf32>
        %get3A_325 = arith.index_cast %scan3A_182 : i32 to index
        %get3A_326 = arith.constant 160 : index
        %get3A_327 = tpu.vector_load %arg6[%get3A_325, %get3A_326] {strides = array<i32>} : memref<16x1024xf32, #tpu.memory_space<vmem>>, vector<1x16xf32>,
        %get3A_328 = vector.shape_cast %get3A_327 : vector<1x16xf32> to vector<16xf32>
        %add3A_329 = arith.addf %get3A_324, %get3A_328 : vector<16xf32>
        %swap3A_330 = arith.index_cast %scan3A_182 : i32 to index
        %swap3A_331 = arith.constant 160 : index
        %swap3A_332 = tpu.vector_load %arg7[%swap3A_330, %swap3A_331] {strides = array<i32>} : memref<16x1024xf32, #tpu.memory_space<vmem>>, vector<1x16xf32>,
        %swap3A_333 = vector.shape_cast %swap3A_332 : vector<1x16xf32> to vector<16xf32>
        %swap3A_334 = vector.shape_cast %add3A_329 : vector<16xf32> to vector<1x16xf32>
        tpu.vector_store %arg7[%swap3A_330, %swap3A_331], %swap3A_334 {strides = array<i32>} : memref<16x1024xf32, #tpu.memory_space<vmem>>, vector<1x16xf32>,
        %get3A_335 = arith.index_cast %scan3A_182 : i32 to index
        %get3A_336 = arith.constant 176 : index
        %get3A_337 = tpu.vector_load %arg7[%get3A_335, %get3A_336] {strides = array<i32>} : memref<16x1024xf32, #tpu.memory_space<vmem>>, vector<1x16xf32>,
        %get3A_338 = vector.shape_cast %get3A_337 : vector<1x16xf32> to vector<16xf32>
        %get3A_339 = arith.index_cast %scan3A_182 : i32 to index
        %get3A_340 = arith.constant 176 : index
        %get3A_341 = tpu.vector_load %arg6[%get3A_339, %get3A_340] {strides = array<i32>} : memref<16x1024xf32, #tpu.memory_space<vmem>>, vector<1x16xf32>,
        %get3A_342 = vector.shape_cast %get3A_341 : vector<1x16xf32> to vector<16xf32>
        %add3A_343 = arith.addf %get3A_338, %get3A_342 : vector<16xf32>
        %swap3A_344 = arith.index_cast %scan3A_182 : i32 to index
        %swap3A_345 = arith.constant 176 : index
        %swap3A_346 = tpu.vector_load %arg7[%swap3A_344, %swap3A_345] {strides = array<i32>} : memref<16x1024xf32, #tpu.memory_space<vmem>>, vector<1x16xf32>,
        %swap3A_347 = vector.shape_cast %swap3A_346 : vector<1x16xf32> to vector<16xf32>
        %swap3A_348 = vector.shape_cast %add3A_343 : vector<16xf32> to vector<1x16xf32>
        tpu.vector_store %arg7[%swap3A_344, %swap3A_345], %swap3A_348 {strides = array<i32>} : memref<16x1024xf32, #tpu.memory_space<vmem>>, vector<1x16xf32>,
        %get3A_349 = arith.index_cast %scan3A_182 : i32 to index
        %get3A_350 = arith.constant 192 : index
        %get3A_351 = tpu.vector_load %arg7[%get3A_349, %get3A_350] {strides = array<i32>} : memref<16x1024xf32, #tpu.memory_space<vmem>>, vector<1x16xf32>,
        %get3A_352 = vector.shape_cast %get3A_351 : vector<1x16xf32> to vector<16xf32>
        %get3A_353 = arith.index_cast %scan3A_182 : i32 to index
        %get3A_354 = arith.constant 192 : index
        %get3A_355 = tpu.vector_load %arg6[%get3A_353, %get3A_354] {strides = array<i32>} : memref<16x1024xf32, #tpu.memory_space<vmem>>, vector<1x16xf32>,
        %get3A_356 = vector.shape_cast %get3A_355 : vector<1x16xf32> to vector<16xf32>
        %add3A_357 = arith.addf %get3A_352, %get3A_356 : vector<16xf32>
        %swap3A_358 = arith.index_cast %scan3A_182 : i32 to index
        %swap3A_359 = arith.constant 192 : index
        %swap3A_360 = tpu.vector_load %arg7[%swap3A_358, %swap3A_359] {strides = array<i32>} : memref<16x1024xf32, #tpu.memory_space<vmem>>, vector<1x16xf32>,
        %swap3A_361 = vector.shape_cast %swap3A_360 : vector<1x16xf32> to vector<16xf32>
        %swap3A_362 = vector.shape_cast %add3A_357 : vector<16xf32> to vector<1x16xf32>
        tpu.vector_store %arg7[%swap3A_358, %swap3A_359], %swap3A_362 {strides = array<i32>} : memref<16x1024xf32, #tpu.memory_space<vmem>>, vector<1x16xf32>,
        %get3A_363 = arith.index_cast %scan3A_182 : i32 to index
        %get3A_364 = arith.constant 208 : index
        %get3A_365 = tpu.vector_load %arg7[%get3A_363, %get3A_364] {strides = array<i32>} : memref<16x1024xf32, #tpu.memory_space<vmem>>, vector<1x16xf32>,
        %get3A_366 = vector.shape_cast %get3A_365 : vector<1x16xf32> to vector<16xf32>
        %get3A_367 = arith.index_cast %scan3A_182 : i32 to index
        %get3A_368 = arith.constant 208 : index
        %get3A_369 = tpu.vector_load %arg6[%get3A_367, %get3A_368] {strides = array<i32>} : memref<16x1024xf32, #tpu.memory_space<vmem>>, vector<1x16xf32>,
        %get3A_370 = vector.shape_cast %get3A_369 : vector<1x16xf32> to vector<16xf32>
        %add3A_371 = arith.addf %get3A_366, %get3A_370 : vector<16xf32>
        %swap3A_372 = arith.index_cast %scan3A_182 : i32 to index
        %swap3A_373 = arith.constant 208 : index
        %swap3A_374 = tpu.vector_load %arg7[%swap3A_372, %swap3A_373] {strides = array<i32>} : memref<16x1024xf32, #tpu.memory_space<vmem>>, vector<1x16xf32>,
        %swap3A_375 = vector.shape_cast %swap3A_374 : vector<1x16xf32> to vector<16xf32>
        %swap3A_376 = vector.shape_cast %add3A_371 : vector<16xf32> to vector<1x16xf32>
        tpu.vector_store %arg7[%swap3A_372, %swap3A_373], %swap3A_376 {strides = array<i32>} : memref<16x1024xf32, #tpu.memory_space<vmem>>, vector<1x16xf32>,
        %get3A_377 = arith.index_cast %scan3A_182 : i32 to index
        %get3A_378 = arith.constant 224 : index
        %get3A_379 = tpu.vector_load %arg7[%get3A_377, %get3A_378] {strides = array<i32>} : memref<16x1024xf32, #tpu.memory_space<vmem>>, vector<1x16xf32>,
        %get3A_380 = vector.shape_cast %get3A_379 : vector<1x16xf32> to vector<16xf32>
        %get3A_381 = arith.index_cast %scan3A_182 : i32 to index
        %get3A_382 = arith.constant 224 : index
        %get3A_383 = tpu.vector_load %arg6[%get3A_381, %get3A_382] {strides = array<i32>} : memref<16x1024xf32, #tpu.memory_space<vmem>>, vector<1x16xf32>,
        %get3A_384 = vector.shape_cast %get3A_383 : vector<1x16xf32> to vector<16xf32>
        %add3A_385 = arith.addf %get3A_380, %get3A_384 : vector<16xf32>
        %swap3A_386 = arith.index_cast %scan3A_182 : i32 to index
        %swap3A_387 = arith.constant 224 : index
        %swap3A_388 = tpu.vector_load %arg7[%swap3A_386, %swap3A_387] {strides = array<i32>} : memref<16x1024xf32, #tpu.memory_space<vmem>>, vector<1x16xf32>,
        %swap3A_389 = vector.shape_cast %swap3A_388 : vector<1x16xf32> to vector<16xf32>
        %swap3A_390 = vector.shape_cast %add3A_385 : vector<16xf32> to vector<1x16xf32>
        tpu.vector_store %arg7[%swap3A_386, %swap3A_387], %swap3A_390 {strides = array<i32>} : memref<16x1024xf32, #tpu.memory_space<vmem>>, vector<1x16xf32>,
        %get3A_391 = arith.index_cast %scan3A_182 : i32 to index
        %get3A_392 = arith.constant 240 : index
        %get3A_393 = tpu.vector_load %arg7[%get3A_391, %get3A_392] {strides = array<i32>} : memref<16x1024xf32, #tpu.memory_space<vmem>>, vector<1x16xf32>,
        %get3A_394 = vector.shape_cast %get3A_393 : vector<1x16xf32> to vector<16xf32>
        %get3A_395 = arith.index_cast %scan3A_182 : i32 to index
        %get3A_396 = arith.constant 240 : index
        %get3A_397 = tpu.vector_load %arg6[%get3A_395, %get3A_396] {strides = array<i32>} : memref<16x1024xf32, #tpu.memory_space<vmem>>, vector<1x16xf32>,
        %get3A_398 = vector.shape_cast %get3A_397 : vector<1x16xf32> to vector<16xf32>
        %add3A_399 = arith.addf %get3A_394, %get3A_398 : vector<16xf32>
        %swap3A_400 = arith.index_cast %scan3A_182 : i32 to index
        %swap3A_401 = arith.constant 240 : index
        %swap3A_402 = tpu.vector_load %arg7[%swap3A_400, %swap3A_401] {strides = array<i32>} : memref<16x1024xf32, #tpu.memory_space<vmem>>, vector<1x16xf32>,
        %swap3A_403 = vector.shape_cast %swap3A_402 : vector<1x16xf32> to vector<16xf32>
        %swap3A_404 = vector.shape_cast %add3A_399 : vector<16xf32> to vector<1x16xf32>
        tpu.vector_store %arg7[%swap3A_400, %swap3A_401], %swap3A_404 {strides = array<i32>} : memref<16x1024xf32, #tpu.memory_space<vmem>>, vector<1x16xf32>,
        %get3A_405 = arith.index_cast %scan3A_182 : i32 to index
        %get3A_406 = arith.constant 256 : index
        %get3A_407 = tpu.vector_load %arg7[%get3A_405, %get3A_406] {strides = array<i32>} : memref<16x1024xf32, #tpu.memory_space<vmem>>, vector<1x16xf32>,
        %get3A_408 = vector.shape_cast %get3A_407 : vector<1x16xf32> to vector<16xf32>
        %get3A_409 = arith.index_cast %scan3A_182 : i32 to index
        %get3A_410 = arith.constant 256 : index
        %get3A_411 = tpu.vector_load %arg6[%get3A_409, %get3A_410] {strides = array<i32>} : memref<16x1024xf32, #tpu.memory_space<vmem>>, vector<1x16xf32>,
        %get3A_412 = vector.shape_cast %get3A_411 : vector<1x16xf32> to vector<16xf32>
        %add3A_413 = arith.addf %get3A_408, %get3A_412 : vector<16xf32>
        %swap3A_414 = arith.index_cast %scan3A_182 : i32 to index
        %swap3A_415 = arith.constant 256 : index
        %swap3A_416 = tpu.vector_load %arg7[%swap3A_414, %swap3A_415] {strides = array<i32>} : memref<16x1024xf32, #tpu.memory_space<vmem>>, vector<1x16xf32>,
        %swap3A_417 = vector.shape_cast %swap3A_416 : vector<1x16xf32> to vector<16xf32>
        %swap3A_418 = vector.shape_cast %add3A_413 : vector<16xf32> to vector<1x16xf32>
        tpu.vector_store %arg7[%swap3A_414, %swap3A_415], %swap3A_418 {strides = array<i32>} : memref<16x1024xf32, #tpu.memory_space<vmem>>, vector<1x16xf32>,
        %get3A_419 = arith.index_cast %scan3A_182 : i32 to index
        %get3A_420 = arith.constant 272 : index
        %get3A_421 = tpu.vector_load %arg7[%get3A_419, %get3A_420] {strides = array<i32>} : memref<16x1024xf32, #tpu.memory_space<vmem>>, vector<1x16xf32>,
        %get3A_422 = vector.shape_cast %get3A_421 : vector<1x16xf32> to vector<16xf32>
        %get3A_423 = arith.index_cast %scan3A_182 : i32 to index
        %get3A_424 = arith.constant 272 : index
        %get3A_425 = tpu.vector_load %arg6[%get3A_423, %get3A_424] {strides = array<i32>} : memref<16x1024xf32, #tpu.memory_space<vmem>>, vector<1x16xf32>,
        %get3A_426 = vector.shape_cast %get3A_425 : vector<1x16xf32> to vector<16xf32>
        %add3A_427 = arith.addf %get3A_422, %get3A_426 : vector<16xf32>
        %swap3A_428 = arith.index_cast %scan3A_182 : i32 to index
        %swap3A_429 = arith.constant 272 : index
        %swap3A_430 = tpu.vector_load %arg7[%swap3A_428, %swap3A_429] {strides = array<i32>} : memref<16x1024xf32, #tpu.memory_space<vmem>>, vector<1x16xf32>,
        %swap3A_431 = vector.shape_cast %swap3A_430 : vector<1x16xf32> to vector<16xf32>
        %swap3A_432 = vector.shape_cast %add3A_427 : vector<16xf32> to vector<1x16xf32>
        tpu.vector_store %arg7[%swap3A_428, %swap3A_429], %swap3A_432 {strides = array<i32>} : memref<16x1024xf32, #tpu.memory_space<vmem>>, vector<1x16xf32>,
        %get3A_433 = arith.index_cast %scan3A_182 : i32 to index
        %get3A_434 = arith.constant 288 : index
        %get3A_435 = tpu.vector_load %arg7[%get3A_433, %get3A_434] {strides = array<i32>} : memref<16x1024xf32, #tpu.memory_space<vmem>>, vector<1x16xf32>,
        %get3A_436 = vector.shape_cast %get3A_435 : vector<1x16xf32> to vector<16xf32>
        %get3A_437 = arith.index_cast %scan3A_182 : i32 to index
        %get3A_438 = arith.constant 288 : index
        %get3A_439 = tpu.vector_load %arg6[%get3A_437, %get3A_438] {strides = array<i32>} : memref<16x1024xf32, #tpu.memory_space<vmem>>, vector<1x16xf32>,
        %get3A_440 = vector.shape_cast %get3A_439 : vector<1x16xf32> to vector<16xf32>
        %add3A_441 = arith.addf %get3A_436, %get3A_440 : vector<16xf32>
        %swap3A_442 = arith.index_cast %scan3A_182 : i32 to index
        %swap3A_443 = arith.constant 288 : index
        %swap3A_444 = tpu.vector_load %arg7[%swap3A_442, %swap3A_443] {strides = array<i32>} : memref<16x1024xf32, #tpu.memory_space<vmem>>, vector<1x16xf32>,
        %swap3A_445 = vector.shape_cast %swap3A_444 : vector<1x16xf32> to vector<16xf32>
        %swap3A_446 = vector.shape_cast %add3A_441 : vector<16xf32> to vector<1x16xf32>
        tpu.vector_store %arg7[%swap3A_442, %swap3A_443], %swap3A_446 {strides = array<i32>} : memref<16x1024xf32, #tpu.memory_space<vmem>>, vector<1x16xf32>,
        %get3A_447 = arith.index_cast %scan3A_182 : i32 to index
        %get3A_448 = arith.constant 304 : index
        %get3A_449 = tpu.vector_load %arg7[%get3A_447, %get3A_448] {strides = array<i32>} : memref<16x1024xf32, #tpu.memory_space<vmem>>, vector<1x16xf32>,
        %get3A_450 = vector.shape_cast %get3A_449 : vector<1x16xf32> to vector<16xf32>
        %get3A_451 = arith.index_cast %scan3A_182 : i32 to index
        %get3A_452 = arith.constant 304 : index
        %get3A_453 = tpu.vector_load %arg6[%get3A_451, %get3A_452] {strides = array<i32>} : memref<16x1024xf32, #tpu.memory_space<vmem>>, vector<1x16xf32>,
        %get3A_454 = vector.shape_cast %get3A_453 : vector<1x16xf32> to vector<16xf32>
        %add3A_455 = arith.addf %get3A_450, %get3A_454 : vector<16xf32>
        %swap3A_456 = arith.index_cast %scan3A_182 : i32 to index
        %swap3A_457 = arith.constant 304 : index
        %swap3A_458 = tpu.vector_load %arg7[%swap3A_456, %swap3A_457] {strides = array<i32>} : memref<16x1024xf32, #tpu.memory_space<vmem>>, vector<1x16xf32>,
        %swap3A_459 = vector.shape_cast %swap3A_458 : vector<1x16xf32> to vector<16xf32>
        %swap3A_460 = vector.shape_cast %add3A_455 : vector<16xf32> to vector<1x16xf32>
        tpu.vector_store %arg7[%swap3A_456, %swap3A_457], %swap3A_460 {strides = array<i32>} : memref<16x1024xf32, #tpu.memory_space<vmem>>, vector<1x16xf32>,
        %get3A_461 = arith.index_cast %scan3A_182 : i32 to index
        %get3A_462 = arith.constant 320 : index
        %get3A_463 = tpu.vector_load %arg7[%get3A_461, %get3A_462] {strides = array<i32>} : memref<16x1024xf32, #tpu.memory_space<vmem>>, vector<1x16xf32>,
        %get3A_464 = vector.shape_cast %get3A_463 : vector<1x16xf32> to vector<16xf32>
        %get3A_465 = arith.index_cast %scan3A_182 : i32 to index
        %get3A_466 = arith.constant 320 : index
        %get3A_467 = tpu.vector_load %arg6[%get3A_465, %get3A_466] {strides = array<i32>} : memref<16x1024xf32, #tpu.memory_space<vmem>>, vector<1x16xf32>,
        %get3A_468 = vector.shape_cast %get3A_467 : vector<1x16xf32> to vector<16xf32>
        %add3A_469 = arith.addf %get3A_464, %get3A_468 : vector<16xf32>
        %swap3A_470 = arith.index_cast %scan3A_182 : i32 to index
        %swap3A_471 = arith.constant 320 : index
        %swap3A_472 = tpu.vector_load %arg7[%swap3A_470, %swap3A_471] {strides = array<i32>} : memref<16x1024xf32, #tpu.memory_space<vmem>>, vector<1x16xf32>,
        %swap3A_473 = vector.shape_cast %swap3A_472 : vector<1x16xf32> to vector<16xf32>
        %swap3A_474 = vector.shape_cast %add3A_469 : vector<16xf32> to vector<1x16xf32>
        tpu.vector_store %arg7[%swap3A_470, %swap3A_471], %swap3A_474 {strides = array<i32>} : memref<16x1024xf32, #tpu.memory_space<vmem>>, vector<1x16xf32>,
        %get3A_475 = arith.index_cast %scan3A_182 : i32 to index
        %get3A_476 = arith.constant 336 : index
        %get3A_477 = tpu.vector_load %arg7[%get3A_475, %get3A_476] {strides = array<i32>} : memref<16x1024xf32, #tpu.memory_space<vmem>>, vector<1x16xf32>,
        %get3A_478 = vector.shape_cast %get3A_477 : vector<1x16xf32> to vector<16xf32>
        %get3A_479 = arith.index_cast %scan3A_182 : i32 to index
        %get3A_480 = arith.constant 336 : index
        %get3A_481 = tpu.vector_load %arg6[%get3A_479, %get3A_480] {strides = array<i32>} : memref<16x1024xf32, #tpu.memory_space<vmem>>, vector<1x16xf32>,
        %get3A_482 = vector.shape_cast %get3A_481 : vector<1x16xf32> to vector<16xf32>
        %add3A_483 = arith.addf %get3A_478, %get3A_482 : vector<16xf32>
        %swap3A_484 = arith.index_cast %scan3A_182 : i32 to index
        %swap3A_485 = arith.constant 336 : index
        %swap3A_486 = tpu.vector_load %arg7[%swap3A_484, %swap3A_485] {strides = array<i32>} : memref<16x1024xf32, #tpu.memory_space<vmem>>, vector<1x16xf32>,
        %swap3A_487 = vector.shape_cast %swap3A_486 : vector<1x16xf32> to vector<16xf32>
        %swap3A_488 = vector.shape_cast %add3A_483 : vector<16xf32> to vector<1x16xf32>
        tpu.vector_store %arg7[%swap3A_484, %swap3A_485], %swap3A_488 {strides = array<i32>} : memref<16x1024xf32, #tpu.memory_space<vmem>>, vector<1x16xf32>,
        %get3A_489 = arith.index_cast %scan3A_182 : i32 to index
        %get3A_490 = arith.constant 352 : index
        %get3A_491 = tpu.vector_load %arg7[%get3A_489, %get3A_490] {strides = array<i32>} : memref<16x1024xf32, #tpu.memory_space<vmem>>, vector<1x16xf32>,
        %get3A_492 = vector.shape_cast %get3A_491 : vector<1x16xf32> to vector<16xf32>
        %get3A_493 = arith.index_cast %scan3A_182 : i32 to index
        %get3A_494 = arith.constant 352 : index
        %get3A_495 = tpu.vector_load %arg6[%get3A_493, %get3A_494] {strides = array<i32>} : memref<16x1024xf32, #tpu.memory_space<vmem>>, vector<1x16xf32>,
        %get3A_496 = vector.shape_cast %get3A_495 : vector<1x16xf32> to vector<16xf32>
        %add3A_497 = arith.addf %get3A_492, %get3A_496 : vector<16xf32>
        %swap3A_498 = arith.index_cast %scan3A_182 : i32 to index
        %swap3A_499 = arith.constant 352 : index
        %swap3A_500 = tpu.vector_load %arg7[%swap3A_498, %swap3A_499] {strides = array<i32>} : memref<16x1024xf32, #tpu.memory_space<vmem>>, vector<1x16xf32>,
        %swap3A_501 = vector.shape_cast %swap3A_500 : vector<1x16xf32> to vector<16xf32>
        %swap3A_502 = vector.shape_cast %add3A_497 : vector<16xf32> to vector<1x16xf32>
        tpu.vector_store %arg7[%swap3A_498, %swap3A_499], %swap3A_502 {strides = array<i32>} : memref<16x1024xf32, #tpu.memory_space<vmem>>, vector<1x16xf32>,
        %get3A_503 = arith.index_cast %scan3A_182 : i32 to index
        %get3A_504 = arith.constant 368 : index
        %get3A_505 = tpu.vector_load %arg7[%get3A_503, %get3A_504] {strides = array<i32>} : memref<16x1024xf32, #tpu.memory_space<vmem>>, vector<1x16xf32>,
        %get3A_506 = vector.shape_cast %get3A_505 : vector<1x16xf32> to vector<16xf32>
        %get3A_507 = arith.index_cast %scan3A_182 : i32 to index
        %get3A_508 = arith.constant 368 : index
        %get3A_509 = tpu.vector_load %arg6[%get3A_507, %get3A_508] {strides = array<i32>} : memref<16x1024xf32, #tpu.memory_space<vmem>>, vector<1x16xf32>,
        %get3A_510 = vector.shape_cast %get3A_509 : vector<1x16xf32> to vector<16xf32>
        %add3A_511 = arith.addf %get3A_506, %get3A_510 : vector<16xf32>
        %swap3A_512 = arith.index_cast %scan3A_182 : i32 to index
        %swap3A_513 = arith.constant 368 : index
        %swap3A_514 = tpu.vector_load %arg7[%swap3A_512, %swap3A_513] {strides = array<i32>} : memref<16x1024xf32, #tpu.memory_space<vmem>>, vector<1x16xf32>,
        %swap3A_515 = vector.shape_cast %swap3A_514 : vector<1x16xf32> to vector<16xf32>
        %swap3A_516 = vector.shape_cast %add3A_511 : vector<16xf32> to vector<1x16xf32>
        tpu.vector_store %arg7[%swap3A_512, %swap3A_513], %swap3A_516 {strides = array<i32>} : memref<16x1024xf32, #tpu.memory_space<vmem>>, vector<1x16xf32>,
        %get3A_517 = arith.index_cast %scan3A_182 : i32 to index
        %get3A_518 = arith.constant 384 : index
        %get3A_519 = tpu.vector_load %arg7[%get3A_517, %get3A_518] {strides = array<i32>} : memref<16x1024xf32, #tpu.memory_space<vmem>>, vector<1x16xf32>,
        %get3A_520 = vector.shape_cast %get3A_519 : vector<1x16xf32> to vector<16xf32>
        %get3A_521 = arith.index_cast %scan3A_182 : i32 to index
        %get3A_522 = arith.constant 384 : index
        %get3A_523 = tpu.vector_load %arg6[%get3A_521, %get3A_522] {strides = array<i32>} : memref<16x1024xf32, #tpu.memory_space<vmem>>, vector<1x16xf32>,
        %get3A_524 = vector.shape_cast %get3A_523 : vector<1x16xf32> to vector<16xf32>
        %add3A_525 = arith.addf %get3A_520, %get3A_524 : vector<16xf32>
        %swap3A_526 = arith.index_cast %scan3A_182 : i32 to index
        %swap3A_527 = arith.constant 384 : index
        %swap3A_528 = tpu.vector_load %arg7[%swap3A_526, %swap3A_527] {strides = array<i32>} : memref<16x1024xf32, #tpu.memory_space<vmem>>, vector<1x16xf32>,
        %swap3A_529 = vector.shape_cast %swap3A_528 : vector<1x16xf32> to vector<16xf32>
        %swap3A_530 = vector.shape_cast %add3A_525 : vector<16xf32> to vector<1x16xf32>
        tpu.vector_store %arg7[%swap3A_526, %swap3A_527], %swap3A_530 {strides = array<i32>} : memref<16x1024xf32, #tpu.memory_space<vmem>>, vector<1x16xf32>,
        %get3A_531 = arith.index_cast %scan3A_182 : i32 to index
        %get3A_532 = arith.constant 400 : index
        %get3A_533 = tpu.vector_load %arg7[%get3A_531, %get3A_532] {strides = array<i32>} : memref<16x1024xf32, #tpu.memory_space<vmem>>, vector<1x16xf32>,
        %get3A_534 = vector.shape_cast %get3A_533 : vector<1x16xf32> to vector<16xf32>
        %get3A_535 = arith.index_cast %scan3A_182 : i32 to index
        %get3A_536 = arith.constant 400 : index
        %get3A_537 = tpu.vector_load %arg6[%get3A_535, %get3A_536] {strides = array<i32>} : memref<16x1024xf32, #tpu.memory_space<vmem>>, vector<1x16xf32>,
        %get3A_538 = vector.shape_cast %get3A_537 : vector<1x16xf32> to vector<16xf32>
        %add3A_539 = arith.addf %get3A_534, %get3A_538 : vector<16xf32>
        %swap3A_540 = arith.index_cast %scan3A_182 : i32 to index
        %swap3A_541 = arith.constant 400 : index
        %swap3A_542 = tpu.vector_load %arg7[%swap3A_540, %swap3A_541] {strides = array<i32>} : memref<16x1024xf32, #tpu.memory_space<vmem>>, vector<1x16xf32>,
        %swap3A_543 = vector.shape_cast %swap3A_542 : vector<1x16xf32> to vector<16xf32>
        %swap3A_544 = vector.shape_cast %add3A_539 : vector<16xf32> to vector<1x16xf32>
        tpu.vector_store %arg7[%swap3A_540, %swap3A_541], %swap3A_544 {strides = array<i32>} : memref<16x1024xf32, #tpu.memory_space<vmem>>, vector<1x16xf32>,
        %get3A_545 = arith.index_cast %scan3A_182 : i32 to index
        %get3A_546 = arith.constant 416 : index
        %get3A_547 = tpu.vector_load %arg7[%get3A_545, %get3A_546] {strides = array<i32>} : memref<16x1024xf32, #tpu.memory_space<vmem>>, vector<1x16xf32>,
        %get3A_548 = vector.shape_cast %get3A_547 : vector<1x16xf32> to vector<16xf32>
        %get3A_549 = arith.index_cast %scan3A_182 : i32 to index
        %get3A_550 = arith.constant 416 : index
        %get3A_551 = tpu.vector_load %arg6[%get3A_549, %get3A_550] {strides = array<i32>} : memref<16x1024xf32, #tpu.memory_space<vmem>>, vector<1x16xf32>,
        %get3A_552 = vector.shape_cast %get3A_551 : vector<1x16xf32> to vector<16xf32>
        %add3A_553 = arith.addf %get3A_548, %get3A_552 : vector<16xf32>
        %swap3A_554 = arith.index_cast %scan3A_182 : i32 to index
        %swap3A_555 = arith.constant 416 : index
        %swap3A_556 = tpu.vector_load %arg7[%swap3A_554, %swap3A_555] {strides = array<i32>} : memref<16x1024xf32, #tpu.memory_space<vmem>>, vector<1x16xf32>,
        %swap3A_557 = vector.shape_cast %swap3A_556 : vector<1x16xf32> to vector<16xf32>
        %swap3A_558 = vector.shape_cast %add3A_553 : vector<16xf32> to vector<1x16xf32>
        tpu.vector_store %arg7[%swap3A_554, %swap3A_555], %swap3A_558 {strides = array<i32>} : memref<16x1024xf32, #tpu.memory_space<vmem>>, vector<1x16xf32>,
        %get3A_559 = arith.index_cast %scan3A_182 : i32 to index
        %get3A_560 = arith.constant 432 : index
        %get3A_561 = tpu.vector_load %arg7[%get3A_559, %get3A_560] {strides = array<i32>} : memref<16x1024xf32, #tpu.memory_space<vmem>>, vector<1x16xf32>,
        %get3A_562 = vector.shape_cast %get3A_561 : vector<1x16xf32> to vector<16xf32>
        %get3A_563 = arith.index_cast %scan3A_182 : i32 to index
        %get3A_564 = arith.constant 432 : index
        %get3A_565 = tpu.vector_load %arg6[%get3A_563, %get3A_564] {strides = array<i32>} : memref<16x1024xf32, #tpu.memory_space<vmem>>, vector<1x16xf32>,
        %get3A_566 = vector.shape_cast %get3A_565 : vector<1x16xf32> to vector<16xf32>
        %add3A_567 = arith.addf %get3A_562, %get3A_566 : vector<16xf32>
        %swap3A_568 = arith.index_cast %scan3A_182 : i32 to index
        %swap3A_569 = arith.constant 432 : index
        %swap3A_570 = tpu.vector_load %arg7[%swap3A_568, %swap3A_569] {strides = array<i32>} : memref<16x1024xf32, #tpu.memory_space<vmem>>, vector<1x16xf32>,
        %swap3A_571 = vector.shape_cast %swap3A_570 : vector<1x16xf32> to vector<16xf32>
        %swap3A_572 = vector.shape_cast %add3A_567 : vector<16xf32> to vector<1x16xf32>
        tpu.vector_store %arg7[%swap3A_568, %swap3A_569], %swap3A_572 {strides = array<i32>} : memref<16x1024xf32, #tpu.memory_space<vmem>>, vector<1x16xf32>,
        %get3A_573 = arith.index_cast %scan3A_182 : i32 to index
        %get3A_574 = arith.constant 448 : index
        %get3A_575 = tpu.vector_load %arg7[%get3A_573, %get3A_574] {strides = array<i32>} : memref<16x1024xf32, #tpu.memory_space<vmem>>, vector<1x16xf32>,
        %get3A_576 = vector.shape_cast %get3A_575 : vector<1x16xf32> to vector<16xf32>
        %get3A_577 = arith.index_cast %scan3A_182 : i32 to index
        %get3A_578 = arith.constant 448 : index
        %get3A_579 = tpu.vector_load %arg6[%get3A_577, %get3A_578] {strides = array<i32>} : memref<16x1024xf32, #tpu.memory_space<vmem>>, vector<1x16xf32>,
        %get3A_580 = vector.shape_cast %get3A_579 : vector<1x16xf32> to vector<16xf32>
        %add3A_581 = arith.addf %get3A_576, %get3A_580 : vector<16xf32>
        %swap3A_582 = arith.index_cast %scan3A_182 : i32 to index
        %swap3A_583 = arith.constant 448 : index
        %swap3A_584 = tpu.vector_load %arg7[%swap3A_582, %swap3A_583] {strides = array<i32>} : memref<16x1024xf32, #tpu.memory_space<vmem>>, vector<1x16xf32>,
        %swap3A_585 = vector.shape_cast %swap3A_584 : vector<1x16xf32> to vector<16xf32>
        %swap3A_586 = vector.shape_cast %add3A_581 : vector<16xf32> to vector<1x16xf32>
        tpu.vector_store %arg7[%swap3A_582, %swap3A_583], %swap3A_586 {strides = array<i32>} : memref<16x1024xf32, #tpu.memory_space<vmem>>, vector<1x16xf32>,
        %get3A_587 = arith.index_cast %scan3A_182 : i32 to index
        %get3A_588 = arith.constant 464 : index
        %get3A_589 = tpu.vector_load %arg7[%get3A_587, %get3A_588] {strides = array<i32>} : memref<16x1024xf32, #tpu.memory_space<vmem>>, vector<1x16xf32>,
        %get3A_590 = vector.shape_cast %get3A_589 : vector<1x16xf32> to vector<16xf32>
        %get3A_591 = arith.index_cast %scan3A_182 : i32 to index
        %get3A_592 = arith.constant 464 : index
        %get3A_593 = tpu.vector_load %arg6[%get3A_591, %get3A_592] {strides = array<i32>} : memref<16x1024xf32, #tpu.memory_space<vmem>>, vector<1x16xf32>,
        %get3A_594 = vector.shape_cast %get3A_593 : vector<1x16xf32> to vector<16xf32>
        %add3A_595 = arith.addf %get3A_590, %get3A_594 : vector<16xf32>
        %swap3A_596 = arith.index_cast %scan3A_182 : i32 to index
        %swap3A_597 = arith.constant 464 : index
        %swap3A_598 = tpu.vector_load %arg7[%swap3A_596, %swap3A_597] {strides = array<i32>} : memref<16x1024xf32, #tpu.memory_space<vmem>>, vector<1x16xf32>,
        %swap3A_599 = vector.shape_cast %swap3A_598 : vector<1x16xf32> to vector<16xf32>
        %swap3A_600 = vector.shape_cast %add3A_595 : vector<16xf32> to vector<1x16xf32>
        tpu.vector_store %arg7[%swap3A_596, %swap3A_597], %swap3A_600 {strides = array<i32>} : memref<16x1024xf32, #tpu.memory_space<vmem>>, vector<1x16xf32>,
        %get3A_601 = arith.index_cast %scan3A_182 : i32 to index
        %get3A_602 = arith.constant 480 : index
        %get3A_603 = tpu.vector_load %arg7[%get3A_601, %get3A_602] {strides = array<i32>} : memref<16x1024xf32, #tpu.memory_space<vmem>>, vector<1x16xf32>,
        %get3A_604 = vector.shape_cast %get3A_603 : vector<1x16xf32> to vector<16xf32>
        %get3A_605 = arith.index_cast %scan3A_182 : i32 to index
        %get3A_606 = arith.constant 480 : index
        %get3A_607 = tpu.vector_load %arg6[%get3A_605, %get3A_606] {strides = array<i32>} : memref<16x1024xf32, #tpu.memory_space<vmem>>, vector<1x16xf32>,
        %get3A_608 = vector.shape_cast %get3A_607 : vector<1x16xf32> to vector<16xf32>
        %add3A_609 = arith.addf %get3A_604, %get3A_608 : vector<16xf32>
        %swap3A_610 = arith.index_cast %scan3A_182 : i32 to index
        %swap3A_611 = arith.constant 480 : index
        %swap3A_612 = tpu.vector_load %arg7[%swap3A_610, %swap3A_611] {strides = array<i32>} : memref<16x1024xf32, #tpu.memory_space<vmem>>, vector<1x16xf32>,
        %swap3A_613 = vector.shape_cast %swap3A_612 : vector<1x16xf32> to vector<16xf32>
        %swap3A_614 = vector.shape_cast %add3A_609 : vector<16xf32> to vector<1x16xf32>
        tpu.vector_store %arg7[%swap3A_610, %swap3A_611], %swap3A_614 {strides = array<i32>} : memref<16x1024xf32, #tpu.memory_space<vmem>>, vector<1x16xf32>,
        %get3A_615 = arith.index_cast %scan3A_182 : i32 to index
        %get3A_616 = arith.constant 496 : index
        %get3A_617 = tpu.vector_load %arg7[%get3A_615, %get3A_616] {strides = array<i32>} : memref<16x1024xf32, #tpu.memory_space<vmem>>, vector<1x16xf32>,
        %get3A_618 = vector.shape_cast %get3A_617 : vector<1x16xf32> to vector<16xf32>
        %get3A_619 = arith.index_cast %scan3A_182 : i32 to index
        %get3A_620 = arith.constant 496 : index
        %get3A_621 = tpu.vector_load %arg6[%get3A_619, %get3A_620] {strides = array<i32>} : memref<16x1024xf32, #tpu.memory_space<vmem>>, vector<1x16xf32>,
        %get3A_622 = vector.shape_cast %get3A_621 : vector<1x16xf32> to vector<16xf32>
        %add3A_623 = arith.addf %get3A_618, %get3A_622 : vector<16xf32>
        %swap3A_624 = arith.index_cast %scan3A_182 : i32 to index
        %swap3A_625 = arith.constant 496 : index
        %swap3A_626 = tpu.vector_load %arg7[%swap3A_624, %swap3A_625] {strides = array<i32>} : memref<16x1024xf32, #tpu.memory_space<vmem>>, vector<1x16xf32>,
        %swap3A_627 = vector.shape_cast %swap3A_626 : vector<1x16xf32> to vector<16xf32>
        %swap3A_628 = vector.shape_cast %add3A_623 : vector<16xf32> to vector<1x16xf32>
        tpu.vector_store %arg7[%swap3A_624, %swap3A_625], %swap3A_628 {strides = array<i32>} : memref<16x1024xf32, #tpu.memory_space<vmem>>, vector<1x16xf32>,
        %get3A_629 = arith.index_cast %scan3A_182 : i32 to index
        %get3A_630 = arith.constant 512 : index
        %get3A_631 = tpu.vector_load %arg7[%get3A_629, %get3A_630] {strides = array<i32>} : memref<16x1024xf32, #tpu.memory_space<vmem>>, vector<1x16xf32>,
        %get3A_632 = vector.shape_cast %get3A_631 : vector<1x16xf32> to vector<16xf32>
        %get3A_633 = arith.index_cast %scan3A_182 : i32 to index
        %get3A_634 = arith.constant 512 : index
        %get3A_635 = tpu.vector_load %arg6[%get3A_633, %get3A_634] {strides = array<i32>} : memref<16x1024xf32, #tpu.memory_space<vmem>>, vector<1x16xf32>,
        %get3A_636 = vector.shape_cast %get3A_635 : vector<1x16xf32> to vector<16xf32>
        %add3A_637 = arith.addf %get3A_632, %get3A_636 : vector<16xf32>
        %swap3A_638 = arith.index_cast %scan3A_182 : i32 to index
        %swap3A_639 = arith.constant 512 : index
        %swap3A_640 = tpu.vector_load %arg7[%swap3A_638, %swap3A_639] {strides = array<i32>} : memref<16x1024xf32, #tpu.memory_space<vmem>>, vector<1x16xf32>,
        %swap3A_641 = vector.shape_cast %swap3A_640 : vector<1x16xf32> to vector<16xf32>
        %swap3A_642 = vector.shape_cast %add3A_637 : vector<16xf32> to vector<1x16xf32>
        tpu.vector_store %arg7[%swap3A_638, %swap3A_639], %swap3A_642 {strides = array<i32>} : memref<16x1024xf32, #tpu.memory_space<vmem>>, vector<1x16xf32>,
        %get3A_643 = arith.index_cast %scan3A_182 : i32 to index
        %get3A_644 = arith.constant 528 : index
        %get3A_645 = tpu.vector_load %arg7[%get3A_643, %get3A_644] {strides = array<i32>} : memref<16x1024xf32, #tpu.memory_space<vmem>>, vector<1x16xf32>,
        %get3A_646 = vector.shape_cast %get3A_645 : vector<1x16xf32> to vector<16xf32>
        %get3A_647 = arith.index_cast %scan3A_182 : i32 to index
        %get3A_648 = arith.constant 528 : index
        %get3A_649 = tpu.vector_load %arg6[%get3A_647, %get3A_648] {strides = array<i32>} : memref<16x1024xf32, #tpu.memory_space<vmem>>, vector<1x16xf32>,
        %get3A_650 = vector.shape_cast %get3A_649 : vector<1x16xf32> to vector<16xf32>
        %add3A_651 = arith.addf %get3A_646, %get3A_650 : vector<16xf32>
        %swap3A_652 = arith.index_cast %scan3A_182 : i32 to index
        %swap3A_653 = arith.constant 528 : index
        %swap3A_654 = tpu.vector_load %arg7[%swap3A_652, %swap3A_653] {strides = array<i32>} : memref<16x1024xf32, #tpu.memory_space<vmem>>, vector<1x16xf32>,
        %swap3A_655 = vector.shape_cast %swap3A_654 : vector<1x16xf32> to vector<16xf32>
        %swap3A_656 = vector.shape_cast %add3A_651 : vector<16xf32> to vector<1x16xf32>
        tpu.vector_store %arg7[%swap3A_652, %swap3A_653], %swap3A_656 {strides = array<i32>} : memref<16x1024xf32, #tpu.memory_space<vmem>>, vector<1x16xf32>,
        %get3A_657 = arith.index_cast %scan3A_182 : i32 to index
        %get3A_658 = arith.constant 544 : index
        %get3A_659 = tpu.vector_load %arg7[%get3A_657, %get3A_658] {strides = array<i32>} : memref<16x1024xf32, #tpu.memory_space<vmem>>, vector<1x16xf32>,
        %get3A_660 = vector.shape_cast %get3A_659 : vector<1x16xf32> to vector<16xf32>
        %get3A_661 = arith.index_cast %scan3A_182 : i32 to index
        %get3A_662 = arith.constant 544 : index
        %get3A_663 = tpu.vector_load %arg6[%get3A_661, %get3A_662] {strides = array<i32>} : memref<16x1024xf32, #tpu.memory_space<vmem>>, vector<1x16xf32>,
        %get3A_664 = vector.shape_cast %get3A_663 : vector<1x16xf32> to vector<16xf32>
        %add3A_665 = arith.addf %get3A_660, %get3A_664 : vector<16xf32>
        %swap3A_666 = arith.index_cast %scan3A_182 : i32 to index
        %swap3A_667 = arith.constant 544 : index
        %swap3A_668 = tpu.vector_load %arg7[%swap3A_666, %swap3A_667] {strides = array<i32>} : memref<16x1024xf32, #tpu.memory_space<vmem>>, vector<1x16xf32>,
        %swap3A_669 = vector.shape_cast %swap3A_668 : vector<1x16xf32> to vector<16xf32>
        %swap3A_670 = vector.shape_cast %add3A_665 : vector<16xf32> to vector<1x16xf32>
        tpu.vector_store %arg7[%swap3A_666, %swap3A_667], %swap3A_670 {strides = array<i32>} : memref<16x1024xf32, #tpu.memory_space<vmem>>, vector<1x16xf32>,
        %get3A_671 = arith.index_cast %scan3A_182 : i32 to index
        %get3A_672 = arith.constant 560 : index
        %get3A_673 = tpu.vector_load %arg7[%get3A_671, %get3A_672] {strides = array<i32>} : memref<16x1024xf32, #tpu.memory_space<vmem>>, vector<1x16xf32>,
        %get3A_674 = vector.shape_cast %get3A_673 : vector<1x16xf32> to vector<16xf32>
        %get3A_675 = arith.index_cast %scan3A_182 : i32 to index
        %get3A_676 = arith.constant 560 : index
        %get3A_677 = tpu.vector_load %arg6[%get3A_675, %get3A_676] {strides = array<i32>} : memref<16x1024xf32, #tpu.memory_space<vmem>>, vector<1x16xf32>,
        %get3A_678 = vector.shape_cast %get3A_677 : vector<1x16xf32> to vector<16xf32>
        %add3A_679 = arith.addf %get3A_674, %get3A_678 : vector<16xf32>
        %swap3A_680 = arith.index_cast %scan3A_182 : i32 to index
        %swap3A_681 = arith.constant 560 : index
        %swap3A_682 = tpu.vector_load %arg7[%swap3A_680, %swap3A_681] {strides = array<i32>} : memref<16x1024xf32, #tpu.memory_space<vmem>>, vector<1x16xf32>,
        %swap3A_683 = vector.shape_cast %swap3A_682 : vector<1x16xf32> to vector<16xf32>
        %swap3A_684 = vector.shape_cast %add3A_679 : vector<16xf32> to vector<1x16xf32>
        tpu.vector_store %arg7[%swap3A_680, %swap3A_681], %swap3A_684 {strides = array<i32>} : memref<16x1024xf32, #tpu.memory_space<vmem>>, vector<1x16xf32>,
        %get3A_685 = arith.index_cast %scan3A_182 : i32 to index
        %get3A_686 = arith.constant 576 : index
        %get3A_687 = tpu.vector_load %arg7[%get3A_685, %get3A_686] {strides = array<i32>} : memref<16x1024xf32, #tpu.memory_space<vmem>>, vector<1x16xf32>,
        %get3A_688 = vector.shape_cast %get3A_687 : vector<1x16xf32> to vector<16xf32>
        %get3A_689 = arith.index_cast %scan3A_182 : i32 to index
        %get3A_690 = arith.constant 576 : index
        %get3A_691 = tpu.vector_load %arg6[%get3A_689, %get3A_690] {strides = array<i32>} : memref<16x1024xf32, #tpu.memory_space<vmem>>, vector<1x16xf32>,
        %get3A_692 = vector.shape_cast %get3A_691 : vector<1x16xf32> to vector<16xf32>
        %add3A_693 = arith.addf %get3A_688, %get3A_692 : vector<16xf32>
        %swap3A_694 = arith.index_cast %scan3A_182 : i32 to index
        %swap3A_695 = arith.constant 576 : index
        %swap3A_696 = tpu.vector_load %arg7[%swap3A_694, %swap3A_695] {strides = array<i32>} : memref<16x1024xf32, #tpu.memory_space<vmem>>, vector<1x16xf32>,
        %swap3A_697 = vector.shape_cast %swap3A_696 : vector<1x16xf32> to vector<16xf32>
        %swap3A_698 = vector.shape_cast %add3A_693 : vector<16xf32> to vector<1x16xf32>
        tpu.vector_store %arg7[%swap3A_694, %swap3A_695], %swap3A_698 {strides = array<i32>} : memref<16x1024xf32, #tpu.memory_space<vmem>>, vector<1x16xf32>,
        %get3A_699 = arith.index_cast %scan3A_182 : i32 to index
        %get3A_700 = arith.constant 592 : index
        %get3A_701 = tpu.vector_load %arg7[%get3A_699, %get3A_700] {strides = array<i32>} : memref<16x1024xf32, #tpu.memory_space<vmem>>, vector<1x16xf32>,
        %get3A_702 = vector.shape_cast %get3A_701 : vector<1x16xf32> to vector<16xf32>
        %get3A_703 = arith.index_cast %scan3A_182 : i32 to index
        %get3A_704 = arith.constant 592 : index
        %get3A_705 = tpu.vector_load %arg6[%get3A_703, %get3A_704] {strides = array<i32>} : memref<16x1024xf32, #tpu.memory_space<vmem>>, vector<1x16xf32>,
        %get3A_706 = vector.shape_cast %get3A_705 : vector<1x16xf32> to vector<16xf32>
        %add3A_707 = arith.addf %get3A_702, %get3A_706 : vector<16xf32>
        %swap3A_708 = arith.index_cast %scan3A_182 : i32 to index
        %swap3A_709 = arith.constant 592 : index
        %swap3A_710 = tpu.vector_load %arg7[%swap3A_708, %swap3A_709] {strides = array<i32>} : memref<16x1024xf32, #tpu.memory_space<vmem>>, vector<1x16xf32>,
        %swap3A_711 = vector.shape_cast %swap3A_710 : vector<1x16xf32> to vector<16xf32>
        %swap3A_712 = vector.shape_cast %add3A_707 : vector<16xf32> to vector<1x16xf32>
        tpu.vector_store %arg7[%swap3A_708, %swap3A_709], %swap3A_712 {strides = array<i32>} : memref<16x1024xf32, #tpu.memory_space<vmem>>, vector<1x16xf32>,
        %get3A_713 = arith.index_cast %scan3A_182 : i32 to index
        %get3A_714 = arith.constant 608 : index
        %get3A_715 = tpu.vector_load %arg7[%get3A_713, %get3A_714] {strides = array<i32>} : memref<16x1024xf32, #tpu.memory_space<vmem>>, vector<1x16xf32>,
        %get3A_716 = vector.shape_cast %get3A_715 : vector<1x16xf32> to vector<16xf32>
        %get3A_717 = arith.index_cast %scan3A_182 : i32 to index
        %get3A_718 = arith.constant 608 : index
        %get3A_719 = tpu.vector_load %arg6[%get3A_717, %get3A_718] {strides = array<i32>} : memref<16x1024xf32, #tpu.memory_space<vmem>>, vector<1x16xf32>,
        %get3A_720 = vector.shape_cast %get3A_719 : vector<1x16xf32> to vector<16xf32>
        %add3A_721 = arith.addf %get3A_716, %get3A_720 : vector<16xf32>
        %swap3A_722 = arith.index_cast %scan3A_182 : i32 to index
        %swap3A_723 = arith.constant 608 : index
        %swap3A_724 = tpu.vector_load %arg7[%swap3A_722, %swap3A_723] {strides = array<i32>} : memref<16x1024xf32, #tpu.memory_space<vmem>>, vector<1x16xf32>,
        %swap3A_725 = vector.shape_cast %swap3A_724 : vector<1x16xf32> to vector<16xf32>
        %swap3A_726 = vector.shape_cast %add3A_721 : vector<16xf32> to vector<1x16xf32>
        tpu.vector_store %arg7[%swap3A_722, %swap3A_723], %swap3A_726 {strides = array<i32>} : memref<16x1024xf32, #tpu.memory_space<vmem>>, vector<1x16xf32>,
        %get3A_727 = arith.index_cast %scan3A_182 : i32 to index
        %get3A_728 = arith.constant 624 : index
        %get3A_729 = tpu.vector_load %arg7[%get3A_727, %get3A_728] {strides = array<i32>} : memref<16x1024xf32, #tpu.memory_space<vmem>>, vector<1x16xf32>,
        %get3A_730 = vector.shape_cast %get3A_729 : vector<1x16xf32> to vector<16xf32>
        %get3A_731 = arith.index_cast %scan3A_182 : i32 to index
        %get3A_732 = arith.constant 624 : index
        %get3A_733 = tpu.vector_load %arg6[%get3A_731, %get3A_732] {strides = array<i32>} : memref<16x1024xf32, #tpu.memory_space<vmem>>, vector<1x16xf32>,
        %get3A_734 = vector.shape_cast %get3A_733 : vector<1x16xf32> to vector<16xf32>
        %add3A_735 = arith.addf %get3A_730, %get3A_734 : vector<16xf32>
        %swap3A_736 = arith.index_cast %scan3A_182 : i32 to index
        %swap3A_737 = arith.constant 624 : index
        %swap3A_738 = tpu.vector_load %arg7[%swap3A_736, %swap3A_737] {strides = array<i32>} : memref<16x1024xf32, #tpu.memory_space<vmem>>, vector<1x16xf32>,
        %swap3A_739 = vector.shape_cast %swap3A_738 : vector<1x16xf32> to vector<16xf32>
        %swap3A_740 = vector.shape_cast %add3A_735 : vector<16xf32> to vector<1x16xf32>
        tpu.vector_store %arg7[%swap3A_736, %swap3A_737], %swap3A_740 {strides = array<i32>} : memref<16x1024xf32, #tpu.memory_space<vmem>>, vector<1x16xf32>,
        %get3A_741 = arith.index_cast %scan3A_182 : i32 to index
        %get3A_742 = arith.constant 640 : index
        %get3A_743 = tpu.vector_load %arg7[%get3A_741, %get3A_742] {strides = array<i32>} : memref<16x1024xf32, #tpu.memory_space<vmem>>, vector<1x16xf32>,
        %get3A_744 = vector.shape_cast %get3A_743 : vector<1x16xf32> to vector<16xf32>
        %get3A_745 = arith.index_cast %scan3A_182 : i32 to index
        %get3A_746 = arith.constant 640 : index
        %get3A_747 = tpu.vector_load %arg6[%get3A_745, %get3A_746] {strides = array<i32>} : memref<16x1024xf32, #tpu.memory_space<vmem>>, vector<1x16xf32>,
        %get3A_748 = vector.shape_cast %get3A_747 : vector<1x16xf32> to vector<16xf32>
        %add3A_749 = arith.addf %get3A_744, %get3A_748 : vector<16xf32>
        %swap3A_750 = arith.index_cast %scan3A_182 : i32 to index
        %swap3A_751 = arith.constant 640 : index
        %swap3A_752 = tpu.vector_load %arg7[%swap3A_750, %swap3A_751] {strides = array<i32>} : memref<16x1024xf32, #tpu.memory_space<vmem>>, vector<1x16xf32>,
        %swap3A_753 = vector.shape_cast %swap3A_752 : vector<1x16xf32> to vector<16xf32>
        %swap3A_754 = vector.shape_cast %add3A_749 : vector<16xf32> to vector<1x16xf32>
        tpu.vector_store %arg7[%swap3A_750, %swap3A_751], %swap3A_754 {strides = array<i32>} : memref<16x1024xf32, #tpu.memory_space<vmem>>, vector<1x16xf32>,
        %get3A_755 = arith.index_cast %scan3A_182 : i32 to index
        %get3A_756 = arith.constant 656 : index
        %get3A_757 = tpu.vector_load %arg7[%get3A_755, %get3A_756] {strides = array<i32>} : memref<16x1024xf32, #tpu.memory_space<vmem>>, vector<1x16xf32>,
        %get3A_758 = vector.shape_cast %get3A_757 : vector<1x16xf32> to vector<16xf32>
        %get3A_759 = arith.index_cast %scan3A_182 : i32 to index
        %get3A_760 = arith.constant 656 : index
        %get3A_761 = tpu.vector_load %arg6[%get3A_759, %get3A_760] {strides = array<i32>} : memref<16x1024xf32, #tpu.memory_space<vmem>>, vector<1x16xf32>,
        %get3A_762 = vector.shape_cast %get3A_761 : vector<1x16xf32> to vector<16xf32>
        %add3A_763 = arith.addf %get3A_758, %get3A_762 : vector<16xf32>
        %swap3A_764 = arith.index_cast %scan3A_182 : i32 to index
        %swap3A_765 = arith.constant 656 : index
        %swap3A_766 = tpu.vector_load %arg7[%swap3A_764, %swap3A_765] {strides = array<i32>} : memref<16x1024xf32, #tpu.memory_space<vmem>>, vector<1x16xf32>,
        %swap3A_767 = vector.shape_cast %swap3A_766 : vector<1x16xf32> to vector<16xf32>
        %swap3A_768 = vector.shape_cast %add3A_763 : vector<16xf32> to vector<1x16xf32>
        tpu.vector_store %arg7[%swap3A_764, %swap3A_765], %swap3A_768 {strides = array<i32>} : memref<16x1024xf32, #tpu.memory_space<vmem>>, vector<1x16xf32>,
        %get3A_769 = arith.index_cast %scan3A_182 : i32 to index
        %get3A_770 = arith.constant 672 : index
        %get3A_771 = tpu.vector_load %arg7[%get3A_769, %get3A_770] {strides = array<i32>} : memref<16x1024xf32, #tpu.memory_space<vmem>>, vector<1x16xf32>,
        %get3A_772 = vector.shape_cast %get3A_771 : vector<1x16xf32> to vector<16xf32>
        %get3A_773 = arith.index_cast %scan3A_182 : i32 to index
        %get3A_774 = arith.constant 672 : index
        %get3A_775 = tpu.vector_load %arg6[%get3A_773, %get3A_774] {strides = array<i32>} : memref<16x1024xf32, #tpu.memory_space<vmem>>, vector<1x16xf32>,
        %get3A_776 = vector.shape_cast %get3A_775 : vector<1x16xf32> to vector<16xf32>
        %add3A_777 = arith.addf %get3A_772, %get3A_776 : vector<16xf32>
        %swap3A_778 = arith.index_cast %scan3A_182 : i32 to index
        %swap3A_779 = arith.constant 672 : index
        %swap3A_780 = tpu.vector_load %arg7[%swap3A_778, %swap3A_779] {strides = array<i32>} : memref<16x1024xf32, #tpu.memory_space<vmem>>, vector<1x16xf32>,
        %swap3A_781 = vector.shape_cast %swap3A_780 : vector<1x16xf32> to vector<16xf32>
        %swap3A_782 = vector.shape_cast %add3A_777 : vector<16xf32> to vector<1x16xf32>
        tpu.vector_store %arg7[%swap3A_778, %swap3A_779], %swap3A_782 {strides = array<i32>} : memref<16x1024xf32, #tpu.memory_space<vmem>>, vector<1x16xf32>,
        %get3A_783 = arith.index_cast %scan3A_182 : i32 to index
        %get3A_784 = arith.constant 688 : index
        %get3A_785 = tpu.vector_load %arg7[%get3A_783, %get3A_784] {strides = array<i32>} : memref<16x1024xf32, #tpu.memory_space<vmem>>, vector<1x16xf32>,
        %get3A_786 = vector.shape_cast %get3A_785 : vector<1x16xf32> to vector<16xf32>
        %get3A_787 = arith.index_cast %scan3A_182 : i32 to index
        %get3A_788 = arith.constant 688 : index
        %get3A_789 = tpu.vector_load %arg6[%get3A_787, %get3A_788] {strides = array<i32>} : memref<16x1024xf32, #tpu.memory_space<vmem>>, vector<1x16xf32>,
        %get3A_790 = vector.shape_cast %get3A_789 : vector<1x16xf32> to vector<16xf32>
        %add3A_791 = arith.addf %get3A_786, %get3A_790 : vector<16xf32>
        %swap3A_792 = arith.index_cast %scan3A_182 : i32 to index
        %swap3A_793 = arith.constant 688 : index
        %swap3A_794 = tpu.vector_load %arg7[%swap3A_792, %swap3A_793] {strides = array<i32>} : memref<16x1024xf32, #tpu.memory_space<vmem>>, vector<1x16xf32>,
        %swap3A_795 = vector.shape_cast %swap3A_794 : vector<1x16xf32> to vector<16xf32>
        %swap3A_796 = vector.shape_cast %add3A_791 : vector<16xf32> to vector<1x16xf32>
        tpu.vector_store %arg7[%swap3A_792, %swap3A_793], %swap3A_796 {strides = array<i32>} : memref<16x1024xf32, #tpu.memory_space<vmem>>, vector<1x16xf32>,
        %get3A_797 = arith.index_cast %scan3A_182 : i32 to index
        %get3A_798 = arith.constant 704 : index
        %get3A_799 = tpu.vector_load %arg7[%get3A_797, %get3A_798] {strides = array<i32>} : memref<16x1024xf32, #tpu.memory_space<vmem>>, vector<1x16xf32>,
        %get3A_800 = vector.shape_cast %get3A_799 : vector<1x16xf32> to vector<16xf32>
        %get3A_801 = arith.index_cast %scan3A_182 : i32 to index
        %get3A_802 = arith.constant 704 : index
        %get3A_803 = tpu.vector_load %arg6[%get3A_801, %get3A_802] {strides = array<i32>} : memref<16x1024xf32, #tpu.memory_space<vmem>>, vector<1x16xf32>,
        %get3A_804 = vector.shape_cast %get3A_803 : vector<1x16xf32> to vector<16xf32>
        %add3A_805 = arith.addf %get3A_800, %get3A_804 : vector<16xf32>
        %swap3A_806 = arith.index_cast %scan3A_182 : i32 to index
        %swap3A_807 = arith.constant 704 : index
        %swap3A_808 = tpu.vector_load %arg7[%swap3A_806, %swap3A_807] {strides = array<i32>} : memref<16x1024xf32, #tpu.memory_space<vmem>>, vector<1x16xf32>,
        %swap3A_809 = vector.shape_cast %swap3A_808 : vector<1x16xf32> to vector<16xf32>
        %swap3A_810 = vector.shape_cast %add3A_805 : vector<16xf32> to vector<1x16xf32>
        tpu.vector_store %arg7[%swap3A_806, %swap3A_807], %swap3A_810 {strides = array<i32>} : memref<16x1024xf32, #tpu.memory_space<vmem>>, vector<1x16xf32>,
        %get3A_811 = arith.index_cast %scan3A_182 : i32 to index
        %get3A_812 = arith.constant 720 : index
        %get3A_813 = tpu.vector_load %arg7[%get3A_811, %get3A_812] {strides = array<i32>} : memref<16x1024xf32, #tpu.memory_space<vmem>>, vector<1x16xf32>,
        %get3A_814 = vector.shape_cast %get3A_813 : vector<1x16xf32> to vector<16xf32>
        %get3A_815 = arith.index_cast %scan3A_182 : i32 to index
        %get3A_816 = arith.constant 720 : index
        %get3A_817 = tpu.vector_load %arg6[%get3A_815, %get3A_816] {strides = array<i32>} : memref<16x1024xf32, #tpu.memory_space<vmem>>, vector<1x16xf32>,
        %get3A_818 = vector.shape_cast %get3A_817 : vector<1x16xf32> to vector<16xf32>
        %add3A_819 = arith.addf %get3A_814, %get3A_818 : vector<16xf32>
        %swap3A_820 = arith.index_cast %scan3A_182 : i32 to index
        %swap3A_821 = arith.constant 720 : index
        %swap3A_822 = tpu.vector_load %arg7[%swap3A_820, %swap3A_821] {strides = array<i32>} : memref<16x1024xf32, #tpu.memory_space<vmem>>, vector<1x16xf32>,
        %swap3A_823 = vector.shape_cast %swap3A_822 : vector<1x16xf32> to vector<16xf32>
        %swap3A_824 = vector.shape_cast %add3A_819 : vector<16xf32> to vector<1x16xf32>
        tpu.vector_store %arg7[%swap3A_820, %swap3A_821], %swap3A_824 {strides = array<i32>} : memref<16x1024xf32, #tpu.memory_space<vmem>>, vector<1x16xf32>,
        %get3A_825 = arith.index_cast %scan3A_182 : i32 to index
        %get3A_826 = arith.constant 736 : index
        %get3A_827 = tpu.vector_load %arg7[%get3A_825, %get3A_826] {strides = array<i32>} : memref<16x1024xf32, #tpu.memory_space<vmem>>, vector<1x16xf32>,
        %get3A_828 = vector.shape_cast %get3A_827 : vector<1x16xf32> to vector<16xf32>
        %get3A_829 = arith.index_cast %scan3A_182 : i32 to index
        %get3A_830 = arith.constant 736 : index
        %get3A_831 = tpu.vector_load %arg6[%get3A_829, %get3A_830] {strides = array<i32>} : memref<16x1024xf32, #tpu.memory_space<vmem>>, vector<1x16xf32>,
        %get3A_832 = vector.shape_cast %get3A_831 : vector<1x16xf32> to vector<16xf32>
        %add3A_833 = arith.addf %get3A_828, %get3A_832 : vector<16xf32>
        %swap3A_834 = arith.index_cast %scan3A_182 : i32 to index
        %swap3A_835 = arith.constant 736 : index
        %swap3A_836 = tpu.vector_load %arg7[%swap3A_834, %swap3A_835] {strides = array<i32>} : memref<16x1024xf32, #tpu.memory_space<vmem>>, vector<1x16xf32>,
        %swap3A_837 = vector.shape_cast %swap3A_836 : vector<1x16xf32> to vector<16xf32>
        %swap3A_838 = vector.shape_cast %add3A_833 : vector<16xf32> to vector<1x16xf32>
        tpu.vector_store %arg7[%swap3A_834, %swap3A_835], %swap3A_838 {strides = array<i32>} : memref<16x1024xf32, #tpu.memory_space<vmem>>, vector<1x16xf32>,
        %get3A_839 = arith.index_cast %scan3A_182 : i32 to index
        %get3A_840 = arith.constant 752 : index
        %get3A_841 = tpu.vector_load %arg7[%get3A_839, %get3A_840] {strides = array<i32>} : memref<16x1024xf32, #tpu.memory_space<vmem>>, vector<1x16xf32>,
        %get3A_842 = vector.shape_cast %get3A_841 : vector<1x16xf32> to vector<16xf32>
        %get3A_843 = arith.index_cast %scan3A_182 : i32 to index
        %get3A_844 = arith.constant 752 : index
        %get3A_845 = tpu.vector_load %arg6[%get3A_843, %get3A_844] {strides = array<i32>} : memref<16x1024xf32, #tpu.memory_space<vmem>>, vector<1x16xf32>,
        %get3A_846 = vector.shape_cast %get3A_845 : vector<1x16xf32> to vector<16xf32>
        %add3A_847 = arith.addf %get3A_842, %get3A_846 : vector<16xf32>
        %swap3A_848 = arith.index_cast %scan3A_182 : i32 to index
        %swap3A_849 = arith.constant 752 : index
        %swap3A_850 = tpu.vector_load %arg7[%swap3A_848, %swap3A_849] {strides = array<i32>} : memref<16x1024xf32, #tpu.memory_space<vmem>>, vector<1x16xf32>,
        %swap3A_851 = vector.shape_cast %swap3A_850 : vector<1x16xf32> to vector<16xf32>
        %swap3A_852 = vector.shape_cast %add3A_847 : vector<16xf32> to vector<1x16xf32>
        tpu.vector_store %arg7[%swap3A_848, %swap3A_849], %swap3A_852 {strides = array<i32>} : memref<16x1024xf32, #tpu.memory_space<vmem>>, vector<1x16xf32>,
        %get3A_853 = arith.index_cast %scan3A_182 : i32 to index
        %get3A_854 = arith.constant 768 : index
        %get3A_855 = tpu.vector_load %arg7[%get3A_853, %get3A_854] {strides = array<i32>} : memref<16x1024xf32, #tpu.memory_space<vmem>>, vector<1x16xf32>,
        %get3A_856 = vector.shape_cast %get3A_855 : vector<1x16xf32> to vector<16xf32>
        %get3A_857 = arith.index_cast %scan3A_182 : i32 to index
        %get3A_858 = arith.constant 768 : index
        %get3A_859 = tpu.vector_load %arg6[%get3A_857, %get3A_858] {strides = array<i32>} : memref<16x1024xf32, #tpu.memory_space<vmem>>, vector<1x16xf32>,
        %get3A_860 = vector.shape_cast %get3A_859 : vector<1x16xf32> to vector<16xf32>
        %add3A_861 = arith.addf %get3A_856, %get3A_860 : vector<16xf32>
        %swap3A_862 = arith.index_cast %scan3A_182 : i32 to index
        %swap3A_863 = arith.constant 768 : index
        %swap3A_864 = tpu.vector_load %arg7[%swap3A_862, %swap3A_863] {strides = array<i32>} : memref<16x1024xf32, #tpu.memory_space<vmem>>, vector<1x16xf32>,
        %swap3A_865 = vector.shape_cast %swap3A_864 : vector<1x16xf32> to vector<16xf32>
        %swap3A_866 = vector.shape_cast %add3A_861 : vector<16xf32> to vector<1x16xf32>
        tpu.vector_store %arg7[%swap3A_862, %swap3A_863], %swap3A_866 {strides = array<i32>} : memref<16x1024xf32, #tpu.memory_space<vmem>>, vector<1x16xf32>,
        %get3A_867 = arith.index_cast %scan3A_182 : i32 to index
        %get3A_868 = arith.constant 784 : index
        %get3A_869 = tpu.vector_load %arg7[%get3A_867, %get3A_868] {strides = array<i32>} : memref<16x1024xf32, #tpu.memory_space<vmem>>, vector<1x16xf32>,
        %get3A_870 = vector.shape_cast %get3A_869 : vector<1x16xf32> to vector<16xf32>
        %get3A_871 = arith.index_cast %scan3A_182 : i32 to index
        %get3A_872 = arith.constant 784 : index
        %get3A_873 = tpu.vector_load %arg6[%get3A_871, %get3A_872] {strides = array<i32>} : memref<16x1024xf32, #tpu.memory_space<vmem>>, vector<1x16xf32>,
        %get3A_874 = vector.shape_cast %get3A_873 : vector<1x16xf32> to vector<16xf32>
        %add3A_875 = arith.addf %get3A_870, %get3A_874 : vector<16xf32>
        %swap3A_876 = arith.index_cast %scan3A_182 : i32 to index
        %swap3A_877 = arith.constant 784 : index
        %swap3A_878 = tpu.vector_load %arg7[%swap3A_876, %swap3A_877] {strides = array<i32>} : memref<16x1024xf32, #tpu.memory_space<vmem>>, vector<1x16xf32>,
        %swap3A_879 = vector.shape_cast %swap3A_878 : vector<1x16xf32> to vector<16xf32>
        %swap3A_880 = vector.shape_cast %add3A_875 : vector<16xf32> to vector<1x16xf32>
        tpu.vector_store %arg7[%swap3A_876, %swap3A_877], %swap3A_880 {strides = array<i32>} : memref<16x1024xf32, #tpu.memory_space<vmem>>, vector<1x16xf32>,
        %get3A_881 = arith.index_cast %scan3A_182 : i32 to index
        %get3A_882 = arith.constant 800 : index
        %get3A_883 = tpu.vector_load %arg7[%get3A_881, %get3A_882] {strides = array<i32>} : memref<16x1024xf32, #tpu.memory_space<vmem>>, vector<1x16xf32>,
        %get3A_884 = vector.shape_cast %get3A_883 : vector<1x16xf32> to vector<16xf32>
        %get3A_885 = arith.index_cast %scan3A_182 : i32 to index
        %get3A_886 = arith.constant 800 : index
        %get3A_887 = tpu.vector_load %arg6[%get3A_885, %get3A_886] {strides = array<i32>} : memref<16x1024xf32, #tpu.memory_space<vmem>>, vector<1x16xf32>,
        %get3A_888 = vector.shape_cast %get3A_887 : vector<1x16xf32> to vector<16xf32>
        %add3A_889 = arith.addf %get3A_884, %get3A_888 : vector<16xf32>
        %swap3A_890 = arith.index_cast %scan3A_182 : i32 to index
        %swap3A_891 = arith.constant 800 : index
        %swap3A_892 = tpu.vector_load %arg7[%swap3A_890, %swap3A_891] {strides = array<i32>} : memref<16x1024xf32, #tpu.memory_space<vmem>>, vector<1x16xf32>,
        %swap3A_893 = vector.shape_cast %swap3A_892 : vector<1x16xf32> to vector<16xf32>
        %swap3A_894 = vector.shape_cast %add3A_889 : vector<16xf32> to vector<1x16xf32>
        tpu.vector_store %arg7[%swap3A_890, %swap3A_891], %swap3A_894 {strides = array<i32>} : memref<16x1024xf32, #tpu.memory_space<vmem>>, vector<1x16xf32>,
        %get3A_895 = arith.index_cast %scan3A_182 : i32 to index
        %get3A_896 = arith.constant 816 : index
        %get3A_897 = tpu.vector_load %arg7[%get3A_895, %get3A_896] {strides = array<i32>} : memref<16x1024xf32, #tpu.memory_space<vmem>>, vector<1x16xf32>,
        %get3A_898 = vector.shape_cast %get3A_897 : vector<1x16xf32> to vector<16xf32>
        %get3A_899 = arith.index_cast %scan3A_182 : i32 to index
        %get3A_900 = arith.constant 816 : index
        %get3A_901 = tpu.vector_load %arg6[%get3A_899, %get3A_900] {strides = array<i32>} : memref<16x1024xf32, #tpu.memory_space<vmem>>, vector<1x16xf32>,
        %get3A_902 = vector.shape_cast %get3A_901 : vector<1x16xf32> to vector<16xf32>
        %add3A_903 = arith.addf %get3A_898, %get3A_902 : vector<16xf32>
        %swap3A_904 = arith.index_cast %scan3A_182 : i32 to index
        %swap3A_905 = arith.constant 816 : index
        %swap3A_906 = tpu.vector_load %arg7[%swap3A_904, %swap3A_905] {strides = array<i32>} : memref<16x1024xf32, #tpu.memory_space<vmem>>, vector<1x16xf32>,
        %swap3A_907 = vector.shape_cast %swap3A_906 : vector<1x16xf32> to vector<16xf32>
        %swap3A_908 = vector.shape_cast %add3A_903 : vector<16xf32> to vector<1x16xf32>
        tpu.vector_store %arg7[%swap3A_904, %swap3A_905], %swap3A_908 {strides = array<i32>} : memref<16x1024xf32, #tpu.memory_space<vmem>>, vector<1x16xf32>,
        %get3A_909 = arith.index_cast %scan3A_182 : i32 to index
        %get3A_910 = arith.constant 832 : index
        %get3A_911 = tpu.vector_load %arg7[%get3A_909, %get3A_910] {strides = array<i32>} : memref<16x1024xf32, #tpu.memory_space<vmem>>, vector<1x16xf32>,
        %get3A_912 = vector.shape_cast %get3A_911 : vector<1x16xf32> to vector<16xf32>
        %get3A_913 = arith.index_cast %scan3A_182 : i32 to index
        %get3A_914 = arith.constant 832 : index
        %get3A_915 = tpu.vector_load %arg6[%get3A_913, %get3A_914] {strides = array<i32>} : memref<16x1024xf32, #tpu.memory_space<vmem>>, vector<1x16xf32>,
        %get3A_916 = vector.shape_cast %get3A_915 : vector<1x16xf32> to vector<16xf32>
        %add3A_917 = arith.addf %get3A_912, %get3A_916 : vector<16xf32>
        %swap3A_918 = arith.index_cast %scan3A_182 : i32 to index
        %swap3A_919 = arith.constant 832 : index
        %swap3A_920 = tpu.vector_load %arg7[%swap3A_918, %swap3A_919] {strides = array<i32>} : memref<16x1024xf32, #tpu.memory_space<vmem>>, vector<1x16xf32>,
        %swap3A_921 = vector.shape_cast %swap3A_920 : vector<1x16xf32> to vector<16xf32>
        %swap3A_922 = vector.shape_cast %add3A_917 : vector<16xf32> to vector<1x16xf32>
        tpu.vector_store %arg7[%swap3A_918, %swap3A_919], %swap3A_922 {strides = array<i32>} : memref<16x1024xf32, #tpu.memory_space<vmem>>, vector<1x16xf32>,
        %get3A_923 = arith.index_cast %scan3A_182 : i32 to index
        %get3A_924 = arith.constant 848 : index
        %get3A_925 = tpu.vector_load %arg7[%get3A_923, %get3A_924] {strides = array<i32>} : memref<16x1024xf32, #tpu.memory_space<vmem>>, vector<1x16xf32>,
        %get3A_926 = vector.shape_cast %get3A_925 : vector<1x16xf32> to vector<16xf32>
        %get3A_927 = arith.index_cast %scan3A_182 : i32 to index
        %get3A_928 = arith.constant 848 : index
        %get3A_929 = tpu.vector_load %arg6[%get3A_927, %get3A_928] {strides = array<i32>} : memref<16x1024xf32, #tpu.memory_space<vmem>>, vector<1x16xf32>,
        %get3A_930 = vector.shape_cast %get3A_929 : vector<1x16xf32> to vector<16xf32>
        %add3A_931 = arith.addf %get3A_926, %get3A_930 : vector<16xf32>
        %swap3A_932 = arith.index_cast %scan3A_182 : i32 to index
        %swap3A_933 = arith.constant 848 : index
        %swap3A_934 = tpu.vector_load %arg7[%swap3A_932, %swap3A_933] {strides = array<i32>} : memref<16x1024xf32, #tpu.memory_space<vmem>>, vector<1x16xf32>,
        %swap3A_935 = vector.shape_cast %swap3A_934 : vector<1x16xf32> to vector<16xf32>
        %swap3A_936 = vector.shape_cast %add3A_931 : vector<16xf32> to vector<1x16xf32>
        tpu.vector_store %arg7[%swap3A_932, %swap3A_933], %swap3A_936 {strides = array<i32>} : memref<16x1024xf32, #tpu.memory_space<vmem>>, vector<1x16xf32>,
        %get3A_937 = arith.index_cast %scan3A_182 : i32 to index
        %get3A_938 = arith.constant 864 : index
        %get3A_939 = tpu.vector_load %arg7[%get3A_937, %get3A_938] {strides = array<i32>} : memref<16x1024xf32, #tpu.memory_space<vmem>>, vector<1x16xf32>,
        %get3A_940 = vector.shape_cast %get3A_939 : vector<1x16xf32> to vector<16xf32>
        %get3A_941 = arith.index_cast %scan3A_182 : i32 to index
        %get3A_942 = arith.constant 864 : index
        %get3A_943 = tpu.vector_load %arg6[%get3A_941, %get3A_942] {strides = array<i32>} : memref<16x1024xf32, #tpu.memory_space<vmem>>, vector<1x16xf32>,
        %get3A_944 = vector.shape_cast %get3A_943 : vector<1x16xf32> to vector<16xf32>
        %add3A_945 = arith.addf %get3A_940, %get3A_944 : vector<16xf32>
        %swap3A_946 = arith.index_cast %scan3A_182 : i32 to index
        %swap3A_947 = arith.constant 864 : index
        %swap3A_948 = tpu.vector_load %arg7[%swap3A_946, %swap3A_947] {strides = array<i32>} : memref<16x1024xf32, #tpu.memory_space<vmem>>, vector<1x16xf32>,
        %swap3A_949 = vector.shape_cast %swap3A_948 : vector<1x16xf32> to vector<16xf32>
        %swap3A_950 = vector.shape_cast %add3A_945 : vector<16xf32> to vector<1x16xf32>
        tpu.vector_store %arg7[%swap3A_946, %swap3A_947], %swap3A_950 {strides = array<i32>} : memref<16x1024xf32, #tpu.memory_space<vmem>>, vector<1x16xf32>,
        %get3A_951 = arith.index_cast %scan3A_182 : i32 to index
        %get3A_952 = arith.constant 880 : index
        %get3A_953 = tpu.vector_load %arg7[%get3A_951, %get3A_952] {strides = array<i32>} : memref<16x1024xf32, #tpu.memory_space<vmem>>, vector<1x16xf32>,
        %get3A_954 = vector.shape_cast %get3A_953 : vector<1x16xf32> to vector<16xf32>
        %get3A_955 = arith.index_cast %scan3A_182 : i32 to index
        %get3A_956 = arith.constant 880 : index
        %get3A_957 = tpu.vector_load %arg6[%get3A_955, %get3A_956] {strides = array<i32>} : memref<16x1024xf32, #tpu.memory_space<vmem>>, vector<1x16xf32>,
        %get3A_958 = vector.shape_cast %get3A_957 : vector<1x16xf32> to vector<16xf32>
        %add3A_959 = arith.addf %get3A_954, %get3A_958 : vector<16xf32>
        %swap3A_960 = arith.index_cast %scan3A_182 : i32 to index
        %swap3A_961 = arith.constant 880 : index
        %swap3A_962 = tpu.vector_load %arg7[%swap3A_960, %swap3A_961] {strides = array<i32>} : memref<16x1024xf32, #tpu.memory_space<vmem>>, vector<1x16xf32>,
        %swap3A_963 = vector.shape_cast %swap3A_962 : vector<1x16xf32> to vector<16xf32>
        %swap3A_964 = vector.shape_cast %add3A_959 : vector<16xf32> to vector<1x16xf32>
        tpu.vector_store %arg7[%swap3A_960, %swap3A_961], %swap3A_964 {strides = array<i32>} : memref<16x1024xf32, #tpu.memory_space<vmem>>, vector<1x16xf32>,
        %get3A_965 = arith.index_cast %scan3A_182 : i32 to index
        %get3A_966 = arith.constant 896 : index
        %get3A_967 = tpu.vector_load %arg7[%get3A_965, %get3A_966] {strides = array<i32>} : memref<16x1024xf32, #tpu.memory_space<vmem>>, vector<1x16xf32>,
        %get3A_968 = vector.shape_cast %get3A_967 : vector<1x16xf32> to vector<16xf32>
        %get3A_969 = arith.index_cast %scan3A_182 : i32 to index
        %get3A_970 = arith.constant 896 : index
        %get3A_971 = tpu.vector_load %arg6[%get3A_969, %get3A_970] {strides = array<i32>} : memref<16x1024xf32, #tpu.memory_space<vmem>>, vector<1x16xf32>,
        %get3A_972 = vector.shape_cast %get3A_971 : vector<1x16xf32> to vector<16xf32>
        %add3A_973 = arith.addf %get3A_968, %get3A_972 : vector<16xf32>
        %swap3A_974 = arith.index_cast %scan3A_182 : i32 to index
        %swap3A_975 = arith.constant 896 : index
        %swap3A_976 = tpu.vector_load %arg7[%swap3A_974, %swap3A_975] {strides = array<i32>} : memref<16x1024xf32, #tpu.memory_space<vmem>>, vector<1x16xf32>,
        %swap3A_977 = vector.shape_cast %swap3A_976 : vector<1x16xf32> to vector<16xf32>
        %swap3A_978 = vector.shape_cast %add3A_973 : vector<16xf32> to vector<1x16xf32>
        tpu.vector_store %arg7[%swap3A_974, %swap3A_975], %swap3A_978 {strides = array<i32>} : memref<16x1024xf32, #tpu.memory_space<vmem>>, vector<1x16xf32>,
        %get3A_979 = arith.index_cast %scan3A_182 : i32 to index
        %get3A_980 = arith.constant 912 : index
        %get3A_981 = tpu.vector_load %arg7[%get3A_979, %get3A_980] {strides = array<i32>} : memref<16x1024xf32, #tpu.memory_space<vmem>>, vector<1x16xf32>,
        %get3A_982 = vector.shape_cast %get3A_981 : vector<1x16xf32> to vector<16xf32>
        %get3A_983 = arith.index_cast %scan3A_182 : i32 to index
        %get3A_984 = arith.constant 912 : index
        %get3A_985 = tpu.vector_load %arg6[%get3A_983, %get3A_984] {strides = array<i32>} : memref<16x1024xf32, #tpu.memory_space<vmem>>, vector<1x16xf32>,
        %get3A_986 = vector.shape_cast %get3A_985 : vector<1x16xf32> to vector<16xf32>
        %add3A_987 = arith.addf %get3A_982, %get3A_986 : vector<16xf32>
        %swap3A_988 = arith.index_cast %scan3A_182 : i32 to index
        %swap3A_989 = arith.constant 912 : index
        %swap3A_990 = tpu.vector_load %arg7[%swap3A_988, %swap3A_989] {strides = array<i32>} : memref<16x1024xf32, #tpu.memory_space<vmem>>, vector<1x16xf32>,
        %swap3A_991 = vector.shape_cast %swap3A_990 : vector<1x16xf32> to vector<16xf32>
        %swap3A_992 = vector.shape_cast %add3A_987 : vector<16xf32> to vector<1x16xf32>
        tpu.vector_store %arg7[%swap3A_988, %swap3A_989], %swap3A_992 {strides = array<i32>} : memref<16x1024xf32, #tpu.memory_space<vmem>>, vector<1x16xf32>,
        %get3A_993 = arith.index_cast %scan3A_182 : i32 to index
        %get3A_994 = arith.constant 928 : index
        %get3A_995 = tpu.vector_load %arg7[%get3A_993, %get3A_994] {strides = array<i32>} : memref<16x1024xf32, #tpu.memory_space<vmem>>, vector<1x16xf32>,
        %get3A_996 = vector.shape_cast %get3A_995 : vector<1x16xf32> to vector<16xf32>
        %get3A_997 = arith.index_cast %scan3A_182 : i32 to index
        %get3A_998 = arith.constant 928 : index
        %get3A_999 = tpu.vector_load %arg6[%get3A_997, %get3A_998] {strides = array<i32>} : memref<16x1024xf32, #tpu.memory_space<vmem>>, vector<1x16xf32>,
        %get3A_1000 = vector.shape_cast %get3A_999 : vector<1x16xf32> to vector<16xf32>
        %add3A_1001 = arith.addf %get3A_996, %get3A_1000 : vector<16xf32>
        %swap3A_1002 = arith.index_cast %scan3A_182 : i32 to index
        %swap3A_1003 = arith.constant 928 : index
        %swap3A_1004 = tpu.vector_load %arg7[%swap3A_1002, %swap3A_1003] {strides = array<i32>} : memref<16x1024xf32, #tpu.memory_space<vmem>>, vector<1x16xf32>,
        %swap3A_1005 = vector.shape_cast %swap3A_1004 : vector<1x16xf32> to vector<16xf32>
        %swap3A_1006 = vector.shape_cast %add3A_1001 : vector<16xf32> to vector<1x16xf32>
        tpu.vector_store %arg7[%swap3A_1002, %swap3A_1003], %swap3A_1006 {strides = array<i32>} : memref<16x1024xf32, #tpu.memory_space<vmem>>, vector<1x16xf32>,
        %get3A_1007 = arith.index_cast %scan3A_182 : i32 to index
        %get3A_1008 = arith.constant 944 : index
        %get3A_1009 = tpu.vector_load %arg7[%get3A_1007, %get3A_1008] {strides = array<i32>} : memref<16x1024xf32, #tpu.memory_space<vmem>>, vector<1x16xf32>,
        %get3A_1010 = vector.shape_cast %get3A_1009 : vector<1x16xf32> to vector<16xf32>
        %get3A_1011 = arith.index_cast %scan3A_182 : i32 to index
        %get3A_1012 = arith.constant 944 : index
        %get3A_1013 = tpu.vector_load %arg6[%get3A_1011, %get3A_1012] {strides = array<i32>} : memref<16x1024xf32, #tpu.memory_space<vmem>>, vector<1x16xf32>,
        %get3A_1014 = vector.shape_cast %get3A_1013 : vector<1x16xf32> to vector<16xf32>
        %add3A_1015 = arith.addf %get3A_1010, %get3A_1014 : vector<16xf32>
        %swap3A_1016 = arith.index_cast %scan3A_182 : i32 to index
        %swap3A_1017 = arith.constant 944 : index
        %swap3A_1018 = tpu.vector_load %arg7[%swap3A_1016, %swap3A_1017] {strides = array<i32>} : memref<16x1024xf32, #tpu.memory_space<vmem>>, vector<1x16xf32>,
        %swap3A_1019 = vector.shape_cast %swap3A_1018 : vector<1x16xf32> to vector<16xf32>
        %swap3A_1020 = vector.shape_cast %add3A_1015 : vector<16xf32> to vector<1x16xf32>
        tpu.vector_store %arg7[%swap3A_1016, %swap3A_1017], %swap3A_1020 {strides = array<i32>} : memref<16x1024xf32, #tpu.memory_space<vmem>>, vector<1x16xf32>,
        %get3A_1021 = arith.index_cast %scan3A_182 : i32 to index
        %get3A_1022 = arith.constant 960 : index
        %get3A_1023 = tpu.vector_load %arg7[%get3A_1021, %get3A_1022] {strides = array<i32>} : memref<16x1024xf32, #tpu.memory_space<vmem>>, vector<1x16xf32>,
        %get3A_1024 = vector.shape_cast %get3A_1023 : vector<1x16xf32> to vector<16xf32>
        %get3A_1025 = arith.index_cast %scan3A_182 : i32 to index
        %get3A_1026 = arith.constant 960 : index
        %get3A_1027 = tpu.vector_load %arg6[%get3A_1025, %get3A_1026] {strides = array<i32>} : memref<16x1024xf32, #tpu.memory_space<vmem>>, vector<1x16xf32>,
        %get3A_1028 = vector.shape_cast %get3A_1027 : vector<1x16xf32> to vector<16xf32>
        %add3A_1029 = arith.addf %get3A_1024, %get3A_1028 : vector<16xf32>
        %swap3A_1030 = arith.index_cast %scan3A_182 : i32 to index
        %swap3A_1031 = arith.constant 960 : index
        %swap3A_1032 = tpu.vector_load %arg7[%swap3A_1030, %swap3A_1031] {strides = array<i32>} : memref<16x1024xf32, #tpu.memory_space<vmem>>, vector<1x16xf32>,
        %swap3A_1033 = vector.shape_cast %swap3A_1032 : vector<1x16xf32> to vector<16xf32>
        %swap3A_1034 = vector.shape_cast %add3A_1029 : vector<16xf32> to vector<1x16xf32>
        tpu.vector_store %arg7[%swap3A_1030, %swap3A_1031], %swap3A_1034 {strides = array<i32>} : memref<16x1024xf32, #tpu.memory_space<vmem>>, vector<1x16xf32>,
        %get3A_1035 = arith.index_cast %scan3A_182 : i32 to index
        %get3A_1036 = arith.constant 976 : index
        %get3A_1037 = tpu.vector_load %arg7[%get3A_1035, %get3A_1036] {strides = array<i32>} : memref<16x1024xf32, #tpu.memory_space<vmem>>, vector<1x16xf32>,
        %get3A_1038 = vector.shape_cast %get3A_1037 : vector<1x16xf32> to vector<16xf32>
        %get3A_1039 = arith.index_cast %scan3A_182 : i32 to index
        %get3A_1040 = arith.constant 976 : index
        %get3A_1041 = tpu.vector_load %arg6[%get3A_1039, %get3A_1040] {strides = array<i32>} : memref<16x1024xf32, #tpu.memory_space<vmem>>, vector<1x16xf32>,
        %get3A_1042 = vector.shape_cast %get3A_1041 : vector<1x16xf32> to vector<16xf32>
        %add3A_1043 = arith.addf %get3A_1038, %get3A_1042 : vector<16xf32>
        %swap3A_1044 = arith.index_cast %scan3A_182 : i32 to index
        %swap3A_1045 = arith.constant 976 : index
        %swap3A_1046 = tpu.vector_load %arg7[%swap3A_1044, %swap3A_1045] {strides = array<i32>} : memref<16x1024xf32, #tpu.memory_space<vmem>>, vector<1x16xf32>,
        %swap3A_1047 = vector.shape_cast %swap3A_1046 : vector<1x16xf32> to vector<16xf32>
        %swap3A_1048 = vector.shape_cast %add3A_1043 : vector<16xf32> to vector<1x16xf32>
        tpu.vector_store %arg7[%swap3A_1044, %swap3A_1045], %swap3A_1048 {strides = array<i32>} : memref<16x1024xf32, #tpu.memory_space<vmem>>, vector<1x16xf32>,
        %get3A_1049 = arith.index_cast %scan3A_182 : i32 to index
        %get3A_1050 = arith.constant 992 : index
        %get3A_1051 = tpu.vector_load %arg7[%get3A_1049, %get3A_1050] {strides = array<i32>} : memref<16x1024xf32, #tpu.memory_space<vmem>>, vector<1x16xf32>,
        %get3A_1052 = vector.shape_cast %get3A_1051 : vector<1x16xf32> to vector<16xf32>
        %get3A_1053 = arith.index_cast %scan3A_182 : i32 to index
        %get3A_1054 = arith.constant 992 : index
        %get3A_1055 = tpu.vector_load %arg6[%get3A_1053, %get3A_1054] {strides = array<i32>} : memref<16x1024xf32, #tpu.memory_space<vmem>>, vector<1x16xf32>,
        %get3A_1056 = vector.shape_cast %get3A_1055 : vector<1x16xf32> to vector<16xf32>
        %add3A_1057 = arith.addf %get3A_1052, %get3A_1056 : vector<16xf32>
        %swap3A_1058 = arith.index_cast %scan3A_182 : i32 to index
        %swap3A_1059 = arith.constant 992 : index
        %swap3A_1060 = tpu.vector_load %arg7[%swap3A_1058, %swap3A_1059] {strides = array<i32>} : memref<16x1024xf32, #tpu.memory_space<vmem>>, vector<1x16xf32>,
        %swap3A_1061 = vector.shape_cast %swap3A_1060 : vector<1x16xf32> to vector<16xf32>
        %swap3A_1062 = vector.shape_cast %add3A_1057 : vector<16xf32> to vector<1x16xf32>
        tpu.vector_store %arg7[%swap3A_1058, %swap3A_1059], %swap3A_1062 {strides = array<i32>} : memref<16x1024xf32, #tpu.memory_space<vmem>>, vector<1x16xf32>,
        %get3A_1063 = arith.index_cast %scan3A_182 : i32 to index
        %get3A_1064 = arith.constant 1008 : index
        %get3A_1065 = tpu.vector_load %arg7[%get3A_1063, %get3A_1064] {strides = array<i32>} : memref<16x1024xf32, #tpu.memory_space<vmem>>, vector<1x16xf32>,
        %get3A_1066 = vector.shape_cast %get3A_1065 : vector<1x16xf32> to vector<16xf32>
        %get3A_1067 = arith.index_cast %scan3A_182 : i32 to index
        %get3A_1068 = arith.constant 1008 : index
        %get3A_1069 = tpu.vector_load %arg6[%get3A_1067, %get3A_1068] {strides = array<i32>} : memref<16x1024xf32, #tpu.memory_space<vmem>>, vector<1x16xf32>,
        %get3A_1070 = vector.shape_cast %get3A_1069 : vector<1x16xf32> to vector<16xf32>
        %add3A_1071 = arith.addf %get3A_1066, %get3A_1070 : vector<16xf32>
        %swap3A_1072 = arith.index_cast %scan3A_182 : i32 to index
        %swap3A_1073 = arith.constant 1008 : index
        %swap3A_1074 = tpu.vector_load %arg7[%swap3A_1072, %swap3A_1073] {strides = array<i32>} : memref<16x1024xf32, #tpu.memory_space<vmem>>, vector<1x16xf32>,
        %swap3A_1075 = vector.shape_cast %swap3A_1074 : vector<1x16xf32> to vector<16xf32>
        %swap3A_1076 = vector.shape_cast %add3A_1071 : vector<16xf32> to vector<1x16xf32>
        tpu.vector_store %arg7[%swap3A_1072, %swap3A_1073], %swap3A_1076 {strides = array<i32>} : memref<16x1024xf32, #tpu.memory_space<vmem>>, vector<1x16xf32>,
      }
      %scan3A_86 = arith.constant 16 : i32
      %dma_start3A_87 = arith.constant 0 : i32
      %dma_start3A_88 = arith.constant 0 : i32
      %dma_start3A_89 = tpu.memref_slice %arg4[%dma_start3A_87, %select_n3A, %add3A_41, %dma_start3A_88] : memref<4x12x1024x1024xf32, #tpu.memory_space<hbm>> -> memref<1x1x16x1024xf32, #tpu.memory_space<hbm>>
      %dma_start3A_90 = tpu.memref_squeeze %dma_start3A_89 : memref<1x1x16x1024xf32, #tpu.memory_space<hbm>> -> memref<16x1024xf32, #tpu.memory_space<hbm>>
      %dma_start3A_91 = arith.constant 0 : i32
      %dma_start3A_92 = tpu.memref_slice %arg4[%dma_start3A_87, %select_n3A, %add3A_41, %dma_start3A_91] : memref<4x12x1024x1024xf32, #tpu.memory_space<hbm>> -> memref<1x1x16x1024xf32, #tpu.memory_space<hbm>>
      %dma_start3A_93 = tpu.memref_squeeze %dma_start3A_92 : memref<1x1x16x1024xf32, #tpu.memory_space<hbm>> -> memref<16x1024xf32, #tpu.memory_space<hbm>>
      tpu.enqueue_dma source(%arg7 : memref<16x1024xf32, #tpu.memory_space<vmem>>) target(%dma_start3A_93 : memref<16x1024xf32, #tpu.memory_space<hbm>>) target_semaphore(%arg15 : memref<!tpu.dma_semaphore, #tpu.memory_space<semaphore_mem>>)
      %dma_wait3A_94 = arith.constant 1 : i32
      %dma_wait3A_95 = arith.constant 0 : i32
      %dma_wait3A_96 = tpu.memref_slice %arg3[%dma_wait3A_94, %select_n3A, %add3A_41, %dma_wait3A_95] : memref<4x12x1024x1024xf32, #tpu.memory_space<hbm>> -> memref<1x1x16x1024xf32, #tpu.memory_space<hbm>>
      %dma_wait3A_97 = tpu.memref_squeeze %dma_wait3A_96 : memref<1x1x16x1024xf32, #tpu.memory_space<hbm>> -> memref<16x1024xf32, #tpu.memory_space<hbm>>
      %dma_wait3A_98 = arith.constant 0 : i32
      %dma_wait3A_99 = tpu.memref_slice %arg3[%dma_wait3A_94, %select_n3A, %add3A_41, %dma_wait3A_98] : memref<4x12x1024x1024xf32, #tpu.memory_space<hbm>> -> memref<1x1x16x1024xf32, #tpu.memory_space<hbm>>
      %dma_wait3A_100 = tpu.memref_squeeze %dma_wait3A_99 : memref<1x1x16x1024xf32, #tpu.memory_space<hbm>> -> memref<16x1024xf32, #tpu.memory_space<hbm>>
      tpu.wait_dma2 semaphore(%arg12 : memref<!tpu.dma_semaphore, #tpu.memory_space<semaphore_mem>>) src(%dma_wait3A_100 : memref<16x1024xf32, #tpu.memory_space<hbm>>) dst(%arg8 : memref<16x1024xf32, #tpu.memory_space<vmem>>)
      %scan3A_101 = arith.constant 0 : i32
      %scan3A_102 = arith.constant 0 : i32
      %scan3A_103 = arith.constant 16 : i32
      %scan3A_104 = arith.addi %scan3A_102, %scan3A_103 : i32
      %scan3A_105 = arith.constant 1 : i32
      scf.for %scan3A_182 = %scan3A_102 to %scan3A_104 step %scan3A_105  : i32 {
        %get3A = arith.index_cast %scan3A_182 : i32 to index
        %get3A_183 = arith.constant 0 : index
        %get3A_184 = tpu.vector_load %arg8[%get3A, %get3A_183] {strides = array<i32>} : memref<16x1024xf32, #tpu.memory_space<vmem>>, vector<1x16xf32>,
        %get3A_185 = vector.shape_cast %get3A_184 : vector<1x16xf32> to vector<16xf32>
        %get3A_186 = arith.index_cast %scan3A_182 : i32 to index
        %get3A_187 = arith.constant 0 : index
        %get3A_188 = tpu.vector_load %arg6[%get3A_186, %get3A_187] {strides = array<i32>} : memref<16x1024xf32, #tpu.memory_space<vmem>>, vector<1x16xf32>,
        %get3A_189 = vector.shape_cast %get3A_188 : vector<1x16xf32> to vector<16xf32>
        %add3A_190 = arith.addf %get3A_185, %get3A_189 : vector<16xf32>
        %swap3A = arith.index_cast %scan3A_182 : i32 to index
        %swap3A_191 = arith.constant 0 : index
        %swap3A_192 = tpu.vector_load %arg8[%swap3A, %swap3A_191] {strides = array<i32>} : memref<16x1024xf32, #tpu.memory_space<vmem>>, vector<1x16xf32>,
        %swap3A_193 = vector.shape_cast %swap3A_192 : vector<1x16xf32> to vector<16xf32>
        %swap3A_194 = vector.shape_cast %add3A_190 : vector<16xf32> to vector<1x16xf32>
        tpu.vector_store %arg8[%swap3A, %swap3A_191], %swap3A_194 {strides = array<i32>} : memref<16x1024xf32, #tpu.memory_space<vmem>>, vector<1x16xf32>,
        %get3A_195 = arith.index_cast %scan3A_182 : i32 to index
        %get3A_196 = arith.constant 16 : index
        %get3A_197 = tpu.vector_load %arg8[%get3A_195, %get3A_196] {strides = array<i32>} : memref<16x1024xf32, #tpu.memory_space<vmem>>, vector<1x16xf32>,
        %get3A_198 = vector.shape_cast %get3A_197 : vector<1x16xf32> to vector<16xf32>
        %get3A_199 = arith.index_cast %scan3A_182 : i32 to index
        %get3A_200 = arith.constant 16 : index
        %get3A_201 = tpu.vector_load %arg6[%get3A_199, %get3A_200] {strides = array<i32>} : memref<16x1024xf32, #tpu.memory_space<vmem>>, vector<1x16xf32>,
        %get3A_202 = vector.shape_cast %get3A_201 : vector<1x16xf32> to vector<16xf32>
        %add3A_203 = arith.addf %get3A_198, %get3A_202 : vector<16xf32>
        %swap3A_204 = arith.index_cast %scan3A_182 : i32 to index
        %swap3A_205 = arith.constant 16 : index
        %swap3A_206 = tpu.vector_load %arg8[%swap3A_204, %swap3A_205] {strides = array<i32>} : memref<16x1024xf32, #tpu.memory_space<vmem>>, vector<1x16xf32>,
        %swap3A_207 = vector.shape_cast %swap3A_206 : vector<1x16xf32> to vector<16xf32>
        %swap3A_208 = vector.shape_cast %add3A_203 : vector<16xf32> to vector<1x16xf32>
        tpu.vector_store %arg8[%swap3A_204, %swap3A_205], %swap3A_208 {strides = array<i32>} : memref<16x1024xf32, #tpu.memory_space<vmem>>, vector<1x16xf32>,
        %get3A_209 = arith.index_cast %scan3A_182 : i32 to index
        %get3A_210 = arith.constant 32 : index
        %get3A_211 = tpu.vector_load %arg8[%get3A_209, %get3A_210] {strides = array<i32>} : memref<16x1024xf32, #tpu.memory_space<vmem>>, vector<1x16xf32>,
        %get3A_212 = vector.shape_cast %get3A_211 : vector<1x16xf32> to vector<16xf32>
        %get3A_213 = arith.index_cast %scan3A_182 : i32 to index
        %get3A_214 = arith.constant 32 : index
        %get3A_215 = tpu.vector_load %arg6[%get3A_213, %get3A_214] {strides = array<i32>} : memref<16x1024xf32, #tpu.memory_space<vmem>>, vector<1x16xf32>,
        %get3A_216 = vector.shape_cast %get3A_215 : vector<1x16xf32> to vector<16xf32>
        %add3A_217 = arith.addf %get3A_212, %get3A_216 : vector<16xf32>
        %swap3A_218 = arith.index_cast %scan3A_182 : i32 to index
        %swap3A_219 = arith.constant 32 : index
        %swap3A_220 = tpu.vector_load %arg8[%swap3A_218, %swap3A_219] {strides = array<i32>} : memref<16x1024xf32, #tpu.memory_space<vmem>>, vector<1x16xf32>,
        %swap3A_221 = vector.shape_cast %swap3A_220 : vector<1x16xf32> to vector<16xf32>
        %swap3A_222 = vector.shape_cast %add3A_217 : vector<16xf32> to vector<1x16xf32>
        tpu.vector_store %arg8[%swap3A_218, %swap3A_219], %swap3A_222 {strides = array<i32>} : memref<16x1024xf32, #tpu.memory_space<vmem>>, vector<1x16xf32>,
        %get3A_223 = arith.index_cast %scan3A_182 : i32 to index
        %get3A_224 = arith.constant 48 : index
        %get3A_225 = tpu.vector_load %arg8[%get3A_223, %get3A_224] {strides = array<i32>} : memref<16x1024xf32, #tpu.memory_space<vmem>>, vector<1x16xf32>,
        %get3A_226 = vector.shape_cast %get3A_225 : vector<1x16xf32> to vector<16xf32>
        %get3A_227 = arith.index_cast %scan3A_182 : i32 to index
        %get3A_228 = arith.constant 48 : index
        %get3A_229 = tpu.vector_load %arg6[%get3A_227, %get3A_228] {strides = array<i32>} : memref<16x1024xf32, #tpu.memory_space<vmem>>, vector<1x16xf32>,
        %get3A_230 = vector.shape_cast %get3A_229 : vector<1x16xf32> to vector<16xf32>
        %add3A_231 = arith.addf %get3A_226, %get3A_230 : vector<16xf32>
        %swap3A_232 = arith.index_cast %scan3A_182 : i32 to index
        %swap3A_233 = arith.constant 48 : index
        %swap3A_234 = tpu.vector_load %arg8[%swap3A_232, %swap3A_233] {strides = array<i32>} : memref<16x1024xf32, #tpu.memory_space<vmem>>, vector<1x16xf32>,
        %swap3A_235 = vector.shape_cast %swap3A_234 : vector<1x16xf32> to vector<16xf32>
        %swap3A_236 = vector.shape_cast %add3A_231 : vector<16xf32> to vector<1x16xf32>
        tpu.vector_store %arg8[%swap3A_232, %swap3A_233], %swap3A_236 {strides = array<i32>} : memref<16x1024xf32, #tpu.memory_space<vmem>>, vector<1x16xf32>,
        %get3A_237 = arith.index_cast %scan3A_182 : i32 to index
        %get3A_238 = arith.constant 64 : index
        %get3A_239 = tpu.vector_load %arg8[%get3A_237, %get3A_238] {strides = array<i32>} : memref<16x1024xf32, #tpu.memory_space<vmem>>, vector<1x16xf32>,
        %get3A_240 = vector.shape_cast %get3A_239 : vector<1x16xf32> to vector<16xf32>
        %get3A_241 = arith.index_cast %scan3A_182 : i32 to index
        %get3A_242 = arith.constant 64 : index
        %get3A_243 = tpu.vector_load %arg6[%get3A_241, %get3A_242] {strides = array<i32>} : memref<16x1024xf32, #tpu.memory_space<vmem>>, vector<1x16xf32>,
        %get3A_244 = vector.shape_cast %get3A_243 : vector<1x16xf32> to vector<16xf32>
        %add3A_245 = arith.addf %get3A_240, %get3A_244 : vector<16xf32>
        %swap3A_246 = arith.index_cast %scan3A_182 : i32 to index
        %swap3A_247 = arith.constant 64 : index
        %swap3A_248 = tpu.vector_load %arg8[%swap3A_246, %swap3A_247] {strides = array<i32>} : memref<16x1024xf32, #tpu.memory_space<vmem>>, vector<1x16xf32>,
        %swap3A_249 = vector.shape_cast %swap3A_248 : vector<1x16xf32> to vector<16xf32>
        %swap3A_250 = vector.shape_cast %add3A_245 : vector<16xf32> to vector<1x16xf32>
        tpu.vector_store %arg8[%swap3A_246, %swap3A_247], %swap3A_250 {strides = array<i32>} : memref<16x1024xf32, #tpu.memory_space<vmem>>, vector<1x16xf32>,
        %get3A_251 = arith.index_cast %scan3A_182 : i32 to index
        %get3A_252 = arith.constant 80 : index
        %get3A_253 = tpu.vector_load %arg8[%get3A_251, %get3A_252] {strides = array<i32>} : memref<16x1024xf32, #tpu.memory_space<vmem>>, vector<1x16xf32>,
        %get3A_254 = vector.shape_cast %get3A_253 : vector<1x16xf32> to vector<16xf32>
        %get3A_255 = arith.index_cast %scan3A_182 : i32 to index
        %get3A_256 = arith.constant 80 : index
        %get3A_257 = tpu.vector_load %arg6[%get3A_255, %get3A_256] {strides = array<i32>} : memref<16x1024xf32, #tpu.memory_space<vmem>>, vector<1x16xf32>,
        %get3A_258 = vector.shape_cast %get3A_257 : vector<1x16xf32> to vector<16xf32>
        %add3A_259 = arith.addf %get3A_254, %get3A_258 : vector<16xf32>
        %swap3A_260 = arith.index_cast %scan3A_182 : i32 to index
        %swap3A_261 = arith.constant 80 : index
        %swap3A_262 = tpu.vector_load %arg8[%swap3A_260, %swap3A_261] {strides = array<i32>} : memref<16x1024xf32, #tpu.memory_space<vmem>>, vector<1x16xf32>,
        %swap3A_263 = vector.shape_cast %swap3A_262 : vector<1x16xf32> to vector<16xf32>
        %swap3A_264 = vector.shape_cast %add3A_259 : vector<16xf32> to vector<1x16xf32>
        tpu.vector_store %arg8[%swap3A_260, %swap3A_261], %swap3A_264 {strides = array<i32>} : memref<16x1024xf32, #tpu.memory_space<vmem>>, vector<1x16xf32>,
        %get3A_265 = arith.index_cast %scan3A_182 : i32 to index
        %get3A_266 = arith.constant 96 : index
        %get3A_267 = tpu.vector_load %arg8[%get3A_265, %get3A_266] {strides = array<i32>} : memref<16x1024xf32, #tpu.memory_space<vmem>>, vector<1x16xf32>,
        %get3A_268 = vector.shape_cast %get3A_267 : vector<1x16xf32> to vector<16xf32>
        %get3A_269 = arith.index_cast %scan3A_182 : i32 to index
        %get3A_270 = arith.constant 96 : index
        %get3A_271 = tpu.vector_load %arg6[%get3A_269, %get3A_270] {strides = array<i32>} : memref<16x1024xf32, #tpu.memory_space<vmem>>, vector<1x16xf32>,
        %get3A_272 = vector.shape_cast %get3A_271 : vector<1x16xf32> to vector<16xf32>
        %add3A_273 = arith.addf %get3A_268, %get3A_272 : vector<16xf32>
        %swap3A_274 = arith.index_cast %scan3A_182 : i32 to index
        %swap3A_275 = arith.constant 96 : index
        %swap3A_276 = tpu.vector_load %arg8[%swap3A_274, %swap3A_275] {strides = array<i32>} : memref<16x1024xf32, #tpu.memory_space<vmem>>, vector<1x16xf32>,
        %swap3A_277 = vector.shape_cast %swap3A_276 : vector<1x16xf32> to vector<16xf32>
        %swap3A_278 = vector.shape_cast %add3A_273 : vector<16xf32> to vector<1x16xf32>
        tpu.vector_store %arg8[%swap3A_274, %swap3A_275], %swap3A_278 {strides = array<i32>} : memref<16x1024xf32, #tpu.memory_space<vmem>>, vector<1x16xf32>,
        %get3A_279 = arith.index_cast %scan3A_182 : i32 to index
        %get3A_280 = arith.constant 112 : index
        %get3A_281 = tpu.vector_load %arg8[%get3A_279, %get3A_280] {strides = array<i32>} : memref<16x1024xf32, #tpu.memory_space<vmem>>, vector<1x16xf32>,
        %get3A_282 = vector.shape_cast %get3A_281 : vector<1x16xf32> to vector<16xf32>
        %get3A_283 = arith.index_cast %scan3A_182 : i32 to index
        %get3A_284 = arith.constant 112 : index
        %get3A_285 = tpu.vector_load %arg6[%get3A_283, %get3A_284] {strides = array<i32>} : memref<16x1024xf32, #tpu.memory_space<vmem>>, vector<1x16xf32>,
        %get3A_286 = vector.shape_cast %get3A_285 : vector<1x16xf32> to vector<16xf32>
        %add3A_287 = arith.addf %get3A_282, %get3A_286 : vector<16xf32>
        %swap3A_288 = arith.index_cast %scan3A_182 : i32 to index
        %swap3A_289 = arith.constant 112 : index
        %swap3A_290 = tpu.vector_load %arg8[%swap3A_288, %swap3A_289] {strides = array<i32>} : memref<16x1024xf32, #tpu.memory_space<vmem>>, vector<1x16xf32>,
        %swap3A_291 = vector.shape_cast %swap3A_290 : vector<1x16xf32> to vector<16xf32>
        %swap3A_292 = vector.shape_cast %add3A_287 : vector<16xf32> to vector<1x16xf32>
        tpu.vector_store %arg8[%swap3A_288, %swap3A_289], %swap3A_292 {strides = array<i32>} : memref<16x1024xf32, #tpu.memory_space<vmem>>, vector<1x16xf32>,
        %get3A_293 = arith.index_cast %scan3A_182 : i32 to index
        %get3A_294 = arith.constant 128 : index
        %get3A_295 = tpu.vector_load %arg8[%get3A_293, %get3A_294] {strides = array<i32>} : memref<16x1024xf32, #tpu.memory_space<vmem>>, vector<1x16xf32>,
        %get3A_296 = vector.shape_cast %get3A_295 : vector<1x16xf32> to vector<16xf32>
        %get3A_297 = arith.index_cast %scan3A_182 : i32 to index
        %get3A_298 = arith.constant 128 : index
        %get3A_299 = tpu.vector_load %arg6[%get3A_297, %get3A_298] {strides = array<i32>} : memref<16x1024xf32, #tpu.memory_space<vmem>>, vector<1x16xf32>,
        %get3A_300 = vector.shape_cast %get3A_299 : vector<1x16xf32> to vector<16xf32>
        %add3A_301 = arith.addf %get3A_296, %get3A_300 : vector<16xf32>
        %swap3A_302 = arith.index_cast %scan3A_182 : i32 to index
        %swap3A_303 = arith.constant 128 : index
        %swap3A_304 = tpu.vector_load %arg8[%swap3A_302, %swap3A_303] {strides = array<i32>} : memref<16x1024xf32, #tpu.memory_space<vmem>>, vector<1x16xf32>,
        %swap3A_305 = vector.shape_cast %swap3A_304 : vector<1x16xf32> to vector<16xf32>
        %swap3A_306 = vector.shape_cast %add3A_301 : vector<16xf32> to vector<1x16xf32>
        tpu.vector_store %arg8[%swap3A_302, %swap3A_303], %swap3A_306 {strides = array<i32>} : memref<16x1024xf32, #tpu.memory_space<vmem>>, vector<1x16xf32>,
        %get3A_307 = arith.index_cast %scan3A_182 : i32 to index
        %get3A_308 = arith.constant 144 : index
        %get3A_309 = tpu.vector_load %arg8[%get3A_307, %get3A_308] {strides = array<i32>} : memref<16x1024xf32, #tpu.memory_space<vmem>>, vector<1x16xf32>,
        %get3A_310 = vector.shape_cast %get3A_309 : vector<1x16xf32> to vector<16xf32>
        %get3A_311 = arith.index_cast %scan3A_182 : i32 to index
        %get3A_312 = arith.constant 144 : index
        %get3A_313 = tpu.vector_load %arg6[%get3A_311, %get3A_312] {strides = array<i32>} : memref<16x1024xf32, #tpu.memory_space<vmem>>, vector<1x16xf32>,
        %get3A_314 = vector.shape_cast %get3A_313 : vector<1x16xf32> to vector<16xf32>
        %add3A_315 = arith.addf %get3A_310, %get3A_314 : vector<16xf32>
        %swap3A_316 = arith.index_cast %scan3A_182 : i32 to index
        %swap3A_317 = arith.constant 144 : index
        %swap3A_318 = tpu.vector_load %arg8[%swap3A_316, %swap3A_317] {strides = array<i32>} : memref<16x1024xf32, #tpu.memory_space<vmem>>, vector<1x16xf32>,
        %swap3A_319 = vector.shape_cast %swap3A_318 : vector<1x16xf32> to vector<16xf32>
        %swap3A_320 = vector.shape_cast %add3A_315 : vector<16xf32> to vector<1x16xf32>
        tpu.vector_store %arg8[%swap3A_316, %swap3A_317], %swap3A_320 {strides = array<i32>} : memref<16x1024xf32, #tpu.memory_space<vmem>>, vector<1x16xf32>,
        %get3A_321 = arith.index_cast %scan3A_182 : i32 to index
        %get3A_322 = arith.constant 160 : index
        %get3A_323 = tpu.vector_load %arg8[%get3A_321, %get3A_322] {strides = array<i32>} : memref<16x1024xf32, #tpu.memory_space<vmem>>, vector<1x16xf32>,
        %get3A_324 = vector.shape_cast %get3A_323 : vector<1x16xf32> to vector<16xf32>
        %get3A_325 = arith.index_cast %scan3A_182 : i32 to index
        %get3A_326 = arith.constant 160 : index
        %get3A_327 = tpu.vector_load %arg6[%get3A_325, %get3A_326] {strides = array<i32>} : memref<16x1024xf32, #tpu.memory_space<vmem>>, vector<1x16xf32>,
        %get3A_328 = vector.shape_cast %get3A_327 : vector<1x16xf32> to vector<16xf32>
        %add3A_329 = arith.addf %get3A_324, %get3A_328 : vector<16xf32>
        %swap3A_330 = arith.index_cast %scan3A_182 : i32 to index
        %swap3A_331 = arith.constant 160 : index
        %swap3A_332 = tpu.vector_load %arg8[%swap3A_330, %swap3A_331] {strides = array<i32>} : memref<16x1024xf32, #tpu.memory_space<vmem>>, vector<1x16xf32>,
        %swap3A_333 = vector.shape_cast %swap3A_332 : vector<1x16xf32> to vector<16xf32>
        %swap3A_334 = vector.shape_cast %add3A_329 : vector<16xf32> to vector<1x16xf32>
        tpu.vector_store %arg8[%swap3A_330, %swap3A_331], %swap3A_334 {strides = array<i32>} : memref<16x1024xf32, #tpu.memory_space<vmem>>, vector<1x16xf32>,
        %get3A_335 = arith.index_cast %scan3A_182 : i32 to index
        %get3A_336 = arith.constant 176 : index
        %get3A_337 = tpu.vector_load %arg8[%get3A_335, %get3A_336] {strides = array<i32>} : memref<16x1024xf32, #tpu.memory_space<vmem>>, vector<1x16xf32>,
        %get3A_338 = vector.shape_cast %get3A_337 : vector<1x16xf32> to vector<16xf32>
        %get3A_339 = arith.index_cast %scan3A_182 : i32 to index
        %get3A_340 = arith.constant 176 : index
        %get3A_341 = tpu.vector_load %arg6[%get3A_339, %get3A_340] {strides = array<i32>} : memref<16x1024xf32, #tpu.memory_space<vmem>>, vector<1x16xf32>,
        %get3A_342 = vector.shape_cast %get3A_341 : vector<1x16xf32> to vector<16xf32>
        %add3A_343 = arith.addf %get3A_338, %get3A_342 : vector<16xf32>
        %swap3A_344 = arith.index_cast %scan3A_182 : i32 to index
        %swap3A_345 = arith.constant 176 : index
        %swap3A_346 = tpu.vector_load %arg8[%swap3A_344, %swap3A_345] {strides = array<i32>} : memref<16x1024xf32, #tpu.memory_space<vmem>>, vector<1x16xf32>,
        %swap3A_347 = vector.shape_cast %swap3A_346 : vector<1x16xf32> to vector<16xf32>
        %swap3A_348 = vector.shape_cast %add3A_343 : vector<16xf32> to vector<1x16xf32>
        tpu.vector_store %arg8[%swap3A_344, %swap3A_345], %swap3A_348 {strides = array<i32>} : memref<16x1024xf32, #tpu.memory_space<vmem>>, vector<1x16xf32>,
        %get3A_349 = arith.index_cast %scan3A_182 : i32 to index
        %get3A_350 = arith.constant 192 : index
        %get3A_351 = tpu.vector_load %arg8[%get3A_349, %get3A_350] {strides = array<i32>} : memref<16x1024xf32, #tpu.memory_space<vmem>>, vector<1x16xf32>,
        %get3A_352 = vector.shape_cast %get3A_351 : vector<1x16xf32> to vector<16xf32>
        %get3A_353 = arith.index_cast %scan3A_182 : i32 to index
        %get3A_354 = arith.constant 192 : index
        %get3A_355 = tpu.vector_load %arg6[%get3A_353, %get3A_354] {strides = array<i32>} : memref<16x1024xf32, #tpu.memory_space<vmem>>, vector<1x16xf32>,
        %get3A_356 = vector.shape_cast %get3A_355 : vector<1x16xf32> to vector<16xf32>
        %add3A_357 = arith.addf %get3A_352, %get3A_356 : vector<16xf32>
        %swap3A_358 = arith.index_cast %scan3A_182 : i32 to index
        %swap3A_359 = arith.constant 192 : index
        %swap3A_360 = tpu.vector_load %arg8[%swap3A_358, %swap3A_359] {strides = array<i32>} : memref<16x1024xf32, #tpu.memory_space<vmem>>, vector<1x16xf32>,
        %swap3A_361 = vector.shape_cast %swap3A_360 : vector<1x16xf32> to vector<16xf32>
        %swap3A_362 = vector.shape_cast %add3A_357 : vector<16xf32> to vector<1x16xf32>
        tpu.vector_store %arg8[%swap3A_358, %swap3A_359], %swap3A_362 {strides = array<i32>} : memref<16x1024xf32, #tpu.memory_space<vmem>>, vector<1x16xf32>,
        %get3A_363 = arith.index_cast %scan3A_182 : i32 to index
        %get3A_364 = arith.constant 208 : index
        %get3A_365 = tpu.vector_load %arg8[%get3A_363, %get3A_364] {strides = array<i32>} : memref<16x1024xf32, #tpu.memory_space<vmem>>, vector<1x16xf32>,
        %get3A_366 = vector.shape_cast %get3A_365 : vector<1x16xf32> to vector<16xf32>
        %get3A_367 = arith.index_cast %scan3A_182 : i32 to index
        %get3A_368 = arith.constant 208 : index
        %get3A_369 = tpu.vector_load %arg6[%get3A_367, %get3A_368] {strides = array<i32>} : memref<16x1024xf32, #tpu.memory_space<vmem>>, vector<1x16xf32>,
        %get3A_370 = vector.shape_cast %get3A_369 : vector<1x16xf32> to vector<16xf32>
        %add3A_371 = arith.addf %get3A_366, %get3A_370 : vector<16xf32>
        %swap3A_372 = arith.index_cast %scan3A_182 : i32 to index
        %swap3A_373 = arith.constant 208 : index
        %swap3A_374 = tpu.vector_load %arg8[%swap3A_372, %swap3A_373] {strides = array<i32>} : memref<16x1024xf32, #tpu.memory_space<vmem>>, vector<1x16xf32>,
        %swap3A_375 = vector.shape_cast %swap3A_374 : vector<1x16xf32> to vector<16xf32>
        %swap3A_376 = vector.shape_cast %add3A_371 : vector<16xf32> to vector<1x16xf32>
        tpu.vector_store %arg8[%swap3A_372, %swap3A_373], %swap3A_376 {strides = array<i32>} : memref<16x1024xf32, #tpu.memory_space<vmem>>, vector<1x16xf32>,
        %get3A_377 = arith.index_cast %scan3A_182 : i32 to index
        %get3A_378 = arith.constant 224 : index
        %get3A_379 = tpu.vector_load %arg8[%get3A_377, %get3A_378] {strides = array<i32>} : memref<16x1024xf32, #tpu.memory_space<vmem>>, vector<1x16xf32>,
        %get3A_380 = vector.shape_cast %get3A_379 : vector<1x16xf32> to vector<16xf32>
        %get3A_381 = arith.index_cast %scan3A_182 : i32 to index
        %get3A_382 = arith.constant 224 : index
        %get3A_383 = tpu.vector_load %arg6[%get3A_381, %get3A_382] {strides = array<i32>} : memref<16x1024xf32, #tpu.memory_space<vmem>>, vector<1x16xf32>,
        %get3A_384 = vector.shape_cast %get3A_383 : vector<1x16xf32> to vector<16xf32>
        %add3A_385 = arith.addf %get3A_380, %get3A_384 : vector<16xf32>
        %swap3A_386 = arith.index_cast %scan3A_182 : i32 to index
        %swap3A_387 = arith.constant 224 : index
        %swap3A_388 = tpu.vector_load %arg8[%swap3A_386, %swap3A_387] {strides = array<i32>} : memref<16x1024xf32, #tpu.memory_space<vmem>>, vector<1x16xf32>,
        %swap3A_389 = vector.shape_cast %swap3A_388 : vector<1x16xf32> to vector<16xf32>
        %swap3A_390 = vector.shape_cast %add3A_385 : vector<16xf32> to vector<1x16xf32>
        tpu.vector_store %arg8[%swap3A_386, %swap3A_387], %swap3A_390 {strides = array<i32>} : memref<16x1024xf32, #tpu.memory_space<vmem>>, vector<1x16xf32>,
        %get3A_391 = arith.index_cast %scan3A_182 : i32 to index
        %get3A_392 = arith.constant 240 : index
        %get3A_393 = tpu.vector_load %arg8[%get3A_391, %get3A_392] {strides = array<i32>} : memref<16x1024xf32, #tpu.memory_space<vmem>>, vector<1x16xf32>,
        %get3A_394 = vector.shape_cast %get3A_393 : vector<1x16xf32> to vector<16xf32>
        %get3A_395 = arith.index_cast %scan3A_182 : i32 to index
        %get3A_396 = arith.constant 240 : index
        %get3A_397 = tpu.vector_load %arg6[%get3A_395, %get3A_396] {strides = array<i32>} : memref<16x1024xf32, #tpu.memory_space<vmem>>, vector<1x16xf32>,
        %get3A_398 = vector.shape_cast %get3A_397 : vector<1x16xf32> to vector<16xf32>
        %add3A_399 = arith.addf %get3A_394, %get3A_398 : vector<16xf32>
        %swap3A_400 = arith.index_cast %scan3A_182 : i32 to index
        %swap3A_401 = arith.constant 240 : index
        %swap3A_402 = tpu.vector_load %arg8[%swap3A_400, %swap3A_401] {strides = array<i32>} : memref<16x1024xf32, #tpu.memory_space<vmem>>, vector<1x16xf32>,
        %swap3A_403 = vector.shape_cast %swap3A_402 : vector<1x16xf32> to vector<16xf32>
        %swap3A_404 = vector.shape_cast %add3A_399 : vector<16xf32> to vector<1x16xf32>
        tpu.vector_store %arg8[%swap3A_400, %swap3A_401], %swap3A_404 {strides = array<i32>} : memref<16x1024xf32, #tpu.memory_space<vmem>>, vector<1x16xf32>,
        %get3A_405 = arith.index_cast %scan3A_182 : i32 to index
        %get3A_406 = arith.constant 256 : index
        %get3A_407 = tpu.vector_load %arg8[%get3A_405, %get3A_406] {strides = array<i32>} : memref<16x1024xf32, #tpu.memory_space<vmem>>, vector<1x16xf32>,
        %get3A_408 = vector.shape_cast %get3A_407 : vector<1x16xf32> to vector<16xf32>
        %get3A_409 = arith.index_cast %scan3A_182 : i32 to index
        %get3A_410 = arith.constant 256 : index
        %get3A_411 = tpu.vector_load %arg6[%get3A_409, %get3A_410] {strides = array<i32>} : memref<16x1024xf32, #tpu.memory_space<vmem>>, vector<1x16xf32>,
        %get3A_412 = vector.shape_cast %get3A_411 : vector<1x16xf32> to vector<16xf32>
        %add3A_413 = arith.addf %get3A_408, %get3A_412 : vector<16xf32>
        %swap3A_414 = arith.index_cast %scan3A_182 : i32 to index
        %swap3A_415 = arith.constant 256 : index
        %swap3A_416 = tpu.vector_load %arg8[%swap3A_414, %swap3A_415] {strides = array<i32>} : memref<16x1024xf32, #tpu.memory_space<vmem>>, vector<1x16xf32>,
        %swap3A_417 = vector.shape_cast %swap3A_416 : vector<1x16xf32> to vector<16xf32>
        %swap3A_418 = vector.shape_cast %add3A_413 : vector<16xf32> to vector<1x16xf32>
        tpu.vector_store %arg8[%swap3A_414, %swap3A_415], %swap3A_418 {strides = array<i32>} : memref<16x1024xf32, #tpu.memory_space<vmem>>, vector<1x16xf32>,
        %get3A_419 = arith.index_cast %scan3A_182 : i32 to index
        %get3A_420 = arith.constant 272 : index
        %get3A_421 = tpu.vector_load %arg8[%get3A_419, %get3A_420] {strides = array<i32>} : memref<16x1024xf32, #tpu.memory_space<vmem>>, vector<1x16xf32>,
        %get3A_422 = vector.shape_cast %get3A_421 : vector<1x16xf32> to vector<16xf32>
        %get3A_423 = arith.index_cast %scan3A_182 : i32 to index
        %get3A_424 = arith.constant 272 : index
        %get3A_425 = tpu.vector_load %arg6[%get3A_423, %get3A_424] {strides = array<i32>} : memref<16x1024xf32, #tpu.memory_space<vmem>>, vector<1x16xf32>,
        %get3A_426 = vector.shape_cast %get3A_425 : vector<1x16xf32> to vector<16xf32>
        %add3A_427 = arith.addf %get3A_422, %get3A_426 : vector<16xf32>
        %swap3A_428 = arith.index_cast %scan3A_182 : i32 to index
        %swap3A_429 = arith.constant 272 : index
        %swap3A_430 = tpu.vector_load %arg8[%swap3A_428, %swap3A_429] {strides = array<i32>} : memref<16x1024xf32, #tpu.memory_space<vmem>>, vector<1x16xf32>,
        %swap3A_431 = vector.shape_cast %swap3A_430 : vector<1x16xf32> to vector<16xf32>
        %swap3A_432 = vector.shape_cast %add3A_427 : vector<16xf32> to vector<1x16xf32>
        tpu.vector_store %arg8[%swap3A_428, %swap3A_429], %swap3A_432 {strides = array<i32>} : memref<16x1024xf32, #tpu.memory_space<vmem>>, vector<1x16xf32>,
        %get3A_433 = arith.index_cast %scan3A_182 : i32 to index
        %get3A_434 = arith.constant 288 : index
        %get3A_435 = tpu.vector_load %arg8[%get3A_433, %get3A_434] {strides = array<i32>} : memref<16x1024xf32, #tpu.memory_space<vmem>>, vector<1x16xf32>,
        %get3A_436 = vector.shape_cast %get3A_435 : vector<1x16xf32> to vector<16xf32>
        %get3A_437 = arith.index_cast %scan3A_182 : i32 to index
        %get3A_438 = arith.constant 288 : index
        %get3A_439 = tpu.vector_load %arg6[%get3A_437, %get3A_438] {strides = array<i32>} : memref<16x1024xf32, #tpu.memory_space<vmem>>, vector<1x16xf32>,
        %get3A_440 = vector.shape_cast %get3A_439 : vector<1x16xf32> to vector<16xf32>
        %add3A_441 = arith.addf %get3A_436, %get3A_440 : vector<16xf32>
        %swap3A_442 = arith.index_cast %scan3A_182 : i32 to index
        %swap3A_443 = arith.constant 288 : index
        %swap3A_444 = tpu.vector_load %arg8[%swap3A_442, %swap3A_443] {strides = array<i32>} : memref<16x1024xf32, #tpu.memory_space<vmem>>, vector<1x16xf32>,
        %swap3A_445 = vector.shape_cast %swap3A_444 : vector<1x16xf32> to vector<16xf32>
        %swap3A_446 = vector.shape_cast %add3A_441 : vector<16xf32> to vector<1x16xf32>
        tpu.vector_store %arg8[%swap3A_442, %swap3A_443], %swap3A_446 {strides = array<i32>} : memref<16x1024xf32, #tpu.memory_space<vmem>>, vector<1x16xf32>,
        %get3A_447 = arith.index_cast %scan3A_182 : i32 to index
        %get3A_448 = arith.constant 304 : index
        %get3A_449 = tpu.vector_load %arg8[%get3A_447, %get3A_448] {strides = array<i32>} : memref<16x1024xf32, #tpu.memory_space<vmem>>, vector<1x16xf32>,
        %get3A_450 = vector.shape_cast %get3A_449 : vector<1x16xf32> to vector<16xf32>
        %get3A_451 = arith.index_cast %scan3A_182 : i32 to index
        %get3A_452 = arith.constant 304 : index
        %get3A_453 = tpu.vector_load %arg6[%get3A_451, %get3A_452] {strides = array<i32>} : memref<16x1024xf32, #tpu.memory_space<vmem>>, vector<1x16xf32>,
        %get3A_454 = vector.shape_cast %get3A_453 : vector<1x16xf32> to vector<16xf32>
        %add3A_455 = arith.addf %get3A_450, %get3A_454 : vector<16xf32>
        %swap3A_456 = arith.index_cast %scan3A_182 : i32 to index
        %swap3A_457 = arith.constant 304 : index
        %swap3A_458 = tpu.vector_load %arg8[%swap3A_456, %swap3A_457] {strides = array<i32>} : memref<16x1024xf32, #tpu.memory_space<vmem>>, vector<1x16xf32>,
        %swap3A_459 = vector.shape_cast %swap3A_458 : vector<1x16xf32> to vector<16xf32>
        %swap3A_460 = vector.shape_cast %add3A_455 : vector<16xf32> to vector<1x16xf32>
        tpu.vector_store %arg8[%swap3A_456, %swap3A_457], %swap3A_460 {strides = array<i32>} : memref<16x1024xf32, #tpu.memory_space<vmem>>, vector<1x16xf32>,
        %get3A_461 = arith.index_cast %scan3A_182 : i32 to index
        %get3A_462 = arith.constant 320 : index
        %get3A_463 = tpu.vector_load %arg8[%get3A_461, %get3A_462] {strides = array<i32>} : memref<16x1024xf32, #tpu.memory_space<vmem>>, vector<1x16xf32>,
        %get3A_464 = vector.shape_cast %get3A_463 : vector<1x16xf32> to vector<16xf32>
        %get3A_465 = arith.index_cast %scan3A_182 : i32 to index
        %get3A_466 = arith.constant 320 : index
        %get3A_467 = tpu.vector_load %arg6[%get3A_465, %get3A_466] {strides = array<i32>} : memref<16x1024xf32, #tpu.memory_space<vmem>>, vector<1x16xf32>,
        %get3A_468 = vector.shape_cast %get3A_467 : vector<1x16xf32> to vector<16xf32>
        %add3A_469 = arith.addf %get3A_464, %get3A_468 : vector<16xf32>
        %swap3A_470 = arith.index_cast %scan3A_182 : i32 to index
        %swap3A_471 = arith.constant 320 : index
        %swap3A_472 = tpu.vector_load %arg8[%swap3A_470, %swap3A_471] {strides = array<i32>} : memref<16x1024xf32, #tpu.memory_space<vmem>>, vector<1x16xf32>,
        %swap3A_473 = vector.shape_cast %swap3A_472 : vector<1x16xf32> to vector<16xf32>
        %swap3A_474 = vector.shape_cast %add3A_469 : vector<16xf32> to vector<1x16xf32>
        tpu.vector_store %arg8[%swap3A_470, %swap3A_471], %swap3A_474 {strides = array<i32>} : memref<16x1024xf32, #tpu.memory_space<vmem>>, vector<1x16xf32>,
        %get3A_475 = arith.index_cast %scan3A_182 : i32 to index
        %get3A_476 = arith.constant 336 : index
        %get3A_477 = tpu.vector_load %arg8[%get3A_475, %get3A_476] {strides = array<i32>} : memref<16x1024xf32, #tpu.memory_space<vmem>>, vector<1x16xf32>,
        %get3A_478 = vector.shape_cast %get3A_477 : vector<1x16xf32> to vector<16xf32>
        %get3A_479 = arith.index_cast %scan3A_182 : i32 to index
        %get3A_480 = arith.constant 336 : index
        %get3A_481 = tpu.vector_load %arg6[%get3A_479, %get3A_480] {strides = array<i32>} : memref<16x1024xf32, #tpu.memory_space<vmem>>, vector<1x16xf32>,
        %get3A_482 = vector.shape_cast %get3A_481 : vector<1x16xf32> to vector<16xf32>
        %add3A_483 = arith.addf %get3A_478, %get3A_482 : vector<16xf32>
        %swap3A_484 = arith.index_cast %scan3A_182 : i32 to index
        %swap3A_485 = arith.constant 336 : index
        %swap3A_486 = tpu.vector_load %arg8[%swap3A_484, %swap3A_485] {strides = array<i32>} : memref<16x1024xf32, #tpu.memory_space<vmem>>, vector<1x16xf32>,
        %swap3A_487 = vector.shape_cast %swap3A_486 : vector<1x16xf32> to vector<16xf32>
        %swap3A_488 = vector.shape_cast %add3A_483 : vector<16xf32> to vector<1x16xf32>
        tpu.vector_store %arg8[%swap3A_484, %swap3A_485], %swap3A_488 {strides = array<i32>} : memref<16x1024xf32, #tpu.memory_space<vmem>>, vector<1x16xf32>,
        %get3A_489 = arith.index_cast %scan3A_182 : i32 to index
        %get3A_490 = arith.constant 352 : index
        %get3A_491 = tpu.vector_load %arg8[%get3A_489, %get3A_490] {strides = array<i32>} : memref<16x1024xf32, #tpu.memory_space<vmem>>, vector<1x16xf32>,
        %get3A_492 = vector.shape_cast %get3A_491 : vector<1x16xf32> to vector<16xf32>
        %get3A_493 = arith.index_cast %scan3A_182 : i32 to index
        %get3A_494 = arith.constant 352 : index
        %get3A_495 = tpu.vector_load %arg6[%get3A_493, %get3A_494] {strides = array<i32>} : memref<16x1024xf32, #tpu.memory_space<vmem>>, vector<1x16xf32>,
        %get3A_496 = vector.shape_cast %get3A_495 : vector<1x16xf32> to vector<16xf32>
        %add3A_497 = arith.addf %get3A_492, %get3A_496 : vector<16xf32>
        %swap3A_498 = arith.index_cast %scan3A_182 : i32 to index
        %swap3A_499 = arith.constant 352 : index
        %swap3A_500 = tpu.vector_load %arg8[%swap3A_498, %swap3A_499] {strides = array<i32>} : memref<16x1024xf32, #tpu.memory_space<vmem>>, vector<1x16xf32>,
        %swap3A_501 = vector.shape_cast %swap3A_500 : vector<1x16xf32> to vector<16xf32>
        %swap3A_502 = vector.shape_cast %add3A_497 : vector<16xf32> to vector<1x16xf32>
        tpu.vector_store %arg8[%swap3A_498, %swap3A_499], %swap3A_502 {strides = array<i32>} : memref<16x1024xf32, #tpu.memory_space<vmem>>, vector<1x16xf32>,
        %get3A_503 = arith.index_cast %scan3A_182 : i32 to index
        %get3A_504 = arith.constant 368 : index
        %get3A_505 = tpu.vector_load %arg8[%get3A_503, %get3A_504] {strides = array<i32>} : memref<16x1024xf32, #tpu.memory_space<vmem>>, vector<1x16xf32>,
        %get3A_506 = vector.shape_cast %get3A_505 : vector<1x16xf32> to vector<16xf32>
        %get3A_507 = arith.index_cast %scan3A_182 : i32 to index
        %get3A_508 = arith.constant 368 : index
        %get3A_509 = tpu.vector_load %arg6[%get3A_507, %get3A_508] {strides = array<i32>} : memref<16x1024xf32, #tpu.memory_space<vmem>>, vector<1x16xf32>,
        %get3A_510 = vector.shape_cast %get3A_509 : vector<1x16xf32> to vector<16xf32>
        %add3A_511 = arith.addf %get3A_506, %get3A_510 : vector<16xf32>
        %swap3A_512 = arith.index_cast %scan3A_182 : i32 to index
        %swap3A_513 = arith.constant 368 : index
        %swap3A_514 = tpu.vector_load %arg8[%swap3A_512, %swap3A_513] {strides = array<i32>} : memref<16x1024xf32, #tpu.memory_space<vmem>>, vector<1x16xf32>,
        %swap3A_515 = vector.shape_cast %swap3A_514 : vector<1x16xf32> to vector<16xf32>
        %swap3A_516 = vector.shape_cast %add3A_511 : vector<16xf32> to vector<1x16xf32>
        tpu.vector_store %arg8[%swap3A_512, %swap3A_513], %swap3A_516 {strides = array<i32>} : memref<16x1024xf32, #tpu.memory_space<vmem>>, vector<1x16xf32>,
        %get3A_517 = arith.index_cast %scan3A_182 : i32 to index
        %get3A_518 = arith.constant 384 : index
        %get3A_519 = tpu.vector_load %arg8[%get3A_517, %get3A_518] {strides = array<i32>} : memref<16x1024xf32, #tpu.memory_space<vmem>>, vector<1x16xf32>,
        %get3A_520 = vector.shape_cast %get3A_519 : vector<1x16xf32> to vector<16xf32>
        %get3A_521 = arith.index_cast %scan3A_182 : i32 to index
        %get3A_522 = arith.constant 384 : index
        %get3A_523 = tpu.vector_load %arg6[%get3A_521, %get3A_522] {strides = array<i32>} : memref<16x1024xf32, #tpu.memory_space<vmem>>, vector<1x16xf32>,
        %get3A_524 = vector.shape_cast %get3A_523 : vector<1x16xf32> to vector<16xf32>
        %add3A_525 = arith.addf %get3A_520, %get3A_524 : vector<16xf32>
        %swap3A_526 = arith.index_cast %scan3A_182 : i32 to index
        %swap3A_527 = arith.constant 384 : index
        %swap3A_528 = tpu.vector_load %arg8[%swap3A_526, %swap3A_527] {strides = array<i32>} : memref<16x1024xf32, #tpu.memory_space<vmem>>, vector<1x16xf32>,
        %swap3A_529 = vector.shape_cast %swap3A_528 : vector<1x16xf32> to vector<16xf32>
        %swap3A_530 = vector.shape_cast %add3A_525 : vector<16xf32> to vector<1x16xf32>
        tpu.vector_store %arg8[%swap3A_526, %swap3A_527], %swap3A_530 {strides = array<i32>} : memref<16x1024xf32, #tpu.memory_space<vmem>>, vector<1x16xf32>,
        %get3A_531 = arith.index_cast %scan3A_182 : i32 to index
        %get3A_532 = arith.constant 400 : index
        %get3A_533 = tpu.vector_load %arg8[%get3A_531, %get3A_532] {strides = array<i32>} : memref<16x1024xf32, #tpu.memory_space<vmem>>, vector<1x16xf32>,
        %get3A_534 = vector.shape_cast %get3A_533 : vector<1x16xf32> to vector<16xf32>
        %get3A_535 = arith.index_cast %scan3A_182 : i32 to index
        %get3A_536 = arith.constant 400 : index
        %get3A_537 = tpu.vector_load %arg6[%get3A_535, %get3A_536] {strides = array<i32>} : memref<16x1024xf32, #tpu.memory_space<vmem>>, vector<1x16xf32>,
        %get3A_538 = vector.shape_cast %get3A_537 : vector<1x16xf32> to vector<16xf32>
        %add3A_539 = arith.addf %get3A_534, %get3A_538 : vector<16xf32>
        %swap3A_540 = arith.index_cast %scan3A_182 : i32 to index
        %swap3A_541 = arith.constant 400 : index
        %swap3A_542 = tpu.vector_load %arg8[%swap3A_540, %swap3A_541] {strides = array<i32>} : memref<16x1024xf32, #tpu.memory_space<vmem>>, vector<1x16xf32>,
        %swap3A_543 = vector.shape_cast %swap3A_542 : vector<1x16xf32> to vector<16xf32>
        %swap3A_544 = vector.shape_cast %add3A_539 : vector<16xf32> to vector<1x16xf32>
        tpu.vector_store %arg8[%swap3A_540, %swap3A_541], %swap3A_544 {strides = array<i32>} : memref<16x1024xf32, #tpu.memory_space<vmem>>, vector<1x16xf32>,
        %get3A_545 = arith.index_cast %scan3A_182 : i32 to index
        %get3A_546 = arith.constant 416 : index
        %get3A_547 = tpu.vector_load %arg8[%get3A_545, %get3A_546] {strides = array<i32>} : memref<16x1024xf32, #tpu.memory_space<vmem>>, vector<1x16xf32>,
        %get3A_548 = vector.shape_cast %get3A_547 : vector<1x16xf32> to vector<16xf32>
        %get3A_549 = arith.index_cast %scan3A_182 : i32 to index
        %get3A_550 = arith.constant 416 : index
        %get3A_551 = tpu.vector_load %arg6[%get3A_549, %get3A_550] {strides = array<i32>} : memref<16x1024xf32, #tpu.memory_space<vmem>>, vector<1x16xf32>,
        %get3A_552 = vector.shape_cast %get3A_551 : vector<1x16xf32> to vector<16xf32>
        %add3A_553 = arith.addf %get3A_548, %get3A_552 : vector<16xf32>
        %swap3A_554 = arith.index_cast %scan3A_182 : i32 to index
        %swap3A_555 = arith.constant 416 : index
        %swap3A_556 = tpu.vector_load %arg8[%swap3A_554, %swap3A_555] {strides = array<i32>} : memref<16x1024xf32, #tpu.memory_space<vmem>>, vector<1x16xf32>,
        %swap3A_557 = vector.shape_cast %swap3A_556 : vector<1x16xf32> to vector<16xf32>
        %swap3A_558 = vector.shape_cast %add3A_553 : vector<16xf32> to vector<1x16xf32>
        tpu.vector_store %arg8[%swap3A_554, %swap3A_555], %swap3A_558 {strides = array<i32>} : memref<16x1024xf32, #tpu.memory_space<vmem>>, vector<1x16xf32>,
        %get3A_559 = arith.index_cast %scan3A_182 : i32 to index
        %get3A_560 = arith.constant 432 : index
        %get3A_561 = tpu.vector_load %arg8[%get3A_559, %get3A_560] {strides = array<i32>} : memref<16x1024xf32, #tpu.memory_space<vmem>>, vector<1x16xf32>,
        %get3A_562 = vector.shape_cast %get3A_561 : vector<1x16xf32> to vector<16xf32>
        %get3A_563 = arith.index_cast %scan3A_182 : i32 to index
        %get3A_564 = arith.constant 432 : index
        %get3A_565 = tpu.vector_load %arg6[%get3A_563, %get3A_564] {strides = array<i32>} : memref<16x1024xf32, #tpu.memory_space<vmem>>, vector<1x16xf32>,
        %get3A_566 = vector.shape_cast %get3A_565 : vector<1x16xf32> to vector<16xf32>
        %add3A_567 = arith.addf %get3A_562, %get3A_566 : vector<16xf32>
        %swap3A_568 = arith.index_cast %scan3A_182 : i32 to index
        %swap3A_569 = arith.constant 432 : index
        %swap3A_570 = tpu.vector_load %arg8[%swap3A_568, %swap3A_569] {strides = array<i32>} : memref<16x1024xf32, #tpu.memory_space<vmem>>, vector<1x16xf32>,
        %swap3A_571 = vector.shape_cast %swap3A_570 : vector<1x16xf32> to vector<16xf32>
        %swap3A_572 = vector.shape_cast %add3A_567 : vector<16xf32> to vector<1x16xf32>
        tpu.vector_store %arg8[%swap3A_568, %swap3A_569], %swap3A_572 {strides = array<i32>} : memref<16x1024xf32, #tpu.memory_space<vmem>>, vector<1x16xf32>,
        %get3A_573 = arith.index_cast %scan3A_182 : i32 to index
        %get3A_574 = arith.constant 448 : index
        %get3A_575 = tpu.vector_load %arg8[%get3A_573, %get3A_574] {strides = array<i32>} : memref<16x1024xf32, #tpu.memory_space<vmem>>, vector<1x16xf32>,
        %get3A_576 = vector.shape_cast %get3A_575 : vector<1x16xf32> to vector<16xf32>
        %get3A_577 = arith.index_cast %scan3A_182 : i32 to index
        %get3A_578 = arith.constant 448 : index
        %get3A_579 = tpu.vector_load %arg6[%get3A_577, %get3A_578] {strides = array<i32>} : memref<16x1024xf32, #tpu.memory_space<vmem>>, vector<1x16xf32>,
        %get3A_580 = vector.shape_cast %get3A_579 : vector<1x16xf32> to vector<16xf32>
        %add3A_581 = arith.addf %get3A_576, %get3A_580 : vector<16xf32>
        %swap3A_582 = arith.index_cast %scan3A_182 : i32 to index
        %swap3A_583 = arith.constant 448 : index
        %swap3A_584 = tpu.vector_load %arg8[%swap3A_582, %swap3A_583] {strides = array<i32>} : memref<16x1024xf32, #tpu.memory_space<vmem>>, vector<1x16xf32>,
        %swap3A_585 = vector.shape_cast %swap3A_584 : vector<1x16xf32> to vector<16xf32>
        %swap3A_586 = vector.shape_cast %add3A_581 : vector<16xf32> to vector<1x16xf32>
        tpu.vector_store %arg8[%swap3A_582, %swap3A_583], %swap3A_586 {strides = array<i32>} : memref<16x1024xf32, #tpu.memory_space<vmem>>, vector<1x16xf32>,
        %get3A_587 = arith.index_cast %scan3A_182 : i32 to index
        %get3A_588 = arith.constant 464 : index
        %get3A_589 = tpu.vector_load %arg8[%get3A_587, %get3A_588] {strides = array<i32>} : memref<16x1024xf32, #tpu.memory_space<vmem>>, vector<1x16xf32>,
        %get3A_590 = vector.shape_cast %get3A_589 : vector<1x16xf32> to vector<16xf32>
        %get3A_591 = arith.index_cast %scan3A_182 : i32 to index
        %get3A_592 = arith.constant 464 : index
        %get3A_593 = tpu.vector_load %arg6[%get3A_591, %get3A_592] {strides = array<i32>} : memref<16x1024xf32, #tpu.memory_space<vmem>>, vector<1x16xf32>,
        %get3A_594 = vector.shape_cast %get3A_593 : vector<1x16xf32> to vector<16xf32>
        %add3A_595 = arith.addf %get3A_590, %get3A_594 : vector<16xf32>
        %swap3A_596 = arith.index_cast %scan3A_182 : i32 to index
        %swap3A_597 = arith.constant 464 : index
        %swap3A_598 = tpu.vector_load %arg8[%swap3A_596, %swap3A_597] {strides = array<i32>} : memref<16x1024xf32, #tpu.memory_space<vmem>>, vector<1x16xf32>,
        %swap3A_599 = vector.shape_cast %swap3A_598 : vector<1x16xf32> to vector<16xf32>
        %swap3A_600 = vector.shape_cast %add3A_595 : vector<16xf32> to vector<1x16xf32>
        tpu.vector_store %arg8[%swap3A_596, %swap3A_597], %swap3A_600 {strides = array<i32>} : memref<16x1024xf32, #tpu.memory_space<vmem>>, vector<1x16xf32>,
        %get3A_601 = arith.index_cast %scan3A_182 : i32 to index
        %get3A_602 = arith.constant 480 : index
        %get3A_603 = tpu.vector_load %arg8[%get3A_601, %get3A_602] {strides = array<i32>} : memref<16x1024xf32, #tpu.memory_space<vmem>>, vector<1x16xf32>,
        %get3A_604 = vector.shape_cast %get3A_603 : vector<1x16xf32> to vector<16xf32>
        %get3A_605 = arith.index_cast %scan3A_182 : i32 to index
        %get3A_606 = arith.constant 480 : index
        %get3A_607 = tpu.vector_load %arg6[%get3A_605, %get3A_606] {strides = array<i32>} : memref<16x1024xf32, #tpu.memory_space<vmem>>, vector<1x16xf32>,
        %get3A_608 = vector.shape_cast %get3A_607 : vector<1x16xf32> to vector<16xf32>
        %add3A_609 = arith.addf %get3A_604, %get3A_608 : vector<16xf32>
        %swap3A_610 = arith.index_cast %scan3A_182 : i32 to index
        %swap3A_611 = arith.constant 480 : index
        %swap3A_612 = tpu.vector_load %arg8[%swap3A_610, %swap3A_611] {strides = array<i32>} : memref<16x1024xf32, #tpu.memory_space<vmem>>, vector<1x16xf32>,
        %swap3A_613 = vector.shape_cast %swap3A_612 : vector<1x16xf32> to vector<16xf32>
        %swap3A_614 = vector.shape_cast %add3A_609 : vector<16xf32> to vector<1x16xf32>
        tpu.vector_store %arg8[%swap3A_610, %swap3A_611], %swap3A_614 {strides = array<i32>} : memref<16x1024xf32, #tpu.memory_space<vmem>>, vector<1x16xf32>,
        %get3A_615 = arith.index_cast %scan3A_182 : i32 to index
        %get3A_616 = arith.constant 496 : index
        %get3A_617 = tpu.vector_load %arg8[%get3A_615, %get3A_616] {strides = array<i32>} : memref<16x1024xf32, #tpu.memory_space<vmem>>, vector<1x16xf32>,
        %get3A_618 = vector.shape_cast %get3A_617 : vector<1x16xf32> to vector<16xf32>
        %get3A_619 = arith.index_cast %scan3A_182 : i32 to index
        %get3A_620 = arith.constant 496 : index
        %get3A_621 = tpu.vector_load %arg6[%get3A_619, %get3A_620] {strides = array<i32>} : memref<16x1024xf32, #tpu.memory_space<vmem>>, vector<1x16xf32>,
        %get3A_622 = vector.shape_cast %get3A_621 : vector<1x16xf32> to vector<16xf32>
        %add3A_623 = arith.addf %get3A_618, %get3A_622 : vector<16xf32>
        %swap3A_624 = arith.index_cast %scan3A_182 : i32 to index
        %swap3A_625 = arith.constant 496 : index
        %swap3A_626 = tpu.vector_load %arg8[%swap3A_624, %swap3A_625] {strides = array<i32>} : memref<16x1024xf32, #tpu.memory_space<vmem>>, vector<1x16xf32>,
        %swap3A_627 = vector.shape_cast %swap3A_626 : vector<1x16xf32> to vector<16xf32>
        %swap3A_628 = vector.shape_cast %add3A_623 : vector<16xf32> to vector<1x16xf32>
        tpu.vector_store %arg8[%swap3A_624, %swap3A_625], %swap3A_628 {strides = array<i32>} : memref<16x1024xf32, #tpu.memory_space<vmem>>, vector<1x16xf32>,
        %get3A_629 = arith.index_cast %scan3A_182 : i32 to index
        %get3A_630 = arith.constant 512 : index
        %get3A_631 = tpu.vector_load %arg8[%get3A_629, %get3A_630] {strides = array<i32>} : memref<16x1024xf32, #tpu.memory_space<vmem>>, vector<1x16xf32>,
        %get3A_632 = vector.shape_cast %get3A_631 : vector<1x16xf32> to vector<16xf32>
        %get3A_633 = arith.index_cast %scan3A_182 : i32 to index
        %get3A_634 = arith.constant 512 : index
        %get3A_635 = tpu.vector_load %arg6[%get3A_633, %get3A_634] {strides = array<i32>} : memref<16x1024xf32, #tpu.memory_space<vmem>>, vector<1x16xf32>,
        %get3A_636 = vector.shape_cast %get3A_635 : vector<1x16xf32> to vector<16xf32>
        %add3A_637 = arith.addf %get3A_632, %get3A_636 : vector<16xf32>
        %swap3A_638 = arith.index_cast %scan3A_182 : i32 to index
        %swap3A_639 = arith.constant 512 : index
        %swap3A_640 = tpu.vector_load %arg8[%swap3A_638, %swap3A_639] {strides = array<i32>} : memref<16x1024xf32, #tpu.memory_space<vmem>>, vector<1x16xf32>,
        %swap3A_641 = vector.shape_cast %swap3A_640 : vector<1x16xf32> to vector<16xf32>
        %swap3A_642 = vector.shape_cast %add3A_637 : vector<16xf32> to vector<1x16xf32>
        tpu.vector_store %arg8[%swap3A_638, %swap3A_639], %swap3A_642 {strides = array<i32>} : memref<16x1024xf32, #tpu.memory_space<vmem>>, vector<1x16xf32>,
        %get3A_643 = arith.index_cast %scan3A_182 : i32 to index
        %get3A_644 = arith.constant 528 : index
        %get3A_645 = tpu.vector_load %arg8[%get3A_643, %get3A_644] {strides = array<i32>} : memref<16x1024xf32, #tpu.memory_space<vmem>>, vector<1x16xf32>,
        %get3A_646 = vector.shape_cast %get3A_645 : vector<1x16xf32> to vector<16xf32>
        %get3A_647 = arith.index_cast %scan3A_182 : i32 to index
        %get3A_648 = arith.constant 528 : index
        %get3A_649 = tpu.vector_load %arg6[%get3A_647, %get3A_648] {strides = array<i32>} : memref<16x1024xf32, #tpu.memory_space<vmem>>, vector<1x16xf32>,
        %get3A_650 = vector.shape_cast %get3A_649 : vector<1x16xf32> to vector<16xf32>
        %add3A_651 = arith.addf %get3A_646, %get3A_650 : vector<16xf32>
        %swap3A_652 = arith.index_cast %scan3A_182 : i32 to index
        %swap3A_653 = arith.constant 528 : index
        %swap3A_654 = tpu.vector_load %arg8[%swap3A_652, %swap3A_653] {strides = array<i32>} : memref<16x1024xf32, #tpu.memory_space<vmem>>, vector<1x16xf32>,
        %swap3A_655 = vector.shape_cast %swap3A_654 : vector<1x16xf32> to vector<16xf32>
        %swap3A_656 = vector.shape_cast %add3A_651 : vector<16xf32> to vector<1x16xf32>
        tpu.vector_store %arg8[%swap3A_652, %swap3A_653], %swap3A_656 {strides = array<i32>} : memref<16x1024xf32, #tpu.memory_space<vmem>>, vector<1x16xf32>,
        %get3A_657 = arith.index_cast %scan3A_182 : i32 to index
        %get3A_658 = arith.constant 544 : index
        %get3A_659 = tpu.vector_load %arg8[%get3A_657, %get3A_658] {strides = array<i32>} : memref<16x1024xf32, #tpu.memory_space<vmem>>, vector<1x16xf32>,
        %get3A_660 = vector.shape_cast %get3A_659 : vector<1x16xf32> to vector<16xf32>
        %get3A_661 = arith.index_cast %scan3A_182 : i32 to index
        %get3A_662 = arith.constant 544 : index
        %get3A_663 = tpu.vector_load %arg6[%get3A_661, %get3A_662] {strides = array<i32>} : memref<16x1024xf32, #tpu.memory_space<vmem>>, vector<1x16xf32>,
        %get3A_664 = vector.shape_cast %get3A_663 : vector<1x16xf32> to vector<16xf32>
        %add3A_665 = arith.addf %get3A_660, %get3A_664 : vector<16xf32>
        %swap3A_666 = arith.index_cast %scan3A_182 : i32 to index
        %swap3A_667 = arith.constant 544 : index
        %swap3A_668 = tpu.vector_load %arg8[%swap3A_666, %swap3A_667] {strides = array<i32>} : memref<16x1024xf32, #tpu.memory_space<vmem>>, vector<1x16xf32>,
        %swap3A_669 = vector.shape_cast %swap3A_668 : vector<1x16xf32> to vector<16xf32>
        %swap3A_670 = vector.shape_cast %add3A_665 : vector<16xf32> to vector<1x16xf32>
        tpu.vector_store %arg8[%swap3A_666, %swap3A_667], %swap3A_670 {strides = array<i32>} : memref<16x1024xf32, #tpu.memory_space<vmem>>, vector<1x16xf32>,
        %get3A_671 = arith.index_cast %scan3A_182 : i32 to index
        %get3A_672 = arith.constant 560 : index
        %get3A_673 = tpu.vector_load %arg8[%get3A_671, %get3A_672] {strides = array<i32>} : memref<16x1024xf32, #tpu.memory_space<vmem>>, vector<1x16xf32>,
        %get3A_674 = vector.shape_cast %get3A_673 : vector<1x16xf32> to vector<16xf32>
        %get3A_675 = arith.index_cast %scan3A_182 : i32 to index
        %get3A_676 = arith.constant 560 : index
        %get3A_677 = tpu.vector_load %arg6[%get3A_675, %get3A_676] {strides = array<i32>} : memref<16x1024xf32, #tpu.memory_space<vmem>>, vector<1x16xf32>,
        %get3A_678 = vector.shape_cast %get3A_677 : vector<1x16xf32> to vector<16xf32>
        %add3A_679 = arith.addf %get3A_674, %get3A_678 : vector<16xf32>
        %swap3A_680 = arith.index_cast %scan3A_182 : i32 to index
        %swap3A_681 = arith.constant 560 : index
        %swap3A_682 = tpu.vector_load %arg8[%swap3A_680, %swap3A_681] {strides = array<i32>} : memref<16x1024xf32, #tpu.memory_space<vmem>>, vector<1x16xf32>,
        %swap3A_683 = vector.shape_cast %swap3A_682 : vector<1x16xf32> to vector<16xf32>
        %swap3A_684 = vector.shape_cast %add3A_679 : vector<16xf32> to vector<1x16xf32>
        tpu.vector_store %arg8[%swap3A_680, %swap3A_681], %swap3A_684 {strides = array<i32>} : memref<16x1024xf32, #tpu.memory_space<vmem>>, vector<1x16xf32>,
        %get3A_685 = arith.index_cast %scan3A_182 : i32 to index
        %get3A_686 = arith.constant 576 : index
        %get3A_687 = tpu.vector_load %arg8[%get3A_685, %get3A_686] {strides = array<i32>} : memref<16x1024xf32, #tpu.memory_space<vmem>>, vector<1x16xf32>,
        %get3A_688 = vector.shape_cast %get3A_687 : vector<1x16xf32> to vector<16xf32>
        %get3A_689 = arith.index_cast %scan3A_182 : i32 to index
        %get3A_690 = arith.constant 576 : index
        %get3A_691 = tpu.vector_load %arg6[%get3A_689, %get3A_690] {strides = array<i32>} : memref<16x1024xf32, #tpu.memory_space<vmem>>, vector<1x16xf32>,
        %get3A_692 = vector.shape_cast %get3A_691 : vector<1x16xf32> to vector<16xf32>
        %add3A_693 = arith.addf %get3A_688, %get3A_692 : vector<16xf32>
        %swap3A_694 = arith.index_cast %scan3A_182 : i32 to index
        %swap3A_695 = arith.constant 576 : index
        %swap3A_696 = tpu.vector_load %arg8[%swap3A_694, %swap3A_695] {strides = array<i32>} : memref<16x1024xf32, #tpu.memory_space<vmem>>, vector<1x16xf32>,
        %swap3A_697 = vector.shape_cast %swap3A_696 : vector<1x16xf32> to vector<16xf32>
        %swap3A_698 = vector.shape_cast %add3A_693 : vector<16xf32> to vector<1x16xf32>
        tpu.vector_store %arg8[%swap3A_694, %swap3A_695], %swap3A_698 {strides = array<i32>} : memref<16x1024xf32, #tpu.memory_space<vmem>>, vector<1x16xf32>,
        %get3A_699 = arith.index_cast %scan3A_182 : i32 to index
        %get3A_700 = arith.constant 592 : index
        %get3A_701 = tpu.vector_load %arg8[%get3A_699, %get3A_700] {strides = array<i32>} : memref<16x1024xf32, #tpu.memory_space<vmem>>, vector<1x16xf32>,
        %get3A_702 = vector.shape_cast %get3A_701 : vector<1x16xf32> to vector<16xf32>
        %get3A_703 = arith.index_cast %scan3A_182 : i32 to index
        %get3A_704 = arith.constant 592 : index
        %get3A_705 = tpu.vector_load %arg6[%get3A_703, %get3A_704] {strides = array<i32>} : memref<16x1024xf32, #tpu.memory_space<vmem>>, vector<1x16xf32>,
        %get3A_706 = vector.shape_cast %get3A_705 : vector<1x16xf32> to vector<16xf32>
        %add3A_707 = arith.addf %get3A_702, %get3A_706 : vector<16xf32>
        %swap3A_708 = arith.index_cast %scan3A_182 : i32 to index
        %swap3A_709 = arith.constant 592 : index
        %swap3A_710 = tpu.vector_load %arg8[%swap3A_708, %swap3A_709] {strides = array<i32>} : memref<16x1024xf32, #tpu.memory_space<vmem>>, vector<1x16xf32>,
        %swap3A_711 = vector.shape_cast %swap3A_710 : vector<1x16xf32> to vector<16xf32>
        %swap3A_712 = vector.shape_cast %add3A_707 : vector<16xf32> to vector<1x16xf32>
        tpu.vector_store %arg8[%swap3A_708, %swap3A_709], %swap3A_712 {strides = array<i32>} : memref<16x1024xf32, #tpu.memory_space<vmem>>, vector<1x16xf32>,
        %get3A_713 = arith.index_cast %scan3A_182 : i32 to index
        %get3A_714 = arith.constant 608 : index
        %get3A_715 = tpu.vector_load %arg8[%get3A_713, %get3A_714] {strides = array<i32>} : memref<16x1024xf32, #tpu.memory_space<vmem>>, vector<1x16xf32>,
        %get3A_716 = vector.shape_cast %get3A_715 : vector<1x16xf32> to vector<16xf32>
        %get3A_717 = arith.index_cast %scan3A_182 : i32 to index
        %get3A_718 = arith.constant 608 : index
        %get3A_719 = tpu.vector_load %arg6[%get3A_717, %get3A_718] {strides = array<i32>} : memref<16x1024xf32, #tpu.memory_space<vmem>>, vector<1x16xf32>,
        %get3A_720 = vector.shape_cast %get3A_719 : vector<1x16xf32> to vector<16xf32>
        %add3A_721 = arith.addf %get3A_716, %get3A_720 : vector<16xf32>
        %swap3A_722 = arith.index_cast %scan3A_182 : i32 to index
        %swap3A_723 = arith.constant 608 : index
        %swap3A_724 = tpu.vector_load %arg8[%swap3A_722, %swap3A_723] {strides = array<i32>} : memref<16x1024xf32, #tpu.memory_space<vmem>>, vector<1x16xf32>,
        %swap3A_725 = vector.shape_cast %swap3A_724 : vector<1x16xf32> to vector<16xf32>
        %swap3A_726 = vector.shape_cast %add3A_721 : vector<16xf32> to vector<1x16xf32>
        tpu.vector_store %arg8[%swap3A_722, %swap3A_723], %swap3A_726 {strides = array<i32>} : memref<16x1024xf32, #tpu.memory_space<vmem>>, vector<1x16xf32>,
        %get3A_727 = arith.index_cast %scan3A_182 : i32 to index
        %get3A_728 = arith.constant 624 : index
        %get3A_729 = tpu.vector_load %arg8[%get3A_727, %get3A_728] {strides = array<i32>} : memref<16x1024xf32, #tpu.memory_space<vmem>>, vector<1x16xf32>,
        %get3A_730 = vector.shape_cast %get3A_729 : vector<1x16xf32> to vector<16xf32>
        %get3A_731 = arith.index_cast %scan3A_182 : i32 to index
        %get3A_732 = arith.constant 624 : index
        %get3A_733 = tpu.vector_load %arg6[%get3A_731, %get3A_732] {strides = array<i32>} : memref<16x1024xf32, #tpu.memory_space<vmem>>, vector<1x16xf32>,
        %get3A_734 = vector.shape_cast %get3A_733 : vector<1x16xf32> to vector<16xf32>
        %add3A_735 = arith.addf %get3A_730, %get3A_734 : vector<16xf32>
        %swap3A_736 = arith.index_cast %scan3A_182 : i32 to index
        %swap3A_737 = arith.constant 624 : index
        %swap3A_738 = tpu.vector_load %arg8[%swap3A_736, %swap3A_737] {strides = array<i32>} : memref<16x1024xf32, #tpu.memory_space<vmem>>, vector<1x16xf32>,
        %swap3A_739 = vector.shape_cast %swap3A_738 : vector<1x16xf32> to vector<16xf32>
        %swap3A_740 = vector.shape_cast %add3A_735 : vector<16xf32> to vector<1x16xf32>
        tpu.vector_store %arg8[%swap3A_736, %swap3A_737], %swap3A_740 {strides = array<i32>} : memref<16x1024xf32, #tpu.memory_space<vmem>>, vector<1x16xf32>,
        %get3A_741 = arith.index_cast %scan3A_182 : i32 to index
        %get3A_742 = arith.constant 640 : index
        %get3A_743 = tpu.vector_load %arg8[%get3A_741, %get3A_742] {strides = array<i32>} : memref<16x1024xf32, #tpu.memory_space<vmem>>, vector<1x16xf32>,
        %get3A_744 = vector.shape_cast %get3A_743 : vector<1x16xf32> to vector<16xf32>
        %get3A_745 = arith.index_cast %scan3A_182 : i32 to index
        %get3A_746 = arith.constant 640 : index
        %get3A_747 = tpu.vector_load %arg6[%get3A_745, %get3A_746] {strides = array<i32>} : memref<16x1024xf32, #tpu.memory_space<vmem>>, vector<1x16xf32>,
        %get3A_748 = vector.shape_cast %get3A_747 : vector<1x16xf32> to vector<16xf32>
        %add3A_749 = arith.addf %get3A_744, %get3A_748 : vector<16xf32>
        %swap3A_750 = arith.index_cast %scan3A_182 : i32 to index
        %swap3A_751 = arith.constant 640 : index
        %swap3A_752 = tpu.vector_load %arg8[%swap3A_750, %swap3A_751] {strides = array<i32>} : memref<16x1024xf32, #tpu.memory_space<vmem>>, vector<1x16xf32>,
        %swap3A_753 = vector.shape_cast %swap3A_752 : vector<1x16xf32> to vector<16xf32>
        %swap3A_754 = vector.shape_cast %add3A_749 : vector<16xf32> to vector<1x16xf32>
        tpu.vector_store %arg8[%swap3A_750, %swap3A_751], %swap3A_754 {strides = array<i32>} : memref<16x1024xf32, #tpu.memory_space<vmem>>, vector<1x16xf32>,
        %get3A_755 = arith.index_cast %scan3A_182 : i32 to index
        %get3A_756 = arith.constant 656 : index
        %get3A_757 = tpu.vector_load %arg8[%get3A_755, %get3A_756] {strides = array<i32>} : memref<16x1024xf32, #tpu.memory_space<vmem>>, vector<1x16xf32>,
        %get3A_758 = vector.shape_cast %get3A_757 : vector<1x16xf32> to vector<16xf32>
        %get3A_759 = arith.index_cast %scan3A_182 : i32 to index
        %get3A_760 = arith.constant 656 : index
        %get3A_761 = tpu.vector_load %arg6[%get3A_759, %get3A_760] {strides = array<i32>} : memref<16x1024xf32, #tpu.memory_space<vmem>>, vector<1x16xf32>,
        %get3A_762 = vector.shape_cast %get3A_761 : vector<1x16xf32> to vector<16xf32>
        %add3A_763 = arith.addf %get3A_758, %get3A_762 : vector<16xf32>
        %swap3A_764 = arith.index_cast %scan3A_182 : i32 to index
        %swap3A_765 = arith.constant 656 : index
        %swap3A_766 = tpu.vector_load %arg8[%swap3A_764, %swap3A_765] {strides = array<i32>} : memref<16x1024xf32, #tpu.memory_space<vmem>>, vector<1x16xf32>,
        %swap3A_767 = vector.shape_cast %swap3A_766 : vector<1x16xf32> to vector<16xf32>
        %swap3A_768 = vector.shape_cast %add3A_763 : vector<16xf32> to vector<1x16xf32>
        tpu.vector_store %arg8[%swap3A_764, %swap3A_765], %swap3A_768 {strides = array<i32>} : memref<16x1024xf32, #tpu.memory_space<vmem>>, vector<1x16xf32>,
        %get3A_769 = arith.index_cast %scan3A_182 : i32 to index
        %get3A_770 = arith.constant 672 : index
        %get3A_771 = tpu.vector_load %arg8[%get3A_769, %get3A_770] {strides = array<i32>} : memref<16x1024xf32, #tpu.memory_space<vmem>>, vector<1x16xf32>,
        %get3A_772 = vector.shape_cast %get3A_771 : vector<1x16xf32> to vector<16xf32>
        %get3A_773 = arith.index_cast %scan3A_182 : i32 to index
        %get3A_774 = arith.constant 672 : index
        %get3A_775 = tpu.vector_load %arg6[%get3A_773, %get3A_774] {strides = array<i32>} : memref<16x1024xf32, #tpu.memory_space<vmem>>, vector<1x16xf32>,
        %get3A_776 = vector.shape_cast %get3A_775 : vector<1x16xf32> to vector<16xf32>
        %add3A_777 = arith.addf %get3A_772, %get3A_776 : vector<16xf32>
        %swap3A_778 = arith.index_cast %scan3A_182 : i32 to index
        %swap3A_779 = arith.constant 672 : index
        %swap3A_780 = tpu.vector_load %arg8[%swap3A_778, %swap3A_779] {strides = array<i32>} : memref<16x1024xf32, #tpu.memory_space<vmem>>, vector<1x16xf32>,
        %swap3A_781 = vector.shape_cast %swap3A_780 : vector<1x16xf32> to vector<16xf32>
        %swap3A_782 = vector.shape_cast %add3A_777 : vector<16xf32> to vector<1x16xf32>
        tpu.vector_store %arg8[%swap3A_778, %swap3A_779], %swap3A_782 {strides = array<i32>} : memref<16x1024xf32, #tpu.memory_space<vmem>>, vector<1x16xf32>,
        %get3A_783 = arith.index_cast %scan3A_182 : i32 to index
        %get3A_784 = arith.constant 688 : index
        %get3A_785 = tpu.vector_load %arg8[%get3A_783, %get3A_784] {strides = array<i32>} : memref<16x1024xf32, #tpu.memory_space<vmem>>, vector<1x16xf32>,
        %get3A_786 = vector.shape_cast %get3A_785 : vector<1x16xf32> to vector<16xf32>
        %get3A_787 = arith.index_cast %scan3A_182 : i32 to index
        %get3A_788 = arith.constant 688 : index
        %get3A_789 = tpu.vector_load %arg6[%get3A_787, %get3A_788] {strides = array<i32>} : memref<16x1024xf32, #tpu.memory_space<vmem>>, vector<1x16xf32>,
        %get3A_790 = vector.shape_cast %get3A_789 : vector<1x16xf32> to vector<16xf32>
        %add3A_791 = arith.addf %get3A_786, %get3A_790 : vector<16xf32>
        %swap3A_792 = arith.index_cast %scan3A_182 : i32 to index
        %swap3A_793 = arith.constant 688 : index
        %swap3A_794 = tpu.vector_load %arg8[%swap3A_792, %swap3A_793] {strides = array<i32>} : memref<16x1024xf32, #tpu.memory_space<vmem>>, vector<1x16xf32>,
        %swap3A_795 = vector.shape_cast %swap3A_794 : vector<1x16xf32> to vector<16xf32>
        %swap3A_796 = vector.shape_cast %add3A_791 : vector<16xf32> to vector<1x16xf32>
        tpu.vector_store %arg8[%swap3A_792, %swap3A_793], %swap3A_796 {strides = array<i32>} : memref<16x1024xf32, #tpu.memory_space<vmem>>, vector<1x16xf32>,
        %get3A_797 = arith.index_cast %scan3A_182 : i32 to index
        %get3A_798 = arith.constant 704 : index
        %get3A_799 = tpu.vector_load %arg8[%get3A_797, %get3A_798] {strides = array<i32>} : memref<16x1024xf32, #tpu.memory_space<vmem>>, vector<1x16xf32>,
        %get3A_800 = vector.shape_cast %get3A_799 : vector<1x16xf32> to vector<16xf32>
        %get3A_801 = arith.index_cast %scan3A_182 : i32 to index
        %get3A_802 = arith.constant 704 : index
        %get3A_803 = tpu.vector_load %arg6[%get3A_801, %get3A_802] {strides = array<i32>} : memref<16x1024xf32, #tpu.memory_space<vmem>>, vector<1x16xf32>,
        %get3A_804 = vector.shape_cast %get3A_803 : vector<1x16xf32> to vector<16xf32>
        %add3A_805 = arith.addf %get3A_800, %get3A_804 : vector<16xf32>
        %swap3A_806 = arith.index_cast %scan3A_182 : i32 to index
        %swap3A_807 = arith.constant 704 : index
        %swap3A_808 = tpu.vector_load %arg8[%swap3A_806, %swap3A_807] {strides = array<i32>} : memref<16x1024xf32, #tpu.memory_space<vmem>>, vector<1x16xf32>,
        %swap3A_809 = vector.shape_cast %swap3A_808 : vector<1x16xf32> to vector<16xf32>
        %swap3A_810 = vector.shape_cast %add3A_805 : vector<16xf32> to vector<1x16xf32>
        tpu.vector_store %arg8[%swap3A_806, %swap3A_807], %swap3A_810 {strides = array<i32>} : memref<16x1024xf32, #tpu.memory_space<vmem>>, vector<1x16xf32>,
        %get3A_811 = arith.index_cast %scan3A_182 : i32 to index
        %get3A_812 = arith.constant 720 : index
        %get3A_813 = tpu.vector_load %arg8[%get3A_811, %get3A_812] {strides = array<i32>} : memref<16x1024xf32, #tpu.memory_space<vmem>>, vector<1x16xf32>,
        %get3A_814 = vector.shape_cast %get3A_813 : vector<1x16xf32> to vector<16xf32>
        %get3A_815 = arith.index_cast %scan3A_182 : i32 to index
        %get3A_816 = arith.constant 720 : index
        %get3A_817 = tpu.vector_load %arg6[%get3A_815, %get3A_816] {strides = array<i32>} : memref<16x1024xf32, #tpu.memory_space<vmem>>, vector<1x16xf32>,
        %get3A_818 = vector.shape_cast %get3A_817 : vector<1x16xf32> to vector<16xf32>
        %add3A_819 = arith.addf %get3A_814, %get3A_818 : vector<16xf32>
        %swap3A_820 = arith.index_cast %scan3A_182 : i32 to index
        %swap3A_821 = arith.constant 720 : index
        %swap3A_822 = tpu.vector_load %arg8[%swap3A_820, %swap3A_821] {strides = array<i32>} : memref<16x1024xf32, #tpu.memory_space<vmem>>, vector<1x16xf32>,
        %swap3A_823 = vector.shape_cast %swap3A_822 : vector<1x16xf32> to vector<16xf32>
        %swap3A_824 = vector.shape_cast %add3A_819 : vector<16xf32> to vector<1x16xf32>
        tpu.vector_store %arg8[%swap3A_820, %swap3A_821], %swap3A_824 {strides = array<i32>} : memref<16x1024xf32, #tpu.memory_space<vmem>>, vector<1x16xf32>,
        %get3A_825 = arith.index_cast %scan3A_182 : i32 to index
        %get3A_826 = arith.constant 736 : index
        %get3A_827 = tpu.vector_load %arg8[%get3A_825, %get3A_826] {strides = array<i32>} : memref<16x1024xf32, #tpu.memory_space<vmem>>, vector<1x16xf32>,
        %get3A_828 = vector.shape_cast %get3A_827 : vector<1x16xf32> to vector<16xf32>
        %get3A_829 = arith.index_cast %scan3A_182 : i32 to index
        %get3A_830 = arith.constant 736 : index
        %get3A_831 = tpu.vector_load %arg6[%get3A_829, %get3A_830] {strides = array<i32>} : memref<16x1024xf32, #tpu.memory_space<vmem>>, vector<1x16xf32>,
        %get3A_832 = vector.shape_cast %get3A_831 : vector<1x16xf32> to vector<16xf32>
        %add3A_833 = arith.addf %get3A_828, %get3A_832 : vector<16xf32>
        %swap3A_834 = arith.index_cast %scan3A_182 : i32 to index
        %swap3A_835 = arith.constant 736 : index
        %swap3A_836 = tpu.vector_load %arg8[%swap3A_834, %swap3A_835] {strides = array<i32>} : memref<16x1024xf32, #tpu.memory_space<vmem>>, vector<1x16xf32>,
        %swap3A_837 = vector.shape_cast %swap3A_836 : vector<1x16xf32> to vector<16xf32>
        %swap3A_838 = vector.shape_cast %add3A_833 : vector<16xf32> to vector<1x16xf32>
        tpu.vector_store %arg8[%swap3A_834, %swap3A_835], %swap3A_838 {strides = array<i32>} : memref<16x1024xf32, #tpu.memory_space<vmem>>, vector<1x16xf32>,
        %get3A_839 = arith.index_cast %scan3A_182 : i32 to index
        %get3A_840 = arith.constant 752 : index
        %get3A_841 = tpu.vector_load %arg8[%get3A_839, %get3A_840] {strides = array<i32>} : memref<16x1024xf32, #tpu.memory_space<vmem>>, vector<1x16xf32>,
        %get3A_842 = vector.shape_cast %get3A_841 : vector<1x16xf32> to vector<16xf32>
        %get3A_843 = arith.index_cast %scan3A_182 : i32 to index
        %get3A_844 = arith.constant 752 : index
        %get3A_845 = tpu.vector_load %arg6[%get3A_843, %get3A_844] {strides = array<i32>} : memref<16x1024xf32, #tpu.memory_space<vmem>>, vector<1x16xf32>,
        %get3A_846 = vector.shape_cast %get3A_845 : vector<1x16xf32> to vector<16xf32>
        %add3A_847 = arith.addf %get3A_842, %get3A_846 : vector<16xf32>
        %swap3A_848 = arith.index_cast %scan3A_182 : i32 to index
        %swap3A_849 = arith.constant 752 : index
        %swap3A_850 = tpu.vector_load %arg8[%swap3A_848, %swap3A_849] {strides = array<i32>} : memref<16x1024xf32, #tpu.memory_space<vmem>>, vector<1x16xf32>,
        %swap3A_851 = vector.shape_cast %swap3A_850 : vector<1x16xf32> to vector<16xf32>
        %swap3A_852 = vector.shape_cast %add3A_847 : vector<16xf32> to vector<1x16xf32>
        tpu.vector_store %arg8[%swap3A_848, %swap3A_849], %swap3A_852 {strides = array<i32>} : memref<16x1024xf32, #tpu.memory_space<vmem>>, vector<1x16xf32>,
        %get3A_853 = arith.index_cast %scan3A_182 : i32 to index
        %get3A_854 = arith.constant 768 : index
        %get3A_855 = tpu.vector_load %arg8[%get3A_853, %get3A_854] {strides = array<i32>} : memref<16x1024xf32, #tpu.memory_space<vmem>>, vector<1x16xf32>,
        %get3A_856 = vector.shape_cast %get3A_855 : vector<1x16xf32> to vector<16xf32>
        %get3A_857 = arith.index_cast %scan3A_182 : i32 to index
        %get3A_858 = arith.constant 768 : index
        %get3A_859 = tpu.vector_load %arg6[%get3A_857, %get3A_858] {strides = array<i32>} : memref<16x1024xf32, #tpu.memory_space<vmem>>, vector<1x16xf32>,
        %get3A_860 = vector.shape_cast %get3A_859 : vector<1x16xf32> to vector<16xf32>
        %add3A_861 = arith.addf %get3A_856, %get3A_860 : vector<16xf32>
        %swap3A_862 = arith.index_cast %scan3A_182 : i32 to index
        %swap3A_863 = arith.constant 768 : index
        %swap3A_864 = tpu.vector_load %arg8[%swap3A_862, %swap3A_863] {strides = array<i32>} : memref<16x1024xf32, #tpu.memory_space<vmem>>, vector<1x16xf32>,
        %swap3A_865 = vector.shape_cast %swap3A_864 : vector<1x16xf32> to vector<16xf32>
        %swap3A_866 = vector.shape_cast %add3A_861 : vector<16xf32> to vector<1x16xf32>
        tpu.vector_store %arg8[%swap3A_862, %swap3A_863], %swap3A_866 {strides = array<i32>} : memref<16x1024xf32, #tpu.memory_space<vmem>>, vector<1x16xf32>,
        %get3A_867 = arith.index_cast %scan3A_182 : i32 to index
        %get3A_868 = arith.constant 784 : index
        %get3A_869 = tpu.vector_load %arg8[%get3A_867, %get3A_868] {strides = array<i32>} : memref<16x1024xf32, #tpu.memory_space<vmem>>, vector<1x16xf32>,
        %get3A_870 = vector.shape_cast %get3A_869 : vector<1x16xf32> to vector<16xf32>
        %get3A_871 = arith.index_cast %scan3A_182 : i32 to index
        %get3A_872 = arith.constant 784 : index
        %get3A_873 = tpu.vector_load %arg6[%get3A_871, %get3A_872] {strides = array<i32>} : memref<16x1024xf32, #tpu.memory_space<vmem>>, vector<1x16xf32>,
        %get3A_874 = vector.shape_cast %get3A_873 : vector<1x16xf32> to vector<16xf32>
        %add3A_875 = arith.addf %get3A_870, %get3A_874 : vector<16xf32>
        %swap3A_876 = arith.index_cast %scan3A_182 : i32 to index
        %swap3A_877 = arith.constant 784 : index
        %swap3A_878 = tpu.vector_load %arg8[%swap3A_876, %swap3A_877] {strides = array<i32>} : memref<16x1024xf32, #tpu.memory_space<vmem>>, vector<1x16xf32>,
        %swap3A_879 = vector.shape_cast %swap3A_878 : vector<1x16xf32> to vector<16xf32>
        %swap3A_880 = vector.shape_cast %add3A_875 : vector<16xf32> to vector<1x16xf32>
        tpu.vector_store %arg8[%swap3A_876, %swap3A_877], %swap3A_880 {strides = array<i32>} : memref<16x1024xf32, #tpu.memory_space<vmem>>, vector<1x16xf32>,
        %get3A_881 = arith.index_cast %scan3A_182 : i32 to index
        %get3A_882 = arith.constant 800 : index
        %get3A_883 = tpu.vector_load %arg8[%get3A_881, %get3A_882] {strides = array<i32>} : memref<16x1024xf32, #tpu.memory_space<vmem>>, vector<1x16xf32>,
        %get3A_884 = vector.shape_cast %get3A_883 : vector<1x16xf32> to vector<16xf32>
        %get3A_885 = arith.index_cast %scan3A_182 : i32 to index
        %get3A_886 = arith.constant 800 : index
        %get3A_887 = tpu.vector_load %arg6[%get3A_885, %get3A_886] {strides = array<i32>} : memref<16x1024xf32, #tpu.memory_space<vmem>>, vector<1x16xf32>,
        %get3A_888 = vector.shape_cast %get3A_887 : vector<1x16xf32> to vector<16xf32>
        %add3A_889 = arith.addf %get3A_884, %get3A_888 : vector<16xf32>
        %swap3A_890 = arith.index_cast %scan3A_182 : i32 to index
        %swap3A_891 = arith.constant 800 : index
        %swap3A_892 = tpu.vector_load %arg8[%swap3A_890, %swap3A_891] {strides = array<i32>} : memref<16x1024xf32, #tpu.memory_space<vmem>>, vector<1x16xf32>,
        %swap3A_893 = vector.shape_cast %swap3A_892 : vector<1x16xf32> to vector<16xf32>
        %swap3A_894 = vector.shape_cast %add3A_889 : vector<16xf32> to vector<1x16xf32>
        tpu.vector_store %arg8[%swap3A_890, %swap3A_891], %swap3A_894 {strides = array<i32>} : memref<16x1024xf32, #tpu.memory_space<vmem>>, vector<1x16xf32>,
        %get3A_895 = arith.index_cast %scan3A_182 : i32 to index
        %get3A_896 = arith.constant 816 : index
        %get3A_897 = tpu.vector_load %arg8[%get3A_895, %get3A_896] {strides = array<i32>} : memref<16x1024xf32, #tpu.memory_space<vmem>>, vector<1x16xf32>,
        %get3A_898 = vector.shape_cast %get3A_897 : vector<1x16xf32> to vector<16xf32>
        %get3A_899 = arith.index_cast %scan3A_182 : i32 to index
        %get3A_900 = arith.constant 816 : index
        %get3A_901 = tpu.vector_load %arg6[%get3A_899, %get3A_900] {strides = array<i32>} : memref<16x1024xf32, #tpu.memory_space<vmem>>, vector<1x16xf32>,
        %get3A_902 = vector.shape_cast %get3A_901 : vector<1x16xf32> to vector<16xf32>
        %add3A_903 = arith.addf %get3A_898, %get3A_902 : vector<16xf32>
        %swap3A_904 = arith.index_cast %scan3A_182 : i32 to index
        %swap3A_905 = arith.constant 816 : index
        %swap3A_906 = tpu.vector_load %arg8[%swap3A_904, %swap3A_905] {strides = array<i32>} : memref<16x1024xf32, #tpu.memory_space<vmem>>, vector<1x16xf32>,
        %swap3A_907 = vector.shape_cast %swap3A_906 : vector<1x16xf32> to vector<16xf32>
        %swap3A_908 = vector.shape_cast %add3A_903 : vector<16xf32> to vector<1x16xf32>
        tpu.vector_store %arg8[%swap3A_904, %swap3A_905], %swap3A_908 {strides = array<i32>} : memref<16x1024xf32, #tpu.memory_space<vmem>>, vector<1x16xf32>,
        %get3A_909 = arith.index_cast %scan3A_182 : i32 to index
        %get3A_910 = arith.constant 832 : index
        %get3A_911 = tpu.vector_load %arg8[%get3A_909, %get3A_910] {strides = array<i32>} : memref<16x1024xf32, #tpu.memory_space<vmem>>, vector<1x16xf32>,
        %get3A_912 = vector.shape_cast %get3A_911 : vector<1x16xf32> to vector<16xf32>
        %get3A_913 = arith.index_cast %scan3A_182 : i32 to index
        %get3A_914 = arith.constant 832 : index
        %get3A_915 = tpu.vector_load %arg6[%get3A_913, %get3A_914] {strides = array<i32>} : memref<16x1024xf32, #tpu.memory_space<vmem>>, vector<1x16xf32>,
        %get3A_916 = vector.shape_cast %get3A_915 : vector<1x16xf32> to vector<16xf32>
        %add3A_917 = arith.addf %get3A_912, %get3A_916 : vector<16xf32>
        %swap3A_918 = arith.index_cast %scan3A_182 : i32 to index
        %swap3A_919 = arith.constant 832 : index
        %swap3A_920 = tpu.vector_load %arg8[%swap3A_918, %swap3A_919] {strides = array<i32>} : memref<16x1024xf32, #tpu.memory_space<vmem>>, vector<1x16xf32>,
        %swap3A_921 = vector.shape_cast %swap3A_920 : vector<1x16xf32> to vector<16xf32>
        %swap3A_922 = vector.shape_cast %add3A_917 : vector<16xf32> to vector<1x16xf32>
        tpu.vector_store %arg8[%swap3A_918, %swap3A_919], %swap3A_922 {strides = array<i32>} : memref<16x1024xf32, #tpu.memory_space<vmem>>, vector<1x16xf32>,
        %get3A_923 = arith.index_cast %scan3A_182 : i32 to index
        %get3A_924 = arith.constant 848 : index
        %get3A_925 = tpu.vector_load %arg8[%get3A_923, %get3A_924] {strides = array<i32>} : memref<16x1024xf32, #tpu.memory_space<vmem>>, vector<1x16xf32>,
        %get3A_926 = vector.shape_cast %get3A_925 : vector<1x16xf32> to vector<16xf32>
        %get3A_927 = arith.index_cast %scan3A_182 : i32 to index
        %get3A_928 = arith.constant 848 : index
        %get3A_929 = tpu.vector_load %arg6[%get3A_927, %get3A_928] {strides = array<i32>} : memref<16x1024xf32, #tpu.memory_space<vmem>>, vector<1x16xf32>,
        %get3A_930 = vector.shape_cast %get3A_929 : vector<1x16xf32> to vector<16xf32>
        %add3A_931 = arith.addf %get3A_926, %get3A_930 : vector<16xf32>
        %swap3A_932 = arith.index_cast %scan3A_182 : i32 to index
        %swap3A_933 = arith.constant 848 : index
        %swap3A_934 = tpu.vector_load %arg8[%swap3A_932, %swap3A_933] {strides = array<i32>} : memref<16x1024xf32, #tpu.memory_space<vmem>>, vector<1x16xf32>,
        %swap3A_935 = vector.shape_cast %swap3A_934 : vector<1x16xf32> to vector<16xf32>
        %swap3A_936 = vector.shape_cast %add3A_931 : vector<16xf32> to vector<1x16xf32>
        tpu.vector_store %arg8[%swap3A_932, %swap3A_933], %swap3A_936 {strides = array<i32>} : memref<16x1024xf32, #tpu.memory_space<vmem>>, vector<1x16xf32>,
        %get3A_937 = arith.index_cast %scan3A_182 : i32 to index
        %get3A_938 = arith.constant 864 : index
        %get3A_939 = tpu.vector_load %arg8[%get3A_937, %get3A_938] {strides = array<i32>} : memref<16x1024xf32, #tpu.memory_space<vmem>>, vector<1x16xf32>,
        %get3A_940 = vector.shape_cast %get3A_939 : vector<1x16xf32> to vector<16xf32>
        %get3A_941 = arith.index_cast %scan3A_182 : i32 to index
        %get3A_942 = arith.constant 864 : index
        %get3A_943 = tpu.vector_load %arg6[%get3A_941, %get3A_942] {strides = array<i32>} : memref<16x1024xf32, #tpu.memory_space<vmem>>, vector<1x16xf32>,
        %get3A_944 = vector.shape_cast %get3A_943 : vector<1x16xf32> to vector<16xf32>
        %add3A_945 = arith.addf %get3A_940, %get3A_944 : vector<16xf32>
        %swap3A_946 = arith.index_cast %scan3A_182 : i32 to index
        %swap3A_947 = arith.constant 864 : index
        %swap3A_948 = tpu.vector_load %arg8[%swap3A_946, %swap3A_947] {strides = array<i32>} : memref<16x1024xf32, #tpu.memory_space<vmem>>, vector<1x16xf32>,
        %swap3A_949 = vector.shape_cast %swap3A_948 : vector<1x16xf32> to vector<16xf32>
        %swap3A_950 = vector.shape_cast %add3A_945 : vector<16xf32> to vector<1x16xf32>
        tpu.vector_store %arg8[%swap3A_946, %swap3A_947], %swap3A_950 {strides = array<i32>} : memref<16x1024xf32, #tpu.memory_space<vmem>>, vector<1x16xf32>,
        %get3A_951 = arith.index_cast %scan3A_182 : i32 to index
        %get3A_952 = arith.constant 880 : index
        %get3A_953 = tpu.vector_load %arg8[%get3A_951, %get3A_952] {strides = array<i32>} : memref<16x1024xf32, #tpu.memory_space<vmem>>, vector<1x16xf32>,
        %get3A_954 = vector.shape_cast %get3A_953 : vector<1x16xf32> to vector<16xf32>
        %get3A_955 = arith.index_cast %scan3A_182 : i32 to index
        %get3A_956 = arith.constant 880 : index
        %get3A_957 = tpu.vector_load %arg6[%get3A_955, %get3A_956] {strides = array<i32>} : memref<16x1024xf32, #tpu.memory_space<vmem>>, vector<1x16xf32>,
        %get3A_958 = vector.shape_cast %get3A_957 : vector<1x16xf32> to vector<16xf32>
        %add3A_959 = arith.addf %get3A_954, %get3A_958 : vector<16xf32>
        %swap3A_960 = arith.index_cast %scan3A_182 : i32 to index
        %swap3A_961 = arith.constant 880 : index
        %swap3A_962 = tpu.vector_load %arg8[%swap3A_960, %swap3A_961] {strides = array<i32>} : memref<16x1024xf32, #tpu.memory_space<vmem>>, vector<1x16xf32>,
        %swap3A_963 = vector.shape_cast %swap3A_962 : vector<1x16xf32> to vector<16xf32>
        %swap3A_964 = vector.shape_cast %add3A_959 : vector<16xf32> to vector<1x16xf32>
        tpu.vector_store %arg8[%swap3A_960, %swap3A_961], %swap3A_964 {strides = array<i32>} : memref<16x1024xf32, #tpu.memory_space<vmem>>, vector<1x16xf32>,
        %get3A_965 = arith.index_cast %scan3A_182 : i32 to index
        %get3A_966 = arith.constant 896 : index
        %get3A_967 = tpu.vector_load %arg8[%get3A_965, %get3A_966] {strides = array<i32>} : memref<16x1024xf32, #tpu.memory_space<vmem>>, vector<1x16xf32>,
        %get3A_968 = vector.shape_cast %get3A_967 : vector<1x16xf32> to vector<16xf32>
        %get3A_969 = arith.index_cast %scan3A_182 : i32 to index
        %get3A_970 = arith.constant 896 : index
        %get3A_971 = tpu.vector_load %arg6[%get3A_969, %get3A_970] {strides = array<i32>} : memref<16x1024xf32, #tpu.memory_space<vmem>>, vector<1x16xf32>,
        %get3A_972 = vector.shape_cast %get3A_971 : vector<1x16xf32> to vector<16xf32>
        %add3A_973 = arith.addf %get3A_968, %get3A_972 : vector<16xf32>
        %swap3A_974 = arith.index_cast %scan3A_182 : i32 to index
        %swap3A_975 = arith.constant 896 : index
        %swap3A_976 = tpu.vector_load %arg8[%swap3A_974, %swap3A_975] {strides = array<i32>} : memref<16x1024xf32, #tpu.memory_space<vmem>>, vector<1x16xf32>,
        %swap3A_977 = vector.shape_cast %swap3A_976 : vector<1x16xf32> to vector<16xf32>
        %swap3A_978 = vector.shape_cast %add3A_973 : vector<16xf32> to vector<1x16xf32>
        tpu.vector_store %arg8[%swap3A_974, %swap3A_975], %swap3A_978 {strides = array<i32>} : memref<16x1024xf32, #tpu.memory_space<vmem>>, vector<1x16xf32>,
        %get3A_979 = arith.index_cast %scan3A_182 : i32 to index
        %get3A_980 = arith.constant 912 : index
        %get3A_981 = tpu.vector_load %arg8[%get3A_979, %get3A_980] {strides = array<i32>} : memref<16x1024xf32, #tpu.memory_space<vmem>>, vector<1x16xf32>,
        %get3A_982 = vector.shape_cast %get3A_981 : vector<1x16xf32> to vector<16xf32>
        %get3A_983 = arith.index_cast %scan3A_182 : i32 to index
        %get3A_984 = arith.constant 912 : index
        %get3A_985 = tpu.vector_load %arg6[%get3A_983, %get3A_984] {strides = array<i32>} : memref<16x1024xf32, #tpu.memory_space<vmem>>, vector<1x16xf32>,
        %get3A_986 = vector.shape_cast %get3A_985 : vector<1x16xf32> to vector<16xf32>
        %add3A_987 = arith.addf %get3A_982, %get3A_986 : vector<16xf32>
        %swap3A_988 = arith.index_cast %scan3A_182 : i32 to index
        %swap3A_989 = arith.constant 912 : index
        %swap3A_990 = tpu.vector_load %arg8[%swap3A_988, %swap3A_989] {strides = array<i32>} : memref<16x1024xf32, #tpu.memory_space<vmem>>, vector<1x16xf32>,
        %swap3A_991 = vector.shape_cast %swap3A_990 : vector<1x16xf32> to vector<16xf32>
        %swap3A_992 = vector.shape_cast %add3A_987 : vector<16xf32> to vector<1x16xf32>
        tpu.vector_store %arg8[%swap3A_988, %swap3A_989], %swap3A_992 {strides = array<i32>} : memref<16x1024xf32, #tpu.memory_space<vmem>>, vector<1x16xf32>,
        %get3A_993 = arith.index_cast %scan3A_182 : i32 to index
        %get3A_994 = arith.constant 928 : index
        %get3A_995 = tpu.vector_load %arg8[%get3A_993, %get3A_994] {strides = array<i32>} : memref<16x1024xf32, #tpu.memory_space<vmem>>, vector<1x16xf32>,
        %get3A_996 = vector.shape_cast %get3A_995 : vector<1x16xf32> to vector<16xf32>
        %get3A_997 = arith.index_cast %scan3A_182 : i32 to index
        %get3A_998 = arith.constant 928 : index
        %get3A_999 = tpu.vector_load %arg6[%get3A_997, %get3A_998] {strides = array<i32>} : memref<16x1024xf32, #tpu.memory_space<vmem>>, vector<1x16xf32>,
        %get3A_1000 = vector.shape_cast %get3A_999 : vector<1x16xf32> to vector<16xf32>
        %add3A_1001 = arith.addf %get3A_996, %get3A_1000 : vector<16xf32>
        %swap3A_1002 = arith.index_cast %scan3A_182 : i32 to index
        %swap3A_1003 = arith.constant 928 : index
        %swap3A_1004 = tpu.vector_load %arg8[%swap3A_1002, %swap3A_1003] {strides = array<i32>} : memref<16x1024xf32, #tpu.memory_space<vmem>>, vector<1x16xf32>,
        %swap3A_1005 = vector.shape_cast %swap3A_1004 : vector<1x16xf32> to vector<16xf32>
        %swap3A_1006 = vector.shape_cast %add3A_1001 : vector<16xf32> to vector<1x16xf32>
        tpu.vector_store %arg8[%swap3A_1002, %swap3A_1003], %swap3A_1006 {strides = array<i32>} : memref<16x1024xf32, #tpu.memory_space<vmem>>, vector<1x16xf32>,
        %get3A_1007 = arith.index_cast %scan3A_182 : i32 to index
        %get3A_1008 = arith.constant 944 : index
        %get3A_1009 = tpu.vector_load %arg8[%get3A_1007, %get3A_1008] {strides = array<i32>} : memref<16x1024xf32, #tpu.memory_space<vmem>>, vector<1x16xf32>,
        %get3A_1010 = vector.shape_cast %get3A_1009 : vector<1x16xf32> to vector<16xf32>
        %get3A_1011 = arith.index_cast %scan3A_182 : i32 to index
        %get3A_1012 = arith.constant 944 : index
        %get3A_1013 = tpu.vector_load %arg6[%get3A_1011, %get3A_1012] {strides = array<i32>} : memref<16x1024xf32, #tpu.memory_space<vmem>>, vector<1x16xf32>,
        %get3A_1014 = vector.shape_cast %get3A_1013 : vector<1x16xf32> to vector<16xf32>
        %add3A_1015 = arith.addf %get3A_1010, %get3A_1014 : vector<16xf32>
        %swap3A_1016 = arith.index_cast %scan3A_182 : i32 to index
        %swap3A_1017 = arith.constant 944 : index
        %swap3A_1018 = tpu.vector_load %arg8[%swap3A_1016, %swap3A_1017] {strides = array<i32>} : memref<16x1024xf32, #tpu.memory_space<vmem>>, vector<1x16xf32>,
        %swap3A_1019 = vector.shape_cast %swap3A_1018 : vector<1x16xf32> to vector<16xf32>
        %swap3A_1020 = vector.shape_cast %add3A_1015 : vector<16xf32> to vector<1x16xf32>
        tpu.vector_store %arg8[%swap3A_1016, %swap3A_1017], %swap3A_1020 {strides = array<i32>} : memref<16x1024xf32, #tpu.memory_space<vmem>>, vector<1x16xf32>,
        %get3A_1021 = arith.index_cast %scan3A_182 : i32 to index
        %get3A_1022 = arith.constant 960 : index
        %get3A_1023 = tpu.vector_load %arg8[%get3A_1021, %get3A_1022] {strides = array<i32>} : memref<16x1024xf32, #tpu.memory_space<vmem>>, vector<1x16xf32>,
        %get3A_1024 = vector.shape_cast %get3A_1023 : vector<1x16xf32> to vector<16xf32>
        %get3A_1025 = arith.index_cast %scan3A_182 : i32 to index
        %get3A_1026 = arith.constant 960 : index
        %get3A_1027 = tpu.vector_load %arg6[%get3A_1025, %get3A_1026] {strides = array<i32>} : memref<16x1024xf32, #tpu.memory_space<vmem>>, vector<1x16xf32>,
        %get3A_1028 = vector.shape_cast %get3A_1027 : vector<1x16xf32> to vector<16xf32>
        %add3A_1029 = arith.addf %get3A_1024, %get3A_1028 : vector<16xf32>
        %swap3A_1030 = arith.index_cast %scan3A_182 : i32 to index
        %swap3A_1031 = arith.constant 960 : index
        %swap3A_1032 = tpu.vector_load %arg8[%swap3A_1030, %swap3A_1031] {strides = array<i32>} : memref<16x1024xf32, #tpu.memory_space<vmem>>, vector<1x16xf32>,
        %swap3A_1033 = vector.shape_cast %swap3A_1032 : vector<1x16xf32> to vector<16xf32>
        %swap3A_1034 = vector.shape_cast %add3A_1029 : vector<16xf32> to vector<1x16xf32>
        tpu.vector_store %arg8[%swap3A_1030, %swap3A_1031], %swap3A_1034 {strides = array<i32>} : memref<16x1024xf32, #tpu.memory_space<vmem>>, vector<1x16xf32>,
        %get3A_1035 = arith.index_cast %scan3A_182 : i32 to index
        %get3A_1036 = arith.constant 976 : index
        %get3A_1037 = tpu.vector_load %arg8[%get3A_1035, %get3A_1036] {strides = array<i32>} : memref<16x1024xf32, #tpu.memory_space<vmem>>, vector<1x16xf32>,
        %get3A_1038 = vector.shape_cast %get3A_1037 : vector<1x16xf32> to vector<16xf32>
        %get3A_1039 = arith.index_cast %scan3A_182 : i32 to index
        %get3A_1040 = arith.constant 976 : index
        %get3A_1041 = tpu.vector_load %arg6[%get3A_1039, %get3A_1040] {strides = array<i32>} : memref<16x1024xf32, #tpu.memory_space<vmem>>, vector<1x16xf32>,
        %get3A_1042 = vector.shape_cast %get3A_1041 : vector<1x16xf32> to vector<16xf32>
        %add3A_1043 = arith.addf %get3A_1038, %get3A_1042 : vector<16xf32>
        %swap3A_1044 = arith.index_cast %scan3A_182 : i32 to index
        %swap3A_1045 = arith.constant 976 : index
        %swap3A_1046 = tpu.vector_load %arg8[%swap3A_1044, %swap3A_1045] {strides = array<i32>} : memref<16x1024xf32, #tpu.memory_space<vmem>>, vector<1x16xf32>,
        %swap3A_1047 = vector.shape_cast %swap3A_1046 : vector<1x16xf32> to vector<16xf32>
        %swap3A_1048 = vector.shape_cast %add3A_1043 : vector<16xf32> to vector<1x16xf32>
        tpu.vector_store %arg8[%swap3A_1044, %swap3A_1045], %swap3A_1048 {strides = array<i32>} : memref<16x1024xf32, #tpu.memory_space<vmem>>, vector<1x16xf32>,
        %get3A_1049 = arith.index_cast %scan3A_182 : i32 to index
        %get3A_1050 = arith.constant 992 : index
        %get3A_1051 = tpu.vector_load %arg8[%get3A_1049, %get3A_1050] {strides = array<i32>} : memref<16x1024xf32, #tpu.memory_space<vmem>>, vector<1x16xf32>,
        %get3A_1052 = vector.shape_cast %get3A_1051 : vector<1x16xf32> to vector<16xf32>
        %get3A_1053 = arith.index_cast %scan3A_182 : i32 to index
        %get3A_1054 = arith.constant 992 : index
        %get3A_1055 = tpu.vector_load %arg6[%get3A_1053, %get3A_1054] {strides = array<i32>} : memref<16x1024xf32, #tpu.memory_space<vmem>>, vector<1x16xf32>,
        %get3A_1056 = vector.shape_cast %get3A_1055 : vector<1x16xf32> to vector<16xf32>
        %add3A_1057 = arith.addf %get3A_1052, %get3A_1056 : vector<16xf32>
        %swap3A_1058 = arith.index_cast %scan3A_182 : i32 to index
        %swap3A_1059 = arith.constant 992 : index
        %swap3A_1060 = tpu.vector_load %arg8[%swap3A_1058, %swap3A_1059] {strides = array<i32>} : memref<16x1024xf32, #tpu.memory_space<vmem>>, vector<1x16xf32>,
        %swap3A_1061 = vector.shape_cast %swap3A_1060 : vector<1x16xf32> to vector<16xf32>
        %swap3A_1062 = vector.shape_cast %add3A_1057 : vector<16xf32> to vector<1x16xf32>
        tpu.vector_store %arg8[%swap3A_1058, %swap3A_1059], %swap3A_1062 {strides = array<i32>} : memref<16x1024xf32, #tpu.memory_space<vmem>>, vector<1x16xf32>,
        %get3A_1063 = arith.index_cast %scan3A_182 : i32 to index
        %get3A_1064 = arith.constant 1008 : index
        %get3A_1065 = tpu.vector_load %arg8[%get3A_1063, %get3A_1064] {strides = array<i32>} : memref<16x1024xf32, #tpu.memory_space<vmem>>, vector<1x16xf32>,
        %get3A_1066 = vector.shape_cast %get3A_1065 : vector<1x16xf32> to vector<16xf32>
        %get3A_1067 = arith.index_cast %scan3A_182 : i32 to index
        %get3A_1068 = arith.constant 1008 : index
        %get3A_1069 = tpu.vector_load %arg6[%get3A_1067, %get3A_1068] {strides = array<i32>} : memref<16x1024xf32, #tpu.memory_space<vmem>>, vector<1x16xf32>,
        %get3A_1070 = vector.shape_cast %get3A_1069 : vector<1x16xf32> to vector<16xf32>
        %add3A_1071 = arith.addf %get3A_1066, %get3A_1070 : vector<16xf32>
        %swap3A_1072 = arith.index_cast %scan3A_182 : i32 to index
        %swap3A_1073 = arith.constant 1008 : index
        %swap3A_1074 = tpu.vector_load %arg8[%swap3A_1072, %swap3A_1073] {strides = array<i32>} : memref<16x1024xf32, #tpu.memory_space<vmem>>, vector<1x16xf32>,
        %swap3A_1075 = vector.shape_cast %swap3A_1074 : vector<1x16xf32> to vector<16xf32>
        %swap3A_1076 = vector.shape_cast %add3A_1071 : vector<16xf32> to vector<1x16xf32>
        tpu.vector_store %arg8[%swap3A_1072, %swap3A_1073], %swap3A_1076 {strides = array<i32>} : memref<16x1024xf32, #tpu.memory_space<vmem>>, vector<1x16xf32>,
      }
      %scan3A_106 = arith.constant 16 : i32
      %dma_start3A_107 = arith.constant 1 : i32
      %dma_start3A_108 = arith.constant 0 : i32
      %dma_start3A_109 = tpu.memref_slice %arg4[%dma_start3A_107, %select_n3A, %add3A_41, %dma_start3A_108] : memref<4x12x1024x1024xf32, #tpu.memory_space<hbm>> -> memref<1x1x16x1024xf32, #tpu.memory_space<hbm>>
      %dma_start3A_110 = tpu.memref_squeeze %dma_start3A_109 : memref<1x1x16x1024xf32, #tpu.memory_space<hbm>> -> memref<16x1024xf32, #tpu.memory_space<hbm>>
      %dma_start3A_111 = arith.constant 0 : i32
      %dma_start3A_112 = tpu.memref_slice %arg4[%dma_start3A_107, %select_n3A, %add3A_41, %dma_start3A_111] : memref<4x12x1024x1024xf32, #tpu.memory_space<hbm>> -> memref<1x1x16x1024xf32, #tpu.memory_space<hbm>>
      %dma_start3A_113 = tpu.memref_squeeze %dma_start3A_112 : memref<1x1x16x1024xf32, #tpu.memory_space<hbm>> -> memref<16x1024xf32, #tpu.memory_space<hbm>>
      tpu.enqueue_dma source(%arg8 : memref<16x1024xf32, #tpu.memory_space<vmem>>) target(%dma_start3A_113 : memref<16x1024xf32, #tpu.memory_space<hbm>>) target_semaphore(%arg16 : memref<!tpu.dma_semaphore, #tpu.memory_space<semaphore_mem>>)
      %dma_wait3A_114 = arith.constant 2 : i32
      %dma_wait3A_115 = arith.constant 0 : i32
      %dma_wait3A_116 = tpu.memref_slice %arg3[%dma_wait3A_114, %select_n3A, %add3A_41, %dma_wait3A_115] : memref<4x12x1024x1024xf32, #tpu.memory_space<hbm>> -> memref<1x1x16x1024xf32, #tpu.memory_space<hbm>>
      %dma_wait3A_117 = tpu.memref_squeeze %dma_wait3A_116 : memref<1x1x16x1024xf32, #tpu.memory_space<hbm>> -> memref<16x1024xf32, #tpu.memory_space<hbm>>
      %dma_wait3A_118 = arith.constant 0 : i32
      %dma_wait3A_119 = tpu.memref_slice %arg3[%dma_wait3A_114, %select_n3A, %add3A_41, %dma_wait3A_118] : memref<4x12x1024x1024xf32, #tpu.memory_space<hbm>> -> memref<1x1x16x1024xf32, #tpu.memory_space<hbm>>
      %dma_wait3A_120 = tpu.memref_squeeze %dma_wait3A_119 : memref<1x1x16x1024xf32, #tpu.memory_space<hbm>> -> memref<16x1024xf32, #tpu.memory_space<hbm>>
      tpu.wait_dma2 semaphore(%arg13 : memref<!tpu.dma_semaphore, #tpu.memory_space<semaphore_mem>>) src(%dma_wait3A_120 : memref<16x1024xf32, #tpu.memory_space<hbm>>) dst(%arg9 : memref<16x1024xf32, #tpu.memory_space<vmem>>)
      %scan3A_121 = arith.constant 0 : i32
      %scan3A_122 = arith.constant 0 : i32
      %scan3A_123 = arith.constant 16 : i32
      %scan3A_124 = arith.addi %scan3A_122, %scan3A_123 : i32
      %scan3A_125 = arith.constant 1 : i32
      scf.for %scan3A_182 = %scan3A_122 to %scan3A_124 step %scan3A_125  : i32 {
        %get3A = arith.index_cast %scan3A_182 : i32 to index
        %get3A_183 = arith.constant 0 : index
        %get3A_184 = tpu.vector_load %arg9[%get3A, %get3A_183] {strides = array<i32>} : memref<16x1024xf32, #tpu.memory_space<vmem>>, vector<1x16xf32>,
        %get3A_185 = vector.shape_cast %get3A_184 : vector<1x16xf32> to vector<16xf32>
        %get3A_186 = arith.index_cast %scan3A_182 : i32 to index
        %get3A_187 = arith.constant 0 : index
        %get3A_188 = tpu.vector_load %arg6[%get3A_186, %get3A_187] {strides = array<i32>} : memref<16x1024xf32, #tpu.memory_space<vmem>>, vector<1x16xf32>,
        %get3A_189 = vector.shape_cast %get3A_188 : vector<1x16xf32> to vector<16xf32>
        %add3A_190 = arith.addf %get3A_185, %get3A_189 : vector<16xf32>
        %swap3A = arith.index_cast %scan3A_182 : i32 to index
        %swap3A_191 = arith.constant 0 : index
        %swap3A_192 = tpu.vector_load %arg9[%swap3A, %swap3A_191] {strides = array<i32>} : memref<16x1024xf32, #tpu.memory_space<vmem>>, vector<1x16xf32>,
        %swap3A_193 = vector.shape_cast %swap3A_192 : vector<1x16xf32> to vector<16xf32>
        %swap3A_194 = vector.shape_cast %add3A_190 : vector<16xf32> to vector<1x16xf32>
        tpu.vector_store %arg9[%swap3A, %swap3A_191], %swap3A_194 {strides = array<i32>} : memref<16x1024xf32, #tpu.memory_space<vmem>>, vector<1x16xf32>,
        %get3A_195 = arith.index_cast %scan3A_182 : i32 to index
        %get3A_196 = arith.constant 16 : index
        %get3A_197 = tpu.vector_load %arg9[%get3A_195, %get3A_196] {strides = array<i32>} : memref<16x1024xf32, #tpu.memory_space<vmem>>, vector<1x16xf32>,
        %get3A_198 = vector.shape_cast %get3A_197 : vector<1x16xf32> to vector<16xf32>
        %get3A_199 = arith.index_cast %scan3A_182 : i32 to index
        %get3A_200 = arith.constant 16 : index
        %get3A_201 = tpu.vector_load %arg6[%get3A_199, %get3A_200] {strides = array<i32>} : memref<16x1024xf32, #tpu.memory_space<vmem>>, vector<1x16xf32>,
        %get3A_202 = vector.shape_cast %get3A_201 : vector<1x16xf32> to vector<16xf32>
        %add3A_203 = arith.addf %get3A_198, %get3A_202 : vector<16xf32>
        %swap3A_204 = arith.index_cast %scan3A_182 : i32 to index
        %swap3A_205 = arith.constant 16 : index
        %swap3A_206 = tpu.vector_load %arg9[%swap3A_204, %swap3A_205] {strides = array<i32>} : memref<16x1024xf32, #tpu.memory_space<vmem>>, vector<1x16xf32>,
        %swap3A_207 = vector.shape_cast %swap3A_206 : vector<1x16xf32> to vector<16xf32>
        %swap3A_208 = vector.shape_cast %add3A_203 : vector<16xf32> to vector<1x16xf32>
        tpu.vector_store %arg9[%swap3A_204, %swap3A_205], %swap3A_208 {strides = array<i32>} : memref<16x1024xf32, #tpu.memory_space<vmem>>, vector<1x16xf32>,
        %get3A_209 = arith.index_cast %scan3A_182 : i32 to index
        %get3A_210 = arith.constant 32 : index
        %get3A_211 = tpu.vector_load %arg9[%get3A_209, %get3A_210] {strides = array<i32>} : memref<16x1024xf32, #tpu.memory_space<vmem>>, vector<1x16xf32>,
        %get3A_212 = vector.shape_cast %get3A_211 : vector<1x16xf32> to vector<16xf32>
        %get3A_213 = arith.index_cast %scan3A_182 : i32 to index
        %get3A_214 = arith.constant 32 : index
        %get3A_215 = tpu.vector_load %arg6[%get3A_213, %get3A_214] {strides = array<i32>} : memref<16x1024xf32, #tpu.memory_space<vmem>>, vector<1x16xf32>,
        %get3A_216 = vector.shape_cast %get3A_215 : vector<1x16xf32> to vector<16xf32>
        %add3A_217 = arith.addf %get3A_212, %get3A_216 : vector<16xf32>
        %swap3A_218 = arith.index_cast %scan3A_182 : i32 to index
        %swap3A_219 = arith.constant 32 : index
        %swap3A_220 = tpu.vector_load %arg9[%swap3A_218, %swap3A_219] {strides = array<i32>} : memref<16x1024xf32, #tpu.memory_space<vmem>>, vector<1x16xf32>,
        %swap3A_221 = vector.shape_cast %swap3A_220 : vector<1x16xf32> to vector<16xf32>
        %swap3A_222 = vector.shape_cast %add3A_217 : vector<16xf32> to vector<1x16xf32>
        tpu.vector_store %arg9[%swap3A_218, %swap3A_219], %swap3A_222 {strides = array<i32>} : memref<16x1024xf32, #tpu.memory_space<vmem>>, vector<1x16xf32>,
        %get3A_223 = arith.index_cast %scan3A_182 : i32 to index
        %get3A_224 = arith.constant 48 : index
        %get3A_225 = tpu.vector_load %arg9[%get3A_223, %get3A_224] {strides = array<i32>} : memref<16x1024xf32, #tpu.memory_space<vmem>>, vector<1x16xf32>,
        %get3A_226 = vector.shape_cast %get3A_225 : vector<1x16xf32> to vector<16xf32>
        %get3A_227 = arith.index_cast %scan3A_182 : i32 to index
        %get3A_228 = arith.constant 48 : index
        %get3A_229 = tpu.vector_load %arg6[%get3A_227, %get3A_228] {strides = array<i32>} : memref<16x1024xf32, #tpu.memory_space<vmem>>, vector<1x16xf32>,
        %get3A_230 = vector.shape_cast %get3A_229 : vector<1x16xf32> to vector<16xf32>
        %add3A_231 = arith.addf %get3A_226, %get3A_230 : vector<16xf32>
        %swap3A_232 = arith.index_cast %scan3A_182 : i32 to index
        %swap3A_233 = arith.constant 48 : index
        %swap3A_234 = tpu.vector_load %arg9[%swap3A_232, %swap3A_233] {strides = array<i32>} : memref<16x1024xf32, #tpu.memory_space<vmem>>, vector<1x16xf32>,
        %swap3A_235 = vector.shape_cast %swap3A_234 : vector<1x16xf32> to vector<16xf32>
        %swap3A_236 = vector.shape_cast %add3A_231 : vector<16xf32> to vector<1x16xf32>
        tpu.vector_store %arg9[%swap3A_232, %swap3A_233], %swap3A_236 {strides = array<i32>} : memref<16x1024xf32, #tpu.memory_space<vmem>>, vector<1x16xf32>,
        %get3A_237 = arith.index_cast %scan3A_182 : i32 to index
        %get3A_238 = arith.constant 64 : index
        %get3A_239 = tpu.vector_load %arg9[%get3A_237, %get3A_238] {strides = array<i32>} : memref<16x1024xf32, #tpu.memory_space<vmem>>, vector<1x16xf32>,
        %get3A_240 = vector.shape_cast %get3A_239 : vector<1x16xf32> to vector<16xf32>
        %get3A_241 = arith.index_cast %scan3A_182 : i32 to index
        %get3A_242 = arith.constant 64 : index
        %get3A_243 = tpu.vector_load %arg6[%get3A_241, %get3A_242] {strides = array<i32>} : memref<16x1024xf32, #tpu.memory_space<vmem>>, vector<1x16xf32>,
        %get3A_244 = vector.shape_cast %get3A_243 : vector<1x16xf32> to vector<16xf32>
        %add3A_245 = arith.addf %get3A_240, %get3A_244 : vector<16xf32>
        %swap3A_246 = arith.index_cast %scan3A_182 : i32 to index
        %swap3A_247 = arith.constant 64 : index
        %swap3A_248 = tpu.vector_load %arg9[%swap3A_246, %swap3A_247] {strides = array<i32>} : memref<16x1024xf32, #tpu.memory_space<vmem>>, vector<1x16xf32>,
        %swap3A_249 = vector.shape_cast %swap3A_248 : vector<1x16xf32> to vector<16xf32>
        %swap3A_250 = vector.shape_cast %add3A_245 : vector<16xf32> to vector<1x16xf32>
        tpu.vector_store %arg9[%swap3A_246, %swap3A_247], %swap3A_250 {strides = array<i32>} : memref<16x1024xf32, #tpu.memory_space<vmem>>, vector<1x16xf32>,
        %get3A_251 = arith.index_cast %scan3A_182 : i32 to index
        %get3A_252 = arith.constant 80 : index
        %get3A_253 = tpu.vector_load %arg9[%get3A_251, %get3A_252] {strides = array<i32>} : memref<16x1024xf32, #tpu.memory_space<vmem>>, vector<1x16xf32>,
        %get3A_254 = vector.shape_cast %get3A_253 : vector<1x16xf32> to vector<16xf32>
        %get3A_255 = arith.index_cast %scan3A_182 : i32 to index
        %get3A_256 = arith.constant 80 : index
        %get3A_257 = tpu.vector_load %arg6[%get3A_255, %get3A_256] {strides = array<i32>} : memref<16x1024xf32, #tpu.memory_space<vmem>>, vector<1x16xf32>,
        %get3A_258 = vector.shape_cast %get3A_257 : vector<1x16xf32> to vector<16xf32>
        %add3A_259 = arith.addf %get3A_254, %get3A_258 : vector<16xf32>
        %swap3A_260 = arith.index_cast %scan3A_182 : i32 to index
        %swap3A_261 = arith.constant 80 : index
        %swap3A_262 = tpu.vector_load %arg9[%swap3A_260, %swap3A_261] {strides = array<i32>} : memref<16x1024xf32, #tpu.memory_space<vmem>>, vector<1x16xf32>,
        %swap3A_263 = vector.shape_cast %swap3A_262 : vector<1x16xf32> to vector<16xf32>
        %swap3A_264 = vector.shape_cast %add3A_259 : vector<16xf32> to vector<1x16xf32>
        tpu.vector_store %arg9[%swap3A_260, %swap3A_261], %swap3A_264 {strides = array<i32>} : memref<16x1024xf32, #tpu.memory_space<vmem>>, vector<1x16xf32>,
        %get3A_265 = arith.index_cast %scan3A_182 : i32 to index
        %get3A_266 = arith.constant 96 : index
        %get3A_267 = tpu.vector_load %arg9[%get3A_265, %get3A_266] {strides = array<i32>} : memref<16x1024xf32, #tpu.memory_space<vmem>>, vector<1x16xf32>,
        %get3A_268 = vector.shape_cast %get3A_267 : vector<1x16xf32> to vector<16xf32>
        %get3A_269 = arith.index_cast %scan3A_182 : i32 to index
        %get3A_270 = arith.constant 96 : index
        %get3A_271 = tpu.vector_load %arg6[%get3A_269, %get3A_270] {strides = array<i32>} : memref<16x1024xf32, #tpu.memory_space<vmem>>, vector<1x16xf32>,
        %get3A_272 = vector.shape_cast %get3A_271 : vector<1x16xf32> to vector<16xf32>
        %add3A_273 = arith.addf %get3A_268, %get3A_272 : vector<16xf32>
        %swap3A_274 = arith.index_cast %scan3A_182 : i32 to index
        %swap3A_275 = arith.constant 96 : index
        %swap3A_276 = tpu.vector_load %arg9[%swap3A_274, %swap3A_275] {strides = array<i32>} : memref<16x1024xf32, #tpu.memory_space<vmem>>, vector<1x16xf32>,
        %swap3A_277 = vector.shape_cast %swap3A_276 : vector<1x16xf32> to vector<16xf32>
        %swap3A_278 = vector.shape_cast %add3A_273 : vector<16xf32> to vector<1x16xf32>
        tpu.vector_store %arg9[%swap3A_274, %swap3A_275], %swap3A_278 {strides = array<i32>} : memref<16x1024xf32, #tpu.memory_space<vmem>>, vector<1x16xf32>,
        %get3A_279 = arith.index_cast %scan3A_182 : i32 to index
        %get3A_280 = arith.constant 112 : index
        %get3A_281 = tpu.vector_load %arg9[%get3A_279, %get3A_280] {strides = array<i32>} : memref<16x1024xf32, #tpu.memory_space<vmem>>, vector<1x16xf32>,
        %get3A_282 = vector.shape_cast %get3A_281 : vector<1x16xf32> to vector<16xf32>
        %get3A_283 = arith.index_cast %scan3A_182 : i32 to index
        %get3A_284 = arith.constant 112 : index
        %get3A_285 = tpu.vector_load %arg6[%get3A_283, %get3A_284] {strides = array<i32>} : memref<16x1024xf32, #tpu.memory_space<vmem>>, vector<1x16xf32>,
        %get3A_286 = vector.shape_cast %get3A_285 : vector<1x16xf32> to vector<16xf32>
        %add3A_287 = arith.addf %get3A_282, %get3A_286 : vector<16xf32>
        %swap3A_288 = arith.index_cast %scan3A_182 : i32 to index
        %swap3A_289 = arith.constant 112 : index
        %swap3A_290 = tpu.vector_load %arg9[%swap3A_288, %swap3A_289] {strides = array<i32>} : memref<16x1024xf32, #tpu.memory_space<vmem>>, vector<1x16xf32>,
        %swap3A_291 = vector.shape_cast %swap3A_290 : vector<1x16xf32> to vector<16xf32>
        %swap3A_292 = vector.shape_cast %add3A_287 : vector<16xf32> to vector<1x16xf32>
        tpu.vector_store %arg9[%swap3A_288, %swap3A_289], %swap3A_292 {strides = array<i32>} : memref<16x1024xf32, #tpu.memory_space<vmem>>, vector<1x16xf32>,
        %get3A_293 = arith.index_cast %scan3A_182 : i32 to index
        %get3A_294 = arith.constant 128 : index
        %get3A_295 = tpu.vector_load %arg9[%get3A_293, %get3A_294] {strides = array<i32>} : memref<16x1024xf32, #tpu.memory_space<vmem>>, vector<1x16xf32>,
        %get3A_296 = vector.shape_cast %get3A_295 : vector<1x16xf32> to vector<16xf32>
        %get3A_297 = arith.index_cast %scan3A_182 : i32 to index
        %get3A_298 = arith.constant 128 : index
        %get3A_299 = tpu.vector_load %arg6[%get3A_297, %get3A_298] {strides = array<i32>} : memref<16x1024xf32, #tpu.memory_space<vmem>>, vector<1x16xf32>,
        %get3A_300 = vector.shape_cast %get3A_299 : vector<1x16xf32> to vector<16xf32>
        %add3A_301 = arith.addf %get3A_296, %get3A_300 : vector<16xf32>
        %swap3A_302 = arith.index_cast %scan3A_182 : i32 to index
        %swap3A_303 = arith.constant 128 : index
        %swap3A_304 = tpu.vector_load %arg9[%swap3A_302, %swap3A_303] {strides = array<i32>} : memref<16x1024xf32, #tpu.memory_space<vmem>>, vector<1x16xf32>,
        %swap3A_305 = vector.shape_cast %swap3A_304 : vector<1x16xf32> to vector<16xf32>
        %swap3A_306 = vector.shape_cast %add3A_301 : vector<16xf32> to vector<1x16xf32>
        tpu.vector_store %arg9[%swap3A_302, %swap3A_303], %swap3A_306 {strides = array<i32>} : memref<16x1024xf32, #tpu.memory_space<vmem>>, vector<1x16xf32>,
        %get3A_307 = arith.index_cast %scan3A_182 : i32 to index
        %get3A_308 = arith.constant 144 : index
        %get3A_309 = tpu.vector_load %arg9[%get3A_307, %get3A_308] {strides = array<i32>} : memref<16x1024xf32, #tpu.memory_space<vmem>>, vector<1x16xf32>,
        %get3A_310 = vector.shape_cast %get3A_309 : vector<1x16xf32> to vector<16xf32>
        %get3A_311 = arith.index_cast %scan3A_182 : i32 to index
        %get3A_312 = arith.constant 144 : index
        %get3A_313 = tpu.vector_load %arg6[%get3A_311, %get3A_312] {strides = array<i32>} : memref<16x1024xf32, #tpu.memory_space<vmem>>, vector<1x16xf32>,
        %get3A_314 = vector.shape_cast %get3A_313 : vector<1x16xf32> to vector<16xf32>
        %add3A_315 = arith.addf %get3A_310, %get3A_314 : vector<16xf32>
        %swap3A_316 = arith.index_cast %scan3A_182 : i32 to index
        %swap3A_317 = arith.constant 144 : index
        %swap3A_318 = tpu.vector_load %arg9[%swap3A_316, %swap3A_317] {strides = array<i32>} : memref<16x1024xf32, #tpu.memory_space<vmem>>, vector<1x16xf32>,
        %swap3A_319 = vector.shape_cast %swap3A_318 : vector<1x16xf32> to vector<16xf32>
        %swap3A_320 = vector.shape_cast %add3A_315 : vector<16xf32> to vector<1x16xf32>
        tpu.vector_store %arg9[%swap3A_316, %swap3A_317], %swap3A_320 {strides = array<i32>} : memref<16x1024xf32, #tpu.memory_space<vmem>>, vector<1x16xf32>,
        %get3A_321 = arith.index_cast %scan3A_182 : i32 to index
        %get3A_322 = arith.constant 160 : index
        %get3A_323 = tpu.vector_load %arg9[%get3A_321, %get3A_322] {strides = array<i32>} : memref<16x1024xf32, #tpu.memory_space<vmem>>, vector<1x16xf32>,
        %get3A_324 = vector.shape_cast %get3A_323 : vector<1x16xf32> to vector<16xf32>
        %get3A_325 = arith.index_cast %scan3A_182 : i32 to index
        %get3A_326 = arith.constant 160 : index
        %get3A_327 = tpu.vector_load %arg6[%get3A_325, %get3A_326] {strides = array<i32>} : memref<16x1024xf32, #tpu.memory_space<vmem>>, vector<1x16xf32>,
        %get3A_328 = vector.shape_cast %get3A_327 : vector<1x16xf32> to vector<16xf32>
        %add3A_329 = arith.addf %get3A_324, %get3A_328 : vector<16xf32>
        %swap3A_330 = arith.index_cast %scan3A_182 : i32 to index
        %swap3A_331 = arith.constant 160 : index
        %swap3A_332 = tpu.vector_load %arg9[%swap3A_330, %swap3A_331] {strides = array<i32>} : memref<16x1024xf32, #tpu.memory_space<vmem>>, vector<1x16xf32>,
        %swap3A_333 = vector.shape_cast %swap3A_332 : vector<1x16xf32> to vector<16xf32>
        %swap3A_334 = vector.shape_cast %add3A_329 : vector<16xf32> to vector<1x16xf32>
        tpu.vector_store %arg9[%swap3A_330, %swap3A_331], %swap3A_334 {strides = array<i32>} : memref<16x1024xf32, #tpu.memory_space<vmem>>, vector<1x16xf32>,
        %get3A_335 = arith.index_cast %scan3A_182 : i32 to index
        %get3A_336 = arith.constant 176 : index
        %get3A_337 = tpu.vector_load %arg9[%get3A_335, %get3A_336] {strides = array<i32>} : memref<16x1024xf32, #tpu.memory_space<vmem>>, vector<1x16xf32>,
        %get3A_338 = vector.shape_cast %get3A_337 : vector<1x16xf32> to vector<16xf32>
        %get3A_339 = arith.index_cast %scan3A_182 : i32 to index
        %get3A_340 = arith.constant 176 : index
        %get3A_341 = tpu.vector_load %arg6[%get3A_339, %get3A_340] {strides = array<i32>} : memref<16x1024xf32, #tpu.memory_space<vmem>>, vector<1x16xf32>,
        %get3A_342 = vector.shape_cast %get3A_341 : vector<1x16xf32> to vector<16xf32>
        %add3A_343 = arith.addf %get3A_338, %get3A_342 : vector<16xf32>
        %swap3A_344 = arith.index_cast %scan3A_182 : i32 to index
        %swap3A_345 = arith.constant 176 : index
        %swap3A_346 = tpu.vector_load %arg9[%swap3A_344, %swap3A_345] {strides = array<i32>} : memref<16x1024xf32, #tpu.memory_space<vmem>>, vector<1x16xf32>,
        %swap3A_347 = vector.shape_cast %swap3A_346 : vector<1x16xf32> to vector<16xf32>
        %swap3A_348 = vector.shape_cast %add3A_343 : vector<16xf32> to vector<1x16xf32>
        tpu.vector_store %arg9[%swap3A_344, %swap3A_345], %swap3A_348 {strides = array<i32>} : memref<16x1024xf32, #tpu.memory_space<vmem>>, vector<1x16xf32>,
        %get3A_349 = arith.index_cast %scan3A_182 : i32 to index
        %get3A_350 = arith.constant 192 : index
        %get3A_351 = tpu.vector_load %arg9[%get3A_349, %get3A_350] {strides = array<i32>} : memref<16x1024xf32, #tpu.memory_space<vmem>>, vector<1x16xf32>,
        %get3A_352 = vector.shape_cast %get3A_351 : vector<1x16xf32> to vector<16xf32>
        %get3A_353 = arith.index_cast %scan3A_182 : i32 to index
        %get3A_354 = arith.constant 192 : index
        %get3A_355 = tpu.vector_load %arg6[%get3A_353, %get3A_354] {strides = array<i32>} : memref<16x1024xf32, #tpu.memory_space<vmem>>, vector<1x16xf32>,
        %get3A_356 = vector.shape_cast %get3A_355 : vector<1x16xf32> to vector<16xf32>
        %add3A_357 = arith.addf %get3A_352, %get3A_356 : vector<16xf32>
        %swap3A_358 = arith.index_cast %scan3A_182 : i32 to index
        %swap3A_359 = arith.constant 192 : index
        %swap3A_360 = tpu.vector_load %arg9[%swap3A_358, %swap3A_359] {strides = array<i32>} : memref<16x1024xf32, #tpu.memory_space<vmem>>, vector<1x16xf32>,
        %swap3A_361 = vector.shape_cast %swap3A_360 : vector<1x16xf32> to vector<16xf32>
        %swap3A_362 = vector.shape_cast %add3A_357 : vector<16xf32> to vector<1x16xf32>
        tpu.vector_store %arg9[%swap3A_358, %swap3A_359], %swap3A_362 {strides = array<i32>} : memref<16x1024xf32, #tpu.memory_space<vmem>>, vector<1x16xf32>,
        %get3A_363 = arith.index_cast %scan3A_182 : i32 to index
        %get3A_364 = arith.constant 208 : index
        %get3A_365 = tpu.vector_load %arg9[%get3A_363, %get3A_364] {strides = array<i32>} : memref<16x1024xf32, #tpu.memory_space<vmem>>, vector<1x16xf32>,
        %get3A_366 = vector.shape_cast %get3A_365 : vector<1x16xf32> to vector<16xf32>
        %get3A_367 = arith.index_cast %scan3A_182 : i32 to index
        %get3A_368 = arith.constant 208 : index
        %get3A_369 = tpu.vector_load %arg6[%get3A_367, %get3A_368] {strides = array<i32>} : memref<16x1024xf32, #tpu.memory_space<vmem>>, vector<1x16xf32>,
        %get3A_370 = vector.shape_cast %get3A_369 : vector<1x16xf32> to vector<16xf32>
        %add3A_371 = arith.addf %get3A_366, %get3A_370 : vector<16xf32>
        %swap3A_372 = arith.index_cast %scan3A_182 : i32 to index
        %swap3A_373 = arith.constant 208 : index
        %swap3A_374 = tpu.vector_load %arg9[%swap3A_372, %swap3A_373] {strides = array<i32>} : memref<16x1024xf32, #tpu.memory_space<vmem>>, vector<1x16xf32>,
        %swap3A_375 = vector.shape_cast %swap3A_374 : vector<1x16xf32> to vector<16xf32>
        %swap3A_376 = vector.shape_cast %add3A_371 : vector<16xf32> to vector<1x16xf32>
        tpu.vector_store %arg9[%swap3A_372, %swap3A_373], %swap3A_376 {strides = array<i32>} : memref<16x1024xf32, #tpu.memory_space<vmem>>, vector<1x16xf32>,
        %get3A_377 = arith.index_cast %scan3A_182 : i32 to index
        %get3A_378 = arith.constant 224 : index
        %get3A_379 = tpu.vector_load %arg9[%get3A_377, %get3A_378] {strides = array<i32>} : memref<16x1024xf32, #tpu.memory_space<vmem>>, vector<1x16xf32>,
        %get3A_380 = vector.shape_cast %get3A_379 : vector<1x16xf32> to vector<16xf32>
        %get3A_381 = arith.index_cast %scan3A_182 : i32 to index
        %get3A_382 = arith.constant 224 : index
        %get3A_383 = tpu.vector_load %arg6[%get3A_381, %get3A_382] {strides = array<i32>} : memref<16x1024xf32, #tpu.memory_space<vmem>>, vector<1x16xf32>,
        %get3A_384 = vector.shape_cast %get3A_383 : vector<1x16xf32> to vector<16xf32>
        %add3A_385 = arith.addf %get3A_380, %get3A_384 : vector<16xf32>
        %swap3A_386 = arith.index_cast %scan3A_182 : i32 to index
        %swap3A_387 = arith.constant 224 : index
        %swap3A_388 = tpu.vector_load %arg9[%swap3A_386, %swap3A_387] {strides = array<i32>} : memref<16x1024xf32, #tpu.memory_space<vmem>>, vector<1x16xf32>,
        %swap3A_389 = vector.shape_cast %swap3A_388 : vector<1x16xf32> to vector<16xf32>
        %swap3A_390 = vector.shape_cast %add3A_385 : vector<16xf32> to vector<1x16xf32>
        tpu.vector_store %arg9[%swap3A_386, %swap3A_387], %swap3A_390 {strides = array<i32>} : memref<16x1024xf32, #tpu.memory_space<vmem>>, vector<1x16xf32>,
        %get3A_391 = arith.index_cast %scan3A_182 : i32 to index
        %get3A_392 = arith.constant 240 : index
        %get3A_393 = tpu.vector_load %arg9[%get3A_391, %get3A_392] {strides = array<i32>} : memref<16x1024xf32, #tpu.memory_space<vmem>>, vector<1x16xf32>,
        %get3A_394 = vector.shape_cast %get3A_393 : vector<1x16xf32> to vector<16xf32>
        %get3A_395 = arith.index_cast %scan3A_182 : i32 to index
        %get3A_396 = arith.constant 240 : index
        %get3A_397 = tpu.vector_load %arg6[%get3A_395, %get3A_396] {strides = array<i32>} : memref<16x1024xf32, #tpu.memory_space<vmem>>, vector<1x16xf32>,
        %get3A_398 = vector.shape_cast %get3A_397 : vector<1x16xf32> to vector<16xf32>
        %add3A_399 = arith.addf %get3A_394, %get3A_398 : vector<16xf32>
        %swap3A_400 = arith.index_cast %scan3A_182 : i32 to index
        %swap3A_401 = arith.constant 240 : index
        %swap3A_402 = tpu.vector_load %arg9[%swap3A_400, %swap3A_401] {strides = array<i32>} : memref<16x1024xf32, #tpu.memory_space<vmem>>, vector<1x16xf32>,
        %swap3A_403 = vector.shape_cast %swap3A_402 : vector<1x16xf32> to vector<16xf32>
        %swap3A_404 = vector.shape_cast %add3A_399 : vector<16xf32> to vector<1x16xf32>
        tpu.vector_store %arg9[%swap3A_400, %swap3A_401], %swap3A_404 {strides = array<i32>} : memref<16x1024xf32, #tpu.memory_space<vmem>>, vector<1x16xf32>,
        %get3A_405 = arith.index_cast %scan3A_182 : i32 to index
        %get3A_406 = arith.constant 256 : index
        %get3A_407 = tpu.vector_load %arg9[%get3A_405, %get3A_406] {strides = array<i32>} : memref<16x1024xf32, #tpu.memory_space<vmem>>, vector<1x16xf32>,
        %get3A_408 = vector.shape_cast %get3A_407 : vector<1x16xf32> to vector<16xf32>
        %get3A_409 = arith.index_cast %scan3A_182 : i32 to index
        %get3A_410 = arith.constant 256 : index
        %get3A_411 = tpu.vector_load %arg6[%get3A_409, %get3A_410] {strides = array<i32>} : memref<16x1024xf32, #tpu.memory_space<vmem>>, vector<1x16xf32>,
        %get3A_412 = vector.shape_cast %get3A_411 : vector<1x16xf32> to vector<16xf32>
        %add3A_413 = arith.addf %get3A_408, %get3A_412 : vector<16xf32>
        %swap3A_414 = arith.index_cast %scan3A_182 : i32 to index
        %swap3A_415 = arith.constant 256 : index
        %swap3A_416 = tpu.vector_load %arg9[%swap3A_414, %swap3A_415] {strides = array<i32>} : memref<16x1024xf32, #tpu.memory_space<vmem>>, vector<1x16xf32>,
        %swap3A_417 = vector.shape_cast %swap3A_416 : vector<1x16xf32> to vector<16xf32>
        %swap3A_418 = vector.shape_cast %add3A_413 : vector<16xf32> to vector<1x16xf32>
        tpu.vector_store %arg9[%swap3A_414, %swap3A_415], %swap3A_418 {strides = array<i32>} : memref<16x1024xf32, #tpu.memory_space<vmem>>, vector<1x16xf32>,
        %get3A_419 = arith.index_cast %scan3A_182 : i32 to index
        %get3A_420 = arith.constant 272 : index
        %get3A_421 = tpu.vector_load %arg9[%get3A_419, %get3A_420] {strides = array<i32>} : memref<16x1024xf32, #tpu.memory_space<vmem>>, vector<1x16xf32>,
        %get3A_422 = vector.shape_cast %get3A_421 : vector<1x16xf32> to vector<16xf32>
        %get3A_423 = arith.index_cast %scan3A_182 : i32 to index
        %get3A_424 = arith.constant 272 : index
        %get3A_425 = tpu.vector_load %arg6[%get3A_423, %get3A_424] {strides = array<i32>} : memref<16x1024xf32, #tpu.memory_space<vmem>>, vector<1x16xf32>,
        %get3A_426 = vector.shape_cast %get3A_425 : vector<1x16xf32> to vector<16xf32>
        %add3A_427 = arith.addf %get3A_422, %get3A_426 : vector<16xf32>
        %swap3A_428 = arith.index_cast %scan3A_182 : i32 to index
        %swap3A_429 = arith.constant 272 : index
        %swap3A_430 = tpu.vector_load %arg9[%swap3A_428, %swap3A_429] {strides = array<i32>} : memref<16x1024xf32, #tpu.memory_space<vmem>>, vector<1x16xf32>,
        %swap3A_431 = vector.shape_cast %swap3A_430 : vector<1x16xf32> to vector<16xf32>
        %swap3A_432 = vector.shape_cast %add3A_427 : vector<16xf32> to vector<1x16xf32>
        tpu.vector_store %arg9[%swap3A_428, %swap3A_429], %swap3A_432 {strides = array<i32>} : memref<16x1024xf32, #tpu.memory_space<vmem>>, vector<1x16xf32>,
        %get3A_433 = arith.index_cast %scan3A_182 : i32 to index
        %get3A_434 = arith.constant 288 : index
        %get3A_435 = tpu.vector_load %arg9[%get3A_433, %get3A_434] {strides = array<i32>} : memref<16x1024xf32, #tpu.memory_space<vmem>>, vector<1x16xf32>,
        %get3A_436 = vector.shape_cast %get3A_435 : vector<1x16xf32> to vector<16xf32>
        %get3A_437 = arith.index_cast %scan3A_182 : i32 to index
        %get3A_438 = arith.constant 288 : index
        %get3A_439 = tpu.vector_load %arg6[%get3A_437, %get3A_438] {strides = array<i32>} : memref<16x1024xf32, #tpu.memory_space<vmem>>, vector<1x16xf32>,
        %get3A_440 = vector.shape_cast %get3A_439 : vector<1x16xf32> to vector<16xf32>
        %add3A_441 = arith.addf %get3A_436, %get3A_440 : vector<16xf32>
        %swap3A_442 = arith.index_cast %scan3A_182 : i32 to index
        %swap3A_443 = arith.constant 288 : index
        %swap3A_444 = tpu.vector_load %arg9[%swap3A_442, %swap3A_443] {strides = array<i32>} : memref<16x1024xf32, #tpu.memory_space<vmem>>, vector<1x16xf32>,
        %swap3A_445 = vector.shape_cast %swap3A_444 : vector<1x16xf32> to vector<16xf32>
        %swap3A_446 = vector.shape_cast %add3A_441 : vector<16xf32> to vector<1x16xf32>
        tpu.vector_store %arg9[%swap3A_442, %swap3A_443], %swap3A_446 {strides = array<i32>} : memref<16x1024xf32, #tpu.memory_space<vmem>>, vector<1x16xf32>,
        %get3A_447 = arith.index_cast %scan3A_182 : i32 to index
        %get3A_448 = arith.constant 304 : index
        %get3A_449 = tpu.vector_load %arg9[%get3A_447, %get3A_448] {strides = array<i32>} : memref<16x1024xf32, #tpu.memory_space<vmem>>, vector<1x16xf32>,
        %get3A_450 = vector.shape_cast %get3A_449 : vector<1x16xf32> to vector<16xf32>
        %get3A_451 = arith.index_cast %scan3A_182 : i32 to index
        %get3A_452 = arith.constant 304 : index
        %get3A_453 = tpu.vector_load %arg6[%get3A_451, %get3A_452] {strides = array<i32>} : memref<16x1024xf32, #tpu.memory_space<vmem>>, vector<1x16xf32>,
        %get3A_454 = vector.shape_cast %get3A_453 : vector<1x16xf32> to vector<16xf32>
        %add3A_455 = arith.addf %get3A_450, %get3A_454 : vector<16xf32>
        %swap3A_456 = arith.index_cast %scan3A_182 : i32 to index
        %swap3A_457 = arith.constant 304 : index
        %swap3A_458 = tpu.vector_load %arg9[%swap3A_456, %swap3A_457] {strides = array<i32>} : memref<16x1024xf32, #tpu.memory_space<vmem>>, vector<1x16xf32>,
        %swap3A_459 = vector.shape_cast %swap3A_458 : vector<1x16xf32> to vector<16xf32>
        %swap3A_460 = vector.shape_cast %add3A_455 : vector<16xf32> to vector<1x16xf32>
        tpu.vector_store %arg9[%swap3A_456, %swap3A_457], %swap3A_460 {strides = array<i32>} : memref<16x1024xf32, #tpu.memory_space<vmem>>, vector<1x16xf32>,
        %get3A_461 = arith.index_cast %scan3A_182 : i32 to index
        %get3A_462 = arith.constant 320 : index
        %get3A_463 = tpu.vector_load %arg9[%get3A_461, %get3A_462] {strides = array<i32>} : memref<16x1024xf32, #tpu.memory_space<vmem>>, vector<1x16xf32>,
        %get3A_464 = vector.shape_cast %get3A_463 : vector<1x16xf32> to vector<16xf32>
        %get3A_465 = arith.index_cast %scan3A_182 : i32 to index
        %get3A_466 = arith.constant 320 : index
        %get3A_467 = tpu.vector_load %arg6[%get3A_465, %get3A_466] {strides = array<i32>} : memref<16x1024xf32, #tpu.memory_space<vmem>>, vector<1x16xf32>,
        %get3A_468 = vector.shape_cast %get3A_467 : vector<1x16xf32> to vector<16xf32>
        %add3A_469 = arith.addf %get3A_464, %get3A_468 : vector<16xf32>
        %swap3A_470 = arith.index_cast %scan3A_182 : i32 to index
        %swap3A_471 = arith.constant 320 : index
        %swap3A_472 = tpu.vector_load %arg9[%swap3A_470, %swap3A_471] {strides = array<i32>} : memref<16x1024xf32, #tpu.memory_space<vmem>>, vector<1x16xf32>,
        %swap3A_473 = vector.shape_cast %swap3A_472 : vector<1x16xf32> to vector<16xf32>
        %swap3A_474 = vector.shape_cast %add3A_469 : vector<16xf32> to vector<1x16xf32>
        tpu.vector_store %arg9[%swap3A_470, %swap3A_471], %swap3A_474 {strides = array<i32>} : memref<16x1024xf32, #tpu.memory_space<vmem>>, vector<1x16xf32>,
        %get3A_475 = arith.index_cast %scan3A_182 : i32 to index
        %get3A_476 = arith.constant 336 : index
        %get3A_477 = tpu.vector_load %arg9[%get3A_475, %get3A_476] {strides = array<i32>} : memref<16x1024xf32, #tpu.memory_space<vmem>>, vector<1x16xf32>,
        %get3A_478 = vector.shape_cast %get3A_477 : vector<1x16xf32> to vector<16xf32>
        %get3A_479 = arith.index_cast %scan3A_182 : i32 to index
        %get3A_480 = arith.constant 336 : index
        %get3A_481 = tpu.vector_load %arg6[%get3A_479, %get3A_480] {strides = array<i32>} : memref<16x1024xf32, #tpu.memory_space<vmem>>, vector<1x16xf32>,
        %get3A_482 = vector.shape_cast %get3A_481 : vector<1x16xf32> to vector<16xf32>
        %add3A_483 = arith.addf %get3A_478, %get3A_482 : vector<16xf32>
        %swap3A_484 = arith.index_cast %scan3A_182 : i32 to index
        %swap3A_485 = arith.constant 336 : index
        %swap3A_486 = tpu.vector_load %arg9[%swap3A_484, %swap3A_485] {strides = array<i32>} : memref<16x1024xf32, #tpu.memory_space<vmem>>, vector<1x16xf32>,
        %swap3A_487 = vector.shape_cast %swap3A_486 : vector<1x16xf32> to vector<16xf32>
        %swap3A_488 = vector.shape_cast %add3A_483 : vector<16xf32> to vector<1x16xf32>
        tpu.vector_store %arg9[%swap3A_484, %swap3A_485], %swap3A_488 {strides = array<i32>} : memref<16x1024xf32, #tpu.memory_space<vmem>>, vector<1x16xf32>,
        %get3A_489 = arith.index_cast %scan3A_182 : i32 to index
        %get3A_490 = arith.constant 352 : index
        %get3A_491 = tpu.vector_load %arg9[%get3A_489, %get3A_490] {strides = array<i32>} : memref<16x1024xf32, #tpu.memory_space<vmem>>, vector<1x16xf32>,
        %get3A_492 = vector.shape_cast %get3A_491 : vector<1x16xf32> to vector<16xf32>
        %get3A_493 = arith.index_cast %scan3A_182 : i32 to index
        %get3A_494 = arith.constant 352 : index
        %get3A_495 = tpu.vector_load %arg6[%get3A_493, %get3A_494] {strides = array<i32>} : memref<16x1024xf32, #tpu.memory_space<vmem>>, vector<1x16xf32>,
        %get3A_496 = vector.shape_cast %get3A_495 : vector<1x16xf32> to vector<16xf32>
        %add3A_497 = arith.addf %get3A_492, %get3A_496 : vector<16xf32>
        %swap3A_498 = arith.index_cast %scan3A_182 : i32 to index
        %swap3A_499 = arith.constant 352 : index
        %swap3A_500 = tpu.vector_load %arg9[%swap3A_498, %swap3A_499] {strides = array<i32>} : memref<16x1024xf32, #tpu.memory_space<vmem>>, vector<1x16xf32>,
        %swap3A_501 = vector.shape_cast %swap3A_500 : vector<1x16xf32> to vector<16xf32>
        %swap3A_502 = vector.shape_cast %add3A_497 : vector<16xf32> to vector<1x16xf32>
        tpu.vector_store %arg9[%swap3A_498, %swap3A_499], %swap3A_502 {strides = array<i32>} : memref<16x1024xf32, #tpu.memory_space<vmem>>, vector<1x16xf32>,
        %get3A_503 = arith.index_cast %scan3A_182 : i32 to index
        %get3A_504 = arith.constant 368 : index
        %get3A_505 = tpu.vector_load %arg9[%get3A_503, %get3A_504] {strides = array<i32>} : memref<16x1024xf32, #tpu.memory_space<vmem>>, vector<1x16xf32>,
        %get3A_506 = vector.shape_cast %get3A_505 : vector<1x16xf32> to vector<16xf32>
        %get3A_507 = arith.index_cast %scan3A_182 : i32 to index
        %get3A_508 = arith.constant 368 : index
        %get3A_509 = tpu.vector_load %arg6[%get3A_507, %get3A_508] {strides = array<i32>} : memref<16x1024xf32, #tpu.memory_space<vmem>>, vector<1x16xf32>,
        %get3A_510 = vector.shape_cast %get3A_509 : vector<1x16xf32> to vector<16xf32>
        %add3A_511 = arith.addf %get3A_506, %get3A_510 : vector<16xf32>
        %swap3A_512 = arith.index_cast %scan3A_182 : i32 to index
        %swap3A_513 = arith.constant 368 : index
        %swap3A_514 = tpu.vector_load %arg9[%swap3A_512, %swap3A_513] {strides = array<i32>} : memref<16x1024xf32, #tpu.memory_space<vmem>>, vector<1x16xf32>,
        %swap3A_515 = vector.shape_cast %swap3A_514 : vector<1x16xf32> to vector<16xf32>
        %swap3A_516 = vector.shape_cast %add3A_511 : vector<16xf32> to vector<1x16xf32>
        tpu.vector_store %arg9[%swap3A_512, %swap3A_513], %swap3A_516 {strides = array<i32>} : memref<16x1024xf32, #tpu.memory_space<vmem>>, vector<1x16xf32>,
        %get3A_517 = arith.index_cast %scan3A_182 : i32 to index
        %get3A_518 = arith.constant 384 : index
        %get3A_519 = tpu.vector_load %arg9[%get3A_517, %get3A_518] {strides = array<i32>} : memref<16x1024xf32, #tpu.memory_space<vmem>>, vector<1x16xf32>,
        %get3A_520 = vector.shape_cast %get3A_519 : vector<1x16xf32> to vector<16xf32>
        %get3A_521 = arith.index_cast %scan3A_182 : i32 to index
        %get3A_522 = arith.constant 384 : index
        %get3A_523 = tpu.vector_load %arg6[%get3A_521, %get3A_522] {strides = array<i32>} : memref<16x1024xf32, #tpu.memory_space<vmem>>, vector<1x16xf32>,
        %get3A_524 = vector.shape_cast %get3A_523 : vector<1x16xf32> to vector<16xf32>
        %add3A_525 = arith.addf %get3A_520, %get3A_524 : vector<16xf32>
        %swap3A_526 = arith.index_cast %scan3A_182 : i32 to index
        %swap3A_527 = arith.constant 384 : index
        %swap3A_528 = tpu.vector_load %arg9[%swap3A_526, %swap3A_527] {strides = array<i32>} : memref<16x1024xf32, #tpu.memory_space<vmem>>, vector<1x16xf32>,
        %swap3A_529 = vector.shape_cast %swap3A_528 : vector<1x16xf32> to vector<16xf32>
        %swap3A_530 = vector.shape_cast %add3A_525 : vector<16xf32> to vector<1x16xf32>
        tpu.vector_store %arg9[%swap3A_526, %swap3A_527], %swap3A_530 {strides = array<i32>} : memref<16x1024xf32, #tpu.memory_space<vmem>>, vector<1x16xf32>,
        %get3A_531 = arith.index_cast %scan3A_182 : i32 to index
        %get3A_532 = arith.constant 400 : index
        %get3A_533 = tpu.vector_load %arg9[%get3A_531, %get3A_532] {strides = array<i32>} : memref<16x1024xf32, #tpu.memory_space<vmem>>, vector<1x16xf32>,
        %get3A_534 = vector.shape_cast %get3A_533 : vector<1x16xf32> to vector<16xf32>
        %get3A_535 = arith.index_cast %scan3A_182 : i32 to index
        %get3A_536 = arith.constant 400 : index
        %get3A_537 = tpu.vector_load %arg6[%get3A_535, %get3A_536] {strides = array<i32>} : memref<16x1024xf32, #tpu.memory_space<vmem>>, vector<1x16xf32>,
        %get3A_538 = vector.shape_cast %get3A_537 : vector<1x16xf32> to vector<16xf32>
        %add3A_539 = arith.addf %get3A_534, %get3A_538 : vector<16xf32>
        %swap3A_540 = arith.index_cast %scan3A_182 : i32 to index
        %swap3A_541 = arith.constant 400 : index
        %swap3A_542 = tpu.vector_load %arg9[%swap3A_540, %swap3A_541] {strides = array<i32>} : memref<16x1024xf32, #tpu.memory_space<vmem>>, vector<1x16xf32>,
        %swap3A_543 = vector.shape_cast %swap3A_542 : vector<1x16xf32> to vector<16xf32>
        %swap3A_544 = vector.shape_cast %add3A_539 : vector<16xf32> to vector<1x16xf32>
        tpu.vector_store %arg9[%swap3A_540, %swap3A_541], %swap3A_544 {strides = array<i32>} : memref<16x1024xf32, #tpu.memory_space<vmem>>, vector<1x16xf32>,
        %get3A_545 = arith.index_cast %scan3A_182 : i32 to index
        %get3A_546 = arith.constant 416 : index
        %get3A_547 = tpu.vector_load %arg9[%get3A_545, %get3A_546] {strides = array<i32>} : memref<16x1024xf32, #tpu.memory_space<vmem>>, vector<1x16xf32>,
        %get3A_548 = vector.shape_cast %get3A_547 : vector<1x16xf32> to vector<16xf32>
        %get3A_549 = arith.index_cast %scan3A_182 : i32 to index
        %get3A_550 = arith.constant 416 : index
        %get3A_551 = tpu.vector_load %arg6[%get3A_549, %get3A_550] {strides = array<i32>} : memref<16x1024xf32, #tpu.memory_space<vmem>>, vector<1x16xf32>,
        %get3A_552 = vector.shape_cast %get3A_551 : vector<1x16xf32> to vector<16xf32>
        %add3A_553 = arith.addf %get3A_548, %get3A_552 : vector<16xf32>
        %swap3A_554 = arith.index_cast %scan3A_182 : i32 to index
        %swap3A_555 = arith.constant 416 : index
        %swap3A_556 = tpu.vector_load %arg9[%swap3A_554, %swap3A_555] {strides = array<i32>} : memref<16x1024xf32, #tpu.memory_space<vmem>>, vector<1x16xf32>,
        %swap3A_557 = vector.shape_cast %swap3A_556 : vector<1x16xf32> to vector<16xf32>
        %swap3A_558 = vector.shape_cast %add3A_553 : vector<16xf32> to vector<1x16xf32>
        tpu.vector_store %arg9[%swap3A_554, %swap3A_555], %swap3A_558 {strides = array<i32>} : memref<16x1024xf32, #tpu.memory_space<vmem>>, vector<1x16xf32>,
        %get3A_559 = arith.index_cast %scan3A_182 : i32 to index
        %get3A_560 = arith.constant 432 : index
        %get3A_561 = tpu.vector_load %arg9[%get3A_559, %get3A_560] {strides = array<i32>} : memref<16x1024xf32, #tpu.memory_space<vmem>>, vector<1x16xf32>,
        %get3A_562 = vector.shape_cast %get3A_561 : vector<1x16xf32> to vector<16xf32>
        %get3A_563 = arith.index_cast %scan3A_182 : i32 to index
        %get3A_564 = arith.constant 432 : index
        %get3A_565 = tpu.vector_load %arg6[%get3A_563, %get3A_564] {strides = array<i32>} : memref<16x1024xf32, #tpu.memory_space<vmem>>, vector<1x16xf32>,
        %get3A_566 = vector.shape_cast %get3A_565 : vector<1x16xf32> to vector<16xf32>
        %add3A_567 = arith.addf %get3A_562, %get3A_566 : vector<16xf32>
        %swap3A_568 = arith.index_cast %scan3A_182 : i32 to index
        %swap3A_569 = arith.constant 432 : index
        %swap3A_570 = tpu.vector_load %arg9[%swap3A_568, %swap3A_569] {strides = array<i32>} : memref<16x1024xf32, #tpu.memory_space<vmem>>, vector<1x16xf32>,
        %swap3A_571 = vector.shape_cast %swap3A_570 : vector<1x16xf32> to vector<16xf32>
        %swap3A_572 = vector.shape_cast %add3A_567 : vector<16xf32> to vector<1x16xf32>
        tpu.vector_store %arg9[%swap3A_568, %swap3A_569], %swap3A_572 {strides = array<i32>} : memref<16x1024xf32, #tpu.memory_space<vmem>>, vector<1x16xf32>,
        %get3A_573 = arith.index_cast %scan3A_182 : i32 to index
        %get3A_574 = arith.constant 448 : index
        %get3A_575 = tpu.vector_load %arg9[%get3A_573, %get3A_574] {strides = array<i32>} : memref<16x1024xf32, #tpu.memory_space<vmem>>, vector<1x16xf32>,
        %get3A_576 = vector.shape_cast %get3A_575 : vector<1x16xf32> to vector<16xf32>
        %get3A_577 = arith.index_cast %scan3A_182 : i32 to index
        %get3A_578 = arith.constant 448 : index
        %get3A_579 = tpu.vector_load %arg6[%get3A_577, %get3A_578] {strides = array<i32>} : memref<16x1024xf32, #tpu.memory_space<vmem>>, vector<1x16xf32>,
        %get3A_580 = vector.shape_cast %get3A_579 : vector<1x16xf32> to vector<16xf32>
        %add3A_581 = arith.addf %get3A_576, %get3A_580 : vector<16xf32>
        %swap3A_582 = arith.index_cast %scan3A_182 : i32 to index
        %swap3A_583 = arith.constant 448 : index
        %swap3A_584 = tpu.vector_load %arg9[%swap3A_582, %swap3A_583] {strides = array<i32>} : memref<16x1024xf32, #tpu.memory_space<vmem>>, vector<1x16xf32>,
        %swap3A_585 = vector.shape_cast %swap3A_584 : vector<1x16xf32> to vector<16xf32>
        %swap3A_586 = vector.shape_cast %add3A_581 : vector<16xf32> to vector<1x16xf32>
        tpu.vector_store %arg9[%swap3A_582, %swap3A_583], %swap3A_586 {strides = array<i32>} : memref<16x1024xf32, #tpu.memory_space<vmem>>, vector<1x16xf32>,
        %get3A_587 = arith.index_cast %scan3A_182 : i32 to index
        %get3A_588 = arith.constant 464 : index
        %get3A_589 = tpu.vector_load %arg9[%get3A_587, %get3A_588] {strides = array<i32>} : memref<16x1024xf32, #tpu.memory_space<vmem>>, vector<1x16xf32>,
        %get3A_590 = vector.shape_cast %get3A_589 : vector<1x16xf32> to vector<16xf32>
        %get3A_591 = arith.index_cast %scan3A_182 : i32 to index
        %get3A_592 = arith.constant 464 : index
        %get3A_593 = tpu.vector_load %arg6[%get3A_591, %get3A_592] {strides = array<i32>} : memref<16x1024xf32, #tpu.memory_space<vmem>>, vector<1x16xf32>,
        %get3A_594 = vector.shape_cast %get3A_593 : vector<1x16xf32> to vector<16xf32>
        %add3A_595 = arith.addf %get3A_590, %get3A_594 : vector<16xf32>
        %swap3A_596 = arith.index_cast %scan3A_182 : i32 to index
        %swap3A_597 = arith.constant 464 : index
        %swap3A_598 = tpu.vector_load %arg9[%swap3A_596, %swap3A_597] {strides = array<i32>} : memref<16x1024xf32, #tpu.memory_space<vmem>>, vector<1x16xf32>,
        %swap3A_599 = vector.shape_cast %swap3A_598 : vector<1x16xf32> to vector<16xf32>
        %swap3A_600 = vector.shape_cast %add3A_595 : vector<16xf32> to vector<1x16xf32>
        tpu.vector_store %arg9[%swap3A_596, %swap3A_597], %swap3A_600 {strides = array<i32>} : memref<16x1024xf32, #tpu.memory_space<vmem>>, vector<1x16xf32>,
        %get3A_601 = arith.index_cast %scan3A_182 : i32 to index
        %get3A_602 = arith.constant 480 : index
        %get3A_603 = tpu.vector_load %arg9[%get3A_601, %get3A_602] {strides = array<i32>} : memref<16x1024xf32, #tpu.memory_space<vmem>>, vector<1x16xf32>,
        %get3A_604 = vector.shape_cast %get3A_603 : vector<1x16xf32> to vector<16xf32>
        %get3A_605 = arith.index_cast %scan3A_182 : i32 to index
        %get3A_606 = arith.constant 480 : index
        %get3A_607 = tpu.vector_load %arg6[%get3A_605, %get3A_606] {strides = array<i32>} : memref<16x1024xf32, #tpu.memory_space<vmem>>, vector<1x16xf32>,
        %get3A_608 = vector.shape_cast %get3A_607 : vector<1x16xf32> to vector<16xf32>
        %add3A_609 = arith.addf %get3A_604, %get3A_608 : vector<16xf32>
        %swap3A_610 = arith.index_cast %scan3A_182 : i32 to index
        %swap3A_611 = arith.constant 480 : index
        %swap3A_612 = tpu.vector_load %arg9[%swap3A_610, %swap3A_611] {strides = array<i32>} : memref<16x1024xf32, #tpu.memory_space<vmem>>, vector<1x16xf32>,
        %swap3A_613 = vector.shape_cast %swap3A_612 : vector<1x16xf32> to vector<16xf32>
        %swap3A_614 = vector.shape_cast %add3A_609 : vector<16xf32> to vector<1x16xf32>
        tpu.vector_store %arg9[%swap3A_610, %swap3A_611], %swap3A_614 {strides = array<i32>} : memref<16x1024xf32, #tpu.memory_space<vmem>>, vector<1x16xf32>,
        %get3A_615 = arith.index_cast %scan3A_182 : i32 to index
        %get3A_616 = arith.constant 496 : index
        %get3A_617 = tpu.vector_load %arg9[%get3A_615, %get3A_616] {strides = array<i32>} : memref<16x1024xf32, #tpu.memory_space<vmem>>, vector<1x16xf32>,
        %get3A_618 = vector.shape_cast %get3A_617 : vector<1x16xf32> to vector<16xf32>
        %get3A_619 = arith.index_cast %scan3A_182 : i32 to index
        %get3A_620 = arith.constant 496 : index
        %get3A_621 = tpu.vector_load %arg6[%get3A_619, %get3A_620] {strides = array<i32>} : memref<16x1024xf32, #tpu.memory_space<vmem>>, vector<1x16xf32>,
        %get3A_622 = vector.shape_cast %get3A_621 : vector<1x16xf32> to vector<16xf32>
        %add3A_623 = arith.addf %get3A_618, %get3A_622 : vector<16xf32>
        %swap3A_624 = arith.index_cast %scan3A_182 : i32 to index
        %swap3A_625 = arith.constant 496 : index
        %swap3A_626 = tpu.vector_load %arg9[%swap3A_624, %swap3A_625] {strides = array<i32>} : memref<16x1024xf32, #tpu.memory_space<vmem>>, vector<1x16xf32>,
        %swap3A_627 = vector.shape_cast %swap3A_626 : vector<1x16xf32> to vector<16xf32>
        %swap3A_628 = vector.shape_cast %add3A_623 : vector<16xf32> to vector<1x16xf32>
        tpu.vector_store %arg9[%swap3A_624, %swap3A_625], %swap3A_628 {strides = array<i32>} : memref<16x1024xf32, #tpu.memory_space<vmem>>, vector<1x16xf32>,
        %get3A_629 = arith.index_cast %scan3A_182 : i32 to index
        %get3A_630 = arith.constant 512 : index
        %get3A_631 = tpu.vector_load %arg9[%get3A_629, %get3A_630] {strides = array<i32>} : memref<16x1024xf32, #tpu.memory_space<vmem>>, vector<1x16xf32>,
        %get3A_632 = vector.shape_cast %get3A_631 : vector<1x16xf32> to vector<16xf32>
        %get3A_633 = arith.index_cast %scan3A_182 : i32 to index
        %get3A_634 = arith.constant 512 : index
        %get3A_635 = tpu.vector_load %arg6[%get3A_633, %get3A_634] {strides = array<i32>} : memref<16x1024xf32, #tpu.memory_space<vmem>>, vector<1x16xf32>,
        %get3A_636 = vector.shape_cast %get3A_635 : vector<1x16xf32> to vector<16xf32>
        %add3A_637 = arith.addf %get3A_632, %get3A_636 : vector<16xf32>
        %swap3A_638 = arith.index_cast %scan3A_182 : i32 to index
        %swap3A_639 = arith.constant 512 : index
        %swap3A_640 = tpu.vector_load %arg9[%swap3A_638, %swap3A_639] {strides = array<i32>} : memref<16x1024xf32, #tpu.memory_space<vmem>>, vector<1x16xf32>,
        %swap3A_641 = vector.shape_cast %swap3A_640 : vector<1x16xf32> to vector<16xf32>
        %swap3A_642 = vector.shape_cast %add3A_637 : vector<16xf32> to vector<1x16xf32>
        tpu.vector_store %arg9[%swap3A_638, %swap3A_639], %swap3A_642 {strides = array<i32>} : memref<16x1024xf32, #tpu.memory_space<vmem>>, vector<1x16xf32>,
        %get3A_643 = arith.index_cast %scan3A_182 : i32 to index
        %get3A_644 = arith.constant 528 : index
        %get3A_645 = tpu.vector_load %arg9[%get3A_643, %get3A_644] {strides = array<i32>} : memref<16x1024xf32, #tpu.memory_space<vmem>>, vector<1x16xf32>,
        %get3A_646 = vector.shape_cast %get3A_645 : vector<1x16xf32> to vector<16xf32>
        %get3A_647 = arith.index_cast %scan3A_182 : i32 to index
        %get3A_648 = arith.constant 528 : index
        %get3A_649 = tpu.vector_load %arg6[%get3A_647, %get3A_648] {strides = array<i32>} : memref<16x1024xf32, #tpu.memory_space<vmem>>, vector<1x16xf32>,
        %get3A_650 = vector.shape_cast %get3A_649 : vector<1x16xf32> to vector<16xf32>
        %add3A_651 = arith.addf %get3A_646, %get3A_650 : vector<16xf32>
        %swap3A_652 = arith.index_cast %scan3A_182 : i32 to index
        %swap3A_653 = arith.constant 528 : index
        %swap3A_654 = tpu.vector_load %arg9[%swap3A_652, %swap3A_653] {strides = array<i32>} : memref<16x1024xf32, #tpu.memory_space<vmem>>, vector<1x16xf32>,
        %swap3A_655 = vector.shape_cast %swap3A_654 : vector<1x16xf32> to vector<16xf32>
        %swap3A_656 = vector.shape_cast %add3A_651 : vector<16xf32> to vector<1x16xf32>
        tpu.vector_store %arg9[%swap3A_652, %swap3A_653], %swap3A_656 {strides = array<i32>} : memref<16x1024xf32, #tpu.memory_space<vmem>>, vector<1x16xf32>,
        %get3A_657 = arith.index_cast %scan3A_182 : i32 to index
        %get3A_658 = arith.constant 544 : index
        %get3A_659 = tpu.vector_load %arg9[%get3A_657, %get3A_658] {strides = array<i32>} : memref<16x1024xf32, #tpu.memory_space<vmem>>, vector<1x16xf32>,
        %get3A_660 = vector.shape_cast %get3A_659 : vector<1x16xf32> to vector<16xf32>
        %get3A_661 = arith.index_cast %scan3A_182 : i32 to index
        %get3A_662 = arith.constant 544 : index
        %get3A_663 = tpu.vector_load %arg6[%get3A_661, %get3A_662] {strides = array<i32>} : memref<16x1024xf32, #tpu.memory_space<vmem>>, vector<1x16xf32>,
        %get3A_664 = vector.shape_cast %get3A_663 : vector<1x16xf32> to vector<16xf32>
        %add3A_665 = arith.addf %get3A_660, %get3A_664 : vector<16xf32>
        %swap3A_666 = arith.index_cast %scan3A_182 : i32 to index
        %swap3A_667 = arith.constant 544 : index
        %swap3A_668 = tpu.vector_load %arg9[%swap3A_666, %swap3A_667] {strides = array<i32>} : memref<16x1024xf32, #tpu.memory_space<vmem>>, vector<1x16xf32>,
        %swap3A_669 = vector.shape_cast %swap3A_668 : vector<1x16xf32> to vector<16xf32>
        %swap3A_670 = vector.shape_cast %add3A_665 : vector<16xf32> to vector<1x16xf32>
        tpu.vector_store %arg9[%swap3A_666, %swap3A_667], %swap3A_670 {strides = array<i32>} : memref<16x1024xf32, #tpu.memory_space<vmem>>, vector<1x16xf32>,
        %get3A_671 = arith.index_cast %scan3A_182 : i32 to index
        %get3A_672 = arith.constant 560 : index
        %get3A_673 = tpu.vector_load %arg9[%get3A_671, %get3A_672] {strides = array<i32>} : memref<16x1024xf32, #tpu.memory_space<vmem>>, vector<1x16xf32>,
        %get3A_674 = vector.shape_cast %get3A_673 : vector<1x16xf32> to vector<16xf32>
        %get3A_675 = arith.index_cast %scan3A_182 : i32 to index
        %get3A_676 = arith.constant 560 : index
        %get3A_677 = tpu.vector_load %arg6[%get3A_675, %get3A_676] {strides = array<i32>} : memref<16x1024xf32, #tpu.memory_space<vmem>>, vector<1x16xf32>,
        %get3A_678 = vector.shape_cast %get3A_677 : vector<1x16xf32> to vector<16xf32>
        %add3A_679 = arith.addf %get3A_674, %get3A_678 : vector<16xf32>
        %swap3A_680 = arith.index_cast %scan3A_182 : i32 to index
        %swap3A_681 = arith.constant 560 : index
        %swap3A_682 = tpu.vector_load %arg9[%swap3A_680, %swap3A_681] {strides = array<i32>} : memref<16x1024xf32, #tpu.memory_space<vmem>>, vector<1x16xf32>,
        %swap3A_683 = vector.shape_cast %swap3A_682 : vector<1x16xf32> to vector<16xf32>
        %swap3A_684 = vector.shape_cast %add3A_679 : vector<16xf32> to vector<1x16xf32>
        tpu.vector_store %arg9[%swap3A_680, %swap3A_681], %swap3A_684 {strides = array<i32>} : memref<16x1024xf32, #tpu.memory_space<vmem>>, vector<1x16xf32>,
        %get3A_685 = arith.index_cast %scan3A_182 : i32 to index
        %get3A_686 = arith.constant 576 : index
        %get3A_687 = tpu.vector_load %arg9[%get3A_685, %get3A_686] {strides = array<i32>} : memref<16x1024xf32, #tpu.memory_space<vmem>>, vector<1x16xf32>,
        %get3A_688 = vector.shape_cast %get3A_687 : vector<1x16xf32> to vector<16xf32>
        %get3A_689 = arith.index_cast %scan3A_182 : i32 to index
        %get3A_690 = arith.constant 576 : index
        %get3A_691 = tpu.vector_load %arg6[%get3A_689, %get3A_690] {strides = array<i32>} : memref<16x1024xf32, #tpu.memory_space<vmem>>, vector<1x16xf32>,
        %get3A_692 = vector.shape_cast %get3A_691 : vector<1x16xf32> to vector<16xf32>
        %add3A_693 = arith.addf %get3A_688, %get3A_692 : vector<16xf32>
        %swap3A_694 = arith.index_cast %scan3A_182 : i32 to index
        %swap3A_695 = arith.constant 576 : index
        %swap3A_696 = tpu.vector_load %arg9[%swap3A_694, %swap3A_695] {strides = array<i32>} : memref<16x1024xf32, #tpu.memory_space<vmem>>, vector<1x16xf32>,
        %swap3A_697 = vector.shape_cast %swap3A_696 : vector<1x16xf32> to vector<16xf32>
        %swap3A_698 = vector.shape_cast %add3A_693 : vector<16xf32> to vector<1x16xf32>
        tpu.vector_store %arg9[%swap3A_694, %swap3A_695], %swap3A_698 {strides = array<i32>} : memref<16x1024xf32, #tpu.memory_space<vmem>>, vector<1x16xf32>,
        %get3A_699 = arith.index_cast %scan3A_182 : i32 to index
        %get3A_700 = arith.constant 592 : index
        %get3A_701 = tpu.vector_load %arg9[%get3A_699, %get3A_700] {strides = array<i32>} : memref<16x1024xf32, #tpu.memory_space<vmem>>, vector<1x16xf32>,
        %get3A_702 = vector.shape_cast %get3A_701 : vector<1x16xf32> to vector<16xf32>
        %get3A_703 = arith.index_cast %scan3A_182 : i32 to index
        %get3A_704 = arith.constant 592 : index
        %get3A_705 = tpu.vector_load %arg6[%get3A_703, %get3A_704] {strides = array<i32>} : memref<16x1024xf32, #tpu.memory_space<vmem>>, vector<1x16xf32>,
        %get3A_706 = vector.shape_cast %get3A_705 : vector<1x16xf32> to vector<16xf32>
        %add3A_707 = arith.addf %get3A_702, %get3A_706 : vector<16xf32>
        %swap3A_708 = arith.index_cast %scan3A_182 : i32 to index
        %swap3A_709 = arith.constant 592 : index
        %swap3A_710 = tpu.vector_load %arg9[%swap3A_708, %swap3A_709] {strides = array<i32>} : memref<16x1024xf32, #tpu.memory_space<vmem>>, vector<1x16xf32>,
        %swap3A_711 = vector.shape_cast %swap3A_710 : vector<1x16xf32> to vector<16xf32>
        %swap3A_712 = vector.shape_cast %add3A_707 : vector<16xf32> to vector<1x16xf32>
        tpu.vector_store %arg9[%swap3A_708, %swap3A_709], %swap3A_712 {strides = array<i32>} : memref<16x1024xf32, #tpu.memory_space<vmem>>, vector<1x16xf32>,
        %get3A_713 = arith.index_cast %scan3A_182 : i32 to index
        %get3A_714 = arith.constant 608 : index
        %get3A_715 = tpu.vector_load %arg9[%get3A_713, %get3A_714] {strides = array<i32>} : memref<16x1024xf32, #tpu.memory_space<vmem>>, vector<1x16xf32>,
        %get3A_716 = vector.shape_cast %get3A_715 : vector<1x16xf32> to vector<16xf32>
        %get3A_717 = arith.index_cast %scan3A_182 : i32 to index
        %get3A_718 = arith.constant 608 : index
        %get3A_719 = tpu.vector_load %arg6[%get3A_717, %get3A_718] {strides = array<i32>} : memref<16x1024xf32, #tpu.memory_space<vmem>>, vector<1x16xf32>,
        %get3A_720 = vector.shape_cast %get3A_719 : vector<1x16xf32> to vector<16xf32>
        %add3A_721 = arith.addf %get3A_716, %get3A_720 : vector<16xf32>
        %swap3A_722 = arith.index_cast %scan3A_182 : i32 to index
        %swap3A_723 = arith.constant 608 : index
        %swap3A_724 = tpu.vector_load %arg9[%swap3A_722, %swap3A_723] {strides = array<i32>} : memref<16x1024xf32, #tpu.memory_space<vmem>>, vector<1x16xf32>,
        %swap3A_725 = vector.shape_cast %swap3A_724 : vector<1x16xf32> to vector<16xf32>
        %swap3A_726 = vector.shape_cast %add3A_721 : vector<16xf32> to vector<1x16xf32>
        tpu.vector_store %arg9[%swap3A_722, %swap3A_723], %swap3A_726 {strides = array<i32>} : memref<16x1024xf32, #tpu.memory_space<vmem>>, vector<1x16xf32>,
        %get3A_727 = arith.index_cast %scan3A_182 : i32 to index
        %get3A_728 = arith.constant 624 : index
        %get3A_729 = tpu.vector_load %arg9[%get3A_727, %get3A_728] {strides = array<i32>} : memref<16x1024xf32, #tpu.memory_space<vmem>>, vector<1x16xf32>,
        %get3A_730 = vector.shape_cast %get3A_729 : vector<1x16xf32> to vector<16xf32>
        %get3A_731 = arith.index_cast %scan3A_182 : i32 to index
        %get3A_732 = arith.constant 624 : index
        %get3A_733 = tpu.vector_load %arg6[%get3A_731, %get3A_732] {strides = array<i32>} : memref<16x1024xf32, #tpu.memory_space<vmem>>, vector<1x16xf32>,
        %get3A_734 = vector.shape_cast %get3A_733 : vector<1x16xf32> to vector<16xf32>
        %add3A_735 = arith.addf %get3A_730, %get3A_734 : vector<16xf32>
        %swap3A_736 = arith.index_cast %scan3A_182 : i32 to index
        %swap3A_737 = arith.constant 624 : index
        %swap3A_738 = tpu.vector_load %arg9[%swap3A_736, %swap3A_737] {strides = array<i32>} : memref<16x1024xf32, #tpu.memory_space<vmem>>, vector<1x16xf32>,
        %swap3A_739 = vector.shape_cast %swap3A_738 : vector<1x16xf32> to vector<16xf32>
        %swap3A_740 = vector.shape_cast %add3A_735 : vector<16xf32> to vector<1x16xf32>
        tpu.vector_store %arg9[%swap3A_736, %swap3A_737], %swap3A_740 {strides = array<i32>} : memref<16x1024xf32, #tpu.memory_space<vmem>>, vector<1x16xf32>,
        %get3A_741 = arith.index_cast %scan3A_182 : i32 to index
        %get3A_742 = arith.constant 640 : index
        %get3A_743 = tpu.vector_load %arg9[%get3A_741, %get3A_742] {strides = array<i32>} : memref<16x1024xf32, #tpu.memory_space<vmem>>, vector<1x16xf32>,
        %get3A_744 = vector.shape_cast %get3A_743 : vector<1x16xf32> to vector<16xf32>
        %get3A_745 = arith.index_cast %scan3A_182 : i32 to index
        %get3A_746 = arith.constant 640 : index
        %get3A_747 = tpu.vector_load %arg6[%get3A_745, %get3A_746] {strides = array<i32>} : memref<16x1024xf32, #tpu.memory_space<vmem>>, vector<1x16xf32>,
        %get3A_748 = vector.shape_cast %get3A_747 : vector<1x16xf32> to vector<16xf32>
        %add3A_749 = arith.addf %get3A_744, %get3A_748 : vector<16xf32>
        %swap3A_750 = arith.index_cast %scan3A_182 : i32 to index
        %swap3A_751 = arith.constant 640 : index
        %swap3A_752 = tpu.vector_load %arg9[%swap3A_750, %swap3A_751] {strides = array<i32>} : memref<16x1024xf32, #tpu.memory_space<vmem>>, vector<1x16xf32>,
        %swap3A_753 = vector.shape_cast %swap3A_752 : vector<1x16xf32> to vector<16xf32>
        %swap3A_754 = vector.shape_cast %add3A_749 : vector<16xf32> to vector<1x16xf32>
        tpu.vector_store %arg9[%swap3A_750, %swap3A_751], %swap3A_754 {strides = array<i32>} : memref<16x1024xf32, #tpu.memory_space<vmem>>, vector<1x16xf32>,
        %get3A_755 = arith.index_cast %scan3A_182 : i32 to index
        %get3A_756 = arith.constant 656 : index
        %get3A_757 = tpu.vector_load %arg9[%get3A_755, %get3A_756] {strides = array<i32>} : memref<16x1024xf32, #tpu.memory_space<vmem>>, vector<1x16xf32>,
        %get3A_758 = vector.shape_cast %get3A_757 : vector<1x16xf32> to vector<16xf32>
        %get3A_759 = arith.index_cast %scan3A_182 : i32 to index
        %get3A_760 = arith.constant 656 : index
        %get3A_761 = tpu.vector_load %arg6[%get3A_759, %get3A_760] {strides = array<i32>} : memref<16x1024xf32, #tpu.memory_space<vmem>>, vector<1x16xf32>,
        %get3A_762 = vector.shape_cast %get3A_761 : vector<1x16xf32> to vector<16xf32>
        %add3A_763 = arith.addf %get3A_758, %get3A_762 : vector<16xf32>
        %swap3A_764 = arith.index_cast %scan3A_182 : i32 to index
        %swap3A_765 = arith.constant 656 : index
        %swap3A_766 = tpu.vector_load %arg9[%swap3A_764, %swap3A_765] {strides = array<i32>} : memref<16x1024xf32, #tpu.memory_space<vmem>>, vector<1x16xf32>,
        %swap3A_767 = vector.shape_cast %swap3A_766 : vector<1x16xf32> to vector<16xf32>
        %swap3A_768 = vector.shape_cast %add3A_763 : vector<16xf32> to vector<1x16xf32>
        tpu.vector_store %arg9[%swap3A_764, %swap3A_765], %swap3A_768 {strides = array<i32>} : memref<16x1024xf32, #tpu.memory_space<vmem>>, vector<1x16xf32>,
        %get3A_769 = arith.index_cast %scan3A_182 : i32 to index
        %get3A_770 = arith.constant 672 : index
        %get3A_771 = tpu.vector_load %arg9[%get3A_769, %get3A_770] {strides = array<i32>} : memref<16x1024xf32, #tpu.memory_space<vmem>>, vector<1x16xf32>,
        %get3A_772 = vector.shape_cast %get3A_771 : vector<1x16xf32> to vector<16xf32>
        %get3A_773 = arith.index_cast %scan3A_182 : i32 to index
        %get3A_774 = arith.constant 672 : index
        %get3A_775 = tpu.vector_load %arg6[%get3A_773, %get3A_774] {strides = array<i32>} : memref<16x1024xf32, #tpu.memory_space<vmem>>, vector<1x16xf32>,
        %get3A_776 = vector.shape_cast %get3A_775 : vector<1x16xf32> to vector<16xf32>
        %add3A_777 = arith.addf %get3A_772, %get3A_776 : vector<16xf32>
        %swap3A_778 = arith.index_cast %scan3A_182 : i32 to index
        %swap3A_779 = arith.constant 672 : index
        %swap3A_780 = tpu.vector_load %arg9[%swap3A_778, %swap3A_779] {strides = array<i32>} : memref<16x1024xf32, #tpu.memory_space<vmem>>, vector<1x16xf32>,
        %swap3A_781 = vector.shape_cast %swap3A_780 : vector<1x16xf32> to vector<16xf32>
        %swap3A_782 = vector.shape_cast %add3A_777 : vector<16xf32> to vector<1x16xf32>
        tpu.vector_store %arg9[%swap3A_778, %swap3A_779], %swap3A_782 {strides = array<i32>} : memref<16x1024xf32, #tpu.memory_space<vmem>>, vector<1x16xf32>,
        %get3A_783 = arith.index_cast %scan3A_182 : i32 to index
        %get3A_784 = arith.constant 688 : index
        %get3A_785 = tpu.vector_load %arg9[%get3A_783, %get3A_784] {strides = array<i32>} : memref<16x1024xf32, #tpu.memory_space<vmem>>, vector<1x16xf32>,
        %get3A_786 = vector.shape_cast %get3A_785 : vector<1x16xf32> to vector<16xf32>
        %get3A_787 = arith.index_cast %scan3A_182 : i32 to index
        %get3A_788 = arith.constant 688 : index
        %get3A_789 = tpu.vector_load %arg6[%get3A_787, %get3A_788] {strides = array<i32>} : memref<16x1024xf32, #tpu.memory_space<vmem>>, vector<1x16xf32>,
        %get3A_790 = vector.shape_cast %get3A_789 : vector<1x16xf32> to vector<16xf32>
        %add3A_791 = arith.addf %get3A_786, %get3A_790 : vector<16xf32>
        %swap3A_792 = arith.index_cast %scan3A_182 : i32 to index
        %swap3A_793 = arith.constant 688 : index
        %swap3A_794 = tpu.vector_load %arg9[%swap3A_792, %swap3A_793] {strides = array<i32>} : memref<16x1024xf32, #tpu.memory_space<vmem>>, vector<1x16xf32>,
        %swap3A_795 = vector.shape_cast %swap3A_794 : vector<1x16xf32> to vector<16xf32>
        %swap3A_796 = vector.shape_cast %add3A_791 : vector<16xf32> to vector<1x16xf32>
        tpu.vector_store %arg9[%swap3A_792, %swap3A_793], %swap3A_796 {strides = array<i32>} : memref<16x1024xf32, #tpu.memory_space<vmem>>, vector<1x16xf32>,
        %get3A_797 = arith.index_cast %scan3A_182 : i32 to index
        %get3A_798 = arith.constant 704 : index
        %get3A_799 = tpu.vector_load %arg9[%get3A_797, %get3A_798] {strides = array<i32>} : memref<16x1024xf32, #tpu.memory_space<vmem>>, vector<1x16xf32>,
        %get3A_800 = vector.shape_cast %get3A_799 : vector<1x16xf32> to vector<16xf32>
        %get3A_801 = arith.index_cast %scan3A_182 : i32 to index
        %get3A_802 = arith.constant 704 : index
        %get3A_803 = tpu.vector_load %arg6[%get3A_801, %get3A_802] {strides = array<i32>} : memref<16x1024xf32, #tpu.memory_space<vmem>>, vector<1x16xf32>,
        %get3A_804 = vector.shape_cast %get3A_803 : vector<1x16xf32> to vector<16xf32>
        %add3A_805 = arith.addf %get3A_800, %get3A_804 : vector<16xf32>
        %swap3A_806 = arith.index_cast %scan3A_182 : i32 to index
        %swap3A_807 = arith.constant 704 : index
        %swap3A_808 = tpu.vector_load %arg9[%swap3A_806, %swap3A_807] {strides = array<i32>} : memref<16x1024xf32, #tpu.memory_space<vmem>>, vector<1x16xf32>,
        %swap3A_809 = vector.shape_cast %swap3A_808 : vector<1x16xf32> to vector<16xf32>
        %swap3A_810 = vector.shape_cast %add3A_805 : vector<16xf32> to vector<1x16xf32>
        tpu.vector_store %arg9[%swap3A_806, %swap3A_807], %swap3A_810 {strides = array<i32>} : memref<16x1024xf32, #tpu.memory_space<vmem>>, vector<1x16xf32>,
        %get3A_811 = arith.index_cast %scan3A_182 : i32 to index
        %get3A_812 = arith.constant 720 : index
        %get3A_813 = tpu.vector_load %arg9[%get3A_811, %get3A_812] {strides = array<i32>} : memref<16x1024xf32, #tpu.memory_space<vmem>>, vector<1x16xf32>,
        %get3A_814 = vector.shape_cast %get3A_813 : vector<1x16xf32> to vector<16xf32>
        %get3A_815 = arith.index_cast %scan3A_182 : i32 to index
        %get3A_816 = arith.constant 720 : index
        %get3A_817 = tpu.vector_load %arg6[%get3A_815, %get3A_816] {strides = array<i32>} : memref<16x1024xf32, #tpu.memory_space<vmem>>, vector<1x16xf32>,
        %get3A_818 = vector.shape_cast %get3A_817 : vector<1x16xf32> to vector<16xf32>
        %add3A_819 = arith.addf %get3A_814, %get3A_818 : vector<16xf32>
        %swap3A_820 = arith.index_cast %scan3A_182 : i32 to index
        %swap3A_821 = arith.constant 720 : index
        %swap3A_822 = tpu.vector_load %arg9[%swap3A_820, %swap3A_821] {strides = array<i32>} : memref<16x1024xf32, #tpu.memory_space<vmem>>, vector<1x16xf32>,
        %swap3A_823 = vector.shape_cast %swap3A_822 : vector<1x16xf32> to vector<16xf32>
        %swap3A_824 = vector.shape_cast %add3A_819 : vector<16xf32> to vector<1x16xf32>
        tpu.vector_store %arg9[%swap3A_820, %swap3A_821], %swap3A_824 {strides = array<i32>} : memref<16x1024xf32, #tpu.memory_space<vmem>>, vector<1x16xf32>,
        %get3A_825 = arith.index_cast %scan3A_182 : i32 to index
        %get3A_826 = arith.constant 736 : index
        %get3A_827 = tpu.vector_load %arg9[%get3A_825, %get3A_826] {strides = array<i32>} : memref<16x1024xf32, #tpu.memory_space<vmem>>, vector<1x16xf32>,
        %get3A_828 = vector.shape_cast %get3A_827 : vector<1x16xf32> to vector<16xf32>
        %get3A_829 = arith.index_cast %scan3A_182 : i32 to index
        %get3A_830 = arith.constant 736 : index
        %get3A_831 = tpu.vector_load %arg6[%get3A_829, %get3A_830] {strides = array<i32>} : memref<16x1024xf32, #tpu.memory_space<vmem>>, vector<1x16xf32>,
        %get3A_832 = vector.shape_cast %get3A_831 : vector<1x16xf32> to vector<16xf32>
        %add3A_833 = arith.addf %get3A_828, %get3A_832 : vector<16xf32>
        %swap3A_834 = arith.index_cast %scan3A_182 : i32 to index
        %swap3A_835 = arith.constant 736 : index
        %swap3A_836 = tpu.vector_load %arg9[%swap3A_834, %swap3A_835] {strides = array<i32>} : memref<16x1024xf32, #tpu.memory_space<vmem>>, vector<1x16xf32>,
        %swap3A_837 = vector.shape_cast %swap3A_836 : vector<1x16xf32> to vector<16xf32>
        %swap3A_838 = vector.shape_cast %add3A_833 : vector<16xf32> to vector<1x16xf32>
        tpu.vector_store %arg9[%swap3A_834, %swap3A_835], %swap3A_838 {strides = array<i32>} : memref<16x1024xf32, #tpu.memory_space<vmem>>, vector<1x16xf32>,
        %get3A_839 = arith.index_cast %scan3A_182 : i32 to index
        %get3A_840 = arith.constant 752 : index
        %get3A_841 = tpu.vector_load %arg9[%get3A_839, %get3A_840] {strides = array<i32>} : memref<16x1024xf32, #tpu.memory_space<vmem>>, vector<1x16xf32>,
        %get3A_842 = vector.shape_cast %get3A_841 : vector<1x16xf32> to vector<16xf32>
        %get3A_843 = arith.index_cast %scan3A_182 : i32 to index
        %get3A_844 = arith.constant 752 : index
        %get3A_845 = tpu.vector_load %arg6[%get3A_843, %get3A_844] {strides = array<i32>} : memref<16x1024xf32, #tpu.memory_space<vmem>>, vector<1x16xf32>,
        %get3A_846 = vector.shape_cast %get3A_845 : vector<1x16xf32> to vector<16xf32>
        %add3A_847 = arith.addf %get3A_842, %get3A_846 : vector<16xf32>
        %swap3A_848 = arith.index_cast %scan3A_182 : i32 to index
        %swap3A_849 = arith.constant 752 : index
        %swap3A_850 = tpu.vector_load %arg9[%swap3A_848, %swap3A_849] {strides = array<i32>} : memref<16x1024xf32, #tpu.memory_space<vmem>>, vector<1x16xf32>,
        %swap3A_851 = vector.shape_cast %swap3A_850 : vector<1x16xf32> to vector<16xf32>
        %swap3A_852 = vector.shape_cast %add3A_847 : vector<16xf32> to vector<1x16xf32>
        tpu.vector_store %arg9[%swap3A_848, %swap3A_849], %swap3A_852 {strides = array<i32>} : memref<16x1024xf32, #tpu.memory_space<vmem>>, vector<1x16xf32>,
        %get3A_853 = arith.index_cast %scan3A_182 : i32 to index
        %get3A_854 = arith.constant 768 : index
        %get3A_855 = tpu.vector_load %arg9[%get3A_853, %get3A_854] {strides = array<i32>} : memref<16x1024xf32, #tpu.memory_space<vmem>>, vector<1x16xf32>,
        %get3A_856 = vector.shape_cast %get3A_855 : vector<1x16xf32> to vector<16xf32>
        %get3A_857 = arith.index_cast %scan3A_182 : i32 to index
        %get3A_858 = arith.constant 768 : index
        %get3A_859 = tpu.vector_load %arg6[%get3A_857, %get3A_858] {strides = array<i32>} : memref<16x1024xf32, #tpu.memory_space<vmem>>, vector<1x16xf32>,
        %get3A_860 = vector.shape_cast %get3A_859 : vector<1x16xf32> to vector<16xf32>
        %add3A_861 = arith.addf %get3A_856, %get3A_860 : vector<16xf32>
        %swap3A_862 = arith.index_cast %scan3A_182 : i32 to index
        %swap3A_863 = arith.constant 768 : index
        %swap3A_864 = tpu.vector_load %arg9[%swap3A_862, %swap3A_863] {strides = array<i32>} : memref<16x1024xf32, #tpu.memory_space<vmem>>, vector<1x16xf32>,
        %swap3A_865 = vector.shape_cast %swap3A_864 : vector<1x16xf32> to vector<16xf32>
        %swap3A_866 = vector.shape_cast %add3A_861 : vector<16xf32> to vector<1x16xf32>
        tpu.vector_store %arg9[%swap3A_862, %swap3A_863], %swap3A_866 {strides = array<i32>} : memref<16x1024xf32, #tpu.memory_space<vmem>>, vector<1x16xf32>,
        %get3A_867 = arith.index_cast %scan3A_182 : i32 to index
        %get3A_868 = arith.constant 784 : index
        %get3A_869 = tpu.vector_load %arg9[%get3A_867, %get3A_868] {strides = array<i32>} : memref<16x1024xf32, #tpu.memory_space<vmem>>, vector<1x16xf32>,
        %get3A_870 = vector.shape_cast %get3A_869 : vector<1x16xf32> to vector<16xf32>
        %get3A_871 = arith.index_cast %scan3A_182 : i32 to index
        %get3A_872 = arith.constant 784 : index
        %get3A_873 = tpu.vector_load %arg6[%get3A_871, %get3A_872] {strides = array<i32>} : memref<16x1024xf32, #tpu.memory_space<vmem>>, vector<1x16xf32>,
        %get3A_874 = vector.shape_cast %get3A_873 : vector<1x16xf32> to vector<16xf32>
        %add3A_875 = arith.addf %get3A_870, %get3A_874 : vector<16xf32>
        %swap3A_876 = arith.index_cast %scan3A_182 : i32 to index
        %swap3A_877 = arith.constant 784 : index
        %swap3A_878 = tpu.vector_load %arg9[%swap3A_876, %swap3A_877] {strides = array<i32>} : memref<16x1024xf32, #tpu.memory_space<vmem>>, vector<1x16xf32>,
        %swap3A_879 = vector.shape_cast %swap3A_878 : vector<1x16xf32> to vector<16xf32>
        %swap3A_880 = vector.shape_cast %add3A_875 : vector<16xf32> to vector<1x16xf32>
        tpu.vector_store %arg9[%swap3A_876, %swap3A_877], %swap3A_880 {strides = array<i32>} : memref<16x1024xf32, #tpu.memory_space<vmem>>, vector<1x16xf32>,
        %get3A_881 = arith.index_cast %scan3A_182 : i32 to index
        %get3A_882 = arith.constant 800 : index
        %get3A_883 = tpu.vector_load %arg9[%get3A_881, %get3A_882] {strides = array<i32>} : memref<16x1024xf32, #tpu.memory_space<vmem>>, vector<1x16xf32>,
        %get3A_884 = vector.shape_cast %get3A_883 : vector<1x16xf32> to vector<16xf32>
        %get3A_885 = arith.index_cast %scan3A_182 : i32 to index
        %get3A_886 = arith.constant 800 : index
        %get3A_887 = tpu.vector_load %arg6[%get3A_885, %get3A_886] {strides = array<i32>} : memref<16x1024xf32, #tpu.memory_space<vmem>>, vector<1x16xf32>,
        %get3A_888 = vector.shape_cast %get3A_887 : vector<1x16xf32> to vector<16xf32>
        %add3A_889 = arith.addf %get3A_884, %get3A_888 : vector<16xf32>
        %swap3A_890 = arith.index_cast %scan3A_182 : i32 to index
        %swap3A_891 = arith.constant 800 : index
        %swap3A_892 = tpu.vector_load %arg9[%swap3A_890, %swap3A_891] {strides = array<i32>} : memref<16x1024xf32, #tpu.memory_space<vmem>>, vector<1x16xf32>,
        %swap3A_893 = vector.shape_cast %swap3A_892 : vector<1x16xf32> to vector<16xf32>
        %swap3A_894 = vector.shape_cast %add3A_889 : vector<16xf32> to vector<1x16xf32>
        tpu.vector_store %arg9[%swap3A_890, %swap3A_891], %swap3A_894 {strides = array<i32>} : memref<16x1024xf32, #tpu.memory_space<vmem>>, vector<1x16xf32>,
        %get3A_895 = arith.index_cast %scan3A_182 : i32 to index
        %get3A_896 = arith.constant 816 : index
        %get3A_897 = tpu.vector_load %arg9[%get3A_895, %get3A_896] {strides = array<i32>} : memref<16x1024xf32, #tpu.memory_space<vmem>>, vector<1x16xf32>,
        %get3A_898 = vector.shape_cast %get3A_897 : vector<1x16xf32> to vector<16xf32>
        %get3A_899 = arith.index_cast %scan3A_182 : i32 to index
        %get3A_900 = arith.constant 816 : index
        %get3A_901 = tpu.vector_load %arg6[%get3A_899, %get3A_900] {strides = array<i32>} : memref<16x1024xf32, #tpu.memory_space<vmem>>, vector<1x16xf32>,
        %get3A_902 = vector.shape_cast %get3A_901 : vector<1x16xf32> to vector<16xf32>
        %add3A_903 = arith.addf %get3A_898, %get3A_902 : vector<16xf32>
        %swap3A_904 = arith.index_cast %scan3A_182 : i32 to index
        %swap3A_905 = arith.constant 816 : index
        %swap3A_906 = tpu.vector_load %arg9[%swap3A_904, %swap3A_905] {strides = array<i32>} : memref<16x1024xf32, #tpu.memory_space<vmem>>, vector<1x16xf32>,
        %swap3A_907 = vector.shape_cast %swap3A_906 : vector<1x16xf32> to vector<16xf32>
        %swap3A_908 = vector.shape_cast %add3A_903 : vector<16xf32> to vector<1x16xf32>
        tpu.vector_store %arg9[%swap3A_904, %swap3A_905], %swap3A_908 {strides = array<i32>} : memref<16x1024xf32, #tpu.memory_space<vmem>>, vector<1x16xf32>,
        %get3A_909 = arith.index_cast %scan3A_182 : i32 to index
        %get3A_910 = arith.constant 832 : index
        %get3A_911 = tpu.vector_load %arg9[%get3A_909, %get3A_910] {strides = array<i32>} : memref<16x1024xf32, #tpu.memory_space<vmem>>, vector<1x16xf32>,
        %get3A_912 = vector.shape_cast %get3A_911 : vector<1x16xf32> to vector<16xf32>
        %get3A_913 = arith.index_cast %scan3A_182 : i32 to index
        %get3A_914 = arith.constant 832 : index
        %get3A_915 = tpu.vector_load %arg6[%get3A_913, %get3A_914] {strides = array<i32>} : memref<16x1024xf32, #tpu.memory_space<vmem>>, vector<1x16xf32>,
        %get3A_916 = vector.shape_cast %get3A_915 : vector<1x16xf32> to vector<16xf32>
        %add3A_917 = arith.addf %get3A_912, %get3A_916 : vector<16xf32>
        %swap3A_918 = arith.index_cast %scan3A_182 : i32 to index
        %swap3A_919 = arith.constant 832 : index
        %swap3A_920 = tpu.vector_load %arg9[%swap3A_918, %swap3A_919] {strides = array<i32>} : memref<16x1024xf32, #tpu.memory_space<vmem>>, vector<1x16xf32>,
        %swap3A_921 = vector.shape_cast %swap3A_920 : vector<1x16xf32> to vector<16xf32>
        %swap3A_922 = vector.shape_cast %add3A_917 : vector<16xf32> to vector<1x16xf32>
        tpu.vector_store %arg9[%swap3A_918, %swap3A_919], %swap3A_922 {strides = array<i32>} : memref<16x1024xf32, #tpu.memory_space<vmem>>, vector<1x16xf32>,
        %get3A_923 = arith.index_cast %scan3A_182 : i32 to index
        %get3A_924 = arith.constant 848 : index
        %get3A_925 = tpu.vector_load %arg9[%get3A_923, %get3A_924] {strides = array<i32>} : memref<16x1024xf32, #tpu.memory_space<vmem>>, vector<1x16xf32>,
        %get3A_926 = vector.shape_cast %get3A_925 : vector<1x16xf32> to vector<16xf32>
        %get3A_927 = arith.index_cast %scan3A_182 : i32 to index
        %get3A_928 = arith.constant 848 : index
        %get3A_929 = tpu.vector_load %arg6[%get3A_927, %get3A_928] {strides = array<i32>} : memref<16x1024xf32, #tpu.memory_space<vmem>>, vector<1x16xf32>,
        %get3A_930 = vector.shape_cast %get3A_929 : vector<1x16xf32> to vector<16xf32>
        %add3A_931 = arith.addf %get3A_926, %get3A_930 : vector<16xf32>
        %swap3A_932 = arith.index_cast %scan3A_182 : i32 to index
        %swap3A_933 = arith.constant 848 : index
        %swap3A_934 = tpu.vector_load %arg9[%swap3A_932, %swap3A_933] {strides = array<i32>} : memref<16x1024xf32, #tpu.memory_space<vmem>>, vector<1x16xf32>,
        %swap3A_935 = vector.shape_cast %swap3A_934 : vector<1x16xf32> to vector<16xf32>
        %swap3A_936 = vector.shape_cast %add3A_931 : vector<16xf32> to vector<1x16xf32>
        tpu.vector_store %arg9[%swap3A_932, %swap3A_933], %swap3A_936 {strides = array<i32>} : memref<16x1024xf32, #tpu.memory_space<vmem>>, vector<1x16xf32>,
        %get3A_937 = arith.index_cast %scan3A_182 : i32 to index
        %get3A_938 = arith.constant 864 : index
        %get3A_939 = tpu.vector_load %arg9[%get3A_937, %get3A_938] {strides = array<i32>} : memref<16x1024xf32, #tpu.memory_space<vmem>>, vector<1x16xf32>,
        %get3A_940 = vector.shape_cast %get3A_939 : vector<1x16xf32> to vector<16xf32>
        %get3A_941 = arith.index_cast %scan3A_182 : i32 to index
        %get3A_942 = arith.constant 864 : index
        %get3A_943 = tpu.vector_load %arg6[%get3A_941, %get3A_942] {strides = array<i32>} : memref<16x1024xf32, #tpu.memory_space<vmem>>, vector<1x16xf32>,
        %get3A_944 = vector.shape_cast %get3A_943 : vector<1x16xf32> to vector<16xf32>
        %add3A_945 = arith.addf %get3A_940, %get3A_944 : vector<16xf32>
        %swap3A_946 = arith.index_cast %scan3A_182 : i32 to index
        %swap3A_947 = arith.constant 864 : index
        %swap3A_948 = tpu.vector_load %arg9[%swap3A_946, %swap3A_947] {strides = array<i32>} : memref<16x1024xf32, #tpu.memory_space<vmem>>, vector<1x16xf32>,
        %swap3A_949 = vector.shape_cast %swap3A_948 : vector<1x16xf32> to vector<16xf32>
        %swap3A_950 = vector.shape_cast %add3A_945 : vector<16xf32> to vector<1x16xf32>
        tpu.vector_store %arg9[%swap3A_946, %swap3A_947], %swap3A_950 {strides = array<i32>} : memref<16x1024xf32, #tpu.memory_space<vmem>>, vector<1x16xf32>,
        %get3A_951 = arith.index_cast %scan3A_182 : i32 to index
        %get3A_952 = arith.constant 880 : index
        %get3A_953 = tpu.vector_load %arg9[%get3A_951, %get3A_952] {strides = array<i32>} : memref<16x1024xf32, #tpu.memory_space<vmem>>, vector<1x16xf32>,
        %get3A_954 = vector.shape_cast %get3A_953 : vector<1x16xf32> to vector<16xf32>
        %get3A_955 = arith.index_cast %scan3A_182 : i32 to index
        %get3A_956 = arith.constant 880 : index
        %get3A_957 = tpu.vector_load %arg6[%get3A_955, %get3A_956] {strides = array<i32>} : memref<16x1024xf32, #tpu.memory_space<vmem>>, vector<1x16xf32>,
        %get3A_958 = vector.shape_cast %get3A_957 : vector<1x16xf32> to vector<16xf32>
        %add3A_959 = arith.addf %get3A_954, %get3A_958 : vector<16xf32>
        %swap3A_960 = arith.index_cast %scan3A_182 : i32 to index
        %swap3A_961 = arith.constant 880 : index
        %swap3A_962 = tpu.vector_load %arg9[%swap3A_960, %swap3A_961] {strides = array<i32>} : memref<16x1024xf32, #tpu.memory_space<vmem>>, vector<1x16xf32>,
        %swap3A_963 = vector.shape_cast %swap3A_962 : vector<1x16xf32> to vector<16xf32>
        %swap3A_964 = vector.shape_cast %add3A_959 : vector<16xf32> to vector<1x16xf32>
        tpu.vector_store %arg9[%swap3A_960, %swap3A_961], %swap3A_964 {strides = array<i32>} : memref<16x1024xf32, #tpu.memory_space<vmem>>, vector<1x16xf32>,
        %get3A_965 = arith.index_cast %scan3A_182 : i32 to index
        %get3A_966 = arith.constant 896 : index
        %get3A_967 = tpu.vector_load %arg9[%get3A_965, %get3A_966] {strides = array<i32>} : memref<16x1024xf32, #tpu.memory_space<vmem>>, vector<1x16xf32>,
        %get3A_968 = vector.shape_cast %get3A_967 : vector<1x16xf32> to vector<16xf32>
        %get3A_969 = arith.index_cast %scan3A_182 : i32 to index
        %get3A_970 = arith.constant 896 : index
        %get3A_971 = tpu.vector_load %arg6[%get3A_969, %get3A_970] {strides = array<i32>} : memref<16x1024xf32, #tpu.memory_space<vmem>>, vector<1x16xf32>,
        %get3A_972 = vector.shape_cast %get3A_971 : vector<1x16xf32> to vector<16xf32>
        %add3A_973 = arith.addf %get3A_968, %get3A_972 : vector<16xf32>
        %swap3A_974 = arith.index_cast %scan3A_182 : i32 to index
        %swap3A_975 = arith.constant 896 : index
        %swap3A_976 = tpu.vector_load %arg9[%swap3A_974, %swap3A_975] {strides = array<i32>} : memref<16x1024xf32, #tpu.memory_space<vmem>>, vector<1x16xf32>,
        %swap3A_977 = vector.shape_cast %swap3A_976 : vector<1x16xf32> to vector<16xf32>
        %swap3A_978 = vector.shape_cast %add3A_973 : vector<16xf32> to vector<1x16xf32>
        tpu.vector_store %arg9[%swap3A_974, %swap3A_975], %swap3A_978 {strides = array<i32>} : memref<16x1024xf32, #tpu.memory_space<vmem>>, vector<1x16xf32>,
        %get3A_979 = arith.index_cast %scan3A_182 : i32 to index
        %get3A_980 = arith.constant 912 : index
        %get3A_981 = tpu.vector_load %arg9[%get3A_979, %get3A_980] {strides = array<i32>} : memref<16x1024xf32, #tpu.memory_space<vmem>>, vector<1x16xf32>,
        %get3A_982 = vector.shape_cast %get3A_981 : vector<1x16xf32> to vector<16xf32>
        %get3A_983 = arith.index_cast %scan3A_182 : i32 to index
        %get3A_984 = arith.constant 912 : index
        %get3A_985 = tpu.vector_load %arg6[%get3A_983, %get3A_984] {strides = array<i32>} : memref<16x1024xf32, #tpu.memory_space<vmem>>, vector<1x16xf32>,
        %get3A_986 = vector.shape_cast %get3A_985 : vector<1x16xf32> to vector<16xf32>
        %add3A_987 = arith.addf %get3A_982, %get3A_986 : vector<16xf32>
        %swap3A_988 = arith.index_cast %scan3A_182 : i32 to index
        %swap3A_989 = arith.constant 912 : index
        %swap3A_990 = tpu.vector_load %arg9[%swap3A_988, %swap3A_989] {strides = array<i32>} : memref<16x1024xf32, #tpu.memory_space<vmem>>, vector<1x16xf32>,
        %swap3A_991 = vector.shape_cast %swap3A_990 : vector<1x16xf32> to vector<16xf32>
        %swap3A_992 = vector.shape_cast %add3A_987 : vector<16xf32> to vector<1x16xf32>
        tpu.vector_store %arg9[%swap3A_988, %swap3A_989], %swap3A_992 {strides = array<i32>} : memref<16x1024xf32, #tpu.memory_space<vmem>>, vector<1x16xf32>,
        %get3A_993 = arith.index_cast %scan3A_182 : i32 to index
        %get3A_994 = arith.constant 928 : index
        %get3A_995 = tpu.vector_load %arg9[%get3A_993, %get3A_994] {strides = array<i32>} : memref<16x1024xf32, #tpu.memory_space<vmem>>, vector<1x16xf32>,
        %get3A_996 = vector.shape_cast %get3A_995 : vector<1x16xf32> to vector<16xf32>
        %get3A_997 = arith.index_cast %scan3A_182 : i32 to index
        %get3A_998 = arith.constant 928 : index
        %get3A_999 = tpu.vector_load %arg6[%get3A_997, %get3A_998] {strides = array<i32>} : memref<16x1024xf32, #tpu.memory_space<vmem>>, vector<1x16xf32>,
        %get3A_1000 = vector.shape_cast %get3A_999 : vector<1x16xf32> to vector<16xf32>
        %add3A_1001 = arith.addf %get3A_996, %get3A_1000 : vector<16xf32>
        %swap3A_1002 = arith.index_cast %scan3A_182 : i32 to index
        %swap3A_1003 = arith.constant 928 : index
        %swap3A_1004 = tpu.vector_load %arg9[%swap3A_1002, %swap3A_1003] {strides = array<i32>} : memref<16x1024xf32, #tpu.memory_space<vmem>>, vector<1x16xf32>,
        %swap3A_1005 = vector.shape_cast %swap3A_1004 : vector<1x16xf32> to vector<16xf32>
        %swap3A_1006 = vector.shape_cast %add3A_1001 : vector<16xf32> to vector<1x16xf32>
        tpu.vector_store %arg9[%swap3A_1002, %swap3A_1003], %swap3A_1006 {strides = array<i32>} : memref<16x1024xf32, #tpu.memory_space<vmem>>, vector<1x16xf32>,
        %get3A_1007 = arith.index_cast %scan3A_182 : i32 to index
        %get3A_1008 = arith.constant 944 : index
        %get3A_1009 = tpu.vector_load %arg9[%get3A_1007, %get3A_1008] {strides = array<i32>} : memref<16x1024xf32, #tpu.memory_space<vmem>>, vector<1x16xf32>,
        %get3A_1010 = vector.shape_cast %get3A_1009 : vector<1x16xf32> to vector<16xf32>
        %get3A_1011 = arith.index_cast %scan3A_182 : i32 to index
        %get3A_1012 = arith.constant 944 : index
        %get3A_1013 = tpu.vector_load %arg6[%get3A_1011, %get3A_1012] {strides = array<i32>} : memref<16x1024xf32, #tpu.memory_space<vmem>>, vector<1x16xf32>,
        %get3A_1014 = vector.shape_cast %get3A_1013 : vector<1x16xf32> to vector<16xf32>
        %add3A_1015 = arith.addf %get3A_1010, %get3A_1014 : vector<16xf32>
        %swap3A_1016 = arith.index_cast %scan3A_182 : i32 to index
        %swap3A_1017 = arith.constant 944 : index
        %swap3A_1018 = tpu.vector_load %arg9[%swap3A_1016, %swap3A_1017] {strides = array<i32>} : memref<16x1024xf32, #tpu.memory_space<vmem>>, vector<1x16xf32>,
        %swap3A_1019 = vector.shape_cast %swap3A_1018 : vector<1x16xf32> to vector<16xf32>
        %swap3A_1020 = vector.shape_cast %add3A_1015 : vector<16xf32> to vector<1x16xf32>
        tpu.vector_store %arg9[%swap3A_1016, %swap3A_1017], %swap3A_1020 {strides = array<i32>} : memref<16x1024xf32, #tpu.memory_space<vmem>>, vector<1x16xf32>,
        %get3A_1021 = arith.index_cast %scan3A_182 : i32 to index
        %get3A_1022 = arith.constant 960 : index
        %get3A_1023 = tpu.vector_load %arg9[%get3A_1021, %get3A_1022] {strides = array<i32>} : memref<16x1024xf32, #tpu.memory_space<vmem>>, vector<1x16xf32>,
        %get3A_1024 = vector.shape_cast %get3A_1023 : vector<1x16xf32> to vector<16xf32>
        %get3A_1025 = arith.index_cast %scan3A_182 : i32 to index
        %get3A_1026 = arith.constant 960 : index
        %get3A_1027 = tpu.vector_load %arg6[%get3A_1025, %get3A_1026] {strides = array<i32>} : memref<16x1024xf32, #tpu.memory_space<vmem>>, vector<1x16xf32>,
        %get3A_1028 = vector.shape_cast %get3A_1027 : vector<1x16xf32> to vector<16xf32>
        %add3A_1029 = arith.addf %get3A_1024, %get3A_1028 : vector<16xf32>
        %swap3A_1030 = arith.index_cast %scan3A_182 : i32 to index
        %swap3A_1031 = arith.constant 960 : index
        %swap3A_1032 = tpu.vector_load %arg9[%swap3A_1030, %swap3A_1031] {strides = array<i32>} : memref<16x1024xf32, #tpu.memory_space<vmem>>, vector<1x16xf32>,
        %swap3A_1033 = vector.shape_cast %swap3A_1032 : vector<1x16xf32> to vector<16xf32>
        %swap3A_1034 = vector.shape_cast %add3A_1029 : vector<16xf32> to vector<1x16xf32>
        tpu.vector_store %arg9[%swap3A_1030, %swap3A_1031], %swap3A_1034 {strides = array<i32>} : memref<16x1024xf32, #tpu.memory_space<vmem>>, vector<1x16xf32>,
        %get3A_1035 = arith.index_cast %scan3A_182 : i32 to index
        %get3A_1036 = arith.constant 976 : index
        %get3A_1037 = tpu.vector_load %arg9[%get3A_1035, %get3A_1036] {strides = array<i32>} : memref<16x1024xf32, #tpu.memory_space<vmem>>, vector<1x16xf32>,
        %get3A_1038 = vector.shape_cast %get3A_1037 : vector<1x16xf32> to vector<16xf32>
        %get3A_1039 = arith.index_cast %scan3A_182 : i32 to index
        %get3A_1040 = arith.constant 976 : index
        %get3A_1041 = tpu.vector_load %arg6[%get3A_1039, %get3A_1040] {strides = array<i32>} : memref<16x1024xf32, #tpu.memory_space<vmem>>, vector<1x16xf32>,
        %get3A_1042 = vector.shape_cast %get3A_1041 : vector<1x16xf32> to vector<16xf32>
        %add3A_1043 = arith.addf %get3A_1038, %get3A_1042 : vector<16xf32>
        %swap3A_1044 = arith.index_cast %scan3A_182 : i32 to index
        %swap3A_1045 = arith.constant 976 : index
        %swap3A_1046 = tpu.vector_load %arg9[%swap3A_1044, %swap3A_1045] {strides = array<i32>} : memref<16x1024xf32, #tpu.memory_space<vmem>>, vector<1x16xf32>,
        %swap3A_1047 = vector.shape_cast %swap3A_1046 : vector<1x16xf32> to vector<16xf32>
        %swap3A_1048 = vector.shape_cast %add3A_1043 : vector<16xf32> to vector<1x16xf32>
        tpu.vector_store %arg9[%swap3A_1044, %swap3A_1045], %swap3A_1048 {strides = array<i32>} : memref<16x1024xf32, #tpu.memory_space<vmem>>, vector<1x16xf32>,
        %get3A_1049 = arith.index_cast %scan3A_182 : i32 to index
        %get3A_1050 = arith.constant 992 : index
        %get3A_1051 = tpu.vector_load %arg9[%get3A_1049, %get3A_1050] {strides = array<i32>} : memref<16x1024xf32, #tpu.memory_space<vmem>>, vector<1x16xf32>,
        %get3A_1052 = vector.shape_cast %get3A_1051 : vector<1x16xf32> to vector<16xf32>
        %get3A_1053 = arith.index_cast %scan3A_182 : i32 to index
        %get3A_1054 = arith.constant 992 : index
        %get3A_1055 = tpu.vector_load %arg6[%get3A_1053, %get3A_1054] {strides = array<i32>} : memref<16x1024xf32, #tpu.memory_space<vmem>>, vector<1x16xf32>,
        %get3A_1056 = vector.shape_cast %get3A_1055 : vector<1x16xf32> to vector<16xf32>
        %add3A_1057 = arith.addf %get3A_1052, %get3A_1056 : vector<16xf32>
        %swap3A_1058 = arith.index_cast %scan3A_182 : i32 to index
        %swap3A_1059 = arith.constant 992 : index
        %swap3A_1060 = tpu.vector_load %arg9[%swap3A_1058, %swap3A_1059] {strides = array<i32>} : memref<16x1024xf32, #tpu.memory_space<vmem>>, vector<1x16xf32>,
        %swap3A_1061 = vector.shape_cast %swap3A_1060 : vector<1x16xf32> to vector<16xf32>
        %swap3A_1062 = vector.shape_cast %add3A_1057 : vector<16xf32> to vector<1x16xf32>
        tpu.vector_store %arg9[%swap3A_1058, %swap3A_1059], %swap3A_1062 {strides = array<i32>} : memref<16x1024xf32, #tpu.memory_space<vmem>>, vector<1x16xf32>,
        %get3A_1063 = arith.index_cast %scan3A_182 : i32 to index
        %get3A_1064 = arith.constant 1008 : index
        %get3A_1065 = tpu.vector_load %arg9[%get3A_1063, %get3A_1064] {strides = array<i32>} : memref<16x1024xf32, #tpu.memory_space<vmem>>, vector<1x16xf32>,
        %get3A_1066 = vector.shape_cast %get3A_1065 : vector<1x16xf32> to vector<16xf32>
        %get3A_1067 = arith.index_cast %scan3A_182 : i32 to index
        %get3A_1068 = arith.constant 1008 : index
        %get3A_1069 = tpu.vector_load %arg6[%get3A_1067, %get3A_1068] {strides = array<i32>} : memref<16x1024xf32, #tpu.memory_space<vmem>>, vector<1x16xf32>,
        %get3A_1070 = vector.shape_cast %get3A_1069 : vector<1x16xf32> to vector<16xf32>
        %add3A_1071 = arith.addf %get3A_1066, %get3A_1070 : vector<16xf32>
        %swap3A_1072 = arith.index_cast %scan3A_182 : i32 to index
        %swap3A_1073 = arith.constant 1008 : index
        %swap3A_1074 = tpu.vector_load %arg9[%swap3A_1072, %swap3A_1073] {strides = array<i32>} : memref<16x1024xf32, #tpu.memory_space<vmem>>, vector<1x16xf32>,
        %swap3A_1075 = vector.shape_cast %swap3A_1074 : vector<1x16xf32> to vector<16xf32>
        %swap3A_1076 = vector.shape_cast %add3A_1071 : vector<16xf32> to vector<1x16xf32>
        tpu.vector_store %arg9[%swap3A_1072, %swap3A_1073], %swap3A_1076 {strides = array<i32>} : memref<16x1024xf32, #tpu.memory_space<vmem>>, vector<1x16xf32>,
      }
      %scan3A_126 = arith.constant 16 : i32
      %dma_start3A_127 = arith.constant 2 : i32
      %dma_start3A_128 = arith.constant 0 : i32
      %dma_start3A_129 = tpu.memref_slice %arg4[%dma_start3A_127, %select_n3A, %add3A_41, %dma_start3A_128] : memref<4x12x1024x1024xf32, #tpu.memory_space<hbm>> -> memref<1x1x16x1024xf32, #tpu.memory_space<hbm>>
      %dma_start3A_130 = tpu.memref_squeeze %dma_start3A_129 : memref<1x1x16x1024xf32, #tpu.memory_space<hbm>> -> memref<16x1024xf32, #tpu.memory_space<hbm>>
      %dma_start3A_131 = arith.constant 0 : i32
      %dma_start3A_132 = tpu.memref_slice %arg4[%dma_start3A_127, %select_n3A, %add3A_41, %dma_start3A_131] : memref<4x12x1024x1024xf32, #tpu.memory_space<hbm>> -> memref<1x1x16x1024xf32, #tpu.memory_space<hbm>>
      %dma_start3A_133 = tpu.memref_squeeze %dma_start3A_132 : memref<1x1x16x1024xf32, #tpu.memory_space<hbm>> -> memref<16x1024xf32, #tpu.memory_space<hbm>>
      tpu.enqueue_dma source(%arg9 : memref<16x1024xf32, #tpu.memory_space<vmem>>) target(%dma_start3A_133 : memref<16x1024xf32, #tpu.memory_space<hbm>>) target_semaphore(%arg17 : memref<!tpu.dma_semaphore, #tpu.memory_space<semaphore_mem>>)
      %dma_wait3A_134 = arith.constant 3 : i32
      %dma_wait3A_135 = arith.constant 0 : i32
      %dma_wait3A_136 = tpu.memref_slice %arg3[%dma_wait3A_134, %select_n3A, %add3A_41, %dma_wait3A_135] : memref<4x12x1024x1024xf32, #tpu.memory_space<hbm>> -> memref<1x1x16x1024xf32, #tpu.memory_space<hbm>>
      %dma_wait3A_137 = tpu.memref_squeeze %dma_wait3A_136 : memref<1x1x16x1024xf32, #tpu.memory_space<hbm>> -> memref<16x1024xf32, #tpu.memory_space<hbm>>
      %dma_wait3A_138 = arith.constant 0 : i32
      %dma_wait3A_139 = tpu.memref_slice %arg3[%dma_wait3A_134, %select_n3A, %add3A_41, %dma_wait3A_138] : memref<4x12x1024x1024xf32, #tpu.memory_space<hbm>> -> memref<1x1x16x1024xf32, #tpu.memory_space<hbm>>
      %dma_wait3A_140 = tpu.memref_squeeze %dma_wait3A_139 : memref<1x1x16x1024xf32, #tpu.memory_space<hbm>> -> memref<16x1024xf32, #tpu.memory_space<hbm>>
      tpu.wait_dma2 semaphore(%arg14 : memref<!tpu.dma_semaphore, #tpu.memory_space<semaphore_mem>>) src(%dma_wait3A_140 : memref<16x1024xf32, #tpu.memory_space<hbm>>) dst(%arg10 : memref<16x1024xf32, #tpu.memory_space<vmem>>)
      %scan3A_141 = arith.constant 0 : i32
      %scan3A_142 = arith.constant 0 : i32
      %scan3A_143 = arith.constant 16 : i32
      %scan3A_144 = arith.addi %scan3A_142, %scan3A_143 : i32
      %scan3A_145 = arith.constant 1 : i32
      scf.for %scan3A_182 = %scan3A_142 to %scan3A_144 step %scan3A_145  : i32 {
        %get3A = arith.index_cast %scan3A_182 : i32 to index
        %get3A_183 = arith.constant 0 : index
        %get3A_184 = tpu.vector_load %arg10[%get3A, %get3A_183] {strides = array<i32>} : memref<16x1024xf32, #tpu.memory_space<vmem>>, vector<1x16xf32>,
        %get3A_185 = vector.shape_cast %get3A_184 : vector<1x16xf32> to vector<16xf32>
        %get3A_186 = arith.index_cast %scan3A_182 : i32 to index
        %get3A_187 = arith.constant 0 : index
        %get3A_188 = tpu.vector_load %arg6[%get3A_186, %get3A_187] {strides = array<i32>} : memref<16x1024xf32, #tpu.memory_space<vmem>>, vector<1x16xf32>,
        %get3A_189 = vector.shape_cast %get3A_188 : vector<1x16xf32> to vector<16xf32>
        %add3A_190 = arith.addf %get3A_185, %get3A_189 : vector<16xf32>
        %swap3A = arith.index_cast %scan3A_182 : i32 to index
        %swap3A_191 = arith.constant 0 : index
        %swap3A_192 = tpu.vector_load %arg10[%swap3A, %swap3A_191] {strides = array<i32>} : memref<16x1024xf32, #tpu.memory_space<vmem>>, vector<1x16xf32>,
        %swap3A_193 = vector.shape_cast %swap3A_192 : vector<1x16xf32> to vector<16xf32>
        %swap3A_194 = vector.shape_cast %add3A_190 : vector<16xf32> to vector<1x16xf32>
        tpu.vector_store %arg10[%swap3A, %swap3A_191], %swap3A_194 {strides = array<i32>} : memref<16x1024xf32, #tpu.memory_space<vmem>>, vector<1x16xf32>,
        %get3A_195 = arith.index_cast %scan3A_182 : i32 to index
        %get3A_196 = arith.constant 16 : index
        %get3A_197 = tpu.vector_load %arg10[%get3A_195, %get3A_196] {strides = array<i32>} : memref<16x1024xf32, #tpu.memory_space<vmem>>, vector<1x16xf32>,
        %get3A_198 = vector.shape_cast %get3A_197 : vector<1x16xf32> to vector<16xf32>
        %get3A_199 = arith.index_cast %scan3A_182 : i32 to index
        %get3A_200 = arith.constant 16 : index
        %get3A_201 = tpu.vector_load %arg6[%get3A_199, %get3A_200] {strides = array<i32>} : memref<16x1024xf32, #tpu.memory_space<vmem>>, vector<1x16xf32>,
        %get3A_202 = vector.shape_cast %get3A_201 : vector<1x16xf32> to vector<16xf32>
        %add3A_203 = arith.addf %get3A_198, %get3A_202 : vector<16xf32>
        %swap3A_204 = arith.index_cast %scan3A_182 : i32 to index
        %swap3A_205 = arith.constant 16 : index
        %swap3A_206 = tpu.vector_load %arg10[%swap3A_204, %swap3A_205] {strides = array<i32>} : memref<16x1024xf32, #tpu.memory_space<vmem>>, vector<1x16xf32>,
        %swap3A_207 = vector.shape_cast %swap3A_206 : vector<1x16xf32> to vector<16xf32>
        %swap3A_208 = vector.shape_cast %add3A_203 : vector<16xf32> to vector<1x16xf32>
        tpu.vector_store %arg10[%swap3A_204, %swap3A_205], %swap3A_208 {strides = array<i32>} : memref<16x1024xf32, #tpu.memory_space<vmem>>, vector<1x16xf32>,
        %get3A_209 = arith.index_cast %scan3A_182 : i32 to index
        %get3A_210 = arith.constant 32 : index
        %get3A_211 = tpu.vector_load %arg10[%get3A_209, %get3A_210] {strides = array<i32>} : memref<16x1024xf32, #tpu.memory_space<vmem>>, vector<1x16xf32>,
        %get3A_212 = vector.shape_cast %get3A_211 : vector<1x16xf32> to vector<16xf32>
        %get3A_213 = arith.index_cast %scan3A_182 : i32 to index
        %get3A_214 = arith.constant 32 : index
        %get3A_215 = tpu.vector_load %arg6[%get3A_213, %get3A_214] {strides = array<i32>} : memref<16x1024xf32, #tpu.memory_space<vmem>>, vector<1x16xf32>,
        %get3A_216 = vector.shape_cast %get3A_215 : vector<1x16xf32> to vector<16xf32>
        %add3A_217 = arith.addf %get3A_212, %get3A_216 : vector<16xf32>
        %swap3A_218 = arith.index_cast %scan3A_182 : i32 to index
        %swap3A_219 = arith.constant 32 : index
        %swap3A_220 = tpu.vector_load %arg10[%swap3A_218, %swap3A_219] {strides = array<i32>} : memref<16x1024xf32, #tpu.memory_space<vmem>>, vector<1x16xf32>,
        %swap3A_221 = vector.shape_cast %swap3A_220 : vector<1x16xf32> to vector<16xf32>
        %swap3A_222 = vector.shape_cast %add3A_217 : vector<16xf32> to vector<1x16xf32>
        tpu.vector_store %arg10[%swap3A_218, %swap3A_219], %swap3A_222 {strides = array<i32>} : memref<16x1024xf32, #tpu.memory_space<vmem>>, vector<1x16xf32>,
        %get3A_223 = arith.index_cast %scan3A_182 : i32 to index
        %get3A_224 = arith.constant 48 : index
        %get3A_225 = tpu.vector_load %arg10[%get3A_223, %get3A_224] {strides = array<i32>} : memref<16x1024xf32, #tpu.memory_space<vmem>>, vector<1x16xf32>,
        %get3A_226 = vector.shape_cast %get3A_225 : vector<1x16xf32> to vector<16xf32>
        %get3A_227 = arith.index_cast %scan3A_182 : i32 to index
        %get3A_228 = arith.constant 48 : index
        %get3A_229 = tpu.vector_load %arg6[%get3A_227, %get3A_228] {strides = array<i32>} : memref<16x1024xf32, #tpu.memory_space<vmem>>, vector<1x16xf32>,
        %get3A_230 = vector.shape_cast %get3A_229 : vector<1x16xf32> to vector<16xf32>
        %add3A_231 = arith.addf %get3A_226, %get3A_230 : vector<16xf32>
        %swap3A_232 = arith.index_cast %scan3A_182 : i32 to index
        %swap3A_233 = arith.constant 48 : index
        %swap3A_234 = tpu.vector_load %arg10[%swap3A_232, %swap3A_233] {strides = array<i32>} : memref<16x1024xf32, #tpu.memory_space<vmem>>, vector<1x16xf32>,
        %swap3A_235 = vector.shape_cast %swap3A_234 : vector<1x16xf32> to vector<16xf32>
        %swap3A_236 = vector.shape_cast %add3A_231 : vector<16xf32> to vector<1x16xf32>
        tpu.vector_store %arg10[%swap3A_232, %swap3A_233], %swap3A_236 {strides = array<i32>} : memref<16x1024xf32, #tpu.memory_space<vmem>>, vector<1x16xf32>,
        %get3A_237 = arith.index_cast %scan3A_182 : i32 to index
        %get3A_238 = arith.constant 64 : index
        %get3A_239 = tpu.vector_load %arg10[%get3A_237, %get3A_238] {strides = array<i32>} : memref<16x1024xf32, #tpu.memory_space<vmem>>, vector<1x16xf32>,
        %get3A_240 = vector.shape_cast %get3A_239 : vector<1x16xf32> to vector<16xf32>
        %get3A_241 = arith.index_cast %scan3A_182 : i32 to index
        %get3A_242 = arith.constant 64 : index
        %get3A_243 = tpu.vector_load %arg6[%get3A_241, %get3A_242] {strides = array<i32>} : memref<16x1024xf32, #tpu.memory_space<vmem>>, vector<1x16xf32>,
        %get3A_244 = vector.shape_cast %get3A_243 : vector<1x16xf32> to vector<16xf32>
        %add3A_245 = arith.addf %get3A_240, %get3A_244 : vector<16xf32>
        %swap3A_246 = arith.index_cast %scan3A_182 : i32 to index
        %swap3A_247 = arith.constant 64 : index
        %swap3A_248 = tpu.vector_load %arg10[%swap3A_246, %swap3A_247] {strides = array<i32>} : memref<16x1024xf32, #tpu.memory_space<vmem>>, vector<1x16xf32>,
        %swap3A_249 = vector.shape_cast %swap3A_248 : vector<1x16xf32> to vector<16xf32>
        %swap3A_250 = vector.shape_cast %add3A_245 : vector<16xf32> to vector<1x16xf32>
        tpu.vector_store %arg10[%swap3A_246, %swap3A_247], %swap3A_250 {strides = array<i32>} : memref<16x1024xf32, #tpu.memory_space<vmem>>, vector<1x16xf32>,
        %get3A_251 = arith.index_cast %scan3A_182 : i32 to index
        %get3A_252 = arith.constant 80 : index
        %get3A_253 = tpu.vector_load %arg10[%get3A_251, %get3A_252] {strides = array<i32>} : memref<16x1024xf32, #tpu.memory_space<vmem>>, vector<1x16xf32>,
        %get3A_254 = vector.shape_cast %get3A_253 : vector<1x16xf32> to vector<16xf32>
        %get3A_255 = arith.index_cast %scan3A_182 : i32 to index
        %get3A_256 = arith.constant 80 : index
        %get3A_257 = tpu.vector_load %arg6[%get3A_255, %get3A_256] {strides = array<i32>} : memref<16x1024xf32, #tpu.memory_space<vmem>>, vector<1x16xf32>,
        %get3A_258 = vector.shape_cast %get3A_257 : vector<1x16xf32> to vector<16xf32>
        %add3A_259 = arith.addf %get3A_254, %get3A_258 : vector<16xf32>
        %swap3A_260 = arith.index_cast %scan3A_182 : i32 to index
        %swap3A_261 = arith.constant 80 : index
        %swap3A_262 = tpu.vector_load %arg10[%swap3A_260, %swap3A_261] {strides = array<i32>} : memref<16x1024xf32, #tpu.memory_space<vmem>>, vector<1x16xf32>,
        %swap3A_263 = vector.shape_cast %swap3A_262 : vector<1x16xf32> to vector<16xf32>
        %swap3A_264 = vector.shape_cast %add3A_259 : vector<16xf32> to vector<1x16xf32>
        tpu.vector_store %arg10[%swap3A_260, %swap3A_261], %swap3A_264 {strides = array<i32>} : memref<16x1024xf32, #tpu.memory_space<vmem>>, vector<1x16xf32>,
        %get3A_265 = arith.index_cast %scan3A_182 : i32 to index
        %get3A_266 = arith.constant 96 : index
        %get3A_267 = tpu.vector_load %arg10[%get3A_265, %get3A_266] {strides = array<i32>} : memref<16x1024xf32, #tpu.memory_space<vmem>>, vector<1x16xf32>,
        %get3A_268 = vector.shape_cast %get3A_267 : vector<1x16xf32> to vector<16xf32>
        %get3A_269 = arith.index_cast %scan3A_182 : i32 to index
        %get3A_270 = arith.constant 96 : index
        %get3A_271 = tpu.vector_load %arg6[%get3A_269, %get3A_270] {strides = array<i32>} : memref<16x1024xf32, #tpu.memory_space<vmem>>, vector<1x16xf32>,
        %get3A_272 = vector.shape_cast %get3A_271 : vector<1x16xf32> to vector<16xf32>
        %add3A_273 = arith.addf %get3A_268, %get3A_272 : vector<16xf32>
        %swap3A_274 = arith.index_cast %scan3A_182 : i32 to index
        %swap3A_275 = arith.constant 96 : index
        %swap3A_276 = tpu.vector_load %arg10[%swap3A_274, %swap3A_275] {strides = array<i32>} : memref<16x1024xf32, #tpu.memory_space<vmem>>, vector<1x16xf32>,
        %swap3A_277 = vector.shape_cast %swap3A_276 : vector<1x16xf32> to vector<16xf32>
        %swap3A_278 = vector.shape_cast %add3A_273 : vector<16xf32> to vector<1x16xf32>
        tpu.vector_store %arg10[%swap3A_274, %swap3A_275], %swap3A_278 {strides = array<i32>} : memref<16x1024xf32, #tpu.memory_space<vmem>>, vector<1x16xf32>,
        %get3A_279 = arith.index_cast %scan3A_182 : i32 to index
        %get3A_280 = arith.constant 112 : index
        %get3A_281 = tpu.vector_load %arg10[%get3A_279, %get3A_280] {strides = array<i32>} : memref<16x1024xf32, #tpu.memory_space<vmem>>, vector<1x16xf32>,
        %get3A_282 = vector.shape_cast %get3A_281 : vector<1x16xf32> to vector<16xf32>
        %get3A_283 = arith.index_cast %scan3A_182 : i32 to index
        %get3A_284 = arith.constant 112 : index
        %get3A_285 = tpu.vector_load %arg6[%get3A_283, %get3A_284] {strides = array<i32>} : memref<16x1024xf32, #tpu.memory_space<vmem>>, vector<1x16xf32>,
        %get3A_286 = vector.shape_cast %get3A_285 : vector<1x16xf32> to vector<16xf32>
        %add3A_287 = arith.addf %get3A_282, %get3A_286 : vector<16xf32>
        %swap3A_288 = arith.index_cast %scan3A_182 : i32 to index
        %swap3A_289 = arith.constant 112 : index
        %swap3A_290 = tpu.vector_load %arg10[%swap3A_288, %swap3A_289] {strides = array<i32>} : memref<16x1024xf32, #tpu.memory_space<vmem>>, vector<1x16xf32>,
        %swap3A_291 = vector.shape_cast %swap3A_290 : vector<1x16xf32> to vector<16xf32>
        %swap3A_292 = vector.shape_cast %add3A_287 : vector<16xf32> to vector<1x16xf32>
        tpu.vector_store %arg10[%swap3A_288, %swap3A_289], %swap3A_292 {strides = array<i32>} : memref<16x1024xf32, #tpu.memory_space<vmem>>, vector<1x16xf32>,
        %get3A_293 = arith.index_cast %scan3A_182 : i32 to index
        %get3A_294 = arith.constant 128 : index
        %get3A_295 = tpu.vector_load %arg10[%get3A_293, %get3A_294] {strides = array<i32>} : memref<16x1024xf32, #tpu.memory_space<vmem>>, vector<1x16xf32>,
        %get3A_296 = vector.shape_cast %get3A_295 : vector<1x16xf32> to vector<16xf32>
        %get3A_297 = arith.index_cast %scan3A_182 : i32 to index
        %get3A_298 = arith.constant 128 : index
        %get3A_299 = tpu.vector_load %arg6[%get3A_297, %get3A_298] {strides = array<i32>} : memref<16x1024xf32, #tpu.memory_space<vmem>>, vector<1x16xf32>,
        %get3A_300 = vector.shape_cast %get3A_299 : vector<1x16xf32> to vector<16xf32>
        %add3A_301 = arith.addf %get3A_296, %get3A_300 : vector<16xf32>
        %swap3A_302 = arith.index_cast %scan3A_182 : i32 to index
        %swap3A_303 = arith.constant 128 : index
        %swap3A_304 = tpu.vector_load %arg10[%swap3A_302, %swap3A_303] {strides = array<i32>} : memref<16x1024xf32, #tpu.memory_space<vmem>>, vector<1x16xf32>,
        %swap3A_305 = vector.shape_cast %swap3A_304 : vector<1x16xf32> to vector<16xf32>
        %swap3A_306 = vector.shape_cast %add3A_301 : vector<16xf32> to vector<1x16xf32>
        tpu.vector_store %arg10[%swap3A_302, %swap3A_303], %swap3A_306 {strides = array<i32>} : memref<16x1024xf32, #tpu.memory_space<vmem>>, vector<1x16xf32>,
        %get3A_307 = arith.index_cast %scan3A_182 : i32 to index
        %get3A_308 = arith.constant 144 : index
        %get3A_309 = tpu.vector_load %arg10[%get3A_307, %get3A_308] {strides = array<i32>} : memref<16x1024xf32, #tpu.memory_space<vmem>>, vector<1x16xf32>,
        %get3A_310 = vector.shape_cast %get3A_309 : vector<1x16xf32> to vector<16xf32>
        %get3A_311 = arith.index_cast %scan3A_182 : i32 to index
        %get3A_312 = arith.constant 144 : index
        %get3A_313 = tpu.vector_load %arg6[%get3A_311, %get3A_312] {strides = array<i32>} : memref<16x1024xf32, #tpu.memory_space<vmem>>, vector<1x16xf32>,
        %get3A_314 = vector.shape_cast %get3A_313 : vector<1x16xf32> to vector<16xf32>
        %add3A_315 = arith.addf %get3A_310, %get3A_314 : vector<16xf32>
        %swap3A_316 = arith.index_cast %scan3A_182 : i32 to index
        %swap3A_317 = arith.constant 144 : index
        %swap3A_318 = tpu.vector_load %arg10[%swap3A_316, %swap3A_317] {strides = array<i32>} : memref<16x1024xf32, #tpu.memory_space<vmem>>, vector<1x16xf32>,
        %swap3A_319 = vector.shape_cast %swap3A_318 : vector<1x16xf32> to vector<16xf32>
        %swap3A_320 = vector.shape_cast %add3A_315 : vector<16xf32> to vector<1x16xf32>
        tpu.vector_store %arg10[%swap3A_316, %swap3A_317], %swap3A_320 {strides = array<i32>} : memref<16x1024xf32, #tpu.memory_space<vmem>>, vector<1x16xf32>,
        %get3A_321 = arith.index_cast %scan3A_182 : i32 to index
        %get3A_322 = arith.constant 160 : index
        %get3A_323 = tpu.vector_load %arg10[%get3A_321, %get3A_322] {strides = array<i32>} : memref<16x1024xf32, #tpu.memory_space<vmem>>, vector<1x16xf32>,
        %get3A_324 = vector.shape_cast %get3A_323 : vector<1x16xf32> to vector<16xf32>
        %get3A_325 = arith.index_cast %scan3A_182 : i32 to index
        %get3A_326 = arith.constant 160 : index
        %get3A_327 = tpu.vector_load %arg6[%get3A_325, %get3A_326] {strides = array<i32>} : memref<16x1024xf32, #tpu.memory_space<vmem>>, vector<1x16xf32>,
        %get3A_328 = vector.shape_cast %get3A_327 : vector<1x16xf32> to vector<16xf32>
        %add3A_329 = arith.addf %get3A_324, %get3A_328 : vector<16xf32>
        %swap3A_330 = arith.index_cast %scan3A_182 : i32 to index
        %swap3A_331 = arith.constant 160 : index
        %swap3A_332 = tpu.vector_load %arg10[%swap3A_330, %swap3A_331] {strides = array<i32>} : memref<16x1024xf32, #tpu.memory_space<vmem>>, vector<1x16xf32>,
        %swap3A_333 = vector.shape_cast %swap3A_332 : vector<1x16xf32> to vector<16xf32>
        %swap3A_334 = vector.shape_cast %add3A_329 : vector<16xf32> to vector<1x16xf32>
        tpu.vector_store %arg10[%swap3A_330, %swap3A_331], %swap3A_334 {strides = array<i32>} : memref<16x1024xf32, #tpu.memory_space<vmem>>, vector<1x16xf32>,
        %get3A_335 = arith.index_cast %scan3A_182 : i32 to index
        %get3A_336 = arith.constant 176 : index
        %get3A_337 = tpu.vector_load %arg10[%get3A_335, %get3A_336] {strides = array<i32>} : memref<16x1024xf32, #tpu.memory_space<vmem>>, vector<1x16xf32>,
        %get3A_338 = vector.shape_cast %get3A_337 : vector<1x16xf32> to vector<16xf32>
        %get3A_339 = arith.index_cast %scan3A_182 : i32 to index
        %get3A_340 = arith.constant 176 : index
        %get3A_341 = tpu.vector_load %arg6[%get3A_339, %get3A_340] {strides = array<i32>} : memref<16x1024xf32, #tpu.memory_space<vmem>>, vector<1x16xf32>,
        %get3A_342 = vector.shape_cast %get3A_341 : vector<1x16xf32> to vector<16xf32>
        %add3A_343 = arith.addf %get3A_338, %get3A_342 : vector<16xf32>
        %swap3A_344 = arith.index_cast %scan3A_182 : i32 to index
        %swap3A_345 = arith.constant 176 : index
        %swap3A_346 = tpu.vector_load %arg10[%swap3A_344, %swap3A_345] {strides = array<i32>} : memref<16x1024xf32, #tpu.memory_space<vmem>>, vector<1x16xf32>,
        %swap3A_347 = vector.shape_cast %swap3A_346 : vector<1x16xf32> to vector<16xf32>
        %swap3A_348 = vector.shape_cast %add3A_343 : vector<16xf32> to vector<1x16xf32>
        tpu.vector_store %arg10[%swap3A_344, %swap3A_345], %swap3A_348 {strides = array<i32>} : memref<16x1024xf32, #tpu.memory_space<vmem>>, vector<1x16xf32>,
        %get3A_349 = arith.index_cast %scan3A_182 : i32 to index
        %get3A_350 = arith.constant 192 : index
        %get3A_351 = tpu.vector_load %arg10[%get3A_349, %get3A_350] {strides = array<i32>} : memref<16x1024xf32, #tpu.memory_space<vmem>>, vector<1x16xf32>,
        %get3A_352 = vector.shape_cast %get3A_351 : vector<1x16xf32> to vector<16xf32>
        %get3A_353 = arith.index_cast %scan3A_182 : i32 to index
        %get3A_354 = arith.constant 192 : index
        %get3A_355 = tpu.vector_load %arg6[%get3A_353, %get3A_354] {strides = array<i32>} : memref<16x1024xf32, #tpu.memory_space<vmem>>, vector<1x16xf32>,
        %get3A_356 = vector.shape_cast %get3A_355 : vector<1x16xf32> to vector<16xf32>
        %add3A_357 = arith.addf %get3A_352, %get3A_356 : vector<16xf32>
        %swap3A_358 = arith.index_cast %scan3A_182 : i32 to index
        %swap3A_359 = arith.constant 192 : index
        %swap3A_360 = tpu.vector_load %arg10[%swap3A_358, %swap3A_359] {strides = array<i32>} : memref<16x1024xf32, #tpu.memory_space<vmem>>, vector<1x16xf32>,
        %swap3A_361 = vector.shape_cast %swap3A_360 : vector<1x16xf32> to vector<16xf32>
        %swap3A_362 = vector.shape_cast %add3A_357 : vector<16xf32> to vector<1x16xf32>
        tpu.vector_store %arg10[%swap3A_358, %swap3A_359], %swap3A_362 {strides = array<i32>} : memref<16x1024xf32, #tpu.memory_space<vmem>>, vector<1x16xf32>,
        %get3A_363 = arith.index_cast %scan3A_182 : i32 to index
        %get3A_364 = arith.constant 208 : index
        %get3A_365 = tpu.vector_load %arg10[%get3A_363, %get3A_364] {strides = array<i32>} : memref<16x1024xf32, #tpu.memory_space<vmem>>, vector<1x16xf32>,
        %get3A_366 = vector.shape_cast %get3A_365 : vector<1x16xf32> to vector<16xf32>
        %get3A_367 = arith.index_cast %scan3A_182 : i32 to index
        %get3A_368 = arith.constant 208 : index
        %get3A_369 = tpu.vector_load %arg6[%get3A_367, %get3A_368] {strides = array<i32>} : memref<16x1024xf32, #tpu.memory_space<vmem>>, vector<1x16xf32>,
        %get3A_370 = vector.shape_cast %get3A_369 : vector<1x16xf32> to vector<16xf32>
        %add3A_371 = arith.addf %get3A_366, %get3A_370 : vector<16xf32>
        %swap3A_372 = arith.index_cast %scan3A_182 : i32 to index
        %swap3A_373 = arith.constant 208 : index
        %swap3A_374 = tpu.vector_load %arg10[%swap3A_372, %swap3A_373] {strides = array<i32>} : memref<16x1024xf32, #tpu.memory_space<vmem>>, vector<1x16xf32>,
        %swap3A_375 = vector.shape_cast %swap3A_374 : vector<1x16xf32> to vector<16xf32>
        %swap3A_376 = vector.shape_cast %add3A_371 : vector<16xf32> to vector<1x16xf32>
        tpu.vector_store %arg10[%swap3A_372, %swap3A_373], %swap3A_376 {strides = array<i32>} : memref<16x1024xf32, #tpu.memory_space<vmem>>, vector<1x16xf32>,
        %get3A_377 = arith.index_cast %scan3A_182 : i32 to index
        %get3A_378 = arith.constant 224 : index
        %get3A_379 = tpu.vector_load %arg10[%get3A_377, %get3A_378] {strides = array<i32>} : memref<16x1024xf32, #tpu.memory_space<vmem>>, vector<1x16xf32>,
        %get3A_380 = vector.shape_cast %get3A_379 : vector<1x16xf32> to vector<16xf32>
        %get3A_381 = arith.index_cast %scan3A_182 : i32 to index
        %get3A_382 = arith.constant 224 : index
        %get3A_383 = tpu.vector_load %arg6[%get3A_381, %get3A_382] {strides = array<i32>} : memref<16x1024xf32, #tpu.memory_space<vmem>>, vector<1x16xf32>,
        %get3A_384 = vector.shape_cast %get3A_383 : vector<1x16xf32> to vector<16xf32>
        %add3A_385 = arith.addf %get3A_380, %get3A_384 : vector<16xf32>
        %swap3A_386 = arith.index_cast %scan3A_182 : i32 to index
        %swap3A_387 = arith.constant 224 : index
        %swap3A_388 = tpu.vector_load %arg10[%swap3A_386, %swap3A_387] {strides = array<i32>} : memref<16x1024xf32, #tpu.memory_space<vmem>>, vector<1x16xf32>,
        %swap3A_389 = vector.shape_cast %swap3A_388 : vector<1x16xf32> to vector<16xf32>
        %swap3A_390 = vector.shape_cast %add3A_385 : vector<16xf32> to vector<1x16xf32>
        tpu.vector_store %arg10[%swap3A_386, %swap3A_387], %swap3A_390 {strides = array<i32>} : memref<16x1024xf32, #tpu.memory_space<vmem>>, vector<1x16xf32>,
        %get3A_391 = arith.index_cast %scan3A_182 : i32 to index
        %get3A_392 = arith.constant 240 : index
        %get3A_393 = tpu.vector_load %arg10[%get3A_391, %get3A_392] {strides = array<i32>} : memref<16x1024xf32, #tpu.memory_space<vmem>>, vector<1x16xf32>,
        %get3A_394 = vector.shape_cast %get3A_393 : vector<1x16xf32> to vector<16xf32>
        %get3A_395 = arith.index_cast %scan3A_182 : i32 to index
        %get3A_396 = arith.constant 240 : index
        %get3A_397 = tpu.vector_load %arg6[%get3A_395, %get3A_396] {strides = array<i32>} : memref<16x1024xf32, #tpu.memory_space<vmem>>, vector<1x16xf32>,
        %get3A_398 = vector.shape_cast %get3A_397 : vector<1x16xf32> to vector<16xf32>
        %add3A_399 = arith.addf %get3A_394, %get3A_398 : vector<16xf32>
        %swap3A_400 = arith.index_cast %scan3A_182 : i32 to index
        %swap3A_401 = arith.constant 240 : index
        %swap3A_402 = tpu.vector_load %arg10[%swap3A_400, %swap3A_401] {strides = array<i32>} : memref<16x1024xf32, #tpu.memory_space<vmem>>, vector<1x16xf32>,
        %swap3A_403 = vector.shape_cast %swap3A_402 : vector<1x16xf32> to vector<16xf32>
        %swap3A_404 = vector.shape_cast %add3A_399 : vector<16xf32> to vector<1x16xf32>
        tpu.vector_store %arg10[%swap3A_400, %swap3A_401], %swap3A_404 {strides = array<i32>} : memref<16x1024xf32, #tpu.memory_space<vmem>>, vector<1x16xf32>,
        %get3A_405 = arith.index_cast %scan3A_182 : i32 to index
        %get3A_406 = arith.constant 256 : index
        %get3A_407 = tpu.vector_load %arg10[%get3A_405, %get3A_406] {strides = array<i32>} : memref<16x1024xf32, #tpu.memory_space<vmem>>, vector<1x16xf32>,
        %get3A_408 = vector.shape_cast %get3A_407 : vector<1x16xf32> to vector<16xf32>
        %get3A_409 = arith.index_cast %scan3A_182 : i32 to index
        %get3A_410 = arith.constant 256 : index
        %get3A_411 = tpu.vector_load %arg6[%get3A_409, %get3A_410] {strides = array<i32>} : memref<16x1024xf32, #tpu.memory_space<vmem>>, vector<1x16xf32>,
        %get3A_412 = vector.shape_cast %get3A_411 : vector<1x16xf32> to vector<16xf32>
        %add3A_413 = arith.addf %get3A_408, %get3A_412 : vector<16xf32>
        %swap3A_414 = arith.index_cast %scan3A_182 : i32 to index
        %swap3A_415 = arith.constant 256 : index
        %swap3A_416 = tpu.vector_load %arg10[%swap3A_414, %swap3A_415] {strides = array<i32>} : memref<16x1024xf32, #tpu.memory_space<vmem>>, vector<1x16xf32>,
        %swap3A_417 = vector.shape_cast %swap3A_416 : vector<1x16xf32> to vector<16xf32>
        %swap3A_418 = vector.shape_cast %add3A_413 : vector<16xf32> to vector<1x16xf32>
        tpu.vector_store %arg10[%swap3A_414, %swap3A_415], %swap3A_418 {strides = array<i32>} : memref<16x1024xf32, #tpu.memory_space<vmem>>, vector<1x16xf32>,
        %get3A_419 = arith.index_cast %scan3A_182 : i32 to index
        %get3A_420 = arith.constant 272 : index
        %get3A_421 = tpu.vector_load %arg10[%get3A_419, %get3A_420] {strides = array<i32>} : memref<16x1024xf32, #tpu.memory_space<vmem>>, vector<1x16xf32>,
        %get3A_422 = vector.shape_cast %get3A_421 : vector<1x16xf32> to vector<16xf32>
        %get3A_423 = arith.index_cast %scan3A_182 : i32 to index
        %get3A_424 = arith.constant 272 : index
        %get3A_425 = tpu.vector_load %arg6[%get3A_423, %get3A_424] {strides = array<i32>} : memref<16x1024xf32, #tpu.memory_space<vmem>>, vector<1x16xf32>,
        %get3A_426 = vector.shape_cast %get3A_425 : vector<1x16xf32> to vector<16xf32>
        %add3A_427 = arith.addf %get3A_422, %get3A_426 : vector<16xf32>
        %swap3A_428 = arith.index_cast %scan3A_182 : i32 to index
        %swap3A_429 = arith.constant 272 : index
        %swap3A_430 = tpu.vector_load %arg10[%swap3A_428, %swap3A_429] {strides = array<i32>} : memref<16x1024xf32, #tpu.memory_space<vmem>>, vector<1x16xf32>,
        %swap3A_431 = vector.shape_cast %swap3A_430 : vector<1x16xf32> to vector<16xf32>
        %swap3A_432 = vector.shape_cast %add3A_427 : vector<16xf32> to vector<1x16xf32>
        tpu.vector_store %arg10[%swap3A_428, %swap3A_429], %swap3A_432 {strides = array<i32>} : memref<16x1024xf32, #tpu.memory_space<vmem>>, vector<1x16xf32>,
        %get3A_433 = arith.index_cast %scan3A_182 : i32 to index
        %get3A_434 = arith.constant 288 : index
        %get3A_435 = tpu.vector_load %arg10[%get3A_433, %get3A_434] {strides = array<i32>} : memref<16x1024xf32, #tpu.memory_space<vmem>>, vector<1x16xf32>,
        %get3A_436 = vector.shape_cast %get3A_435 : vector<1x16xf32> to vector<16xf32>
        %get3A_437 = arith.index_cast %scan3A_182 : i32 to index
        %get3A_438 = arith.constant 288 : index
        %get3A_439 = tpu.vector_load %arg6[%get3A_437, %get3A_438] {strides = array<i32>} : memref<16x1024xf32, #tpu.memory_space<vmem>>, vector<1x16xf32>,
        %get3A_440 = vector.shape_cast %get3A_439 : vector<1x16xf32> to vector<16xf32>
        %add3A_441 = arith.addf %get3A_436, %get3A_440 : vector<16xf32>
        %swap3A_442 = arith.index_cast %scan3A_182 : i32 to index
        %swap3A_443 = arith.constant 288 : index
        %swap3A_444 = tpu.vector_load %arg10[%swap3A_442, %swap3A_443] {strides = array<i32>} : memref<16x1024xf32, #tpu.memory_space<vmem>>, vector<1x16xf32>,
        %swap3A_445 = vector.shape_cast %swap3A_444 : vector<1x16xf32> to vector<16xf32>
        %swap3A_446 = vector.shape_cast %add3A_441 : vector<16xf32> to vector<1x16xf32>
        tpu.vector_store %arg10[%swap3A_442, %swap3A_443], %swap3A_446 {strides = array<i32>} : memref<16x1024xf32, #tpu.memory_space<vmem>>, vector<1x16xf32>,
        %get3A_447 = arith.index_cast %scan3A_182 : i32 to index
        %get3A_448 = arith.constant 304 : index
        %get3A_449 = tpu.vector_load %arg10[%get3A_447, %get3A_448] {strides = array<i32>} : memref<16x1024xf32, #tpu.memory_space<vmem>>, vector<1x16xf32>,
        %get3A_450 = vector.shape_cast %get3A_449 : vector<1x16xf32> to vector<16xf32>
        %get3A_451 = arith.index_cast %scan3A_182 : i32 to index
        %get3A_452 = arith.constant 304 : index
        %get3A_453 = tpu.vector_load %arg6[%get3A_451, %get3A_452] {strides = array<i32>} : memref<16x1024xf32, #tpu.memory_space<vmem>>, vector<1x16xf32>,
        %get3A_454 = vector.shape_cast %get3A_453 : vector<1x16xf32> to vector<16xf32>
        %add3A_455 = arith.addf %get3A_450, %get3A_454 : vector<16xf32>
        %swap3A_456 = arith.index_cast %scan3A_182 : i32 to index
        %swap3A_457 = arith.constant 304 : index
        %swap3A_458 = tpu.vector_load %arg10[%swap3A_456, %swap3A_457] {strides = array<i32>} : memref<16x1024xf32, #tpu.memory_space<vmem>>, vector<1x16xf32>,
        %swap3A_459 = vector.shape_cast %swap3A_458 : vector<1x16xf32> to vector<16xf32>
        %swap3A_460 = vector.shape_cast %add3A_455 : vector<16xf32> to vector<1x16xf32>
        tpu.vector_store %arg10[%swap3A_456, %swap3A_457], %swap3A_460 {strides = array<i32>} : memref<16x1024xf32, #tpu.memory_space<vmem>>, vector<1x16xf32>,
        %get3A_461 = arith.index_cast %scan3A_182 : i32 to index
        %get3A_462 = arith.constant 320 : index
        %get3A_463 = tpu.vector_load %arg10[%get3A_461, %get3A_462] {strides = array<i32>} : memref<16x1024xf32, #tpu.memory_space<vmem>>, vector<1x16xf32>,
        %get3A_464 = vector.shape_cast %get3A_463 : vector<1x16xf32> to vector<16xf32>
        %get3A_465 = arith.index_cast %scan3A_182 : i32 to index
        %get3A_466 = arith.constant 320 : index
        %get3A_467 = tpu.vector_load %arg6[%get3A_465, %get3A_466] {strides = array<i32>} : memref<16x1024xf32, #tpu.memory_space<vmem>>, vector<1x16xf32>,
        %get3A_468 = vector.shape_cast %get3A_467 : vector<1x16xf32> to vector<16xf32>
        %add3A_469 = arith.addf %get3A_464, %get3A_468 : vector<16xf32>
        %swap3A_470 = arith.index_cast %scan3A_182 : i32 to index
        %swap3A_471 = arith.constant 320 : index
        %swap3A_472 = tpu.vector_load %arg10[%swap3A_470, %swap3A_471] {strides = array<i32>} : memref<16x1024xf32, #tpu.memory_space<vmem>>, vector<1x16xf32>,
        %swap3A_473 = vector.shape_cast %swap3A_472 : vector<1x16xf32> to vector<16xf32>
        %swap3A_474 = vector.shape_cast %add3A_469 : vector<16xf32> to vector<1x16xf32>
        tpu.vector_store %arg10[%swap3A_470, %swap3A_471], %swap3A_474 {strides = array<i32>} : memref<16x1024xf32, #tpu.memory_space<vmem>>, vector<1x16xf32>,
        %get3A_475 = arith.index_cast %scan3A_182 : i32 to index
        %get3A_476 = arith.constant 336 : index
        %get3A_477 = tpu.vector_load %arg10[%get3A_475, %get3A_476] {strides = array<i32>} : memref<16x1024xf32, #tpu.memory_space<vmem>>, vector<1x16xf32>,
        %get3A_478 = vector.shape_cast %get3A_477 : vector<1x16xf32> to vector<16xf32>
        %get3A_479 = arith.index_cast %scan3A_182 : i32 to index
        %get3A_480 = arith.constant 336 : index
        %get3A_481 = tpu.vector_load %arg6[%get3A_479, %get3A_480] {strides = array<i32>} : memref<16x1024xf32, #tpu.memory_space<vmem>>, vector<1x16xf32>,
        %get3A_482 = vector.shape_cast %get3A_481 : vector<1x16xf32> to vector<16xf32>
        %add3A_483 = arith.addf %get3A_478, %get3A_482 : vector<16xf32>
        %swap3A_484 = arith.index_cast %scan3A_182 : i32 to index
        %swap3A_485 = arith.constant 336 : index
        %swap3A_486 = tpu.vector_load %arg10[%swap3A_484, %swap3A_485] {strides = array<i32>} : memref<16x1024xf32, #tpu.memory_space<vmem>>, vector<1x16xf32>,
        %swap3A_487 = vector.shape_cast %swap3A_486 : vector<1x16xf32> to vector<16xf32>
        %swap3A_488 = vector.shape_cast %add3A_483 : vector<16xf32> to vector<1x16xf32>
        tpu.vector_store %arg10[%swap3A_484, %swap3A_485], %swap3A_488 {strides = array<i32>} : memref<16x1024xf32, #tpu.memory_space<vmem>>, vector<1x16xf32>,
        %get3A_489 = arith.index_cast %scan3A_182 : i32 to index
        %get3A_490 = arith.constant 352 : index
        %get3A_491 = tpu.vector_load %arg10[%get3A_489, %get3A_490] {strides = array<i32>} : memref<16x1024xf32, #tpu.memory_space<vmem>>, vector<1x16xf32>,
        %get3A_492 = vector.shape_cast %get3A_491 : vector<1x16xf32> to vector<16xf32>
        %get3A_493 = arith.index_cast %scan3A_182 : i32 to index
        %get3A_494 = arith.constant 352 : index
        %get3A_495 = tpu.vector_load %arg6[%get3A_493, %get3A_494] {strides = array<i32>} : memref<16x1024xf32, #tpu.memory_space<vmem>>, vector<1x16xf32>,
        %get3A_496 = vector.shape_cast %get3A_495 : vector<1x16xf32> to vector<16xf32>
        %add3A_497 = arith.addf %get3A_492, %get3A_496 : vector<16xf32>
        %swap3A_498 = arith.index_cast %scan3A_182 : i32 to index
        %swap3A_499 = arith.constant 352 : index
        %swap3A_500 = tpu.vector_load %arg10[%swap3A_498, %swap3A_499] {strides = array<i32>} : memref<16x1024xf32, #tpu.memory_space<vmem>>, vector<1x16xf32>,
        %swap3A_501 = vector.shape_cast %swap3A_500 : vector<1x16xf32> to vector<16xf32>
        %swap3A_502 = vector.shape_cast %add3A_497 : vector<16xf32> to vector<1x16xf32>
        tpu.vector_store %arg10[%swap3A_498, %swap3A_499], %swap3A_502 {strides = array<i32>} : memref<16x1024xf32, #tpu.memory_space<vmem>>, vector<1x16xf32>,
        %get3A_503 = arith.index_cast %scan3A_182 : i32 to index
        %get3A_504 = arith.constant 368 : index
        %get3A_505 = tpu.vector_load %arg10[%get3A_503, %get3A_504] {strides = array<i32>} : memref<16x1024xf32, #tpu.memory_space<vmem>>, vector<1x16xf32>,
        %get3A_506 = vector.shape_cast %get3A_505 : vector<1x16xf32> to vector<16xf32>
        %get3A_507 = arith.index_cast %scan3A_182 : i32 to index
        %get3A_508 = arith.constant 368 : index
        %get3A_509 = tpu.vector_load %arg6[%get3A_507, %get3A_508] {strides = array<i32>} : memref<16x1024xf32, #tpu.memory_space<vmem>>, vector<1x16xf32>,
        %get3A_510 = vector.shape_cast %get3A_509 : vector<1x16xf32> to vector<16xf32>
        %add3A_511 = arith.addf %get3A_506, %get3A_510 : vector<16xf32>
        %swap3A_512 = arith.index_cast %scan3A_182 : i32 to index
        %swap3A_513 = arith.constant 368 : index
        %swap3A_514 = tpu.vector_load %arg10[%swap3A_512, %swap3A_513] {strides = array<i32>} : memref<16x1024xf32, #tpu.memory_space<vmem>>, vector<1x16xf32>,
        %swap3A_515 = vector.shape_cast %swap3A_514 : vector<1x16xf32> to vector<16xf32>
        %swap3A_516 = vector.shape_cast %add3A_511 : vector<16xf32> to vector<1x16xf32>
        tpu.vector_store %arg10[%swap3A_512, %swap3A_513], %swap3A_516 {strides = array<i32>} : memref<16x1024xf32, #tpu.memory_space<vmem>>, vector<1x16xf32>,
        %get3A_517 = arith.index_cast %scan3A_182 : i32 to index
        %get3A_518 = arith.constant 384 : index
        %get3A_519 = tpu.vector_load %arg10[%get3A_517, %get3A_518] {strides = array<i32>} : memref<16x1024xf32, #tpu.memory_space<vmem>>, vector<1x16xf32>,
        %get3A_520 = vector.shape_cast %get3A_519 : vector<1x16xf32> to vector<16xf32>
        %get3A_521 = arith.index_cast %scan3A_182 : i32 to index
        %get3A_522 = arith.constant 384 : index
        %get3A_523 = tpu.vector_load %arg6[%get3A_521, %get3A_522] {strides = array<i32>} : memref<16x1024xf32, #tpu.memory_space<vmem>>, vector<1x16xf32>,
        %get3A_524 = vector.shape_cast %get3A_523 : vector<1x16xf32> to vector<16xf32>
        %add3A_525 = arith.addf %get3A_520, %get3A_524 : vector<16xf32>
        %swap3A_526 = arith.index_cast %scan3A_182 : i32 to index
        %swap3A_527 = arith.constant 384 : index
        %swap3A_528 = tpu.vector_load %arg10[%swap3A_526, %swap3A_527] {strides = array<i32>} : memref<16x1024xf32, #tpu.memory_space<vmem>>, vector<1x16xf32>,
        %swap3A_529 = vector.shape_cast %swap3A_528 : vector<1x16xf32> to vector<16xf32>
        %swap3A_530 = vector.shape_cast %add3A_525 : vector<16xf32> to vector<1x16xf32>
        tpu.vector_store %arg10[%swap3A_526, %swap3A_527], %swap3A_530 {strides = array<i32>} : memref<16x1024xf32, #tpu.memory_space<vmem>>, vector<1x16xf32>,
        %get3A_531 = arith.index_cast %scan3A_182 : i32 to index
        %get3A_532 = arith.constant 400 : index
        %get3A_533 = tpu.vector_load %arg10[%get3A_531, %get3A_532] {strides = array<i32>} : memref<16x1024xf32, #tpu.memory_space<vmem>>, vector<1x16xf32>,
        %get3A_534 = vector.shape_cast %get3A_533 : vector<1x16xf32> to vector<16xf32>
        %get3A_535 = arith.index_cast %scan3A_182 : i32 to index
        %get3A_536 = arith.constant 400 : index
        %get3A_537 = tpu.vector_load %arg6[%get3A_535, %get3A_536] {strides = array<i32>} : memref<16x1024xf32, #tpu.memory_space<vmem>>, vector<1x16xf32>,
        %get3A_538 = vector.shape_cast %get3A_537 : vector<1x16xf32> to vector<16xf32>
        %add3A_539 = arith.addf %get3A_534, %get3A_538 : vector<16xf32>
        %swap3A_540 = arith.index_cast %scan3A_182 : i32 to index
        %swap3A_541 = arith.constant 400 : index
        %swap3A_542 = tpu.vector_load %arg10[%swap3A_540, %swap3A_541] {strides = array<i32>} : memref<16x1024xf32, #tpu.memory_space<vmem>>, vector<1x16xf32>,
        %swap3A_543 = vector.shape_cast %swap3A_542 : vector<1x16xf32> to vector<16xf32>
        %swap3A_544 = vector.shape_cast %add3A_539 : vector<16xf32> to vector<1x16xf32>
        tpu.vector_store %arg10[%swap3A_540, %swap3A_541], %swap3A_544 {strides = array<i32>} : memref<16x1024xf32, #tpu.memory_space<vmem>>, vector<1x16xf32>,
        %get3A_545 = arith.index_cast %scan3A_182 : i32 to index
        %get3A_546 = arith.constant 416 : index
        %get3A_547 = tpu.vector_load %arg10[%get3A_545, %get3A_546] {strides = array<i32>} : memref<16x1024xf32, #tpu.memory_space<vmem>>, vector<1x16xf32>,
        %get3A_548 = vector.shape_cast %get3A_547 : vector<1x16xf32> to vector<16xf32>
        %get3A_549 = arith.index_cast %scan3A_182 : i32 to index
        %get3A_550 = arith.constant 416 : index
        %get3A_551 = tpu.vector_load %arg6[%get3A_549, %get3A_550] {strides = array<i32>} : memref<16x1024xf32, #tpu.memory_space<vmem>>, vector<1x16xf32>,
        %get3A_552 = vector.shape_cast %get3A_551 : vector<1x16xf32> to vector<16xf32>
        %add3A_553 = arith.addf %get3A_548, %get3A_552 : vector<16xf32>
        %swap3A_554 = arith.index_cast %scan3A_182 : i32 to index
        %swap3A_555 = arith.constant 416 : index
        %swap3A_556 = tpu.vector_load %arg10[%swap3A_554, %swap3A_555] {strides = array<i32>} : memref<16x1024xf32, #tpu.memory_space<vmem>>, vector<1x16xf32>,
        %swap3A_557 = vector.shape_cast %swap3A_556 : vector<1x16xf32> to vector<16xf32>
        %swap3A_558 = vector.shape_cast %add3A_553 : vector<16xf32> to vector<1x16xf32>
        tpu.vector_store %arg10[%swap3A_554, %swap3A_555], %swap3A_558 {strides = array<i32>} : memref<16x1024xf32, #tpu.memory_space<vmem>>, vector<1x16xf32>,
        %get3A_559 = arith.index_cast %scan3A_182 : i32 to index
        %get3A_560 = arith.constant 432 : index
        %get3A_561 = tpu.vector_load %arg10[%get3A_559, %get3A_560] {strides = array<i32>} : memref<16x1024xf32, #tpu.memory_space<vmem>>, vector<1x16xf32>,
        %get3A_562 = vector.shape_cast %get3A_561 : vector<1x16xf32> to vector<16xf32>
        %get3A_563 = arith.index_cast %scan3A_182 : i32 to index
        %get3A_564 = arith.constant 432 : index
        %get3A_565 = tpu.vector_load %arg6[%get3A_563, %get3A_564] {strides = array<i32>} : memref<16x1024xf32, #tpu.memory_space<vmem>>, vector<1x16xf32>,
        %get3A_566 = vector.shape_cast %get3A_565 : vector<1x16xf32> to vector<16xf32>
        %add3A_567 = arith.addf %get3A_562, %get3A_566 : vector<16xf32>
        %swap3A_568 = arith.index_cast %scan3A_182 : i32 to index
        %swap3A_569 = arith.constant 432 : index
        %swap3A_570 = tpu.vector_load %arg10[%swap3A_568, %swap3A_569] {strides = array<i32>} : memref<16x1024xf32, #tpu.memory_space<vmem>>, vector<1x16xf32>,
        %swap3A_571 = vector.shape_cast %swap3A_570 : vector<1x16xf32> to vector<16xf32>
        %swap3A_572 = vector.shape_cast %add3A_567 : vector<16xf32> to vector<1x16xf32>
        tpu.vector_store %arg10[%swap3A_568, %swap3A_569], %swap3A_572 {strides = array<i32>} : memref<16x1024xf32, #tpu.memory_space<vmem>>, vector<1x16xf32>,
        %get3A_573 = arith.index_cast %scan3A_182 : i32 to index
        %get3A_574 = arith.constant 448 : index
        %get3A_575 = tpu.vector_load %arg10[%get3A_573, %get3A_574] {strides = array<i32>} : memref<16x1024xf32, #tpu.memory_space<vmem>>, vector<1x16xf32>,
        %get3A_576 = vector.shape_cast %get3A_575 : vector<1x16xf32> to vector<16xf32>
        %get3A_577 = arith.index_cast %scan3A_182 : i32 to index
        %get3A_578 = arith.constant 448 : index
        %get3A_579 = tpu.vector_load %arg6[%get3A_577, %get3A_578] {strides = array<i32>} : memref<16x1024xf32, #tpu.memory_space<vmem>>, vector<1x16xf32>,
        %get3A_580 = vector.shape_cast %get3A_579 : vector<1x16xf32> to vector<16xf32>
        %add3A_581 = arith.addf %get3A_576, %get3A_580 : vector<16xf32>
        %swap3A_582 = arith.index_cast %scan3A_182 : i32 to index
        %swap3A_583 = arith.constant 448 : index
        %swap3A_584 = tpu.vector_load %arg10[%swap3A_582, %swap3A_583] {strides = array<i32>} : memref<16x1024xf32, #tpu.memory_space<vmem>>, vector<1x16xf32>,
        %swap3A_585 = vector.shape_cast %swap3A_584 : vector<1x16xf32> to vector<16xf32>
        %swap3A_586 = vector.shape_cast %add3A_581 : vector<16xf32> to vector<1x16xf32>
        tpu.vector_store %arg10[%swap3A_582, %swap3A_583], %swap3A_586 {strides = array<i32>} : memref<16x1024xf32, #tpu.memory_space<vmem>>, vector<1x16xf32>,
        %get3A_587 = arith.index_cast %scan3A_182 : i32 to index
        %get3A_588 = arith.constant 464 : index
        %get3A_589 = tpu.vector_load %arg10[%get3A_587, %get3A_588] {strides = array<i32>} : memref<16x1024xf32, #tpu.memory_space<vmem>>, vector<1x16xf32>,
        %get3A_590 = vector.shape_cast %get3A_589 : vector<1x16xf32> to vector<16xf32>
        %get3A_591 = arith.index_cast %scan3A_182 : i32 to index
        %get3A_592 = arith.constant 464 : index
        %get3A_593 = tpu.vector_load %arg6[%get3A_591, %get3A_592] {strides = array<i32>} : memref<16x1024xf32, #tpu.memory_space<vmem>>, vector<1x16xf32>,
        %get3A_594 = vector.shape_cast %get3A_593 : vector<1x16xf32> to vector<16xf32>
        %add3A_595 = arith.addf %get3A_590, %get3A_594 : vector<16xf32>
        %swap3A_596 = arith.index_cast %scan3A_182 : i32 to index
        %swap3A_597 = arith.constant 464 : index
        %swap3A_598 = tpu.vector_load %arg10[%swap3A_596, %swap3A_597] {strides = array<i32>} : memref<16x1024xf32, #tpu.memory_space<vmem>>, vector<1x16xf32>,
        %swap3A_599 = vector.shape_cast %swap3A_598 : vector<1x16xf32> to vector<16xf32>
        %swap3A_600 = vector.shape_cast %add3A_595 : vector<16xf32> to vector<1x16xf32>
        tpu.vector_store %arg10[%swap3A_596, %swap3A_597], %swap3A_600 {strides = array<i32>} : memref<16x1024xf32, #tpu.memory_space<vmem>>, vector<1x16xf32>,
        %get3A_601 = arith.index_cast %scan3A_182 : i32 to index
        %get3A_602 = arith.constant 480 : index
        %get3A_603 = tpu.vector_load %arg10[%get3A_601, %get3A_602] {strides = array<i32>} : memref<16x1024xf32, #tpu.memory_space<vmem>>, vector<1x16xf32>,
        %get3A_604 = vector.shape_cast %get3A_603 : vector<1x16xf32> to vector<16xf32>
        %get3A_605 = arith.index_cast %scan3A_182 : i32 to index
        %get3A_606 = arith.constant 480 : index
        %get3A_607 = tpu.vector_load %arg6[%get3A_605, %get3A_606] {strides = array<i32>} : memref<16x1024xf32, #tpu.memory_space<vmem>>, vector<1x16xf32>,
        %get3A_608 = vector.shape_cast %get3A_607 : vector<1x16xf32> to vector<16xf32>
        %add3A_609 = arith.addf %get3A_604, %get3A_608 : vector<16xf32>
        %swap3A_610 = arith.index_cast %scan3A_182 : i32 to index
        %swap3A_611 = arith.constant 480 : index
        %swap3A_612 = tpu.vector_load %arg10[%swap3A_610, %swap3A_611] {strides = array<i32>} : memref<16x1024xf32, #tpu.memory_space<vmem>>, vector<1x16xf32>,
        %swap3A_613 = vector.shape_cast %swap3A_612 : vector<1x16xf32> to vector<16xf32>
        %swap3A_614 = vector.shape_cast %add3A_609 : vector<16xf32> to vector<1x16xf32>
        tpu.vector_store %arg10[%swap3A_610, %swap3A_611], %swap3A_614 {strides = array<i32>} : memref<16x1024xf32, #tpu.memory_space<vmem>>, vector<1x16xf32>,
        %get3A_615 = arith.index_cast %scan3A_182 : i32 to index
        %get3A_616 = arith.constant 496 : index
        %get3A_617 = tpu.vector_load %arg10[%get3A_615, %get3A_616] {strides = array<i32>} : memref<16x1024xf32, #tpu.memory_space<vmem>>, vector<1x16xf32>,
        %get3A_618 = vector.shape_cast %get3A_617 : vector<1x16xf32> to vector<16xf32>
        %get3A_619 = arith.index_cast %scan3A_182 : i32 to index
        %get3A_620 = arith.constant 496 : index
        %get3A_621 = tpu.vector_load %arg6[%get3A_619, %get3A_620] {strides = array<i32>} : memref<16x1024xf32, #tpu.memory_space<vmem>>, vector<1x16xf32>,
        %get3A_622 = vector.shape_cast %get3A_621 : vector<1x16xf32> to vector<16xf32>
        %add3A_623 = arith.addf %get3A_618, %get3A_622 : vector<16xf32>
        %swap3A_624 = arith.index_cast %scan3A_182 : i32 to index
        %swap3A_625 = arith.constant 496 : index
        %swap3A_626 = tpu.vector_load %arg10[%swap3A_624, %swap3A_625] {strides = array<i32>} : memref<16x1024xf32, #tpu.memory_space<vmem>>, vector<1x16xf32>,
        %swap3A_627 = vector.shape_cast %swap3A_626 : vector<1x16xf32> to vector<16xf32>
        %swap3A_628 = vector.shape_cast %add3A_623 : vector<16xf32> to vector<1x16xf32>
        tpu.vector_store %arg10[%swap3A_624, %swap3A_625], %swap3A_628 {strides = array<i32>} : memref<16x1024xf32, #tpu.memory_space<vmem>>, vector<1x16xf32>,
        %get3A_629 = arith.index_cast %scan3A_182 : i32 to index
        %get3A_630 = arith.constant 512 : index
        %get3A_631 = tpu.vector_load %arg10[%get3A_629, %get3A_630] {strides = array<i32>} : memref<16x1024xf32, #tpu.memory_space<vmem>>, vector<1x16xf32>,
        %get3A_632 = vector.shape_cast %get3A_631 : vector<1x16xf32> to vector<16xf32>
        %get3A_633 = arith.index_cast %scan3A_182 : i32 to index
        %get3A_634 = arith.constant 512 : index
        %get3A_635 = tpu.vector_load %arg6[%get3A_633, %get3A_634] {strides = array<i32>} : memref<16x1024xf32, #tpu.memory_space<vmem>>, vector<1x16xf32>,
        %get3A_636 = vector.shape_cast %get3A_635 : vector<1x16xf32> to vector<16xf32>
        %add3A_637 = arith.addf %get3A_632, %get3A_636 : vector<16xf32>
        %swap3A_638 = arith.index_cast %scan3A_182 : i32 to index
        %swap3A_639 = arith.constant 512 : index
        %swap3A_640 = tpu.vector_load %arg10[%swap3A_638, %swap3A_639] {strides = array<i32>} : memref<16x1024xf32, #tpu.memory_space<vmem>>, vector<1x16xf32>,
        %swap3A_641 = vector.shape_cast %swap3A_640 : vector<1x16xf32> to vector<16xf32>
        %swap3A_642 = vector.shape_cast %add3A_637 : vector<16xf32> to vector<1x16xf32>
        tpu.vector_store %arg10[%swap3A_638, %swap3A_639], %swap3A_642 {strides = array<i32>} : memref<16x1024xf32, #tpu.memory_space<vmem>>, vector<1x16xf32>,
        %get3A_643 = arith.index_cast %scan3A_182 : i32 to index
        %get3A_644 = arith.constant 528 : index
        %get3A_645 = tpu.vector_load %arg10[%get3A_643, %get3A_644] {strides = array<i32>} : memref<16x1024xf32, #tpu.memory_space<vmem>>, vector<1x16xf32>,
        %get3A_646 = vector.shape_cast %get3A_645 : vector<1x16xf32> to vector<16xf32>
        %get3A_647 = arith.index_cast %scan3A_182 : i32 to index
        %get3A_648 = arith.constant 528 : index
        %get3A_649 = tpu.vector_load %arg6[%get3A_647, %get3A_648] {strides = array<i32>} : memref<16x1024xf32, #tpu.memory_space<vmem>>, vector<1x16xf32>,
        %get3A_650 = vector.shape_cast %get3A_649 : vector<1x16xf32> to vector<16xf32>
        %add3A_651 = arith.addf %get3A_646, %get3A_650 : vector<16xf32>
        %swap3A_652 = arith.index_cast %scan3A_182 : i32 to index
        %swap3A_653 = arith.constant 528 : index
        %swap3A_654 = tpu.vector_load %arg10[%swap3A_652, %swap3A_653] {strides = array<i32>} : memref<16x1024xf32, #tpu.memory_space<vmem>>, vector<1x16xf32>,
        %swap3A_655 = vector.shape_cast %swap3A_654 : vector<1x16xf32> to vector<16xf32>
        %swap3A_656 = vector.shape_cast %add3A_651 : vector<16xf32> to vector<1x16xf32>
        tpu.vector_store %arg10[%swap3A_652, %swap3A_653], %swap3A_656 {strides = array<i32>} : memref<16x1024xf32, #tpu.memory_space<vmem>>, vector<1x16xf32>,
        %get3A_657 = arith.index_cast %scan3A_182 : i32 to index
        %get3A_658 = arith.constant 544 : index
        %get3A_659 = tpu.vector_load %arg10[%get3A_657, %get3A_658] {strides = array<i32>} : memref<16x1024xf32, #tpu.memory_space<vmem>>, vector<1x16xf32>,
        %get3A_660 = vector.shape_cast %get3A_659 : vector<1x16xf32> to vector<16xf32>
        %get3A_661 = arith.index_cast %scan3A_182 : i32 to index
        %get3A_662 = arith.constant 544 : index
        %get3A_663 = tpu.vector_load %arg6[%get3A_661, %get3A_662] {strides = array<i32>} : memref<16x1024xf32, #tpu.memory_space<vmem>>, vector<1x16xf32>,
        %get3A_664 = vector.shape_cast %get3A_663 : vector<1x16xf32> to vector<16xf32>
        %add3A_665 = arith.addf %get3A_660, %get3A_664 : vector<16xf32>
        %swap3A_666 = arith.index_cast %scan3A_182 : i32 to index
        %swap3A_667 = arith.constant 544 : index
        %swap3A_668 = tpu.vector_load %arg10[%swap3A_666, %swap3A_667] {strides = array<i32>} : memref<16x1024xf32, #tpu.memory_space<vmem>>, vector<1x16xf32>,
        %swap3A_669 = vector.shape_cast %swap3A_668 : vector<1x16xf32> to vector<16xf32>
        %swap3A_670 = vector.shape_cast %add3A_665 : vector<16xf32> to vector<1x16xf32>
        tpu.vector_store %arg10[%swap3A_666, %swap3A_667], %swap3A_670 {strides = array<i32>} : memref<16x1024xf32, #tpu.memory_space<vmem>>, vector<1x16xf32>,
        %get3A_671 = arith.index_cast %scan3A_182 : i32 to index
        %get3A_672 = arith.constant 560 : index
        %get3A_673 = tpu.vector_load %arg10[%get3A_671, %get3A_672] {strides = array<i32>} : memref<16x1024xf32, #tpu.memory_space<vmem>>, vector<1x16xf32>,
        %get3A_674 = vector.shape_cast %get3A_673 : vector<1x16xf32> to vector<16xf32>
        %get3A_675 = arith.index_cast %scan3A_182 : i32 to index
        %get3A_676 = arith.constant 560 : index
        %get3A_677 = tpu.vector_load %arg6[%get3A_675, %get3A_676] {strides = array<i32>} : memref<16x1024xf32, #tpu.memory_space<vmem>>, vector<1x16xf32>,
        %get3A_678 = vector.shape_cast %get3A_677 : vector<1x16xf32> to vector<16xf32>
        %add3A_679 = arith.addf %get3A_674, %get3A_678 : vector<16xf32>
        %swap3A_680 = arith.index_cast %scan3A_182 : i32 to index
        %swap3A_681 = arith.constant 560 : index
        %swap3A_682 = tpu.vector_load %arg10[%swap3A_680, %swap3A_681] {strides = array<i32>} : memref<16x1024xf32, #tpu.memory_space<vmem>>, vector<1x16xf32>,
        %swap3A_683 = vector.shape_cast %swap3A_682 : vector<1x16xf32> to vector<16xf32>
        %swap3A_684 = vector.shape_cast %add3A_679 : vector<16xf32> to vector<1x16xf32>
        tpu.vector_store %arg10[%swap3A_680, %swap3A_681], %swap3A_684 {strides = array<i32>} : memref<16x1024xf32, #tpu.memory_space<vmem>>, vector<1x16xf32>,
        %get3A_685 = arith.index_cast %scan3A_182 : i32 to index
        %get3A_686 = arith.constant 576 : index
        %get3A_687 = tpu.vector_load %arg10[%get3A_685, %get3A_686] {strides = array<i32>} : memref<16x1024xf32, #tpu.memory_space<vmem>>, vector<1x16xf32>,
        %get3A_688 = vector.shape_cast %get3A_687 : vector<1x16xf32> to vector<16xf32>
        %get3A_689 = arith.index_cast %scan3A_182 : i32 to index
        %get3A_690 = arith.constant 576 : index
        %get3A_691 = tpu.vector_load %arg6[%get3A_689, %get3A_690] {strides = array<i32>} : memref<16x1024xf32, #tpu.memory_space<vmem>>, vector<1x16xf32>,
        %get3A_692 = vector.shape_cast %get3A_691 : vector<1x16xf32> to vector<16xf32>
        %add3A_693 = arith.addf %get3A_688, %get3A_692 : vector<16xf32>
        %swap3A_694 = arith.index_cast %scan3A_182 : i32 to index
        %swap3A_695 = arith.constant 576 : index
        %swap3A_696 = tpu.vector_load %arg10[%swap3A_694, %swap3A_695] {strides = array<i32>} : memref<16x1024xf32, #tpu.memory_space<vmem>>, vector<1x16xf32>,
        %swap3A_697 = vector.shape_cast %swap3A_696 : vector<1x16xf32> to vector<16xf32>
        %swap3A_698 = vector.shape_cast %add3A_693 : vector<16xf32> to vector<1x16xf32>
        tpu.vector_store %arg10[%swap3A_694, %swap3A_695], %swap3A_698 {strides = array<i32>} : memref<16x1024xf32, #tpu.memory_space<vmem>>, vector<1x16xf32>,
        %get3A_699 = arith.index_cast %scan3A_182 : i32 to index
        %get3A_700 = arith.constant 592 : index
        %get3A_701 = tpu.vector_load %arg10[%get3A_699, %get3A_700] {strides = array<i32>} : memref<16x1024xf32, #tpu.memory_space<vmem>>, vector<1x16xf32>,
        %get3A_702 = vector.shape_cast %get3A_701 : vector<1x16xf32> to vector<16xf32>
        %get3A_703 = arith.index_cast %scan3A_182 : i32 to index
        %get3A_704 = arith.constant 592 : index
        %get3A_705 = tpu.vector_load %arg6[%get3A_703, %get3A_704] {strides = array<i32>} : memref<16x1024xf32, #tpu.memory_space<vmem>>, vector<1x16xf32>,
        %get3A_706 = vector.shape_cast %get3A_705 : vector<1x16xf32> to vector<16xf32>
        %add3A_707 = arith.addf %get3A_702, %get3A_706 : vector<16xf32>
        %swap3A_708 = arith.index_cast %scan3A_182 : i32 to index
        %swap3A_709 = arith.constant 592 : index
        %swap3A_710 = tpu.vector_load %arg10[%swap3A_708, %swap3A_709] {strides = array<i32>} : memref<16x1024xf32, #tpu.memory_space<vmem>>, vector<1x16xf32>,
        %swap3A_711 = vector.shape_cast %swap3A_710 : vector<1x16xf32> to vector<16xf32>
        %swap3A_712 = vector.shape_cast %add3A_707 : vector<16xf32> to vector<1x16xf32>
        tpu.vector_store %arg10[%swap3A_708, %swap3A_709], %swap3A_712 {strides = array<i32>} : memref<16x1024xf32, #tpu.memory_space<vmem>>, vector<1x16xf32>,
        %get3A_713 = arith.index_cast %scan3A_182 : i32 to index
        %get3A_714 = arith.constant 608 : index
        %get3A_715 = tpu.vector_load %arg10[%get3A_713, %get3A_714] {strides = array<i32>} : memref<16x1024xf32, #tpu.memory_space<vmem>>, vector<1x16xf32>,
        %get3A_716 = vector.shape_cast %get3A_715 : vector<1x16xf32> to vector<16xf32>
        %get3A_717 = arith.index_cast %scan3A_182 : i32 to index
        %get3A_718 = arith.constant 608 : index
        %get3A_719 = tpu.vector_load %arg6[%get3A_717, %get3A_718] {strides = array<i32>} : memref<16x1024xf32, #tpu.memory_space<vmem>>, vector<1x16xf32>,
        %get3A_720 = vector.shape_cast %get3A_719 : vector<1x16xf32> to vector<16xf32>
        %add3A_721 = arith.addf %get3A_716, %get3A_720 : vector<16xf32>
        %swap3A_722 = arith.index_cast %scan3A_182 : i32 to index
        %swap3A_723 = arith.constant 608 : index
        %swap3A_724 = tpu.vector_load %arg10[%swap3A_722, %swap3A_723] {strides = array<i32>} : memref<16x1024xf32, #tpu.memory_space<vmem>>, vector<1x16xf32>,
        %swap3A_725 = vector.shape_cast %swap3A_724 : vector<1x16xf32> to vector<16xf32>
        %swap3A_726 = vector.shape_cast %add3A_721 : vector<16xf32> to vector<1x16xf32>
        tpu.vector_store %arg10[%swap3A_722, %swap3A_723], %swap3A_726 {strides = array<i32>} : memref<16x1024xf32, #tpu.memory_space<vmem>>, vector<1x16xf32>,
        %get3A_727 = arith.index_cast %scan3A_182 : i32 to index
        %get3A_728 = arith.constant 624 : index
        %get3A_729 = tpu.vector_load %arg10[%get3A_727, %get3A_728] {strides = array<i32>} : memref<16x1024xf32, #tpu.memory_space<vmem>>, vector<1x16xf32>,
        %get3A_730 = vector.shape_cast %get3A_729 : vector<1x16xf32> to vector<16xf32>
        %get3A_731 = arith.index_cast %scan3A_182 : i32 to index
        %get3A_732 = arith.constant 624 : index
        %get3A_733 = tpu.vector_load %arg6[%get3A_731, %get3A_732] {strides = array<i32>} : memref<16x1024xf32, #tpu.memory_space<vmem>>, vector<1x16xf32>,
        %get3A_734 = vector.shape_cast %get3A_733 : vector<1x16xf32> to vector<16xf32>
        %add3A_735 = arith.addf %get3A_730, %get3A_734 : vector<16xf32>
        %swap3A_736 = arith.index_cast %scan3A_182 : i32 to index
        %swap3A_737 = arith.constant 624 : index
        %swap3A_738 = tpu.vector_load %arg10[%swap3A_736, %swap3A_737] {strides = array<i32>} : memref<16x1024xf32, #tpu.memory_space<vmem>>, vector<1x16xf32>,
        %swap3A_739 = vector.shape_cast %swap3A_738 : vector<1x16xf32> to vector<16xf32>
        %swap3A_740 = vector.shape_cast %add3A_735 : vector<16xf32> to vector<1x16xf32>
        tpu.vector_store %arg10[%swap3A_736, %swap3A_737], %swap3A_740 {strides = array<i32>} : memref<16x1024xf32, #tpu.memory_space<vmem>>, vector<1x16xf32>,
        %get3A_741 = arith.index_cast %scan3A_182 : i32 to index
        %get3A_742 = arith.constant 640 : index
        %get3A_743 = tpu.vector_load %arg10[%get3A_741, %get3A_742] {strides = array<i32>} : memref<16x1024xf32, #tpu.memory_space<vmem>>, vector<1x16xf32>,
        %get3A_744 = vector.shape_cast %get3A_743 : vector<1x16xf32> to vector<16xf32>
        %get3A_745 = arith.index_cast %scan3A_182 : i32 to index
        %get3A_746 = arith.constant 640 : index
        %get3A_747 = tpu.vector_load %arg6[%get3A_745, %get3A_746] {strides = array<i32>} : memref<16x1024xf32, #tpu.memory_space<vmem>>, vector<1x16xf32>,
        %get3A_748 = vector.shape_cast %get3A_747 : vector<1x16xf32> to vector<16xf32>
        %add3A_749 = arith.addf %get3A_744, %get3A_748 : vector<16xf32>
        %swap3A_750 = arith.index_cast %scan3A_182 : i32 to index
        %swap3A_751 = arith.constant 640 : index
        %swap3A_752 = tpu.vector_load %arg10[%swap3A_750, %swap3A_751] {strides = array<i32>} : memref<16x1024xf32, #tpu.memory_space<vmem>>, vector<1x16xf32>,
        %swap3A_753 = vector.shape_cast %swap3A_752 : vector<1x16xf32> to vector<16xf32>
        %swap3A_754 = vector.shape_cast %add3A_749 : vector<16xf32> to vector<1x16xf32>
        tpu.vector_store %arg10[%swap3A_750, %swap3A_751], %swap3A_754 {strides = array<i32>} : memref<16x1024xf32, #tpu.memory_space<vmem>>, vector<1x16xf32>,
        %get3A_755 = arith.index_cast %scan3A_182 : i32 to index
        %get3A_756 = arith.constant 656 : index
        %get3A_757 = tpu.vector_load %arg10[%get3A_755, %get3A_756] {strides = array<i32>} : memref<16x1024xf32, #tpu.memory_space<vmem>>, vector<1x16xf32>,
        %get3A_758 = vector.shape_cast %get3A_757 : vector<1x16xf32> to vector<16xf32>
        %get3A_759 = arith.index_cast %scan3A_182 : i32 to index
        %get3A_760 = arith.constant 656 : index
        %get3A_761 = tpu.vector_load %arg6[%get3A_759, %get3A_760] {strides = array<i32>} : memref<16x1024xf32, #tpu.memory_space<vmem>>, vector<1x16xf32>,
        %get3A_762 = vector.shape_cast %get3A_761 : vector<1x16xf32> to vector<16xf32>
        %add3A_763 = arith.addf %get3A_758, %get3A_762 : vector<16xf32>
        %swap3A_764 = arith.index_cast %scan3A_182 : i32 to index
        %swap3A_765 = arith.constant 656 : index
        %swap3A_766 = tpu.vector_load %arg10[%swap3A_764, %swap3A_765] {strides = array<i32>} : memref<16x1024xf32, #tpu.memory_space<vmem>>, vector<1x16xf32>,
        %swap3A_767 = vector.shape_cast %swap3A_766 : vector<1x16xf32> to vector<16xf32>
        %swap3A_768 = vector.shape_cast %add3A_763 : vector<16xf32> to vector<1x16xf32>
        tpu.vector_store %arg10[%swap3A_764, %swap3A_765], %swap3A_768 {strides = array<i32>} : memref<16x1024xf32, #tpu.memory_space<vmem>>, vector<1x16xf32>,
        %get3A_769 = arith.index_cast %scan3A_182 : i32 to index
        %get3A_770 = arith.constant 672 : index
        %get3A_771 = tpu.vector_load %arg10[%get3A_769, %get3A_770] {strides = array<i32>} : memref<16x1024xf32, #tpu.memory_space<vmem>>, vector<1x16xf32>,
        %get3A_772 = vector.shape_cast %get3A_771 : vector<1x16xf32> to vector<16xf32>
        %get3A_773 = arith.index_cast %scan3A_182 : i32 to index
        %get3A_774 = arith.constant 672 : index
        %get3A_775 = tpu.vector_load %arg6[%get3A_773, %get3A_774] {strides = array<i32>} : memref<16x1024xf32, #tpu.memory_space<vmem>>, vector<1x16xf32>,
        %get3A_776 = vector.shape_cast %get3A_775 : vector<1x16xf32> to vector<16xf32>
        %add3A_777 = arith.addf %get3A_772, %get3A_776 : vector<16xf32>
        %swap3A_778 = arith.index_cast %scan3A_182 : i32 to index
        %swap3A_779 = arith.constant 672 : index
        %swap3A_780 = tpu.vector_load %arg10[%swap3A_778, %swap3A_779] {strides = array<i32>} : memref<16x1024xf32, #tpu.memory_space<vmem>>, vector<1x16xf32>,
        %swap3A_781 = vector.shape_cast %swap3A_780 : vector<1x16xf32> to vector<16xf32>
        %swap3A_782 = vector.shape_cast %add3A_777 : vector<16xf32> to vector<1x16xf32>
        tpu.vector_store %arg10[%swap3A_778, %swap3A_779], %swap3A_782 {strides = array<i32>} : memref<16x1024xf32, #tpu.memory_space<vmem>>, vector<1x16xf32>,
        %get3A_783 = arith.index_cast %scan3A_182 : i32 to index
        %get3A_784 = arith.constant 688 : index
        %get3A_785 = tpu.vector_load %arg10[%get3A_783, %get3A_784] {strides = array<i32>} : memref<16x1024xf32, #tpu.memory_space<vmem>>, vector<1x16xf32>,
        %get3A_786 = vector.shape_cast %get3A_785 : vector<1x16xf32> to vector<16xf32>
        %get3A_787 = arith.index_cast %scan3A_182 : i32 to index
        %get3A_788 = arith.constant 688 : index
        %get3A_789 = tpu.vector_load %arg6[%get3A_787, %get3A_788] {strides = array<i32>} : memref<16x1024xf32, #tpu.memory_space<vmem>>, vector<1x16xf32>,
        %get3A_790 = vector.shape_cast %get3A_789 : vector<1x16xf32> to vector<16xf32>
        %add3A_791 = arith.addf %get3A_786, %get3A_790 : vector<16xf32>
        %swap3A_792 = arith.index_cast %scan3A_182 : i32 to index
        %swap3A_793 = arith.constant 688 : index
        %swap3A_794 = tpu.vector_load %arg10[%swap3A_792, %swap3A_793] {strides = array<i32>} : memref<16x1024xf32, #tpu.memory_space<vmem>>, vector<1x16xf32>,
        %swap3A_795 = vector.shape_cast %swap3A_794 : vector<1x16xf32> to vector<16xf32>
        %swap3A_796 = vector.shape_cast %add3A_791 : vector<16xf32> to vector<1x16xf32>
        tpu.vector_store %arg10[%swap3A_792, %swap3A_793], %swap3A_796 {strides = array<i32>} : memref<16x1024xf32, #tpu.memory_space<vmem>>, vector<1x16xf32>,
        %get3A_797 = arith.index_cast %scan3A_182 : i32 to index
        %get3A_798 = arith.constant 704 : index
        %get3A_799 = tpu.vector_load %arg10[%get3A_797, %get3A_798] {strides = array<i32>} : memref<16x1024xf32, #tpu.memory_space<vmem>>, vector<1x16xf32>,
        %get3A_800 = vector.shape_cast %get3A_799 : vector<1x16xf32> to vector<16xf32>
        %get3A_801 = arith.index_cast %scan3A_182 : i32 to index
        %get3A_802 = arith.constant 704 : index
        %get3A_803 = tpu.vector_load %arg6[%get3A_801, %get3A_802] {strides = array<i32>} : memref<16x1024xf32, #tpu.memory_space<vmem>>, vector<1x16xf32>,
        %get3A_804 = vector.shape_cast %get3A_803 : vector<1x16xf32> to vector<16xf32>
        %add3A_805 = arith.addf %get3A_800, %get3A_804 : vector<16xf32>
        %swap3A_806 = arith.index_cast %scan3A_182 : i32 to index
        %swap3A_807 = arith.constant 704 : index
        %swap3A_808 = tpu.vector_load %arg10[%swap3A_806, %swap3A_807] {strides = array<i32>} : memref<16x1024xf32, #tpu.memory_space<vmem>>, vector<1x16xf32>,
        %swap3A_809 = vector.shape_cast %swap3A_808 : vector<1x16xf32> to vector<16xf32>
        %swap3A_810 = vector.shape_cast %add3A_805 : vector<16xf32> to vector<1x16xf32>
        tpu.vector_store %arg10[%swap3A_806, %swap3A_807], %swap3A_810 {strides = array<i32>} : memref<16x1024xf32, #tpu.memory_space<vmem>>, vector<1x16xf32>,
        %get3A_811 = arith.index_cast %scan3A_182 : i32 to index
        %get3A_812 = arith.constant 720 : index
        %get3A_813 = tpu.vector_load %arg10[%get3A_811, %get3A_812] {strides = array<i32>} : memref<16x1024xf32, #tpu.memory_space<vmem>>, vector<1x16xf32>,
        %get3A_814 = vector.shape_cast %get3A_813 : vector<1x16xf32> to vector<16xf32>
        %get3A_815 = arith.index_cast %scan3A_182 : i32 to index
        %get3A_816 = arith.constant 720 : index
        %get3A_817 = tpu.vector_load %arg6[%get3A_815, %get3A_816] {strides = array<i32>} : memref<16x1024xf32, #tpu.memory_space<vmem>>, vector<1x16xf32>,
        %get3A_818 = vector.shape_cast %get3A_817 : vector<1x16xf32> to vector<16xf32>
        %add3A_819 = arith.addf %get3A_814, %get3A_818 : vector<16xf32>
        %swap3A_820 = arith.index_cast %scan3A_182 : i32 to index
        %swap3A_821 = arith.constant 720 : index
        %swap3A_822 = tpu.vector_load %arg10[%swap3A_820, %swap3A_821] {strides = array<i32>} : memref<16x1024xf32, #tpu.memory_space<vmem>>, vector<1x16xf32>,
        %swap3A_823 = vector.shape_cast %swap3A_822 : vector<1x16xf32> to vector<16xf32>
        %swap3A_824 = vector.shape_cast %add3A_819 : vector<16xf32> to vector<1x16xf32>
        tpu.vector_store %arg10[%swap3A_820, %swap3A_821], %swap3A_824 {strides = array<i32>} : memref<16x1024xf32, #tpu.memory_space<vmem>>, vector<1x16xf32>,
        %get3A_825 = arith.index_cast %scan3A_182 : i32 to index
        %get3A_826 = arith.constant 736 : index
        %get3A_827 = tpu.vector_load %arg10[%get3A_825, %get3A_826] {strides = array<i32>} : memref<16x1024xf32, #tpu.memory_space<vmem>>, vector<1x16xf32>,
        %get3A_828 = vector.shape_cast %get3A_827 : vector<1x16xf32> to vector<16xf32>
        %get3A_829 = arith.index_cast %scan3A_182 : i32 to index
        %get3A_830 = arith.constant 736 : index
        %get3A_831 = tpu.vector_load %arg6[%get3A_829, %get3A_830] {strides = array<i32>} : memref<16x1024xf32, #tpu.memory_space<vmem>>, vector<1x16xf32>,
        %get3A_832 = vector.shape_cast %get3A_831 : vector<1x16xf32> to vector<16xf32>
        %add3A_833 = arith.addf %get3A_828, %get3A_832 : vector<16xf32>
        %swap3A_834 = arith.index_cast %scan3A_182 : i32 to index
        %swap3A_835 = arith.constant 736 : index
        %swap3A_836 = tpu.vector_load %arg10[%swap3A_834, %swap3A_835] {strides = array<i32>} : memref<16x1024xf32, #tpu.memory_space<vmem>>, vector<1x16xf32>,
        %swap3A_837 = vector.shape_cast %swap3A_836 : vector<1x16xf32> to vector<16xf32>
        %swap3A_838 = vector.shape_cast %add3A_833 : vector<16xf32> to vector<1x16xf32>
        tpu.vector_store %arg10[%swap3A_834, %swap3A_835], %swap3A_838 {strides = array<i32>} : memref<16x1024xf32, #tpu.memory_space<vmem>>, vector<1x16xf32>,
        %get3A_839 = arith.index_cast %scan3A_182 : i32 to index
        %get3A_840 = arith.constant 752 : index
        %get3A_841 = tpu.vector_load %arg10[%get3A_839, %get3A_840] {strides = array<i32>} : memref<16x1024xf32, #tpu.memory_space<vmem>>, vector<1x16xf32>,
        %get3A_842 = vector.shape_cast %get3A_841 : vector<1x16xf32> to vector<16xf32>
        %get3A_843 = arith.index_cast %scan3A_182 : i32 to index
        %get3A_844 = arith.constant 752 : index
        %get3A_845 = tpu.vector_load %arg6[%get3A_843, %get3A_844] {strides = array<i32>} : memref<16x1024xf32, #tpu.memory_space<vmem>>, vector<1x16xf32>,
        %get3A_846 = vector.shape_cast %get3A_845 : vector<1x16xf32> to vector<16xf32>
        %add3A_847 = arith.addf %get3A_842, %get3A_846 : vector<16xf32>
        %swap3A_848 = arith.index_cast %scan3A_182 : i32 to index
        %swap3A_849 = arith.constant 752 : index
        %swap3A_850 = tpu.vector_load %arg10[%swap3A_848, %swap3A_849] {strides = array<i32>} : memref<16x1024xf32, #tpu.memory_space<vmem>>, vector<1x16xf32>,
        %swap3A_851 = vector.shape_cast %swap3A_850 : vector<1x16xf32> to vector<16xf32>
        %swap3A_852 = vector.shape_cast %add3A_847 : vector<16xf32> to vector<1x16xf32>
        tpu.vector_store %arg10[%swap3A_848, %swap3A_849], %swap3A_852 {strides = array<i32>} : memref<16x1024xf32, #tpu.memory_space<vmem>>, vector<1x16xf32>,
        %get3A_853 = arith.index_cast %scan3A_182 : i32 to index
        %get3A_854 = arith.constant 768 : index
        %get3A_855 = tpu.vector_load %arg10[%get3A_853, %get3A_854] {strides = array<i32>} : memref<16x1024xf32, #tpu.memory_space<vmem>>, vector<1x16xf32>,
        %get3A_856 = vector.shape_cast %get3A_855 : vector<1x16xf32> to vector<16xf32>
        %get3A_857 = arith.index_cast %scan3A_182 : i32 to index
        %get3A_858 = arith.constant 768 : index
        %get3A_859 = tpu.vector_load %arg6[%get3A_857, %get3A_858] {strides = array<i32>} : memref<16x1024xf32, #tpu.memory_space<vmem>>, vector<1x16xf32>,
        %get3A_860 = vector.shape_cast %get3A_859 : vector<1x16xf32> to vector<16xf32>
        %add3A_861 = arith.addf %get3A_856, %get3A_860 : vector<16xf32>
        %swap3A_862 = arith.index_cast %scan3A_182 : i32 to index
        %swap3A_863 = arith.constant 768 : index
        %swap3A_864 = tpu.vector_load %arg10[%swap3A_862, %swap3A_863] {strides = array<i32>} : memref<16x1024xf32, #tpu.memory_space<vmem>>, vector<1x16xf32>,
        %swap3A_865 = vector.shape_cast %swap3A_864 : vector<1x16xf32> to vector<16xf32>
        %swap3A_866 = vector.shape_cast %add3A_861 : vector<16xf32> to vector<1x16xf32>
        tpu.vector_store %arg10[%swap3A_862, %swap3A_863], %swap3A_866 {strides = array<i32>} : memref<16x1024xf32, #tpu.memory_space<vmem>>, vector<1x16xf32>,
        %get3A_867 = arith.index_cast %scan3A_182 : i32 to index
        %get3A_868 = arith.constant 784 : index
        %get3A_869 = tpu.vector_load %arg10[%get3A_867, %get3A_868] {strides = array<i32>} : memref<16x1024xf32, #tpu.memory_space<vmem>>, vector<1x16xf32>,
        %get3A_870 = vector.shape_cast %get3A_869 : vector<1x16xf32> to vector<16xf32>
        %get3A_871 = arith.index_cast %scan3A_182 : i32 to index
        %get3A_872 = arith.constant 784 : index
        %get3A_873 = tpu.vector_load %arg6[%get3A_871, %get3A_872] {strides = array<i32>} : memref<16x1024xf32, #tpu.memory_space<vmem>>, vector<1x16xf32>,
        %get3A_874 = vector.shape_cast %get3A_873 : vector<1x16xf32> to vector<16xf32>
        %add3A_875 = arith.addf %get3A_870, %get3A_874 : vector<16xf32>
        %swap3A_876 = arith.index_cast %scan3A_182 : i32 to index
        %swap3A_877 = arith.constant 784 : index
        %swap3A_878 = tpu.vector_load %arg10[%swap3A_876, %swap3A_877] {strides = array<i32>} : memref<16x1024xf32, #tpu.memory_space<vmem>>, vector<1x16xf32>,
        %swap3A_879 = vector.shape_cast %swap3A_878 : vector<1x16xf32> to vector<16xf32>
        %swap3A_880 = vector.shape_cast %add3A_875 : vector<16xf32> to vector<1x16xf32>
        tpu.vector_store %arg10[%swap3A_876, %swap3A_877], %swap3A_880 {strides = array<i32>} : memref<16x1024xf32, #tpu.memory_space<vmem>>, vector<1x16xf32>,
        %get3A_881 = arith.index_cast %scan3A_182 : i32 to index
        %get3A_882 = arith.constant 800 : index
        %get3A_883 = tpu.vector_load %arg10[%get3A_881, %get3A_882] {strides = array<i32>} : memref<16x1024xf32, #tpu.memory_space<vmem>>, vector<1x16xf32>,
        %get3A_884 = vector.shape_cast %get3A_883 : vector<1x16xf32> to vector<16xf32>
        %get3A_885 = arith.index_cast %scan3A_182 : i32 to index
        %get3A_886 = arith.constant 800 : index
        %get3A_887 = tpu.vector_load %arg6[%get3A_885, %get3A_886] {strides = array<i32>} : memref<16x1024xf32, #tpu.memory_space<vmem>>, vector<1x16xf32>,
        %get3A_888 = vector.shape_cast %get3A_887 : vector<1x16xf32> to vector<16xf32>
        %add3A_889 = arith.addf %get3A_884, %get3A_888 : vector<16xf32>
        %swap3A_890 = arith.index_cast %scan3A_182 : i32 to index
        %swap3A_891 = arith.constant 800 : index
        %swap3A_892 = tpu.vector_load %arg10[%swap3A_890, %swap3A_891] {strides = array<i32>} : memref<16x1024xf32, #tpu.memory_space<vmem>>, vector<1x16xf32>,
        %swap3A_893 = vector.shape_cast %swap3A_892 : vector<1x16xf32> to vector<16xf32>
        %swap3A_894 = vector.shape_cast %add3A_889 : vector<16xf32> to vector<1x16xf32>
        tpu.vector_store %arg10[%swap3A_890, %swap3A_891], %swap3A_894 {strides = array<i32>} : memref<16x1024xf32, #tpu.memory_space<vmem>>, vector<1x16xf32>,
        %get3A_895 = arith.index_cast %scan3A_182 : i32 to index
        %get3A_896 = arith.constant 816 : index
        %get3A_897 = tpu.vector_load %arg10[%get3A_895, %get3A_896] {strides = array<i32>} : memref<16x1024xf32, #tpu.memory_space<vmem>>, vector<1x16xf32>,
        %get3A_898 = vector.shape_cast %get3A_897 : vector<1x16xf32> to vector<16xf32>
        %get3A_899 = arith.index_cast %scan3A_182 : i32 to index
        %get3A_900 = arith.constant 816 : index
        %get3A_901 = tpu.vector_load %arg6[%get3A_899, %get3A_900] {strides = array<i32>} : memref<16x1024xf32, #tpu.memory_space<vmem>>, vector<1x16xf32>,
        %get3A_902 = vector.shape_cast %get3A_901 : vector<1x16xf32> to vector<16xf32>
        %add3A_903 = arith.addf %get3A_898, %get3A_902 : vector<16xf32>
        %swap3A_904 = arith.index_cast %scan3A_182 : i32 to index
        %swap3A_905 = arith.constant 816 : index
        %swap3A_906 = tpu.vector_load %arg10[%swap3A_904, %swap3A_905] {strides = array<i32>} : memref<16x1024xf32, #tpu.memory_space<vmem>>, vector<1x16xf32>,
        %swap3A_907 = vector.shape_cast %swap3A_906 : vector<1x16xf32> to vector<16xf32>
        %swap3A_908 = vector.shape_cast %add3A_903 : vector<16xf32> to vector<1x16xf32>
        tpu.vector_store %arg10[%swap3A_904, %swap3A_905], %swap3A_908 {strides = array<i32>} : memref<16x1024xf32, #tpu.memory_space<vmem>>, vector<1x16xf32>,
        %get3A_909 = arith.index_cast %scan3A_182 : i32 to index
        %get3A_910 = arith.constant 832 : index
        %get3A_911 = tpu.vector_load %arg10[%get3A_909, %get3A_910] {strides = array<i32>} : memref<16x1024xf32, #tpu.memory_space<vmem>>, vector<1x16xf32>,
        %get3A_912 = vector.shape_cast %get3A_911 : vector<1x16xf32> to vector<16xf32>
        %get3A_913 = arith.index_cast %scan3A_182 : i32 to index
        %get3A_914 = arith.constant 832 : index
        %get3A_915 = tpu.vector_load %arg6[%get3A_913, %get3A_914] {strides = array<i32>} : memref<16x1024xf32, #tpu.memory_space<vmem>>, vector<1x16xf32>,
        %get3A_916 = vector.shape_cast %get3A_915 : vector<1x16xf32> to vector<16xf32>
        %add3A_917 = arith.addf %get3A_912, %get3A_916 : vector<16xf32>
        %swap3A_918 = arith.index_cast %scan3A_182 : i32 to index
        %swap3A_919 = arith.constant 832 : index
        %swap3A_920 = tpu.vector_load %arg10[%swap3A_918, %swap3A_919] {strides = array<i32>} : memref<16x1024xf32, #tpu.memory_space<vmem>>, vector<1x16xf32>,
        %swap3A_921 = vector.shape_cast %swap3A_920 : vector<1x16xf32> to vector<16xf32>
        %swap3A_922 = vector.shape_cast %add3A_917 : vector<16xf32> to vector<1x16xf32>
        tpu.vector_store %arg10[%swap3A_918, %swap3A_919], %swap3A_922 {strides = array<i32>} : memref<16x1024xf32, #tpu.memory_space<vmem>>, vector<1x16xf32>,
        %get3A_923 = arith.index_cast %scan3A_182 : i32 to index
        %get3A_924 = arith.constant 848 : index
        %get3A_925 = tpu.vector_load %arg10[%get3A_923, %get3A_924] {strides = array<i32>} : memref<16x1024xf32, #tpu.memory_space<vmem>>, vector<1x16xf32>,
        %get3A_926 = vector.shape_cast %get3A_925 : vector<1x16xf32> to vector<16xf32>
        %get3A_927 = arith.index_cast %scan3A_182 : i32 to index
        %get3A_928 = arith.constant 848 : index
        %get3A_929 = tpu.vector_load %arg6[%get3A_927, %get3A_928] {strides = array<i32>} : memref<16x1024xf32, #tpu.memory_space<vmem>>, vector<1x16xf32>,
        %get3A_930 = vector.shape_cast %get3A_929 : vector<1x16xf32> to vector<16xf32>
        %add3A_931 = arith.addf %get3A_926, %get3A_930 : vector<16xf32>
        %swap3A_932 = arith.index_cast %scan3A_182 : i32 to index
        %swap3A_933 = arith.constant 848 : index
        %swap3A_934 = tpu.vector_load %arg10[%swap3A_932, %swap3A_933] {strides = array<i32>} : memref<16x1024xf32, #tpu.memory_space<vmem>>, vector<1x16xf32>,
        %swap3A_935 = vector.shape_cast %swap3A_934 : vector<1x16xf32> to vector<16xf32>
        %swap3A_936 = vector.shape_cast %add3A_931 : vector<16xf32> to vector<1x16xf32>
        tpu.vector_store %arg10[%swap3A_932, %swap3A_933], %swap3A_936 {strides = array<i32>} : memref<16x1024xf32, #tpu.memory_space<vmem>>, vector<1x16xf32>,
        %get3A_937 = arith.index_cast %scan3A_182 : i32 to index
        %get3A_938 = arith.constant 864 : index
        %get3A_939 = tpu.vector_load %arg10[%get3A_937, %get3A_938] {strides = array<i32>} : memref<16x1024xf32, #tpu.memory_space<vmem>>, vector<1x16xf32>,
        %get3A_940 = vector.shape_cast %get3A_939 : vector<1x16xf32> to vector<16xf32>
        %get3A_941 = arith.index_cast %scan3A_182 : i32 to index
        %get3A_942 = arith.constant 864 : index
        %get3A_943 = tpu.vector_load %arg6[%get3A_941, %get3A_942] {strides = array<i32>} : memref<16x1024xf32, #tpu.memory_space<vmem>>, vector<1x16xf32>,
        %get3A_944 = vector.shape_cast %get3A_943 : vector<1x16xf32> to vector<16xf32>
        %add3A_945 = arith.addf %get3A_940, %get3A_944 : vector<16xf32>
        %swap3A_946 = arith.index_cast %scan3A_182 : i32 to index
        %swap3A_947 = arith.constant 864 : index
        %swap3A_948 = tpu.vector_load %arg10[%swap3A_946, %swap3A_947] {strides = array<i32>} : memref<16x1024xf32, #tpu.memory_space<vmem>>, vector<1x16xf32>,
        %swap3A_949 = vector.shape_cast %swap3A_948 : vector<1x16xf32> to vector<16xf32>
        %swap3A_950 = vector.shape_cast %add3A_945 : vector<16xf32> to vector<1x16xf32>
        tpu.vector_store %arg10[%swap3A_946, %swap3A_947], %swap3A_950 {strides = array<i32>} : memref<16x1024xf32, #tpu.memory_space<vmem>>, vector<1x16xf32>,
        %get3A_951 = arith.index_cast %scan3A_182 : i32 to index
        %get3A_952 = arith.constant 880 : index
        %get3A_953 = tpu.vector_load %arg10[%get3A_951, %get3A_952] {strides = array<i32>} : memref<16x1024xf32, #tpu.memory_space<vmem>>, vector<1x16xf32>,
        %get3A_954 = vector.shape_cast %get3A_953 : vector<1x16xf32> to vector<16xf32>
        %get3A_955 = arith.index_cast %scan3A_182 : i32 to index
        %get3A_956 = arith.constant 880 : index
        %get3A_957 = tpu.vector_load %arg6[%get3A_955, %get3A_956] {strides = array<i32>} : memref<16x1024xf32, #tpu.memory_space<vmem>>, vector<1x16xf32>,
        %get3A_958 = vector.shape_cast %get3A_957 : vector<1x16xf32> to vector<16xf32>
        %add3A_959 = arith.addf %get3A_954, %get3A_958 : vector<16xf32>
        %swap3A_960 = arith.index_cast %scan3A_182 : i32 to index
        %swap3A_961 = arith.constant 880 : index
        %swap3A_962 = tpu.vector_load %arg10[%swap3A_960, %swap3A_961] {strides = array<i32>} : memref<16x1024xf32, #tpu.memory_space<vmem>>, vector<1x16xf32>,
        %swap3A_963 = vector.shape_cast %swap3A_962 : vector<1x16xf32> to vector<16xf32>
        %swap3A_964 = vector.shape_cast %add3A_959 : vector<16xf32> to vector<1x16xf32>
        tpu.vector_store %arg10[%swap3A_960, %swap3A_961], %swap3A_964 {strides = array<i32>} : memref<16x1024xf32, #tpu.memory_space<vmem>>, vector<1x16xf32>,
        %get3A_965 = arith.index_cast %scan3A_182 : i32 to index
        %get3A_966 = arith.constant 896 : index
        %get3A_967 = tpu.vector_load %arg10[%get3A_965, %get3A_966] {strides = array<i32>} : memref<16x1024xf32, #tpu.memory_space<vmem>>, vector<1x16xf32>,
        %get3A_968 = vector.shape_cast %get3A_967 : vector<1x16xf32> to vector<16xf32>
        %get3A_969 = arith.index_cast %scan3A_182 : i32 to index
        %get3A_970 = arith.constant 896 : index
        %get3A_971 = tpu.vector_load %arg6[%get3A_969, %get3A_970] {strides = array<i32>} : memref<16x1024xf32, #tpu.memory_space<vmem>>, vector<1x16xf32>,
        %get3A_972 = vector.shape_cast %get3A_971 : vector<1x16xf32> to vector<16xf32>
        %add3A_973 = arith.addf %get3A_968, %get3A_972 : vector<16xf32>
        %swap3A_974 = arith.index_cast %scan3A_182 : i32 to index
        %swap3A_975 = arith.constant 896 : index
        %swap3A_976 = tpu.vector_load %arg10[%swap3A_974, %swap3A_975] {strides = array<i32>} : memref<16x1024xf32, #tpu.memory_space<vmem>>, vector<1x16xf32>,
        %swap3A_977 = vector.shape_cast %swap3A_976 : vector<1x16xf32> to vector<16xf32>
        %swap3A_978 = vector.shape_cast %add3A_973 : vector<16xf32> to vector<1x16xf32>
        tpu.vector_store %arg10[%swap3A_974, %swap3A_975], %swap3A_978 {strides = array<i32>} : memref<16x1024xf32, #tpu.memory_space<vmem>>, vector<1x16xf32>,
        %get3A_979 = arith.index_cast %scan3A_182 : i32 to index
        %get3A_980 = arith.constant 912 : index
        %get3A_981 = tpu.vector_load %arg10[%get3A_979, %get3A_980] {strides = array<i32>} : memref<16x1024xf32, #tpu.memory_space<vmem>>, vector<1x16xf32>,
        %get3A_982 = vector.shape_cast %get3A_981 : vector<1x16xf32> to vector<16xf32>
        %get3A_983 = arith.index_cast %scan3A_182 : i32 to index
        %get3A_984 = arith.constant 912 : index
        %get3A_985 = tpu.vector_load %arg6[%get3A_983, %get3A_984] {strides = array<i32>} : memref<16x1024xf32, #tpu.memory_space<vmem>>, vector<1x16xf32>,
        %get3A_986 = vector.shape_cast %get3A_985 : vector<1x16xf32> to vector<16xf32>
        %add3A_987 = arith.addf %get3A_982, %get3A_986 : vector<16xf32>
        %swap3A_988 = arith.index_cast %scan3A_182 : i32 to index
        %swap3A_989 = arith.constant 912 : index
        %swap3A_990 = tpu.vector_load %arg10[%swap3A_988, %swap3A_989] {strides = array<i32>} : memref<16x1024xf32, #tpu.memory_space<vmem>>, vector<1x16xf32>,
        %swap3A_991 = vector.shape_cast %swap3A_990 : vector<1x16xf32> to vector<16xf32>
        %swap3A_992 = vector.shape_cast %add3A_987 : vector<16xf32> to vector<1x16xf32>
        tpu.vector_store %arg10[%swap3A_988, %swap3A_989], %swap3A_992 {strides = array<i32>} : memref<16x1024xf32, #tpu.memory_space<vmem>>, vector<1x16xf32>,
        %get3A_993 = arith.index_cast %scan3A_182 : i32 to index
        %get3A_994 = arith.constant 928 : index
        %get3A_995 = tpu.vector_load %arg10[%get3A_993, %get3A_994] {strides = array<i32>} : memref<16x1024xf32, #tpu.memory_space<vmem>>, vector<1x16xf32>,
        %get3A_996 = vector.shape_cast %get3A_995 : vector<1x16xf32> to vector<16xf32>
        %get3A_997 = arith.index_cast %scan3A_182 : i32 to index
        %get3A_998 = arith.constant 928 : index
        %get3A_999 = tpu.vector_load %arg6[%get3A_997, %get3A_998] {strides = array<i32>} : memref<16x1024xf32, #tpu.memory_space<vmem>>, vector<1x16xf32>,
        %get3A_1000 = vector.shape_cast %get3A_999 : vector<1x16xf32> to vector<16xf32>
        %add3A_1001 = arith.addf %get3A_996, %get3A_1000 : vector<16xf32>
        %swap3A_1002 = arith.index_cast %scan3A_182 : i32 to index
        %swap3A_1003 = arith.constant 928 : index
        %swap3A_1004 = tpu.vector_load %arg10[%swap3A_1002, %swap3A_1003] {strides = array<i32>} : memref<16x1024xf32, #tpu.memory_space<vmem>>, vector<1x16xf32>,
        %swap3A_1005 = vector.shape_cast %swap3A_1004 : vector<1x16xf32> to vector<16xf32>
        %swap3A_1006 = vector.shape_cast %add3A_1001 : vector<16xf32> to vector<1x16xf32>
        tpu.vector_store %arg10[%swap3A_1002, %swap3A_1003], %swap3A_1006 {strides = array<i32>} : memref<16x1024xf32, #tpu.memory_space<vmem>>, vector<1x16xf32>,
        %get3A_1007 = arith.index_cast %scan3A_182 : i32 to index
        %get3A_1008 = arith.constant 944 : index
        %get3A_1009 = tpu.vector_load %arg10[%get3A_1007, %get3A_1008] {strides = array<i32>} : memref<16x1024xf32, #tpu.memory_space<vmem>>, vector<1x16xf32>,
        %get3A_1010 = vector.shape_cast %get3A_1009 : vector<1x16xf32> to vector<16xf32>
        %get3A_1011 = arith.index_cast %scan3A_182 : i32 to index
        %get3A_1012 = arith.constant 944 : index
        %get3A_1013 = tpu.vector_load %arg6[%get3A_1011, %get3A_1012] {strides = array<i32>} : memref<16x1024xf32, #tpu.memory_space<vmem>>, vector<1x16xf32>,
        %get3A_1014 = vector.shape_cast %get3A_1013 : vector<1x16xf32> to vector<16xf32>
        %add3A_1015 = arith.addf %get3A_1010, %get3A_1014 : vector<16xf32>
        %swap3A_1016 = arith.index_cast %scan3A_182 : i32 to index
        %swap3A_1017 = arith.constant 944 : index
        %swap3A_1018 = tpu.vector_load %arg10[%swap3A_1016, %swap3A_1017] {strides = array<i32>} : memref<16x1024xf32, #tpu.memory_space<vmem>>, vector<1x16xf32>,
        %swap3A_1019 = vector.shape_cast %swap3A_1018 : vector<1x16xf32> to vector<16xf32>
        %swap3A_1020 = vector.shape_cast %add3A_1015 : vector<16xf32> to vector<1x16xf32>
        tpu.vector_store %arg10[%swap3A_1016, %swap3A_1017], %swap3A_1020 {strides = array<i32>} : memref<16x1024xf32, #tpu.memory_space<vmem>>, vector<1x16xf32>,
        %get3A_1021 = arith.index_cast %scan3A_182 : i32 to index
        %get3A_1022 = arith.constant 960 : index
        %get3A_1023 = tpu.vector_load %arg10[%get3A_1021, %get3A_1022] {strides = array<i32>} : memref<16x1024xf32, #tpu.memory_space<vmem>>, vector<1x16xf32>,
        %get3A_1024 = vector.shape_cast %get3A_1023 : vector<1x16xf32> to vector<16xf32>
        %get3A_1025 = arith.index_cast %scan3A_182 : i32 to index
        %get3A_1026 = arith.constant 960 : index
        %get3A_1027 = tpu.vector_load %arg6[%get3A_1025, %get3A_1026] {strides = array<i32>} : memref<16x1024xf32, #tpu.memory_space<vmem>>, vector<1x16xf32>,
        %get3A_1028 = vector.shape_cast %get3A_1027 : vector<1x16xf32> to vector<16xf32>
        %add3A_1029 = arith.addf %get3A_1024, %get3A_1028 : vector<16xf32>
        %swap3A_1030 = arith.index_cast %scan3A_182 : i32 to index
        %swap3A_1031 = arith.constant 960 : index
        %swap3A_1032 = tpu.vector_load %arg10[%swap3A_1030, %swap3A_1031] {strides = array<i32>} : memref<16x1024xf32, #tpu.memory_space<vmem>>, vector<1x16xf32>,
        %swap3A_1033 = vector.shape_cast %swap3A_1032 : vector<1x16xf32> to vector<16xf32>
        %swap3A_1034 = vector.shape_cast %add3A_1029 : vector<16xf32> to vector<1x16xf32>
        tpu.vector_store %arg10[%swap3A_1030, %swap3A_1031], %swap3A_1034 {strides = array<i32>} : memref<16x1024xf32, #tpu.memory_space<vmem>>, vector<1x16xf32>,
        %get3A_1035 = arith.index_cast %scan3A_182 : i32 to index
        %get3A_1036 = arith.constant 976 : index
        %get3A_1037 = tpu.vector_load %arg10[%get3A_1035, %get3A_1036] {strides = array<i32>} : memref<16x1024xf32, #tpu.memory_space<vmem>>, vector<1x16xf32>,
        %get3A_1038 = vector.shape_cast %get3A_1037 : vector<1x16xf32> to vector<16xf32>
        %get3A_1039 = arith.index_cast %scan3A_182 : i32 to index
        %get3A_1040 = arith.constant 976 : index
        %get3A_1041 = tpu.vector_load %arg6[%get3A_1039, %get3A_1040] {strides = array<i32>} : memref<16x1024xf32, #tpu.memory_space<vmem>>, vector<1x16xf32>,
        %get3A_1042 = vector.shape_cast %get3A_1041 : vector<1x16xf32> to vector<16xf32>
        %add3A_1043 = arith.addf %get3A_1038, %get3A_1042 : vector<16xf32>
        %swap3A_1044 = arith.index_cast %scan3A_182 : i32 to index
        %swap3A_1045 = arith.constant 976 : index
        %swap3A_1046 = tpu.vector_load %arg10[%swap3A_1044, %swap3A_1045] {strides = array<i32>} : memref<16x1024xf32, #tpu.memory_space<vmem>>, vector<1x16xf32>,
        %swap3A_1047 = vector.shape_cast %swap3A_1046 : vector<1x16xf32> to vector<16xf32>
        %swap3A_1048 = vector.shape_cast %add3A_1043 : vector<16xf32> to vector<1x16xf32>
        tpu.vector_store %arg10[%swap3A_1044, %swap3A_1045], %swap3A_1048 {strides = array<i32>} : memref<16x1024xf32, #tpu.memory_space<vmem>>, vector<1x16xf32>,
        %get3A_1049 = arith.index_cast %scan3A_182 : i32 to index
        %get3A_1050 = arith.constant 992 : index
        %get3A_1051 = tpu.vector_load %arg10[%get3A_1049, %get3A_1050] {strides = array<i32>} : memref<16x1024xf32, #tpu.memory_space<vmem>>, vector<1x16xf32>,
        %get3A_1052 = vector.shape_cast %get3A_1051 : vector<1x16xf32> to vector<16xf32>
        %get3A_1053 = arith.index_cast %scan3A_182 : i32 to index
        %get3A_1054 = arith.constant 992 : index
        %get3A_1055 = tpu.vector_load %arg6[%get3A_1053, %get3A_1054] {strides = array<i32>} : memref<16x1024xf32, #tpu.memory_space<vmem>>, vector<1x16xf32>,
        %get3A_1056 = vector.shape_cast %get3A_1055 : vector<1x16xf32> to vector<16xf32>
        %add3A_1057 = arith.addf %get3A_1052, %get3A_1056 : vector<16xf32>
        %swap3A_1058 = arith.index_cast %scan3A_182 : i32 to index
        %swap3A_1059 = arith.constant 992 : index
        %swap3A_1060 = tpu.vector_load %arg10[%swap3A_1058, %swap3A_1059] {strides = array<i32>} : memref<16x1024xf32, #tpu.memory_space<vmem>>, vector<1x16xf32>,
        %swap3A_1061 = vector.shape_cast %swap3A_1060 : vector<1x16xf32> to vector<16xf32>
        %swap3A_1062 = vector.shape_cast %add3A_1057 : vector<16xf32> to vector<1x16xf32>
        tpu.vector_store %arg10[%swap3A_1058, %swap3A_1059], %swap3A_1062 {strides = array<i32>} : memref<16x1024xf32, #tpu.memory_space<vmem>>, vector<1x16xf32>,
        %get3A_1063 = arith.index_cast %scan3A_182 : i32 to index
        %get3A_1064 = arith.constant 1008 : index
        %get3A_1065 = tpu.vector_load %arg10[%get3A_1063, %get3A_1064] {strides = array<i32>} : memref<16x1024xf32, #tpu.memory_space<vmem>>, vector<1x16xf32>,
        %get3A_1066 = vector.shape_cast %get3A_1065 : vector<1x16xf32> to vector<16xf32>
        %get3A_1067 = arith.index_cast %scan3A_182 : i32 to index
        %get3A_1068 = arith.constant 1008 : index
        %get3A_1069 = tpu.vector_load %arg6[%get3A_1067, %get3A_1068] {strides = array<i32>} : memref<16x1024xf32, #tpu.memory_space<vmem>>, vector<1x16xf32>,
        %get3A_1070 = vector.shape_cast %get3A_1069 : vector<1x16xf32> to vector<16xf32>
        %add3A_1071 = arith.addf %get3A_1066, %get3A_1070 : vector<16xf32>
        %swap3A_1072 = arith.index_cast %scan3A_182 : i32 to index
        %swap3A_1073 = arith.constant 1008 : index
        %swap3A_1074 = tpu.vector_load %arg10[%swap3A_1072, %swap3A_1073] {strides = array<i32>} : memref<16x1024xf32, #tpu.memory_space<vmem>>, vector<1x16xf32>,
        %swap3A_1075 = vector.shape_cast %swap3A_1074 : vector<1x16xf32> to vector<16xf32>
        %swap3A_1076 = vector.shape_cast %add3A_1071 : vector<16xf32> to vector<1x16xf32>
        tpu.vector_store %arg10[%swap3A_1072, %swap3A_1073], %swap3A_1076 {strides = array<i32>} : memref<16x1024xf32, #tpu.memory_space<vmem>>, vector<1x16xf32>,
      }
      %scan3A_146 = arith.constant 16 : i32
      %dma_start3A_147 = arith.constant 3 : i32
      %dma_start3A_148 = arith.constant 0 : i32
      %dma_start3A_149 = tpu.memref_slice %arg4[%dma_start3A_147, %select_n3A, %add3A_41, %dma_start3A_148] : memref<4x12x1024x1024xf32, #tpu.memory_space<hbm>> -> memref<1x1x16x1024xf32, #tpu.memory_space<hbm>>
      %dma_start3A_150 = tpu.memref_squeeze %dma_start3A_149 : memref<1x1x16x1024xf32, #tpu.memory_space<hbm>> -> memref<16x1024xf32, #tpu.memory_space<hbm>>
      %dma_start3A_151 = arith.constant 0 : i32
      %dma_start3A_152 = tpu.memref_slice %arg4[%dma_start3A_147, %select_n3A, %add3A_41, %dma_start3A_151] : memref<4x12x1024x1024xf32, #tpu.memory_space<hbm>> -> memref<1x1x16x1024xf32, #tpu.memory_space<hbm>>
      %dma_start3A_153 = tpu.memref_squeeze %dma_start3A_152 : memref<1x1x16x1024xf32, #tpu.memory_space<hbm>> -> memref<16x1024xf32, #tpu.memory_space<hbm>>
      tpu.enqueue_dma source(%arg10 : memref<16x1024xf32, #tpu.memory_space<vmem>>) target(%dma_start3A_153 : memref<16x1024xf32, #tpu.memory_space<hbm>>) target_semaphore(%arg18 : memref<!tpu.dma_semaphore, #tpu.memory_space<semaphore_mem>>)
      %dma_wait3A_154 = arith.constant 0 : i32
      %dma_wait3A_155 = arith.constant 0 : i32
      %dma_wait3A_156 = tpu.memref_slice %arg4[%dma_wait3A_154, %select_n3A, %add3A_41, %dma_wait3A_155] : memref<4x12x1024x1024xf32, #tpu.memory_space<hbm>> -> memref<1x1x16x1024xf32, #tpu.memory_space<hbm>>
      %dma_wait3A_157 = tpu.memref_squeeze %dma_wait3A_156 : memref<1x1x16x1024xf32, #tpu.memory_space<hbm>> -> memref<16x1024xf32, #tpu.memory_space<hbm>>
      %dma_wait3A_158 = arith.constant 0 : i32
      %dma_wait3A_159 = tpu.memref_slice %arg4[%dma_wait3A_154, %select_n3A, %add3A_41, %dma_wait3A_158] : memref<4x12x1024x1024xf32, #tpu.memory_space<hbm>> -> memref<1x1x16x1024xf32, #tpu.memory_space<hbm>>
      %dma_wait3A_160 = tpu.memref_squeeze %dma_wait3A_159 : memref<1x1x16x1024xf32, #tpu.memory_space<hbm>> -> memref<16x1024xf32, #tpu.memory_space<hbm>>
      tpu.wait_dma2 semaphore(%arg15 : memref<!tpu.dma_semaphore, #tpu.memory_space<semaphore_mem>>) src(%arg7 : memref<16x1024xf32, #tpu.memory_space<vmem>>) dst(%dma_wait3A_160 : memref<16x1024xf32, #tpu.memory_space<hbm>>)
      %dma_wait3A_161 = arith.constant 1 : i32
      %dma_wait3A_162 = arith.constant 0 : i32
      %dma_wait3A_163 = tpu.memref_slice %arg4[%dma_wait3A_161, %select_n3A, %add3A_41, %dma_wait3A_162] : memref<4x12x1024x1024xf32, #tpu.memory_space<hbm>> -> memref<1x1x16x1024xf32, #tpu.memory_space<hbm>>
      %dma_wait3A_164 = tpu.memref_squeeze %dma_wait3A_163 : memref<1x1x16x1024xf32, #tpu.memory_space<hbm>> -> memref<16x1024xf32, #tpu.memory_space<hbm>>
      %dma_wait3A_165 = arith.constant 0 : i32
      %dma_wait3A_166 = tpu.memref_slice %arg4[%dma_wait3A_161, %select_n3A, %add3A_41, %dma_wait3A_165] : memref<4x12x1024x1024xf32, #tpu.memory_space<hbm>> -> memref<1x1x16x1024xf32, #tpu.memory_space<hbm>>
      %dma_wait3A_167 = tpu.memref_squeeze %dma_wait3A_166 : memref<1x1x16x1024xf32, #tpu.memory_space<hbm>> -> memref<16x1024xf32, #tpu.memory_space<hbm>>
      tpu.wait_dma2 semaphore(%arg16 : memref<!tpu.dma_semaphore, #tpu.memory_space<semaphore_mem>>) src(%arg8 : memref<16x1024xf32, #tpu.memory_space<vmem>>) dst(%dma_wait3A_167 : memref<16x1024xf32, #tpu.memory_space<hbm>>)
      %dma_wait3A_168 = arith.constant 2 : i32
      %dma_wait3A_169 = arith.constant 0 : i32
      %dma_wait3A_170 = tpu.memref_slice %arg4[%dma_wait3A_168, %select_n3A, %add3A_41, %dma_wait3A_169] : memref<4x12x1024x1024xf32, #tpu.memory_space<hbm>> -> memref<1x1x16x1024xf32, #tpu.memory_space<hbm>>
      %dma_wait3A_171 = tpu.memref_squeeze %dma_wait3A_170 : memref<1x1x16x1024xf32, #tpu.memory_space<hbm>> -> memref<16x1024xf32, #tpu.memory_space<hbm>>
      %dma_wait3A_172 = arith.constant 0 : i32
      %dma_wait3A_173 = tpu.memref_slice %arg4[%dma_wait3A_168, %select_n3A, %add3A_41, %dma_wait3A_172] : memref<4x12x1024x1024xf32, #tpu.memory_space<hbm>> -> memref<1x1x16x1024xf32, #tpu.memory_space<hbm>>
      %dma_wait3A_174 = tpu.memref_squeeze %dma_wait3A_173 : memref<1x1x16x1024xf32, #tpu.memory_space<hbm>> -> memref<16x1024xf32, #tpu.memory_space<hbm>>
      tpu.wait_dma2 semaphore(%arg17 : memref<!tpu.dma_semaphore, #tpu.memory_space<semaphore_mem>>) src(%arg9 : memref<16x1024xf32, #tpu.memory_space<vmem>>) dst(%dma_wait3A_174 : memref<16x1024xf32, #tpu.memory_space<hbm>>)
      %dma_wait3A_175 = arith.constant 3 : i32
      %dma_wait3A_176 = arith.constant 0 : i32
      %dma_wait3A_177 = tpu.memref_slice %arg4[%dma_wait3A_175, %select_n3A, %add3A_41, %dma_wait3A_176] : memref<4x12x1024x1024xf32, #tpu.memory_space<hbm>> -> memref<1x1x16x1024xf32, #tpu.memory_space<hbm>>
      %dma_wait3A_178 = tpu.memref_squeeze %dma_wait3A_177 : memref<1x1x16x1024xf32, #tpu.memory_space<hbm>> -> memref<16x1024xf32, #tpu.memory_space<hbm>>
      %dma_wait3A_179 = arith.constant 0 : i32
      %dma_wait3A_180 = tpu.memref_slice %arg4[%dma_wait3A_175, %select_n3A, %add3A_41, %dma_wait3A_179] : memref<4x12x1024x1024xf32, #tpu.memory_space<hbm>> -> memref<1x1x16x1024xf32, #tpu.memory_space<hbm>>
      %dma_wait3A_181 = tpu.memref_squeeze %dma_wait3A_180 : memref<1x1x16x1024xf32, #tpu.memory_space<hbm>> -> memref<16x1024xf32, #tpu.memory_space<hbm>>
      tpu.wait_dma2 semaphore(%arg18 : memref<!tpu.dma_semaphore, #tpu.memory_space<semaphore_mem>>) src(%arg10 : memref<16x1024xf32, #tpu.memory_space<vmem>>) dst(%dma_wait3A_181 : memref<16x1024xf32, #tpu.memory_space<hbm>>)
    }
    %scan3A_5 = arith.constant 24 : i32
    return
  }
}

</mosaic_0001>

<sc_bundles>
// kernel: kernel.3.cloned.1.call-start
scs
__scs_entry_jumppad:
0x0: {  	(pc) =	sbr.rel $0x88, $3  }
0x1: {  	(tag) =	ssettag $0x0;
	lr =	simm.s32 $0x1  }
0x2: {  	[smem:$0x3F9F] =	sst lr;
	_ =	strace $0xD0000000  }
0x3: {  	_ = 	snop  }
0x4: {  	_ = 	snop  }
0x5: {  	_ = 	snop  }
0x6: {  	_ = 	snop  }
0x7: {  	_ = 	snop  }
__scs_overlays_trampoline_lowered:
0x8: {  	[smem:$0x3FAE] =	sst s0  }
0x9: {  	[smem:$0x3FAF] =	sst s1  }
0xa: {  	[smem:$0x3FB0] =	sst s2  }
0xb: {  	[smem:$0x3FB1] =	sst s3  }
0xc: {  	[smem:$0x3FB2] =	sst s4  }
0xd: {  	[smem:$0x3FB3] =	sst s5  }
0xe: {  	[smem:$0x3FB4] =	sst s6  }
0xf: {  	[smem:$0x3FB5] =	sst s7  }
0x10: {  	[smem:$0x3FB6] =	sst s8  }
0x11: {  	[smem:$0x3FB7] =	sst s9;
	s0 =	simm.s32 @!p0 $0x0  }
0x12: {  	s1 =	sld [smem:$0x3F9D];
	s0 =	simm.s32 @p0 $0x1  }
0x13: {  	[smem:$0x3FB8] =	sst s0;
	s0 =	simm.s32 @!p1 $0x0  }
0x14: {  	s2 =	sld [smem:$0x3F9C];
	s0 =	simm.s32 @p1 $0x1  }
0x15: {  	[smem:$0x3FB9] =	sst s0;
	s0 =	simm.s32 @!p2 $0x0  }
0x16: {  	s3 =	sld [smem:$0x3FDB];
	s0 =	simm.s32 @p2 $0x1  }
0x17: {  	s4 =	simm.s32 $0x1BF5;
	[smem:$0x3FBB] =	sst s0  }
0x18: {  	s0 =	sld [smem:$0x3F9E];
	_ =	swait.ge [sflag:s4], $0x0  }
0x19: {  	s7 =	sld [smem:$0x3F9F]  }
0x1a: {  	s8 =	sadd.s32 $0xFFFFE003, lr  }
0x1b: {  	s9 =	sadd.s32 $0xFFFFFEF7, lr;
	s5 =	simm.s32 $0xFFFFFFFF;
	p2 =	slt.u32 s8, $0xFFFFF086  }
0x1c: {  	p1 =	slt.u32 s9, $0xF7A;
	s5 =	simm.s32 @!p2 $0x0  }
0x1d: {  	s5 =	simm.s32 @p1 $0x1;
	p0 =	seq.s32 s7, s2  }
0x1e: {  	s7 =	smul.u32 @!p0 $0xF7A, s2;
	p2 =	seq.s32 @!p0 s5, $0x0  }
0x1f: {  	s9 =	smul.u32 $0xF7A, s1;
	s8 =	simm.s32 @!p0 $0x1BF5;
	p2 =	por !p2, p0  }
0x20: {  	[sflag:s8] =	ssyncset.s32 @!p0 $0xFFFFF086;
	s6 =	sadd.s32 @!p0 s3, s7;
	s7 =	simm.s32 @!p0 $0x108  }
0x21: {  	s3 =	sadd.s32 s3, s9;
	s6 =	sadd.s32 @!p0 $0x88, s6;
	s7 =	simm.s32 @p2 $0x1082  }
0x22: {  	[simem:s7], [sflag:s8] =	dma.local @!p0 [hbm:s6], $0xF7A  }
0x23: {  	s9 =	sor.u32 $0xD0000000, s2;
	s6 =	simm.s32 $0x108;
	_ =	swait.ge @!p0 [sflag:s8], $0x0  }
0x24: {  	s3 =	sadd.s32 $0x88, s3;
	s6 =	simm.s32 @!p1 $0x1082;
	[sflag:s4] =	ssyncset.s32 $0xFFFFF086  }
0x25: {  	[simem:s6], [sflag:s4] =	dma.local [hbm:s3], $0xF7A  }
0x26: {  	[smem:$0x3F9F] =	sst s1;
	(tag) =	ssettag s2;
	_ =	strace s9  }
0x27: {  	s1 =	sld [smem:$0x3FAF]  }
0x28: {  	s2 =	sld [smem:$0x3FB0]  }
0x29: {  	s4 =	sld [smem:$0x3FB2]  }
0x2a: {  	p0 =	seq.s32 s5, $0x0;
	s5 =	sld [smem:$0x3FB3]  }
0x2b: {  	s6 =	sld [smem:$0x3FB4]  }
0x2c: {  	s7 =	sld [smem:$0x3FB5]  }
0x2d: {  	s3 =	simm.s32 $0x108;
	s8 =	sld [smem:$0x3FB6]  }
0x2e: {  	s3 =	simm.s32 @!p0 $0x1082;
	s9 =	sld [smem:$0x3FB7]  }
0x2f: {  	lr =	sadd.s32 s0, s3;
	s0 =	sld [smem:$0x3FAE]  }
0x30: {  	s3 =	sld [smem:$0x3FB1]  }
0x31: {  	[smem:$0x3FBA] =	sst s10  }
0x32: {  	s10 =	sld [smem:$0x3FB8];
	_ =	sdelay $0x3  }
0x33: {  	p0 =	seq.s32 s10, $0x1;
	s10 =	sld [smem:$0x3FBA];
	_ =	sdelay $0x3  }
0x34: {  	[smem:$0x3FBA] =	sst s10  }
0x35: {  	s10 =	sld [smem:$0x3FB9];
	_ =	sdelay $0x3  }
0x36: {  	p1 =	seq.s32 s10, $0x1;
	s10 =	sld [smem:$0x3FBA];
	_ =	sdelay $0x3  }
0x37: {  	[smem:$0x3FBA] =	sst s10  }
0x38: {  	s10 =	sld [smem:$0x3FBB]  }
0x39: {  	_ = 	snop;
	(pc) =	sbr.ind lr, $3  }
0x3a: {  	_ = 	snop  }
0x3b: {  	_ = 	snop  }
0x3c: {  	p2 =	seq.s32 s10, $0x1;
	s10 =	sld [smem:$0x3FBA]  }
0x3d: {  	_ =	shalt  }
0x3e: {  	_ =	shalt  }
0x3f: {  	_ =	shalt  }
0x40: {  	_ =	shalt  }
0x41: {  	_ =	shalt  }
0x42: {  	_ =	shalt  }
0x43: {  	_ =	shalt  }
0x44: {  	_ =	shalt  }
0x45: {  	_ =	shalt  }
0x46: {  	_ =	shalt  }
0x47: {  	_ =	shalt  }
0x48: {  	_ =	shalt  }
0x49: {  	_ =	shalt  }
0x4a: {  	_ =	shalt  }
0x4b: {  	_ =	shalt  }
0x4c: {  	_ =	shalt  }
0x4d: {  	_ =	shalt  }
0x4e: {  	_ =	shalt  }
0x4f: {  	_ =	shalt  }
0x50: {  	_ =	shalt  }
0x51: {  	_ =	shalt  }
0x52: {  	_ =	shalt  }
0x53: {  	_ =	shalt  }
0x54: {  	_ =	shalt  }
0x55: {  	_ =	shalt  }
0x56: {  	_ =	shalt  }
0x57: {  	_ =	shalt  }
0x58: {  	_ =	shalt  }
0x59: {  	_ =	shalt  }
0x5a: {  	_ =	shalt  }
0x5b: {  	_ =	shalt  }
0x5c: {  	_ =	shalt  }
0x5d: {  	_ =	shalt  }
0x5e: {  	_ =	shalt  }
0x5f: {  	_ =	shalt  }
0x60: {  	_ =	shalt  }
0x61: {  	_ =	shalt  }
0x62: {  	_ =	shalt  }
0x63: {  	_ =	shalt  }
0x64: {  	_ =	shalt  }
0x65: {  	_ =	shalt  }
0x66: {  	_ =	shalt  }
0x67: {  	_ =	shalt  }
0x68: {  	_ =	shalt  }
0x69: {  	_ =	shalt  }
0x6a: {  	_ =	shalt  }
0x6b: {  	_ =	shalt  }
0x6c: {  	_ =	shalt  }
0x6d: {  	_ =	shalt  }
0x6e: {  	_ =	shalt  }
0x6f: {  	_ =	shalt  }
0x70: {  	_ =	shalt  }
0x71: {  	_ =	shalt  }
0x72: {  	_ =	shalt  }
0x73: {  	_ =	shalt  }
0x74: {  	_ =	shalt  }
0x75: {  	_ =	shalt  }
0x76: {  	_ =	shalt  }
0x77: {  	_ =	shalt  }
0x78: {  	_ =	shalt  }
0x79: {  	_ =	shalt  }
0x7a: {  	_ =	shalt  }
0x7b: {  	_ =	shalt  }
0x7c: {  	_ =	shalt  }
0x7d: {  	_ =	shalt  }
0x7e: {  	_ =	shalt  }
0x7f: {  	_ =	shalt  }
0x80: {  	_ =	shalt  }
0x81: {  	_ =	shalt  }
0x82: {  	_ =	shalt  }
0x83: {  	_ =	shalt  }
0x84: {  	_ =	shalt  }
0x85: {  	_ =	shalt  }
0x86: {  	_ =	shalt  }
0x87: {  	_ =	shalt  }
.Lfunc_end0:
.L_simem_size_0:
called_computation_lowered:
.L_overlay_start_0:
0x88: {  	s2 =	sld [smem:$0x3FD9]  }
0x89: {  	s3 =	sld [smem:$0x3FFE];
	_ =	sdelay $0x1  }
0x8a: {  	s1 =	srdreg.scid  }
0x8b: {  	s0 =	sand.u32 $0x1, s1  }
0x8c: {  	s17 =	sshll.u32 s0, $0xA;
	s2 =	sadd.s32 s3, s2  }
0x8d: {  	s2 =	sadd.s32 s2, s17  }
0x8e: {  	[smem:$0x3FC6] =	sst s2  }
0x8f: {  	_ = 	snop  }
0x90: {  	s2 =	sld [smem:$0x3FC9]  }
0x91: {  	s18 =	sld [smem:$0x3FD0];
	(tm) =	ssettm $0x1  }
0x92: {  	s4 =	sld [smem:$0x3FFB];
	_ =	sdelay $0x3  }
0x93: {  	_ =	strace s4  }
0x94: {  	s4 =	sld [smem:$0x3FFC];
	_ =	sdelay $0x3  }
0x95: {  	_ =	strace s4  }
0x96: {  	s4 =	sld [smem:$0x3FFD];
	_ =	sdelay $0x3  }
0x97: {  	_ =	strace s4  }
0x98: {  	_ =	strace $0x8FFFFFFF  }
0x99: {  	s19 =	sld [smem:$0x3FDB];
	_ =	sdelay $0x1  }
0x9a: {  	s5 =	simm.s32 $_scs_section_size  }
0x9b: {  	s6 =	simm.s32 $_size__tile_overlayer_lowered;
	s7 =	simm.s32 $_tile_overlayer_lowered  }
0x9c: {  	s22 =	simm.s32 $0x1BFF;
	s21 =	sshll.u32 s7, $0x1;
	s4 =	sadd.s32 s5, s19  }
0x9d: {  	s8 =	simm.s32 $0x0;
	s20 =	sshll.u32 s6, $0x1;
	s6 =	sadd.s32 s21, s4  }
0x9e: {  	[timem:s8], [sflag:s22] =	dma.local [hbm:s6], s20  }
0x9f: {  	_ =	swait.ge [sflag:s22], s20  }
0xa0: {  	s5 =	ssub.s32 $0x0, s20;
	[sflag:s22] =	ssyncset.done $0x0  }
0xa1: {  	[sflag:s22] =	ssyncadd.s32 s5;
	_ =	sdelay $0x1  }
0xa2: {  	s23 =	simm.s32 $0x1B8B  }
0xa3: {  	_ =	swait.ge [sflag:s23], $0x1  }
0xa4: {  	[sflag:s23] =	ssyncset.done $0x0  }
0xa5: {  	s25 =	simm.s32 $0x1B8E;
	s24 =	sld [smem:$0x3FFE];
	[sflag:s23] =	ssyncadd.s32 $0xFFFFFFFF  }
0xa6: {  	s26 =	simm.s32 $execute0_lowered;
	[smem:$0x3FD2] =	sst s25  }
0xa7: {  	s6 =	sshll.u32 s26, $0x1;
	_ =	strace $0x80000046;
	[dreg:$0x1] =	wrdreg $0xFFFFFFFF  }
0xa8: {  	s28 =	simm.s32 $_size_execute0_lowered;
	s4 =	sadd.s32 s4, s6;
	[dreg:$0x0] =	wrdreg $0x0  }
0xa9: {  	s6 =	sshll.u32 s28, $0x1;
	[dreg:$0x2] =	wrdreg s4  }
0xaa: {  	[dreg:$0x3] =	wrdreg s6  }
0xab: {  	[dreg:$0x4] =	wrdreg $0xC0  }
0xac: {  	_ =	task [dreg:s8], $0x5FFFF  }
0xad: {  	[dreg:$0x1] =	wrdreg $0xFFFFFFFF  }
0xae: {  	[dreg:$0x0] =	wrdreg $0x60  }
0xaf: {  	[dreg:$0x2] =	wrdreg s24  }
0xb0: {  	[dreg:$0x3] =	wrdreg s2  }
0xb1: {  	[dreg:$0x4] =	wrdreg s18  }
0xb2: {  	[dreg:$0x5] =	wrdreg $0x9  }
0xb3: {  	_ =	task.clear_ibuf [dreg:s8], $0x6FFFF;
	_ =	strace $0x90000046  }
0xb4: {  	s29 =	simm.s32 $0x9;
	_ =	strace $0x80000048  }
0xb5: {  	_ =	swait.ge [sflag:s29], $0x1  }
0xb6: {  	[sflag:s29] =	ssyncadd.s32 $0xFFFFFFFF  }
0xb7: {  	_ =	strace $0x90000048  }
0xb8: {  	_ =	sfence  }
0xb9: {  	s30 =	sld [smem:$0x0];
	_ =	sdelay $0x2  }
0xba: {  	s31 =	sshll.u32 s1, $0xD;
	s1 =	sshrl.u32 s1, $0x2  }
0xbb: {  	s3 =	sand.u32 $0x4000, s31;
	s1 =	sadd.s32 s1, s30  }
0xbc: {  	s0 =	sor.u32 s3, s0;
	s1 =	sshll.u32 s1, $0x11  }
0xbd: {  	s0 =	sor.u32 s1, s0  }
0xbe: {  	s0 =	sadd.s32 $0x8F2B, s0  }
0xbf: {  	[sflag:s0] =	ssyncadd.remote.s32 $0x1  }
0xc0: {  	_ =	sfence.sel $0xFFFF  }
0xc1: {  	[dreg:$0x0] =	wrdreg $0xFFFFFFFF;
	(pc) =	sbr.abs _section_cstart, $3  }
0xc2: {  	[dreg:$0x1] =	wrdreg $0xFFFFFFFF  }
0xc3: {  	_ =	task.clear_ibuf [dreg:s8], $0x2FFFF;
	_ =	strace $0x9FFFFFFF  }
0xc4: {  	(tm) =	ssettm $0x7FFFFFFF  }
0xc5: {  	_ =	shalt  }
tec
execute0_lowered:
.L_overlay_start_1:
0x0: {  	(tag) =	ssettag $0x1  }
0x1: {  	s0 =	rddreg [dreg:$0x0]  }
0x2: {  	s1 =	rddreg [dreg:$0x1]  }
0x3: {  	s2 =	rddreg [dreg:$0x2];
	s3 =	simm.s32 $0x0  }
0x4: {  	s4 =	srdreg.scid;
	s8 =	stileid.u32;
	s9 =	simm.s32 $0x1  }
0x5: {  	s10 =	simm.s32 $0x6000;
	s11 =	simm.s32 $0xA000;
	s12 =	simm.s32 $0xE000  }
0x6: {  	s13 =	simm.s32 $0x12000;
	s14 =	simm.s32 $0x9;
	s15 =	simm.s32 $0x2  }
0x7: {  	s16 =	simm.s32 $0x3;
	s17 =	simm.s32 $0x4;
	s18 =	simm.s32 $0x5  }
0x8: {  	s19 =	simm.s32 $0x6;
	s20 =	simm.s32 $0x7;
	s21 =	simm.s32 $0x8  }
0x9: {  	[smem:$0x7FF] =	sst s3;
	s4 =	sand.u32 $0x1, s4;
	s5 =	sadd.s32 $0x400, s0  }
0xa: {  	s30 =	sshll.u32 s8, $0xA;
	s8 =	sshll.u32 s8, $0x10;
	s6 =	ssub.s32 $0x2, s4  }
0xb: {  	_ =	strace $0x80000047;
	s7 =	sshll.u32 s4, $0x9;
	s29 =	sshrl.u32 s6, $0x1  }
0xc: {  	s4 =	sshll.u32 s4, $0xF;
	s7 =	sor.u32 s7, s30;
	s0 =	ssub.s32 s6, s29  }
0xd: {  	s6 =	sor.u32 s4, s8;
	s31 =	sadd.s32 $0x207C, s7;
	s0 =	smax.u32 s0, $0x1  }
0xe: {  	s4 =	simm.s32 $0x0;
	s8 =	sshrl.u32 s31, $0x2;
	[dreg:$0x4] =	wrdreg s0  }
.LBB2_1:
0xf: {  	[dreg:$0x5] =	wrdreg s4;
	p0 =	por $0x0, $0x0;
	s23 =	simm.s32 $0x0  }
.LBB2_2:
0x10: {  	s0 =	sshll.u32 s23, $0xE  }
0x11: {  	s4 =	sshrl.u32 s23, $0x1;
	s0 =	sand.u32 $0x4000, s0  }
0x12: {  	s7 =	sshll.u32 s4, $0x14;
	s0 =	sor.u32 s6, s0  }
0x13: {  	s0 =	sor.u32 s7, s0  }
0x14: {  	s28 =	sshrl.u32 s0, $0x3  }
0x15: {  	s0 =	simm.s32 $0x0;
	s26 =	sadd.s32 s1, s28  }
0x16: {  	[tilespmem:s10], [sflag:$0x1] =	stream.linear.gather [hbm4b:s26+s0], $0x4000, $0x38;
	[tilespmem:$0x16000] =	vst v63  }
0x17: {  	s26 =	sadd.s32 $0x180000, s28  }
0x18: {  	s25 =	sadd.s32 $0x300000, s28;
	s22 =	sadd.s32 s1, s26  }
0x19: {  	[tilespmem:s11], [sflag:$0x2] =	stream.linear.gather [hbm4b:s22+s0], $0x4000, $0x38;
	[tilespmem:$0x16000] =	vst v63  }
0x1a: {  	s24 =	sadd.s32 s1, s25  }
0x1b: {  	[tilespmem:s12], [sflag:$0x3] =	stream.linear.gather [hbm4b:s24+s0], $0x4000, $0x38;
	[tilespmem:$0x16000] =	vst v63  }
0x1c: {  	s7 =	simm.s32 $0x1;
	s24 =	sadd.s32 $0x480000, s28  }
0x1d: {  	s4 =	sshll.u32 s4, $0xA;
	s7 =	simm.s32 @!p0 $0x0;
	s29 =	sadd.s32 s1, s24  }
0x1e: {  	[tilespmem:s13], [sflag:$0x4] =	stream.linear.gather [hbm4b:s29+s0], $0x4000, $0x38;
	[tilespmem:$0x16000] =	vst v63  }
0x1f: {  	s4 =	sadd.s32 s5, s4;
	s7 =	sshll.u32 s7, $0x6  }
0x20: {  	[tilespmem:s0], [sflag:$0x9] =	stream.linear.gather [hbm4b:s4+s0], $0x2000, $0x38;
	[tilespmem:$0x16000] =	vst v63  }
0x21: {  	s30 =	simm.s32 $0x0;
	s22 =	ssub.s32 $0x0, s7;
	_ =	swait.ge [sflag:s14], $0x2000  }
0x22: {  	s31 =	simm.s32 $0x0;
	s4 =	sshra.s32 s22, $0x2;
	[sflag:s14] =	ssyncset.done $0x0  }
0x23: {  	s29 =	simm.s32 $0xFFFFC000;
	s4 =	sadd.s32 s4, s8;
	[sflag:s14] =	ssyncadd.s32 $0xFFFFE000  }
.LBB2_3:
0x24: {  	v0 =	vld [tilespmem:s4+$0x780];
	_ =	sdelay $0x1  }
0x25: {  	s7 =	sadd.s32 $0x4000, s29  }
0x26: {  	s22 =	sand.u32 $0x380, s31;
	s7 =	sand.u32 $0x2000, s7  }
0x27: {  	s7 =	sor.u32 s22, s7  }
0x28: {  	[tilespmem:s7+$0x2000] =	vst v0  }
0x29: {  	v0 =	vld [tilespmem:s4+$0x790];
	_ =	sdelay $0x4  }
0x2a: {  	[tilespmem:s7+$0x2010] =	vst v0  }
0x2b: {  	v0 =	vld [tilespmem:s4+$0x700];
	_ =	sdelay $0x4  }
0x2c: {  	[tilespmem:s7+$0x2020] =	vst v0  }
0x2d: {  	v0 =	vld [tilespmem:s4+$0x710];
	_ =	sdelay $0x4  }
0x2e: {  	[tilespmem:s7+$0x2030] =	vst v0  }
0x2f: {  	v0 =	vld [tilespmem:s4+$0x680];
	_ =	sdelay $0x4  }
0x30: {  	[tilespmem:s7+$0x2040] =	vst v0  }
0x31: {  	v0 =	vld [tilespmem:s4+$0x690];
	_ =	sdelay $0x4  }
0x32: {  	[tilespmem:s7+$0x2050] =	vst v0  }
0x33: {  	v0 =	vld [tilespmem:s4+$0x600];
	_ =	sdelay $0x4  }
0x34: {  	[tilespmem:s7+$0x2060] =	vst v0  }
0x35: {  	v0 =	vld [tilespmem:s4+$0x610];
	_ =	sdelay $0x4  }
0x36: {  	[tilespmem:s7+$0x2070] =	vst v0  }
0x37: {  	v0 =	vld [tilespmem:s4+$0x580];
	_ =	sdelay $0x4  }
0x38: {  	[tilespmem:s7+$0x2400] =	vst v0  }
0x39: {  	v0 =	vld [tilespmem:s4+$0x590];
	_ =	sdelay $0x4  }
0x3a: {  	[tilespmem:s7+$0x2410] =	vst v0  }
0x3b: {  	v0 =	vld [tilespmem:s4+$0x500];
	_ =	sdelay $0x4  }
0x3c: {  	[tilespmem:s7+$0x2420] =	vst v0  }
0x3d: {  	v0 =	vld [tilespmem:s4+$0x510];
	_ =	sdelay $0x4  }
0x3e: {  	[tilespmem:s7+$0x2430] =	vst v0  }
0x3f: {  	v0 =	vld [tilespmem:s4+$0x480];
	_ =	sdelay $0x4  }
0x40: {  	[tilespmem:s7+$0x2440] =	vst v0  }
0x41: {  	v0 =	vld [tilespmem:s4+$0x490];
	_ =	sdelay $0x4  }
0x42: {  	[tilespmem:s7+$0x2450] =	vst v0  }
0x43: {  	v0 =	vld [tilespmem:s4+$0x400];
	_ =	sdelay $0x4  }
0x44: {  	[tilespmem:s7+$0x2460] =	vst v0  }
0x45: {  	v0 =	vld [tilespmem:s4+$0x410];
	_ =	sdelay $0x4  }
0x46: {  	[tilespmem:s7+$0x2470] =	vst v0  }
0x47: {  	v0 =	vld [tilespmem:s4+$0x380];
	_ =	sdelay $0x4  }
0x48: {  	[tilespmem:s7+$0x2800] =	vst v0  }
0x49: {  	v0 =	vld [tilespmem:s4+$0x390];
	_ =	sdelay $0x4  }
0x4a: {  	[tilespmem:s7+$0x2810] =	vst v0  }
0x4b: {  	v0 =	vld [tilespmem:s4+$0x300];
	_ =	sdelay $0x4  }
0x4c: {  	[tilespmem:s7+$0x2820] =	vst v0  }
0x4d: {  	v0 =	vld [tilespmem:s4+$0x310];
	_ =	sdelay $0x4  }
0x4e: {  	[tilespmem:s7+$0x2830] =	vst v0  }
0x4f: {  	v0 =	vld [tilespmem:s4+$0x280];
	_ =	sdelay $0x4  }
0x50: {  	[tilespmem:s7+$0x2840] =	vst v0  }
0x51: {  	v0 =	vld [tilespmem:s4+$0x290];
	_ =	sdelay $0x4  }
0x52: {  	[tilespmem:s7+$0x2850] =	vst v0  }
0x53: {  	v0 =	vld [tilespmem:s4+$0x200];
	_ =	sdelay $0x4  }
0x54: {  	[tilespmem:s7+$0x2860] =	vst v0  }
0x55: {  	v0 =	vld [tilespmem:s4+$0x210];
	_ =	sdelay $0x4  }
0x56: {  	[tilespmem:s7+$0x2870] =	vst v0  }
0x57: {  	v0 =	vld [tilespmem:s4+$0x180];
	_ =	sdelay $0x4  }
0x58: {  	[tilespmem:s7+$0x2C00] =	vst v0  }
0x59: {  	v0 =	vld [tilespmem:s4+$0x190];
	_ =	sdelay $0x4  }
0x5a: {  	[tilespmem:s7+$0x2C10] =	vst v0  }
0x5b: {  	v0 =	vld [tilespmem:s4+$0x100];
	_ =	sdelay $0x4  }
0x5c: {  	[tilespmem:s7+$0x2C20] =	vst v0  }
0x5d: {  	v0 =	vld [tilespmem:s4+$0x110];
	_ =	sdelay $0x4  }
0x5e: {  	[tilespmem:s7+$0x2C30] =	vst v0  }
0x5f: {  	v0 =	vld [tilespmem:s4+$0x80];
	_ =	sdelay $0x4  }
0x60: {  	[tilespmem:s7+$0x2C40] =	vst v0  }
0x61: {  	v0 =	vld [tilespmem:s4+$0x90];
	_ =	sdelay $0x4  }
0x62: {  	[tilespmem:s7+$0x2C50] =	vst v0  }
0x63: {  	v0 =	vld [tilespmem:s4+$0x0];
	_ =	sdelay $0x4  }
0x64: {  	[tilespmem:s7+$0x2C60] =	vst v0  }
0x65: {  	v0 =	vld [tilespmem:s4+$0x10];
	_ =	sdelay $0x4  }
0x66: {  	[tilespmem:s7+$0x2C70] =	vst v0  }
0x67: {  	v0 =	vld [tilespmem:s4+$0xFFFFFF80];
	_ =	sdelay $0x4  }
0x68: {  	[tilespmem:s7+$0x3000] =	vst v0  }
0x69: {  	v0 =	vld [tilespmem:s4+$0xFFFFFF90];
	_ =	sdelay $0x4  }
0x6a: {  	[tilespmem:s7+$0x3010] =	vst v0  }
0x6b: {  	v0 =	vld [tilespmem:s4+$0xFFFFFF00];
	_ =	sdelay $0x4  }
0x6c: {  	[tilespmem:s7+$0x3020] =	vst v0  }
0x6d: {  	v0 =	vld [tilespmem:s4+$0xFFFFFF10];
	_ =	sdelay $0x4  }
0x6e: {  	[tilespmem:s7+$0x3030] =	vst v0  }
0x6f: {  	v0 =	vld [tilespmem:s4+$0xFFFFFE80];
	_ =	sdelay $0x4  }
0x70: {  	[tilespmem:s7+$0x3040] =	vst v0  }
0x71: {  	v0 =	vld [tilespmem:s4+$0xFFFFFE90];
	_ =	sdelay $0x4  }
0x72: {  	[tilespmem:s7+$0x3050] =	vst v0  }
0x73: {  	v0 =	vld [tilespmem:s4+$0xFFFFFE00];
	_ =	sdelay $0x4  }
0x74: {  	[tilespmem:s7+$0x3060] =	vst v0  }
0x75: {  	v0 =	vld [tilespmem:s4+$0xFFFFFE10];
	_ =	sdelay $0x4  }
0x76: {  	[tilespmem:s7+$0x3070] =	vst v0  }
0x77: {  	v0 =	vld [tilespmem:s4+$0xFFFFFD80];
	_ =	sdelay $0x4  }
0x78: {  	[tilespmem:s7+$0x3400] =	vst v0  }
0x79: {  	v0 =	vld [tilespmem:s4+$0xFFFFFD90];
	_ =	sdelay $0x4  }
0x7a: {  	[tilespmem:s7+$0x3410] =	vst v0  }
0x7b: {  	v0 =	vld [tilespmem:s4+$0xFFFFFD00];
	_ =	sdelay $0x4  }
0x7c: {  	[tilespmem:s7+$0x3420] =	vst v0  }
0x7d: {  	v0 =	vld [tilespmem:s4+$0xFFFFFD10];
	_ =	sdelay $0x4  }
0x7e: {  	[tilespmem:s7+$0x3430] =	vst v0  }
0x7f: {  	v0 =	vld [tilespmem:s4+$0xFFFFFC80];
	_ =	sdelay $0x4  }
0x80: {  	[tilespmem:s7+$0x3440] =	vst v0  }
0x81: {  	v0 =	vld [tilespmem:s4+$0xFFFFFC90];
	_ =	sdelay $0x4  }
0x82: {  	[tilespmem:s7+$0x3450] =	vst v0  }
0x83: {  	v0 =	vld [tilespmem:s4+$0xFFFFFC00];
	_ =	sdelay $0x4  }
0x84: {  	[tilespmem:s7+$0x3460] =	vst v0  }
0x85: {  	v0 =	vld [tilespmem:s4+$0xFFFFFC10];
	_ =	sdelay $0x4  }
0x86: {  	[tilespmem:s7+$0x3470] =	vst v0  }
0x87: {  	v0 =	vld [tilespmem:s4+$0xFFFFFB80];
	_ =	sdelay $0x4  }
0x88: {  	[tilespmem:s7+$0x3800] =	vst v0  }
0x89: {  	v0 =	vld [tilespmem:s4+$0xFFFFFB90];
	_ =	sdelay $0x4  }
0x8a: {  	[tilespmem:s7+$0x3810] =	vst v0  }
0x8b: {  	v0 =	vld [tilespmem:s4+$0xFFFFFB00];
	_ =	sdelay $0x4  }
0x8c: {  	[tilespmem:s7+$0x3820] =	vst v0  }
0x8d: {  	v0 =	vld [tilespmem:s4+$0xFFFFFB10];
	_ =	sdelay $0x4  }
0x8e: {  	[tilespmem:s7+$0x3830] =	vst v0  }
0x8f: {  	v0 =	vld [tilespmem:s4+$0xFFFFFA80];
	_ =	sdelay $0x4  }
0x90: {  	[tilespmem:s7+$0x3840] =	vst v0  }
0x91: {  	v0 =	vld [tilespmem:s4+$0xFFFFFA90];
	_ =	sdelay $0x4  }
0x92: {  	[tilespmem:s7+$0x3850] =	vst v0  }
0x93: {  	v0 =	vld [tilespmem:s4+$0xFFFFFA00];
	_ =	sdelay $0x4  }
0x94: {  	[tilespmem:s7+$0x3860] =	vst v0  }
0x95: {  	v0 =	vld [tilespmem:s4+$0xFFFFFA10];
	_ =	sdelay $0x4  }
0x96: {  	[tilespmem:s7+$0x3870] =	vst v0  }
0x97: {  	v0 =	vld [tilespmem:s4+$0xFFFFF980]  }
0x98: {  	s22 =	sand.u32 $0x7, s0  }
0x99: {  	s7 =	sshll.u32 s22, $0x7  }
0x9a: {  	s7 =	sadd.s32 s7, s30  }
0x9b: {  	s22 =	sor.u32 $0x1C00, s7  }
0x9c: {  	[tilespmem:s22+$0x2000] =	vst v0  }
0x9d: {  	v0 =	vld [tilespmem:s4+$0xFFFFF990];
	_ =	sdelay $0x3  }
0x9e: {  	s22 =	sor.u32 $0x1C10, s7  }
0x9f: {  	[tilespmem:s22+$0x2000] =	vst v0  }
0xa0: {  	v0 =	vld [tilespmem:s4+$0xFFFFF900];
	_ =	sdelay $0x3  }
0xa1: {  	s22 =	sor.u32 $0x1C20, s7  }
0xa2: {  	[tilespmem:s22+$0x2000] =	vst v0  }
0xa3: {  	v0 =	vld [tilespmem:s4+$0xFFFFF910];
	_ =	sdelay $0x3  }
0xa4: {  	s22 =	sor.u32 $0x1C30, s7  }
0xa5: {  	[tilespmem:s22+$0x2000] =	vst v0  }
0xa6: {  	v0 =	vld [tilespmem:s4+$0xFFFFF880];
	_ =	sdelay $0x3  }
0xa7: {  	s22 =	sor.u32 $0x1C40, s7  }
0xa8: {  	[tilespmem:s22+$0x2000] =	vst v0  }
0xa9: {  	v0 =	vld [tilespmem:s4+$0xFFFFF890];
	_ =	sdelay $0x3  }
0xaa: {  	s22 =	sor.u32 $0x1C50, s7  }
0xab: {  	[tilespmem:s22+$0x2000] =	vst v0  }
0xac: {  	v0 =	vld [tilespmem:s4+$0xFFFFF800];
	_ =	sdelay $0x3  }
0xad: {  	s22 =	sor.u32 $0x1C60, s7  }
0xae: {  	[tilespmem:s22+$0x2000] =	vst v0  }
0xaf: {  	p1 =	sne.s32 s31, $0x780;
	v0 =	vld [tilespmem:s4+$0xFFFFF810]  }
.Ltmp0:
0xb0: {  	_ = 	snop;
	(pc) =	sbr.rel @p1 .LBB2_3-.Ltmp0, $3  }
0xb1: {  	_ =	sdelay $0x1  }
0xb2: {  	s29 =	sadd.s32 $0x400, s29;
	s31 =	sadd.s32 $0x80, s31;
	s7 =	sor.u32 $0x1C70, s7  }
0xb3: {  	s0 =	sadd.s32 $0x1, s0;
	s30 =	sadd.s32 $0x400, s30;
	s4 =	sadd.s32 $0xFFFFFFFF, s4;
	[tilespmem:s7+$0x2000] =	vst v0  }
0xb4: {  	_ =	swait.ge [sflag:s9], $0x4000  }
0xb5: {  	s29 =	simm.s32 $0x0;
	s30 =	simm.s32 $0xFFFFC000;
	[sflag:s9] =	ssyncset.done $0x0  }
0xb6: {  	s31 =	simm.s32 $0x0;
	s0 =	simm.s32 $0x0;
	[sflag:s9] =	ssyncadd.s32 $0xFFFFC000  }
.LBB2_5:
0xb7: {  	s4 =	sadd.s32 $0x4000, s30  }
0xb8: {  	s7 =	sand.u32 $0x380, s0;
	s4 =	sand.u32 $0x2000, s4  }
0xb9: {  	s4 =	sor.u32 s7, s4  }
0xba: {  	v0 =	vld [tilespmem:s4+$0x6000]  }
0xbb: {  	v1 =	vld [tilespmem:s4+$0x2000]  }
0xbc: {  	v2 =	vld [tilespmem:s4+$0x6010]  }
0xbd: {  	v3 =	vld [tilespmem:s4+$0x2010]  }
0xbe: {  	v4 =	vld [tilespmem:s4+$0x6020]  }
0xbf: {  	v5 =	vld [tilespmem:s4+$0x2020]  }
0xc0: {  	v6 =	vld [tilespmem:s4+$0x6030]  }
0xc1: {  	v7 =	vld [tilespmem:s4+$0x2030]  }
0xc2: {  	v8 =	vld [tilespmem:s4+$0x6040]  }
0xc3: {  	v9 =	vld [tilespmem:s4+$0x2040]  }
0xc4: {  	v10 =	vld [tilespmem:s4+$0x6050]  }
0xc5: {  	v11 =	vld [tilespmem:s4+$0x2050]  }
0xc6: {  	v12 =	vld [tilespmem:s4+$0x6060]  }
0xc7: {  	v13 =	vld [tilespmem:s4+$0x2060]  }
0xc8: {  	v14 =	vld [tilespmem:s4+$0x6070]  }
0xc9: {  	v15 =	vld [tilespmem:s4+$0x2070]  }
0xca: {  	v16 =	vld [tilespmem:s4+$0x6400]  }
0xcb: {  	v17 =	vld [tilespmem:s4+$0x2400]  }
0xcc: {  	v18 =	vld [tilespmem:s4+$0x6410]  }
0xcd: {  	v19 =	vld [tilespmem:s4+$0x2410]  }
0xce: {  	v20 =	vld [tilespmem:s4+$0x6420]  }
0xcf: {  	v21 =	vld [tilespmem:s4+$0x2420]  }
0xd0: {  	v22 =	vld [tilespmem:s4+$0x6430]  }
0xd1: {  	v23 =	vld [tilespmem:s4+$0x2430]  }
0xd2: {  	v24 =	vld [tilespmem:s4+$0x6440]  }
0xd3: {  	v25 =	vld [tilespmem:s4+$0x2440]  }
0xd4: {  	v26 =	vld [tilespmem:s4+$0x6450]  }
0xd5: {  	v27 =	vld [tilespmem:s4+$0x2450]  }
0xd6: {  	v28 =	vld [tilespmem:s4+$0x6460]  }
0xd7: {  	v29 =	vld [tilespmem:s4+$0x2460]  }
0xd8: {  	v30 =	vld [tilespmem:s4+$0x6470]  }
0xd9: {  	v31 =	vld [tilespmem:s4+$0x2470]  }
0xda: {  	v32 =	vld [tilespmem:s4+$0x6800]  }
0xdb: {  	v33 =	vld [tilespmem:s4+$0x2800]  }
0xdc: {  	v34 =	vld [tilespmem:s4+$0x6810]  }
0xdd: {  	v35 =	vld [tilespmem:s4+$0x2810]  }
0xde: {  	v36 =	vld [tilespmem:s4+$0x6820]  }
0xdf: {  	v37 =	vld [tilespmem:s4+$0x2820]  }
0xe0: {  	v38 =	vld [tilespmem:s4+$0x6830]  }
0xe1: {  	v39 =	vld [tilespmem:s4+$0x2830]  }
0xe2: {  	v40 =	vld [tilespmem:s4+$0x6840]  }
0xe3: {  	v41 =	vld [tilespmem:s4+$0x2840]  }
0xe4: {  	v42 =	vld [tilespmem:s4+$0x6850]  }
0xe5: {  	v43 =	vld [tilespmem:s4+$0x2850]  }
0xe6: {  	v44 =	vld [tilespmem:s4+$0x6860]  }
0xe7: {  	v45 =	vld [tilespmem:s4+$0x2860]  }
0xe8: {  	v46 =	vld [tilespmem:s4+$0x6870]  }
0xe9: {  	v47 =	vld [tilespmem:s4+$0x2870]  }
0xea: {  	v48 =	vld [tilespmem:s4+$0x6C00]  }
0xeb: {  	v49 =	vld [tilespmem:s4+$0x2C00]  }
0xec: {  	v50 =	vld [tilespmem:s4+$0x6C10]  }
0xed: {  	v51 =	vld [tilespmem:s4+$0x2C10]  }
0xee: {  	v52 =	vld [tilespmem:s4+$0x6C20]  }
0xef: {  	v53 =	vld [tilespmem:s4+$0x2C20]  }
0xf0: {  	v54 =	vld [tilespmem:s4+$0x6C30]  }
0xf1: {  	v55 =	vld [tilespmem:s4+$0x2C30]  }
0xf2: {  	v56 =	vld [tilespmem:s4+$0x6C40]  }
0xf3: {  	v57 =	vld [tilespmem:s4+$0x2C40]  }
0xf4: {  	v58 =	vld [tilespmem:s4+$0x6C50]  }
0xf5: {  	v59 =	vld [tilespmem:s4+$0x2C50]  }
0xf6: {  	v60 =	vld [tilespmem:s4+$0x6C60]  }
0xf7: {  	v0 =	vadd.f32 v1, v0;
	v1 =	vld [tilespmem:s4+$0x2C60]  }
0xf8: {  	v2 =	vadd.f32 v3, v2;
	v3 =	vld [tilespmem:s4+$0x6C70]  }
0xf9: {  	v63 =	vadd.f32 v5, v4;
	v4 =	vld [tilespmem:s4+$0x2C70];
	[tilespmem:s4+$0x6000] =	vst v0  }
0xfa: {  	v61 =	vadd.f32 v7, v6;
	v5 =	vld [tilespmem:s4+$0x7000];
	[tilespmem:s4+$0x6010] =	vst v2  }
0xfb: {  	v62 =	vadd.f32 v9, v8;
	v6 =	vld [tilespmem:s4+$0x3000];
	[tilespmem:s4+$0x6020] =	vst v63  }
0xfc: {  	v7 =	vld [tilespmem:s4+$0x7010];
	v13 =	vadd.f32 v13, v12;
	[tilespmem:s4+$0x6030] =	vst v61  }
0xfd: {  	v8 =	vld [tilespmem:s4+$0x3010];
	v15 =	vadd.f32 v15, v14;
	[tilespmem:s4+$0x6040] =	vst v62  }
0xfe: {  	v9 =	vld [tilespmem:s4+$0x7020];
	v17 =	vadd.f32 v17, v16;
	[tilespmem:s4+$0x6060] =	vst v13  }
0xff: {  	v19 =	vadd.f32 v19, v18;
	v12 =	vld [tilespmem:s4+$0x3030];
	[tilespmem:s4+$0x6070] =	vst v15  }
0x100: {  	v21 =	vadd.f32 v21, v20;
	v14 =	vld [tilespmem:s4+$0x3040];
	[tilespmem:s4+$0x6400] =	vst v17  }
0x101: {  	v23 =	vadd.f32 v23, v22;
	v16 =	vld [tilespmem:s4+$0x3050];
	[tilespmem:s4+$0x6410] =	vst v19  }
0x102: {  	v25 =	vadd.f32 v25, v24;
	v20 =	vld [tilespmem:s4+$0x3070];
	[tilespmem:s4+$0x6420] =	vst v21  }
0x103: {  	v27 =	vadd.f32 v27, v26;
	v22 =	vld [tilespmem:s4+$0x3400];
	[tilespmem:s4+$0x6430] =	vst v23  }
0x104: {  	v29 =	vadd.f32 v29, v28;
	v24 =	vld [tilespmem:s4+$0x3410];
	[tilespmem:s4+$0x6440] =	vst v25  }
0x105: {  	v28 =	vadd.f32 v37, v36;
	v37 =	vld [tilespmem:s4+$0x7430];
	[tilespmem:s4+$0x6450] =	vst v27  }
0x106: {  	v36 =	vadd.f32 v51, v50;
	v51 =	vld [tilespmem:s4+$0x3460];
	[tilespmem:s4+$0x6460] =	vst v29  }
0x107: {  	v63 =	vadd.f32 v11, v10;
	v10 =	vld [tilespmem:s4+$0x3020];
	[tilespmem:s4+$0x6820] =	vst v28  }
0x108: {  	v11 =	vld [tilespmem:s4+$0x7030];
	v61 =	vadd.f32 v31, v30;
	[tilespmem:s4+$0x6C10] =	vst v36  }
0x109: {  	v13 =	vld [tilespmem:s4+$0x7040];
	v62 =	vadd.f32 v33, v32;
	[tilespmem:s4+$0x6050] =	vst v63  }
0x10a: {  	v15 =	vld [tilespmem:s4+$0x7050];
	v27 =	vadd.f32 v35, v34;
	[tilespmem:s4+$0x6470] =	vst v61  }
0x10b: {  	v17 =	vld [tilespmem:s4+$0x7060];
	v29 =	vadd.f32 v39, v38;
	[tilespmem:s4+$0x6800] =	vst v62  }
0x10c: {  	v19 =	vld [tilespmem:s4+$0x7070];
	v30 =	vadd.f32 v41, v40;
	[tilespmem:s4+$0x6810] =	vst v27  }
0x10d: {  	v21 =	vld [tilespmem:s4+$0x7400];
	v31 =	vadd.f32 v43, v42;
	[tilespmem:s4+$0x6830] =	vst v29  }
0x10e: {  	v23 =	vld [tilespmem:s4+$0x7410];
	v32 =	vadd.f32 v45, v44;
	[tilespmem:s4+$0x6840] =	vst v30  }
0x10f: {  	v33 =	vadd.f32 v47, v46;
	v25 =	vld [tilespmem:s4+$0x7420];
	[tilespmem:s4+$0x6850] =	vst v31  }
0x110: {  	v34 =	vadd.f32 v49, v48;
	v35 =	vld [tilespmem:s4+$0x3420];
	[tilespmem:s4+$0x6860] =	vst v32  }
0x111: {  	v38 =	vadd.f32 v53, v52;
	v39 =	vld [tilespmem:s4+$0x3430];
	[tilespmem:s4+$0x6870] =	vst v33  }
0x112: {  	v40 =	vadd.f32 v55, v54;
	v41 =	vld [tilespmem:s4+$0x7440];
	[tilespmem:s4+$0x6C00] =	vst v34  }
0x113: {  	v42 =	vadd.f32 v57, v56;
	v43 =	vld [tilespmem:s4+$0x3440];
	[tilespmem:s4+$0x6C20] =	vst v38  }
0x114: {  	v44 =	vadd.f32 v59, v58;
	v45 =	vld [tilespmem:s4+$0x7450];
	[tilespmem:s4+$0x6C30] =	vst v40  }
0x115: {  	v47 =	vld [tilespmem:s4+$0x3450];
	[tilespmem:s4+$0x6C40] =	vst v42;
	v46 =	vadd.f32 v1, v60  }
0x116: {  	v49 =	vld [tilespmem:s4+$0x7460];
	[tilespmem:s4+$0x6C50] =	vst v44;
	v48 =	vadd.f32 v4, v3  }
0x117: {  	v53 =	vld [tilespmem:s4+$0x7470];
	v50 =	vadd.f32 v6, v5;
	[tilespmem:s4+$0x6C60] =	vst v46  }
0x118: {  	v55 =	vld [tilespmem:s4+$0x3470];
	v52 =	vadd.f32 v8, v7;
	[tilespmem:s4+$0x6C70] =	vst v48  }
0x119: {  	v57 =	vld [tilespmem:s4+$0x7800];
	[tilespmem:s4+$0x7000] =	vst v50;
	v54 =	vadd.f32 v10, v9  }
0x11a: {  	v59 =	vld [tilespmem:s4+$0x3800];
	[tilespmem:s4+$0x7010] =	vst v52;
	v56 =	vadd.f32 v12, v11  }
0x11b: {  	v36 =	vld [tilespmem:s4+$0x3830];
	v58 =	vadd.f32 v14, v13;
	[tilespmem:s4+$0x7020] =	vst v54  }
0x11c: {  	v63 =	vld [tilespmem:s4+$0x3060];
	v60 =	vadd.f32 v16, v15;
	[tilespmem:s4+$0x7030] =	vst v56  }
0x11d: {  	v61 =	vld [tilespmem:s4+$0x7810];
	v19 =	vadd.f32 v20, v19;
	[tilespmem:s4+$0x7040] =	vst v58  }
0x11e: {  	v32 =	vld [tilespmem:s4+$0x3820];
	v22 =	vadd.f32 v22, v21;
	[tilespmem:s4+$0x7050] =	vst v60  }
0x11f: {  	v34 =	vld [tilespmem:s4+$0x7830];
	v33 =	vadd.f32 v24, v23;
	[tilespmem:s4+$0x7070] =	vst v19  }
0x120: {  	v38 =	vld [tilespmem:s4+$0x7840];
	v35 =	vadd.f32 v35, v25;
	[tilespmem:s4+$0x7400] =	vst v22  }
0x121: {  	v40 =	vld [tilespmem:s4+$0x7850];
	v37 =	vadd.f32 v39, v37;
	[tilespmem:s4+$0x7410] =	vst v33  }
0x122: {  	v20 =	vld [tilespmem:s4+$0x7820];
	v39 =	vadd.f32 v43, v41;
	[tilespmem:s4+$0x7420] =	vst v35  }
0x123: {  	v1 =	vadd.f32 v47, v45;
	v41 =	vld [tilespmem:s4+$0x3850];
	[tilespmem:s4+$0x7430] =	vst v37  }
0x124: {  	v42 =	vadd.f32 v51, v49;
	v43 =	vld [tilespmem:s4+$0x7860];
	[tilespmem:s4+$0x7440] =	vst v39  }
0x125: {  	v44 =	vadd.f32 v55, v53;
	v45 =	vld [tilespmem:s4+$0x3860];
	[tilespmem:s4+$0x7450] =	vst v1  }
0x126: {  	v46 =	vadd.f32 v59, v57;
	v47 =	vld [tilespmem:s4+$0x7870];
	[tilespmem:s4+$0x7460] =	vst v42  }
0x127: {  	v49 =	vld [tilespmem:s4+$0x3870];
	v62 =	vadd.f32 v63, v17;
	[tilespmem:s4+$0x7470] =	vst v44  }
0x128: {  	v63 =	vld [tilespmem:s4+$0x3810];
	[tilespmem:s4+$0x7800] =	vst v46;
	v52 =	vadd.f32 v36, v34  }
0x129: {  	v51 =	vld [tilespmem:s4+$0x3840];
	[tilespmem:s4+$0x7060] =	vst v62;
	v50 =	vadd.f32 v32, v20  }
0x12a: {  	[tilespmem:s4+$0x7830] =	vst v52;
	v53 =	vadd.f32 v41, v40  }
0x12b: {  	v54 =	vadd.f32 v45, v43;
	[tilespmem:s4+$0x7820] =	vst v50  }
0x12c: {  	s22 =	sand.u32 $0x7, s29;
	v55 =	vadd.f32 v49, v47;
	[tilespmem:s4+$0x7850] =	vst v53  }
0x12d: {  	s7 =	sshll.u32 s22, $0x7;
	v48 =	vadd.f32 v63, v61;
	[tilespmem:s4+$0x7860] =	vst v54  }
0x12e: {  	s7 =	sadd.s32 s7, s31;
	v56 =	vadd.f32 v51, v38;
	[tilespmem:s4+$0x7870] =	vst v55  }
0x12f: {  	s22 =	sor.u32 $0x1C00, s7;
	[tilespmem:s4+$0x7810] =	vst v48  }
0x130: {  	[tilespmem:s4+$0x7840] =	vst v56;
	v0 =	vld [tilespmem:s22+$0x6000]  }
0x131: {  	v1 =	vld [tilespmem:s22+$0x2000];
	_ =	sdelay $0x4  }
0x132: {  	v0 =	vadd.f32 v1, v0;
	_ =	sdelay $0x1  }
0x133: {  	[tilespmem:s22+$0x6000] =	vst v0;
	s22 =	sor.u32 $0x1C10, s7  }
0x134: {  	v0 =	vld [tilespmem:s22+$0x6000]  }
0x135: {  	v57 =	vld [tilespmem:s22+$0x2000];
	_ =	sdelay $0x4  }
0x136: {  	v0 =	vadd.f32 v57, v0;
	_ =	sdelay $0x1  }
0x137: {  	[tilespmem:s22+$0x6000] =	vst v0;
	s22 =	sor.u32 $0x1C20, s7  }
0x138: {  	v0 =	vld [tilespmem:s22+$0x6000]  }
0x139: {  	v58 =	vld [tilespmem:s22+$0x2000];
	_ =	sdelay $0x4  }
0x13a: {  	v0 =	vadd.f32 v58, v0;
	_ =	sdelay $0x1  }
0x13b: {  	[tilespmem:s22+$0x6000] =	vst v0;
	s22 =	sor.u32 $0x1C30, s7  }
0x13c: {  	v0 =	vld [tilespmem:s22+$0x6000]  }
0x13d: {  	v59 =	vld [tilespmem:s22+$0x2000];
	_ =	sdelay $0x4  }
0x13e: {  	v0 =	vadd.f32 v59, v0;
	_ =	sdelay $0x1  }
0x13f: {  	[tilespmem:s22+$0x6000] =	vst v0;
	s22 =	sor.u32 $0x1C40, s7  }
0x140: {  	v0 =	vld [tilespmem:s22+$0x6000]  }
0x141: {  	v60 =	vld [tilespmem:s22+$0x2000];
	_ =	sdelay $0x4  }
0x142: {  	v0 =	vadd.f32 v60, v0;
	_ =	sdelay $0x1  }
0x143: {  	[tilespmem:s22+$0x6000] =	vst v0;
	s22 =	sor.u32 $0x1C50, s7  }
0x144: {  	v0 =	vld [tilespmem:s22+$0x6000]  }
0x145: {  	v61 =	vld [tilespmem:s22+$0x2000];
	_ =	sdelay $0x4  }
0x146: {  	v0 =	vadd.f32 v61, v0;
	_ =	sdelay $0x1  }
0x147: {  	[tilespmem:s22+$0x6000] =	vst v0;
	s22 =	sor.u32 $0x1C60, s7  }
0x148: {  	v0 =	vld [tilespmem:s22+$0x6000]  }
0x149: {  	v62 =	vld [tilespmem:s22+$0x2000];
	_ =	sdelay $0x4  }
0x14a: {  	v0 =	vadd.f32 v62, v0;
	_ =	sdelay $0x1  }
0x14b: {  	[tilespmem:s22+$0x6000] =	vst v0;
	s22 =	sor.u32 $0x1C70, s7  }
0x14c: {  	v0 =	vld [tilespmem:s22+$0x6000]  }
0x14d: {  	v63 =	vld [tilespmem:s22+$0x2000];
	_ =	sdelay $0x1  }
0x14e: {  	p1 =	sne.s32 s0, $0x780  }
.Ltmp1:
0x14f: {  	_ = 	snop;
	(pc) =	sbr.rel @p1 .LBB2_5-.Ltmp1, $4  }
0x150: {  	_ = 	snop  }
0x151: {  	v0 =	vadd.f32 v63, v0  }
0x152: {  	s29 =	sadd.s32 $0x1, s29  }
0x153: {  	s30 =	sadd.s32 $0x400, s30;
	s0 =	sadd.s32 $0x80, s0;
	s31 =	sadd.s32 $0x400, s31;
	[tilespmem:s22+$0x6000] =	vst v0  }
0x154: {  	s0 =	sadd.s32 s2, s28;
	s28 =	simm.s32 $0x0  }
0x155: {  	[hbm4b:s0+s28] =	stream.linear.scatter [tilespmem:s10], [sflag:$0x5], $0x4000, $0x38;
	[tilespmem:$0x16000] =	vst v63  }
0x156: {  	_ =	swait.ge [sflag:s15], $0x4000  }
0x157: {  	s29 =	simm.s32 $0xFFFFC000;
	[sflag:s15] =	ssyncset.done $0x0  }
0x158: {  	s30 =	simm.s32 $0x0;
	s0 =	simm.s32 $0x0;
	[sflag:s15] =	ssyncadd.s32 $0xFFFFC000  }
.LBB2_7:
0x159: {  	s4 =	sadd.s32 $0x4000, s29  }
0x15a: {  	s7 =	sand.u32 $0x380, s0;
	s4 =	sand.u32 $0x2000, s4  }
0x15b: {  	s4 =	sor.u32 s7, s4  }
0x15c: {  	v0 =	vld [tilespmem:s4+$0xA000]  }
0x15d: {  	v1 =	vld [tilespmem:s4+$0x2000]  }
0x15e: {  	v2 =	vld [tilespmem:s4+$0xA010]  }
0x15f: {  	v3 =	vld [tilespmem:s4+$0x2010]  }
0x160: {  	v4 =	vld [tilespmem:s4+$0xA020]  }
0x161: {  	v5 =	vld [tilespmem:s4+$0x2020]  }
0x162: {  	v6 =	vld [tilespmem:s4+$0xA030]  }
0x163: {  	v7 =	vld [tilespmem:s4+$0x2030]  }
0x164: {  	v8 =	vld [tilespmem:s4+$0xA040]  }
0x165: {  	v9 =	vld [tilespmem:s4+$0x2040]  }
0x166: {  	v10 =	vld [tilespmem:s4+$0xA050]  }
0x167: {  	v11 =	vld [tilespmem:s4+$0x2050]  }
0x168: {  	v12 =	vld [tilespmem:s4+$0xA060]  }
0x169: {  	v13 =	vld [tilespmem:s4+$0x2060]  }
0x16a: {  	v14 =	vld [tilespmem:s4+$0xA070]  }
0x16b: {  	v15 =	vld [tilespmem:s4+$0x2070]  }
0x16c: {  	v16 =	vld [tilespmem:s4+$0xA400]  }
0x16d: {  	v17 =	vld [tilespmem:s4+$0x2400]  }
0x16e: {  	v18 =	vld [tilespmem:s4+$0xA410]  }
0x16f: {  	v19 =	vld [tilespmem:s4+$0x2410]  }
0x170: {  	v20 =	vld [tilespmem:s4+$0xA420]  }
0x171: {  	v21 =	vld [tilespmem:s4+$0x2420]  }
0x172: {  	v22 =	vld [tilespmem:s4+$0xA430]  }
0x173: {  	v23 =	vld [tilespmem:s4+$0x2430]  }
0x174: {  	v24 =	vld [tilespmem:s4+$0xA440]  }
0x175: {  	v25 =	vld [tilespmem:s4+$0x2440]  }
0x176: {  	v26 =	vld [tilespmem:s4+$0xA450]  }
0x177: {  	v27 =	vld [tilespmem:s4+$0x2450]  }
0x178: {  	v28 =	vld [tilespmem:s4+$0xA460]  }
0x179: {  	v29 =	vld [tilespmem:s4+$0x2460]  }
0x17a: {  	v30 =	vld [tilespmem:s4+$0xA470]  }
0x17b: {  	v31 =	vld [tilespmem:s4+$0x2470]  }
0x17c: {  	v32 =	vld [tilespmem:s4+$0xA800]  }
0x17d: {  	v33 =	vld [tilespmem:s4+$0x2800]  }
0x17e: {  	v34 =	vld [tilespmem:s4+$0xA810]  }
0x17f: {  	v35 =	vld [tilespmem:s4+$0x2810]  }
0x180: {  	v36 =	vld [tilespmem:s4+$0xA820]  }
0x181: {  	v37 =	vld [tilespmem:s4+$0x2820]  }
0x182: {  	v38 =	vld [tilespmem:s4+$0xA830]  }
0x183: {  	v39 =	vld [tilespmem:s4+$0x2830]  }
0x184: {  	v40 =	vld [tilespmem:s4+$0xA840]  }
0x185: {  	v41 =	vld [tilespmem:s4+$0x2840]  }
0x186: {  	v42 =	vld [tilespmem:s4+$0xA850]  }
0x187: {  	v43 =	vld [tilespmem:s4+$0x2850]  }
0x188: {  	v44 =	vld [tilespmem:s4+$0xA860]  }
0x189: {  	v45 =	vld [tilespmem:s4+$0x2860]  }
0x18a: {  	v46 =	vld [tilespmem:s4+$0xA870]  }
0x18b: {  	v47 =	vld [tilespmem:s4+$0x2870]  }
0x18c: {  	v48 =	vld [tilespmem:s4+$0xAC00]  }
0x18d: {  	v49 =	vld [tilespmem:s4+$0x2C00]  }
0x18e: {  	v50 =	vld [tilespmem:s4+$0xAC10]  }
0x18f: {  	v51 =	vld [tilespmem:s4+$0x2C10]  }
0x190: {  	v52 =	vld [tilespmem:s4+$0xAC20]  }
0x191: {  	v53 =	vld [tilespmem:s4+$0x2C20]  }
0x192: {  	v54 =	vld [tilespmem:s4+$0xAC30]  }
0x193: {  	v55 =	vld [tilespmem:s4+$0x2C30]  }
0x194: {  	v56 =	vld [tilespmem:s4+$0xAC40]  }
0x195: {  	v57 =	vld [tilespmem:s4+$0x2C40]  }
0x196: {  	v58 =	vld [tilespmem:s4+$0xAC50]  }
0x197: {  	v59 =	vld [tilespmem:s4+$0x2C50]  }
0x198: {  	v60 =	vld [tilespmem:s4+$0xAC60]  }
0x199: {  	v0 =	vadd.f32 v1, v0;
	v1 =	vld [tilespmem:s4+$0x2C60]  }
0x19a: {  	v2 =	vadd.f32 v3, v2;
	v3 =	vld [tilespmem:s4+$0xAC70]  }
0x19b: {  	v63 =	vadd.f32 v5, v4;
	v4 =	vld [tilespmem:s4+$0x2C70];
	[tilespmem:s4+$0xA000] =	vst v0  }
0x19c: {  	v61 =	vadd.f32 v7, v6;
	v5 =	vld [tilespmem:s4+$0xB000];
	[tilespmem:s4+$0xA010] =	vst v2  }
0x19d: {  	v62 =	vadd.f32 v9, v8;
	v6 =	vld [tilespmem:s4+$0x3000];
	[tilespmem:s4+$0xA020] =	vst v63  }
0x19e: {  	v7 =	vld [tilespmem:s4+$0xB010];
	v13 =	vadd.f32 v13, v12;
	[tilespmem:s4+$0xA030] =	vst v61  }
0x19f: {  	v8 =	vld [tilespmem:s4+$0x3010];
	v15 =	vadd.f32 v15, v14;
	[tilespmem:s4+$0xA040] =	vst v62  }
0x1a0: {  	v9 =	vld [tilespmem:s4+$0xB020];
	v17 =	vadd.f32 v17, v16;
	[tilespmem:s4+$0xA060] =	vst v13  }
0x1a1: {  	v19 =	vadd.f32 v19, v18;
	v12 =	vld [tilespmem:s4+$0x3030];
	[tilespmem:s4+$0xA070] =	vst v15  }
0x1a2: {  	v21 =	vadd.f32 v21, v20;
	v14 =	vld [tilespmem:s4+$0x3040];
	[tilespmem:s4+$0xA400] =	vst v17  }
0x1a3: {  	v23 =	vadd.f32 v23, v22;
	v16 =	vld [tilespmem:s4+$0x3050];
	[tilespmem:s4+$0xA410] =	vst v19  }
0x1a4: {  	v25 =	vadd.f32 v25, v24;
	v20 =	vld [tilespmem:s4+$0x3070];
	[tilespmem:s4+$0xA420] =	vst v21  }
0x1a5: {  	v27 =	vadd.f32 v27, v26;
	v22 =	vld [tilespmem:s4+$0x3400];
	[tilespmem:s4+$0xA430] =	vst v23  }
0x1a6: {  	v29 =	vadd.f32 v29, v28;
	v24 =	vld [tilespmem:s4+$0x3410];
	[tilespmem:s4+$0xA440] =	vst v25  }
0x1a7: {  	v28 =	vadd.f32 v37, v36;
	v37 =	vld [tilespmem:s4+$0xB430];
	[tilespmem:s4+$0xA450] =	vst v27  }
0x1a8: {  	v36 =	vadd.f32 v51, v50;
	v51 =	vld [tilespmem:s4+$0x3460];
	[tilespmem:s4+$0xA460] =	vst v29  }
0x1a9: {  	v63 =	vadd.f32 v11, v10;
	v10 =	vld [tilespmem:s4+$0x3020];
	[tilespmem:s4+$0xA820] =	vst v28  }
0x1aa: {  	v11 =	vld [tilespmem:s4+$0xB030];
	v61 =	vadd.f32 v31, v30;
	[tilespmem:s4+$0xAC10] =	vst v36  }
0x1ab: {  	v13 =	vld [tilespmem:s4+$0xB040];
	v62 =	vadd.f32 v33, v32;
	[tilespmem:s4+$0xA050] =	vst v63  }
0x1ac: {  	v15 =	vld [tilespmem:s4+$0xB050];
	v27 =	vadd.f32 v35, v34;
	[tilespmem:s4+$0xA470] =	vst v61  }
0x1ad: {  	v17 =	vld [tilespmem:s4+$0xB060];
	v29 =	vadd.f32 v39, v38;
	[tilespmem:s4+$0xA800] =	vst v62  }
0x1ae: {  	v19 =	vld [tilespmem:s4+$0xB070];
	v30 =	vadd.f32 v41, v40;
	[tilespmem:s4+$0xA810] =	vst v27  }
0x1af: {  	v21 =	vld [tilespmem:s4+$0xB400];
	v31 =	vadd.f32 v43, v42;
	[tilespmem:s4+$0xA830] =	vst v29  }
0x1b0: {  	v23 =	vld [tilespmem:s4+$0xB410];
	v32 =	vadd.f32 v45, v44;
	[tilespmem:s4+$0xA840] =	vst v30  }
0x1b1: {  	v33 =	vadd.f32 v47, v46;
	v25 =	vld [tilespmem:s4+$0xB420];
	[tilespmem:s4+$0xA850] =	vst v31  }
0x1b2: {  	v34 =	vadd.f32 v49, v48;
	v35 =	vld [tilespmem:s4+$0x3420];
	[tilespmem:s4+$0xA860] =	vst v32  }
0x1b3: {  	v38 =	vadd.f32 v53, v52;
	v39 =	vld [tilespmem:s4+$0x3430];
	[tilespmem:s4+$0xA870] =	vst v33  }
0x1b4: {  	v40 =	vadd.f32 v55, v54;
	v41 =	vld [tilespmem:s4+$0xB440];
	[tilespmem:s4+$0xAC00] =	vst v34  }
0x1b5: {  	v42 =	vadd.f32 v57, v56;
	v43 =	vld [tilespmem:s4+$0x3440];
	[tilespmem:s4+$0xAC20] =	vst v38  }
0x1b6: {  	v44 =	vadd.f32 v59, v58;
	v45 =	vld [tilespmem:s4+$0xB450];
	[tilespmem:s4+$0xAC30] =	vst v40  }
0x1b7: {  	v47 =	vld [tilespmem:s4+$0x3450];
	[tilespmem:s4+$0xAC40] =	vst v42;
	v46 =	vadd.f32 v1, v60  }
0x1b8: {  	v49 =	vld [tilespmem:s4+$0xB460];
	[tilespmem:s4+$0xAC50] =	vst v44;
	v48 =	vadd.f32 v4, v3  }
0x1b9: {  	v53 =	vld [tilespmem:s4+$0xB470];
	v50 =	vadd.f32 v6, v5;
	[tilespmem:s4+$0xAC60] =	vst v46  }
0x1ba: {  	v55 =	vld [tilespmem:s4+$0x3470];
	v52 =	vadd.f32 v8, v7;
	[tilespmem:s4+$0xAC70] =	vst v48  }
0x1bb: {  	v57 =	vld [tilespmem:s4+$0xB800];
	[tilespmem:s4+$0xB000] =	vst v50;
	v54 =	vadd.f32 v10, v9  }
0x1bc: {  	v59 =	vld [tilespmem:s4+$0x3800];
	[tilespmem:s4+$0xB010] =	vst v52;
	v56 =	vadd.f32 v12, v11  }
0x1bd: {  	v36 =	vld [tilespmem:s4+$0x3830];
	v58 =	vadd.f32 v14, v13;
	[tilespmem:s4+$0xB020] =	vst v54  }
0x1be: {  	v63 =	vld [tilespmem:s4+$0x3060];
	v60 =	vadd.f32 v16, v15;
	[tilespmem:s4+$0xB030] =	vst v56  }
0x1bf: {  	v61 =	vld [tilespmem:s4+$0xB810];
	v19 =	vadd.f32 v20, v19;
	[tilespmem:s4+$0xB040] =	vst v58  }
0x1c0: {  	v32 =	vld [tilespmem:s4+$0x3820];
	v22 =	vadd.f32 v22, v21;
	[tilespmem:s4+$0xB050] =	vst v60  }
0x1c1: {  	v34 =	vld [tilespmem:s4+$0xB830];
	v33 =	vadd.f32 v24, v23;
	[tilespmem:s4+$0xB070] =	vst v19  }
0x1c2: {  	v38 =	vld [tilespmem:s4+$0xB840];
	v35 =	vadd.f32 v35, v25;
	[tilespmem:s4+$0xB400] =	vst v22  }
0x1c3: {  	v40 =	vld [tilespmem:s4+$0xB850];
	v37 =	vadd.f32 v39, v37;
	[tilespmem:s4+$0xB410] =	vst v33  }
0x1c4: {  	v20 =	vld [tilespmem:s4+$0xB820];
	v39 =	vadd.f32 v43, v41;
	[tilespmem:s4+$0xB420] =	vst v35  }
0x1c5: {  	v1 =	vadd.f32 v47, v45;
	v41 =	vld [tilespmem:s4+$0x3850];
	[tilespmem:s4+$0xB430] =	vst v37  }
0x1c6: {  	v42 =	vadd.f32 v51, v49;
	v43 =	vld [tilespmem:s4+$0xB860];
	[tilespmem:s4+$0xB440] =	vst v39  }
0x1c7: {  	v44 =	vadd.f32 v55, v53;
	v45 =	vld [tilespmem:s4+$0x3860];
	[tilespmem:s4+$0xB450] =	vst v1  }
0x1c8: {  	v46 =	vadd.f32 v59, v57;
	v47 =	vld [tilespmem:s4+$0xB870];
	[tilespmem:s4+$0xB460] =	vst v42  }
0x1c9: {  	v49 =	vld [tilespmem:s4+$0x3870];
	v62 =	vadd.f32 v63, v17;
	[tilespmem:s4+$0xB470] =	vst v44  }
0x1ca: {  	v63 =	vld [tilespmem:s4+$0x3810];
	[tilespmem:s4+$0xB800] =	vst v46;
	v52 =	vadd.f32 v36, v34  }
0x1cb: {  	v51 =	vld [tilespmem:s4+$0x3840];
	[tilespmem:s4+$0xB060] =	vst v62;
	v50 =	vadd.f32 v32, v20  }
0x1cc: {  	[tilespmem:s4+$0xB830] =	vst v52;
	v53 =	vadd.f32 v41, v40  }
0x1cd: {  	v54 =	vadd.f32 v45, v43;
	[tilespmem:s4+$0xB820] =	vst v50  }
0x1ce: {  	s22 =	sand.u32 $0x7, s28;
	v55 =	vadd.f32 v49, v47;
	[tilespmem:s4+$0xB850] =	vst v53  }
0x1cf: {  	s7 =	sshll.u32 s22, $0x7;
	v48 =	vadd.f32 v63, v61;
	[tilespmem:s4+$0xB860] =	vst v54  }
0x1d0: {  	s7 =	sadd.s32 s7, s30;
	v56 =	vadd.f32 v51, v38;
	[tilespmem:s4+$0xB870] =	vst v55  }
0x1d1: {  	s22 =	sor.u32 $0x1C00, s7;
	[tilespmem:s4+$0xB810] =	vst v48  }
0x1d2: {  	[tilespmem:s4+$0xB840] =	vst v56;
	v0 =	vld [tilespmem:s22+$0xA000]  }
0x1d3: {  	v1 =	vld [tilespmem:s22+$0x2000];
	_ =	sdelay $0x4  }
0x1d4: {  	v0 =	vadd.f32 v1, v0;
	_ =	sdelay $0x1  }
0x1d5: {  	s31 =	sor.u32 $0x1C10, s7;
	[tilespmem:s22+$0xA000] =	vst v0  }
0x1d6: {  	v0 =	vld [tilespmem:s31+$0xA000]  }
0x1d7: {  	v57 =	vld [tilespmem:s31+$0x2000];
	_ =	sdelay $0x4  }
0x1d8: {  	v0 =	vadd.f32 v57, v0;
	_ =	sdelay $0x1  }
0x1d9: {  	s22 =	sor.u32 $0x1C20, s7;
	[tilespmem:s31+$0xA000] =	vst v0  }
0x1da: {  	v0 =	vld [tilespmem:s22+$0xA000]  }
0x1db: {  	v58 =	vld [tilespmem:s22+$0x2000];
	_ =	sdelay $0x4  }
0x1dc: {  	v0 =	vadd.f32 v58, v0;
	_ =	sdelay $0x1  }
0x1dd: {  	s31 =	sor.u32 $0x1C30, s7;
	[tilespmem:s22+$0xA000] =	vst v0  }
0x1de: {  	v0 =	vld [tilespmem:s31+$0xA000]  }
0x1df: {  	v59 =	vld [tilespmem:s31+$0x2000];
	_ =	sdelay $0x4  }
0x1e0: {  	v0 =	vadd.f32 v59, v0;
	_ =	sdelay $0x1  }
0x1e1: {  	s22 =	sor.u32 $0x1C40, s7;
	[tilespmem:s31+$0xA000] =	vst v0  }
0x1e2: {  	v0 =	vld [tilespmem:s22+$0xA000]  }
0x1e3: {  	v60 =	vld [tilespmem:s22+$0x2000];
	_ =	sdelay $0x4  }
0x1e4: {  	v0 =	vadd.f32 v60, v0;
	_ =	sdelay $0x1  }
0x1e5: {  	s31 =	sor.u32 $0x1C50, s7;
	[tilespmem:s22+$0xA000] =	vst v0  }
0x1e6: {  	v0 =	vld [tilespmem:s31+$0xA000]  }
0x1e7: {  	v61 =	vld [tilespmem:s31+$0x2000];
	_ =	sdelay $0x4  }
0x1e8: {  	v0 =	vadd.f32 v61, v0;
	_ =	sdelay $0x1  }
0x1e9: {  	s22 =	sor.u32 $0x1C60, s7;
	[tilespmem:s31+$0xA000] =	vst v0  }
0x1ea: {  	v0 =	vld [tilespmem:s22+$0xA000]  }
0x1eb: {  	v62 =	vld [tilespmem:s22+$0x2000];
	_ =	sdelay $0x4  }
0x1ec: {  	v0 =	vadd.f32 v62, v0;
	_ =	sdelay $0x1  }
0x1ed: {  	s31 =	sor.u32 $0x1C70, s7;
	[tilespmem:s22+$0xA000] =	vst v0  }
0x1ee: {  	v0 =	vld [tilespmem:s31+$0xA000]  }
0x1ef: {  	v63 =	vld [tilespmem:s31+$0x2000];
	_ =	sdelay $0x1  }
0x1f0: {  	p1 =	sne.s32 s0, $0x780  }
.Ltmp2:
0x1f1: {  	_ = 	snop;
	(pc) =	sbr.rel @p1 .LBB2_7-.Ltmp2, $4  }
0x1f2: {  	_ = 	snop  }
0x1f3: {  	v0 =	vadd.f32 v63, v0  }
0x1f4: {  	s28 =	sadd.s32 $0x1, s28  }
0x1f5: {  	s29 =	sadd.s32 $0x400, s29;
	s0 =	sadd.s32 $0x80, s0;
	s30 =	sadd.s32 $0x400, s30;
	[tilespmem:s31+$0xA000] =	vst v0  }
0x1f6: {  	s0 =	sadd.s32 s2, s26;
	s26 =	simm.s32 $0x0  }
0x1f7: {  	[hbm4b:s0+s26] =	stream.linear.scatter [tilespmem:s11], [sflag:$0x6], $0x4000, $0x38;
	[tilespmem:$0x16000] =	vst v63  }
0x1f8: {  	_ =	swait.ge [sflag:s16], $0x4000  }
0x1f9: {  	s28 =	simm.s32 $0xFFFFC000;
	[sflag:s16] =	ssyncset.done $0x0  }
0x1fa: {  	s29 =	simm.s32 $0x0;
	s0 =	simm.s32 $0x0;
	[sflag:s16] =	ssyncadd.s32 $0xFFFFC000  }
.LBB2_9:
0x1fb: {  	s4 =	sadd.s32 $0x4000, s28  }
0x1fc: {  	s7 =	sand.u32 $0x380, s0;
	s4 =	sand.u32 $0x2000, s4  }
0x1fd: {  	s4 =	sor.u32 s7, s4  }
0x1fe: {  	v0 =	vld [tilespmem:s4+$0xE000]  }
0x1ff: {  	v1 =	vld [tilespmem:s4+$0x2000]  }
0x200: {  	v2 =	vld [tilespmem:s4+$0xE010]  }
0x201: {  	v3 =	vld [tilespmem:s4+$0x2010]  }
0x202: {  	v4 =	vld [tilespmem:s4+$0xE020]  }
0x203: {  	v5 =	vld [tilespmem:s4+$0x2020]  }
0x204: {  	v6 =	vld [tilespmem:s4+$0xE030]  }
0x205: {  	v7 =	vld [tilespmem:s4+$0x2030]  }
0x206: {  	v8 =	vld [tilespmem:s4+$0xE040]  }
0x207: {  	v9 =	vld [tilespmem:s4+$0x2040]  }
0x208: {  	v10 =	vld [tilespmem:s4+$0xE050]  }
0x209: {  	v11 =	vld [tilespmem:s4+$0x2050]  }
0x20a: {  	v12 =	vld [tilespmem:s4+$0xE060]  }
0x20b: {  	v13 =	vld [tilespmem:s4+$0x2060]  }
0x20c: {  	v14 =	vld [tilespmem:s4+$0xE070]  }
0x20d: {  	v15 =	vld [tilespmem:s4+$0x2070]  }
0x20e: {  	v16 =	vld [tilespmem:s4+$0xE400]  }
0x20f: {  	v17 =	vld [tilespmem:s4+$0x2400]  }
0x210: {  	v18 =	vld [tilespmem:s4+$0xE410]  }
0x211: {  	v19 =	vld [tilespmem:s4+$0x2410]  }
0x212: {  	v20 =	vld [tilespmem:s4+$0xE420]  }
0x213: {  	v21 =	vld [tilespmem:s4+$0x2420]  }
0x214: {  	v22 =	vld [tilespmem:s4+$0xE430]  }
0x215: {  	v23 =	vld [tilespmem:s4+$0x2430]  }
0x216: {  	v24 =	vld [tilespmem:s4+$0xE440]  }
0x217: {  	v25 =	vld [tilespmem:s4+$0x2440]  }
0x218: {  	v26 =	vld [tilespmem:s4+$0xE450]  }
0x219: {  	v27 =	vld [tilespmem:s4+$0x2450]  }
0x21a: {  	v28 =	vld [tilespmem:s4+$0xE460]  }
0x21b: {  	v29 =	vld [tilespmem:s4+$0x2460]  }
0x21c: {  	v30 =	vld [tilespmem:s4+$0xE470]  }
0x21d: {  	v31 =	vld [tilespmem:s4+$0x2470]  }
0x21e: {  	v32 =	vld [tilespmem:s4+$0xE800]  }
0x21f: {  	v33 =	vld [tilespmem:s4+$0x2800]  }
0x220: {  	v34 =	vld [tilespmem:s4+$0xE810]  }
0x221: {  	v35 =	vld [tilespmem:s4+$0x2810]  }
0x222: {  	v36 =	vld [tilespmem:s4+$0xE820]  }
0x223: {  	v37 =	vld [tilespmem:s4+$0x2820]  }
0x224: {  	v38 =	vld [tilespmem:s4+$0xE830]  }
0x225: {  	v39 =	vld [tilespmem:s4+$0x2830]  }
0x226: {  	v40 =	vld [tilespmem:s4+$0xE840]  }
0x227: {  	v41 =	vld [tilespmem:s4+$0x2840]  }
0x228: {  	v42 =	vld [tilespmem:s4+$0xE850]  }
0x229: {  	v43 =	vld [tilespmem:s4+$0x2850]  }
0x22a: {  	v44 =	vld [tilespmem:s4+$0xE860]  }
0x22b: {  	v45 =	vld [tilespmem:s4+$0x2860]  }
0x22c: {  	v46 =	vld [tilespmem:s4+$0xE870]  }
0x22d: {  	v47 =	vld [tilespmem:s4+$0x2870]  }
0x22e: {  	v48 =	vld [tilespmem:s4+$0xEC00]  }
0x22f: {  	v49 =	vld [tilespmem:s4+$0x2C00]  }
0x230: {  	v50 =	vld [tilespmem:s4+$0xEC10]  }
0x231: {  	v51 =	vld [tilespmem:s4+$0x2C10]  }
0x232: {  	v52 =	vld [tilespmem:s4+$0xEC20]  }
0x233: {  	v53 =	vld [tilespmem:s4+$0x2C20]  }
0x234: {  	v54 =	vld [tilespmem:s4+$0xEC30]  }
0x235: {  	v55 =	vld [tilespmem:s4+$0x2C30]  }
0x236: {  	v56 =	vld [tilespmem:s4+$0xEC40]  }
0x237: {  	v57 =	vld [tilespmem:s4+$0x2C40]  }
0x238: {  	v58 =	vld [tilespmem:s4+$0xEC50]  }
0x239: {  	v59 =	vld [tilespmem:s4+$0x2C50]  }
0x23a: {  	v60 =	vld [tilespmem:s4+$0xEC60]  }
0x23b: {  	v0 =	vadd.f32 v1, v0;
	v1 =	vld [tilespmem:s4+$0x2C60]  }
0x23c: {  	v2 =	vadd.f32 v3, v2;
	v3 =	vld [tilespmem:s4+$0xEC70]  }
0x23d: {  	v63 =	vadd.f32 v5, v4;
	v4 =	vld [tilespmem:s4+$0x2C70];
	[tilespmem:s4+$0xE000] =	vst v0  }
0x23e: {  	v61 =	vadd.f32 v7, v6;
	v5 =	vld [tilespmem:s4+$0xF000];
	[tilespmem:s4+$0xE010] =	vst v2  }
0x23f: {  	v62 =	vadd.f32 v9, v8;
	v6 =	vld [tilespmem:s4+$0x3000];
	[tilespmem:s4+$0xE020] =	vst v63  }
0x240: {  	v7 =	vld [tilespmem:s4+$0xF010];
	v13 =	vadd.f32 v13, v12;
	[tilespmem:s4+$0xE030] =	vst v61  }
0x241: {  	v8 =	vld [tilespmem:s4+$0x3010];
	v15 =	vadd.f32 v15, v14;
	[tilespmem:s4+$0xE040] =	vst v62  }
0x242: {  	v9 =	vld [tilespmem:s4+$0xF020];
	v17 =	vadd.f32 v17, v16;
	[tilespmem:s4+$0xE060] =	vst v13  }
0x243: {  	v19 =	vadd.f32 v19, v18;
	v12 =	vld [tilespmem:s4+$0x3030];
	[tilespmem:s4+$0xE070] =	vst v15  }
0x244: {  	v21 =	vadd.f32 v21, v20;
	v14 =	vld [tilespmem:s4+$0x3040];
	[tilespmem:s4+$0xE400] =	vst v17  }
0x245: {  	v23 =	vadd.f32 v23, v22;
	v16 =	vld [tilespmem:s4+$0x3050];
	[tilespmem:s4+$0xE410] =	vst v19  }
0x246: {  	v25 =	vadd.f32 v25, v24;
	v20 =	vld [tilespmem:s4+$0x3070];
	[tilespmem:s4+$0xE420] =	vst v21  }
0x247: {  	v27 =	vadd.f32 v27, v26;
	v22 =	vld [tilespmem:s4+$0x3400];
	[tilespmem:s4+$0xE430] =	vst v23  }
0x248: {  	v29 =	vadd.f32 v29, v28;
	v24 =	vld [tilespmem:s4+$0x3410];
	[tilespmem:s4+$0xE440] =	vst v25  }
0x249: {  	v28 =	vadd.f32 v37, v36;
	v37 =	vld [tilespmem:s4+$0xF430];
	[tilespmem:s4+$0xE450] =	vst v27  }
0x24a: {  	v36 =	vadd.f32 v51, v50;
	v51 =	vld [tilespmem:s4+$0x3460];
	[tilespmem:s4+$0xE460] =	vst v29  }
0x24b: {  	v63 =	vadd.f32 v11, v10;
	v10 =	vld [tilespmem:s4+$0x3020];
	[tilespmem:s4+$0xE820] =	vst v28  }
0x24c: {  	v11 =	vld [tilespmem:s4+$0xF030];
	v61 =	vadd.f32 v31, v30;
	[tilespmem:s4+$0xEC10] =	vst v36  }
0x24d: {  	v13 =	vld [tilespmem:s4+$0xF040];
	v62 =	vadd.f32 v33, v32;
	[tilespmem:s4+$0xE050] =	vst v63  }
0x24e: {  	v15 =	vld [tilespmem:s4+$0xF050];
	v27 =	vadd.f32 v35, v34;
	[tilespmem:s4+$0xE470] =	vst v61  }
0x24f: {  	v17 =	vld [tilespmem:s4+$0xF060];
	v29 =	vadd.f32 v39, v38;
	[tilespmem:s4+$0xE800] =	vst v62  }
0x250: {  	v19 =	vld [tilespmem:s4+$0xF070];
	v30 =	vadd.f32 v41, v40;
	[tilespmem:s4+$0xE810] =	vst v27  }
0x251: {  	v21 =	vld [tilespmem:s4+$0xF400];
	v31 =	vadd.f32 v43, v42;
	[tilespmem:s4+$0xE830] =	vst v29  }
0x252: {  	v23 =	vld [tilespmem:s4+$0xF410];
	v32 =	vadd.f32 v45, v44;
	[tilespmem:s4+$0xE840] =	vst v30  }
0x253: {  	v33 =	vadd.f32 v47, v46;
	v25 =	vld [tilespmem:s4+$0xF420];
	[tilespmem:s4+$0xE850] =	vst v31  }
0x254: {  	v34 =	vadd.f32 v49, v48;
	v35 =	vld [tilespmem:s4+$0x3420];
	[tilespmem:s4+$0xE860] =	vst v32  }
0x255: {  	v38 =	vadd.f32 v53, v52;
	v39 =	vld [tilespmem:s4+$0x3430];
	[tilespmem:s4+$0xE870] =	vst v33  }
0x256: {  	v40 =	vadd.f32 v55, v54;
	v41 =	vld [tilespmem:s4+$0xF440];
	[tilespmem:s4+$0xEC00] =	vst v34  }
0x257: {  	v42 =	vadd.f32 v57, v56;
	v43 =	vld [tilespmem:s4+$0x3440];
	[tilespmem:s4+$0xEC20] =	vst v38  }
0x258: {  	v44 =	vadd.f32 v59, v58;
	v45 =	vld [tilespmem:s4+$0xF450];
	[tilespmem:s4+$0xEC30] =	vst v40  }
0x259: {  	v47 =	vld [tilespmem:s4+$0x3450];
	[tilespmem:s4+$0xEC40] =	vst v42;
	v46 =	vadd.f32 v1, v60  }
0x25a: {  	v49 =	vld [tilespmem:s4+$0xF460];
	[tilespmem:s4+$0xEC50] =	vst v44;
	v48 =	vadd.f32 v4, v3  }
0x25b: {  	v53 =	vld [tilespmem:s4+$0xF470];
	v50 =	vadd.f32 v6, v5;
	[tilespmem:s4+$0xEC60] =	vst v46  }
0x25c: {  	v55 =	vld [tilespmem:s4+$0x3470];
	v52 =	vadd.f32 v8, v7;
	[tilespmem:s4+$0xEC70] =	vst v48  }
0x25d: {  	v57 =	vld [tilespmem:s4+$0xF800];
	[tilespmem:s4+$0xF000] =	vst v50;
	v54 =	vadd.f32 v10, v9  }
0x25e: {  	v59 =	vld [tilespmem:s4+$0x3800];
	[tilespmem:s4+$0xF010] =	vst v52;
	v56 =	vadd.f32 v12, v11  }
0x25f: {  	v36 =	vld [tilespmem:s4+$0x3830];
	v58 =	vadd.f32 v14, v13;
	[tilespmem:s4+$0xF020] =	vst v54  }
0x260: {  	v63 =	vld [tilespmem:s4+$0x3060];
	v60 =	vadd.f32 v16, v15;
	[tilespmem:s4+$0xF030] =	vst v56  }
0x261: {  	v61 =	vld [tilespmem:s4+$0xF810];
	v19 =	vadd.f32 v20, v19;
	[tilespmem:s4+$0xF040] =	vst v58  }
0x262: {  	v32 =	vld [tilespmem:s4+$0x3820];
	v22 =	vadd.f32 v22, v21;
	[tilespmem:s4+$0xF050] =	vst v60  }
0x263: {  	v34 =	vld [tilespmem:s4+$0xF830];
	v33 =	vadd.f32 v24, v23;
	[tilespmem:s4+$0xF070] =	vst v19  }
0x264: {  	v38 =	vld [tilespmem:s4+$0xF840];
	v35 =	vadd.f32 v35, v25;
	[tilespmem:s4+$0xF400] =	vst v22  }
0x265: {  	v40 =	vld [tilespmem:s4+$0xF850];
	v37 =	vadd.f32 v39, v37;
	[tilespmem:s4+$0xF410] =	vst v33  }
0x266: {  	v20 =	vld [tilespmem:s4+$0xF820];
	v39 =	vadd.f32 v43, v41;
	[tilespmem:s4+$0xF420] =	vst v35  }
0x267: {  	v1 =	vadd.f32 v47, v45;
	v41 =	vld [tilespmem:s4+$0x3850];
	[tilespmem:s4+$0xF430] =	vst v37  }
0x268: {  	v42 =	vadd.f32 v51, v49;
	v43 =	vld [tilespmem:s4+$0xF860];
	[tilespmem:s4+$0xF440] =	vst v39  }
0x269: {  	v44 =	vadd.f32 v55, v53;
	v45 =	vld [tilespmem:s4+$0x3860];
	[tilespmem:s4+$0xF450] =	vst v1  }
0x26a: {  	v46 =	vadd.f32 v59, v57;
	v47 =	vld [tilespmem:s4+$0xF870];
	[tilespmem:s4+$0xF460] =	vst v42  }
0x26b: {  	v49 =	vld [tilespmem:s4+$0x3870];
	v62 =	vadd.f32 v63, v17;
	[tilespmem:s4+$0xF470] =	vst v44  }
0x26c: {  	v63 =	vld [tilespmem:s4+$0x3810];
	[tilespmem:s4+$0xF800] =	vst v46;
	v52 =	vadd.f32 v36, v34  }
0x26d: {  	v51 =	vld [tilespmem:s4+$0x3840];
	[tilespmem:s4+$0xF060] =	vst v62;
	v50 =	vadd.f32 v32, v20  }
0x26e: {  	[tilespmem:s4+$0xF830] =	vst v52;
	v53 =	vadd.f32 v41, v40  }
0x26f: {  	v54 =	vadd.f32 v45, v43;
	[tilespmem:s4+$0xF820] =	vst v50  }
0x270: {  	s30 =	sand.u32 $0x7, s26;
	v55 =	vadd.f32 v49, v47;
	[tilespmem:s4+$0xF850] =	vst v53  }
0x271: {  	s7 =	sshll.u32 s30, $0x7;
	v48 =	vadd.f32 v63, v61;
	[tilespmem:s4+$0xF860] =	vst v54  }
0x272: {  	s7 =	sadd.s32 s7, s29;
	v56 =	vadd.f32 v51, v38;
	[tilespmem:s4+$0xF870] =	vst v55  }
0x273: {  	s22 =	sor.u32 $0x1C00, s7;
	[tilespmem:s4+$0xF810] =	vst v48  }
0x274: {  	[tilespmem:s4+$0xF840] =	vst v56;
	v0 =	vld [tilespmem:s22+$0xE000]  }
0x275: {  	v1 =	vld [tilespmem:s22+$0x2000];
	_ =	sdelay $0x4  }
0x276: {  	v0 =	vadd.f32 v1, v0;
	_ =	sdelay $0x1  }
0x277: {  	s31 =	sor.u32 $0x1C10, s7;
	[tilespmem:s22+$0xE000] =	vst v0  }
0x278: {  	v0 =	vld [tilespmem:s31+$0xE000]  }
0x279: {  	v57 =	vld [tilespmem:s31+$0x2000];
	_ =	sdelay $0x4  }
0x27a: {  	v0 =	vadd.f32 v57, v0;
	_ =	sdelay $0x1  }
0x27b: {  	s22 =	sor.u32 $0x1C20, s7;
	[tilespmem:s31+$0xE000] =	vst v0  }
0x27c: {  	v0 =	vld [tilespmem:s22+$0xE000]  }
0x27d: {  	v58 =	vld [tilespmem:s22+$0x2000];
	_ =	sdelay $0x4  }
0x27e: {  	v0 =	vadd.f32 v58, v0;
	_ =	sdelay $0x1  }
0x27f: {  	s30 =	sor.u32 $0x1C30, s7;
	[tilespmem:s22+$0xE000] =	vst v0  }
0x280: {  	v0 =	vld [tilespmem:s30+$0xE000]  }
0x281: {  	v59 =	vld [tilespmem:s30+$0x2000];
	_ =	sdelay $0x4  }
0x282: {  	v0 =	vadd.f32 v59, v0;
	_ =	sdelay $0x1  }
0x283: {  	s31 =	sor.u32 $0x1C40, s7;
	[tilespmem:s30+$0xE000] =	vst v0  }
0x284: {  	v0 =	vld [tilespmem:s31+$0xE000]  }
0x285: {  	v60 =	vld [tilespmem:s31+$0x2000];
	_ =	sdelay $0x4  }
0x286: {  	v0 =	vadd.f32 v60, v0;
	_ =	sdelay $0x1  }
0x287: {  	s22 =	sor.u32 $0x1C50, s7;
	[tilespmem:s31+$0xE000] =	vst v0  }
0x288: {  	v0 =	vld [tilespmem:s22+$0xE000]  }
0x289: {  	v61 =	vld [tilespmem:s22+$0x2000];
	_ =	sdelay $0x4  }
0x28a: {  	v0 =	vadd.f32 v61, v0;
	_ =	sdelay $0x1  }
0x28b: {  	s30 =	sor.u32 $0x1C60, s7;
	[tilespmem:s22+$0xE000] =	vst v0  }
0x28c: {  	v0 =	vld [tilespmem:s30+$0xE000]  }
0x28d: {  	v62 =	vld [tilespmem:s30+$0x2000];
	_ =	sdelay $0x4  }
0x28e: {  	v0 =	vadd.f32 v62, v0;
	_ =	sdelay $0x1  }
0x28f: {  	s31 =	sor.u32 $0x1C70, s7;
	[tilespmem:s30+$0xE000] =	vst v0  }
0x290: {  	v0 =	vld [tilespmem:s31+$0xE000]  }
0x291: {  	v63 =	vld [tilespmem:s31+$0x2000];
	_ =	sdelay $0x1  }
0x292: {  	p1 =	sne.s32 s0, $0x780  }
.Ltmp3:
0x293: {  	_ = 	snop;
	(pc) =	sbr.rel @p1 .LBB2_9-.Ltmp3, $4  }
0x294: {  	_ = 	snop  }
0x295: {  	v0 =	vadd.f32 v63, v0  }
0x296: {  	s26 =	sadd.s32 $0x1, s26  }
0x297: {  	s28 =	sadd.s32 $0x400, s28;
	s0 =	sadd.s32 $0x80, s0;
	s29 =	sadd.s32 $0x400, s29;
	[tilespmem:s31+$0xE000] =	vst v0  }
0x298: {  	s0 =	sadd.s32 s2, s25;
	s25 =	simm.s32 $0x0  }
0x299: {  	[hbm4b:s0+s25] =	stream.linear.scatter [tilespmem:s12], [sflag:$0x7], $0x4000, $0x38;
	[tilespmem:$0x16000] =	vst v63  }
0x29a: {  	_ =	swait.ge [sflag:s17], $0x4000  }
0x29b: {  	s26 =	simm.s32 $0xFFFFC000;
	[sflag:s17] =	ssyncset.done $0x0  }
0x29c: {  	s28 =	simm.s32 $0x0;
	s0 =	simm.s32 $0x0;
	[sflag:s17] =	ssyncadd.s32 $0xFFFFC000  }
.LBB2_11:
0x29d: {  	s4 =	sadd.s32 $0x4000, s26  }
0x29e: {  	s7 =	sand.u32 $0x380, s0;
	s4 =	sand.u32 $0x2000, s4  }
0x29f: {  	s4 =	sor.u32 s7, s4  }
0x2a0: {  	v0 =	vld [tilespmem:s4+$0x12000]  }
0x2a1: {  	v1 =	vld [tilespmem:s4+$0x2000]  }
0x2a2: {  	v2 =	vld [tilespmem:s4+$0x12010]  }
0x2a3: {  	v3 =	vld [tilespmem:s4+$0x2010]  }
0x2a4: {  	v4 =	vld [tilespmem:s4+$0x12020]  }
0x2a5: {  	v5 =	vld [tilespmem:s4+$0x2020]  }
0x2a6: {  	v6 =	vld [tilespmem:s4+$0x12030]  }
0x2a7: {  	v7 =	vld [tilespmem:s4+$0x2030]  }
0x2a8: {  	v8 =	vld [tilespmem:s4+$0x12040]  }
0x2a9: {  	v9 =	vld [tilespmem:s4+$0x2040]  }
0x2aa: {  	v10 =	vld [tilespmem:s4+$0x12050]  }
0x2ab: {  	v11 =	vld [tilespmem:s4+$0x2050]  }
0x2ac: {  	v12 =	vld [tilespmem:s4+$0x12060]  }
0x2ad: {  	v13 =	vld [tilespmem:s4+$0x2060]  }
0x2ae: {  	v14 =	vld [tilespmem:s4+$0x12070]  }
0x2af: {  	v15 =	vld [tilespmem:s4+$0x2070]  }
0x2b0: {  	v16 =	vld [tilespmem:s4+$0x12400]  }
0x2b1: {  	v17 =	vld [tilespmem:s4+$0x2400]  }
0x2b2: {  	v18 =	vld [tilespmem:s4+$0x12410]  }
0x2b3: {  	v19 =	vld [tilespmem:s4+$0x2410]  }
0x2b4: {  	v20 =	vld [tilespmem:s4+$0x12420]  }
0x2b5: {  	v21 =	vld [tilespmem:s4+$0x2420]  }
0x2b6: {  	v22 =	vld [tilespmem:s4+$0x12430]  }
0x2b7: {  	v23 =	vld [tilespmem:s4+$0x2430]  }
0x2b8: {  	v24 =	vld [tilespmem:s4+$0x12440]  }
0x2b9: {  	v25 =	vld [tilespmem:s4+$0x2440]  }
0x2ba: {  	v26 =	vld [tilespmem:s4+$0x12450]  }
0x2bb: {  	v27 =	vld [tilespmem:s4+$0x2450]  }
0x2bc: {  	v28 =	vld [tilespmem:s4+$0x12460]  }
0x2bd: {  	v29 =	vld [tilespmem:s4+$0x2460]  }
0x2be: {  	v30 =	vld [tilespmem:s4+$0x12470]  }
0x2bf: {  	v31 =	vld [tilespmem:s4+$0x2470]  }
0x2c0: {  	v32 =	vld [tilespmem:s4+$0x12800]  }
0x2c1: {  	v33 =	vld [tilespmem:s4+$0x2800]  }
0x2c2: {  	v34 =	vld [tilespmem:s4+$0x12810]  }
0x2c3: {  	v35 =	vld [tilespmem:s4+$0x2810]  }
0x2c4: {  	v36 =	vld [tilespmem:s4+$0x12820]  }
0x2c5: {  	v37 =	vld [tilespmem:s4+$0x2820]  }
0x2c6: {  	v38 =	vld [tilespmem:s4+$0x12830]  }
0x2c7: {  	v39 =	vld [tilespmem:s4+$0x2830]  }
0x2c8: {  	v40 =	vld [tilespmem:s4+$0x12840]  }
0x2c9: {  	v41 =	vld [tilespmem:s4+$0x2840]  }
0x2ca: {  	v42 =	vld [tilespmem:s4+$0x12850]  }
0x2cb: {  	v43 =	vld [tilespmem:s4+$0x2850]  }
0x2cc: {  	v44 =	vld [tilespmem:s4+$0x12860]  }
0x2cd: {  	v45 =	vld [tilespmem:s4+$0x2860]  }
0x2ce: {  	v46 =	vld [tilespmem:s4+$0x12870]  }
0x2cf: {  	v47 =	vld [tilespmem:s4+$0x2870]  }
0x2d0: {  	v48 =	vld [tilespmem:s4+$0x12C00]  }
0x2d1: {  	v49 =	vld [tilespmem:s4+$0x2C00]  }
0x2d2: {  	v50 =	vld [tilespmem:s4+$0x12C10]  }
0x2d3: {  	v51 =	vld [tilespmem:s4+$0x2C10]  }
0x2d4: {  	v52 =	vld [tilespmem:s4+$0x12C20]  }
0x2d5: {  	v53 =	vld [tilespmem:s4+$0x2C20]  }
0x2d6: {  	v54 =	vld [tilespmem:s4+$0x12C30]  }
0x2d7: {  	v55 =	vld [tilespmem:s4+$0x2C30]  }
0x2d8: {  	v56 =	vld [tilespmem:s4+$0x12C40]  }
0x2d9: {  	v57 =	vld [tilespmem:s4+$0x2C40]  }
0x2da: {  	v58 =	vld [tilespmem:s4+$0x12C50]  }
0x2db: {  	v59 =	vld [tilespmem:s4+$0x2C50]  }
0x2dc: {  	v60 =	vld [tilespmem:s4+$0x12C60]  }
0x2dd: {  	v0 =	vadd.f32 v1, v0;
	v1 =	vld [tilespmem:s4+$0x2C60]  }
0x2de: {  	v2 =	vadd.f32 v3, v2;
	v3 =	vld [tilespmem:s4+$0x12C70]  }
0x2df: {  	v63 =	vadd.f32 v5, v4;
	v4 =	vld [tilespmem:s4+$0x2C70];
	[tilespmem:s4+$0x12000] =	vst v0  }
0x2e0: {  	v61 =	vadd.f32 v7, v6;
	v5 =	vld [tilespmem:s4+$0x13000];
	[tilespmem:s4+$0x12010] =	vst v2  }
0x2e1: {  	v62 =	vadd.f32 v9, v8;
	v6 =	vld [tilespmem:s4+$0x3000];
	[tilespmem:s4+$0x12020] =	vst v63  }
0x2e2: {  	v7 =	vld [tilespmem:s4+$0x13010];
	v13 =	vadd.f32 v13, v12;
	[tilespmem:s4+$0x12030] =	vst v61  }
0x2e3: {  	v8 =	vld [tilespmem:s4+$0x3010];
	v15 =	vadd.f32 v15, v14;
	[tilespmem:s4+$0x12040] =	vst v62  }
0x2e4: {  	v9 =	vld [tilespmem:s4+$0x13020];
	v17 =	vadd.f32 v17, v16;
	[tilespmem:s4+$0x12060] =	vst v13  }
0x2e5: {  	v19 =	vadd.f32 v19, v18;
	v12 =	vld [tilespmem:s4+$0x3030];
	[tilespmem:s4+$0x12070] =	vst v15  }
0x2e6: {  	v21 =	vadd.f32 v21, v20;
	v14 =	vld [tilespmem:s4+$0x3040];
	[tilespmem:s4+$0x12400] =	vst v17  }
0x2e7: {  	v23 =	vadd.f32 v23, v22;
	v16 =	vld [tilespmem:s4+$0x3050];
	[tilespmem:s4+$0x12410] =	vst v19  }
0x2e8: {  	v25 =	vadd.f32 v25, v24;
	v20 =	vld [tilespmem:s4+$0x3070];
	[tilespmem:s4+$0x12420] =	vst v21  }
0x2e9: {  	v27 =	vadd.f32 v27, v26;
	v22 =	vld [tilespmem:s4+$0x3400];
	[tilespmem:s4+$0x12430] =	vst v23  }
0x2ea: {  	v29 =	vadd.f32 v29, v28;
	v24 =	vld [tilespmem:s4+$0x3410];
	[tilespmem:s4+$0x12440] =	vst v25  }
0x2eb: {  	v28 =	vadd.f32 v37, v36;
	v37 =	vld [tilespmem:s4+$0x13430];
	[tilespmem:s4+$0x12450] =	vst v27  }
0x2ec: {  	v36 =	vadd.f32 v51, v50;
	v51 =	vld [tilespmem:s4+$0x3460];
	[tilespmem:s4+$0x12460] =	vst v29  }
0x2ed: {  	v63 =	vadd.f32 v11, v10;
	v10 =	vld [tilespmem:s4+$0x3020];
	[tilespmem:s4+$0x12820] =	vst v28  }
0x2ee: {  	v11 =	vld [tilespmem:s4+$0x13030];
	v61 =	vadd.f32 v31, v30;
	[tilespmem:s4+$0x12C10] =	vst v36  }
0x2ef: {  	v13 =	vld [tilespmem:s4+$0x13040];
	v62 =	vadd.f32 v33, v32;
	[tilespmem:s4+$0x12050] =	vst v63  }
0x2f0: {  	v15 =	vld [tilespmem:s4+$0x13050];
	v27 =	vadd.f32 v35, v34;
	[tilespmem:s4+$0x12470] =	vst v61  }
0x2f1: {  	v17 =	vld [tilespmem:s4+$0x13060];
	v29 =	vadd.f32 v39, v38;
	[tilespmem:s4+$0x12800] =	vst v62  }
0x2f2: {  	v19 =	vld [tilespmem:s4+$0x13070];
	v30 =	vadd.f32 v41, v40;
	[tilespmem:s4+$0x12810] =	vst v27  }
0x2f3: {  	v21 =	vld [tilespmem:s4+$0x13400];
	v31 =	vadd.f32 v43, v42;
	[tilespmem:s4+$0x12830] =	vst v29  }
0x2f4: {  	v23 =	vld [tilespmem:s4+$0x13410];
	v32 =	vadd.f32 v45, v44;
	[tilespmem:s4+$0x12840] =	vst v30  }
0x2f5: {  	v33 =	vadd.f32 v47, v46;
	v25 =	vld [tilespmem:s4+$0x13420];
	[tilespmem:s4+$0x12850] =	vst v31  }
0x2f6: {  	v34 =	vadd.f32 v49, v48;
	v35 =	vld [tilespmem:s4+$0x3420];
	[tilespmem:s4+$0x12860] =	vst v32  }
0x2f7: {  	v38 =	vadd.f32 v53, v52;
	v39 =	vld [tilespmem:s4+$0x3430];
	[tilespmem:s4+$0x12870] =	vst v33  }
0x2f8: {  	v40 =	vadd.f32 v55, v54;
	v41 =	vld [tilespmem:s4+$0x13440];
	[tilespmem:s4+$0x12C00] =	vst v34  }
0x2f9: {  	v42 =	vadd.f32 v57, v56;
	v43 =	vld [tilespmem:s4+$0x3440];
	[tilespmem:s4+$0x12C20] =	vst v38  }
0x2fa: {  	v44 =	vadd.f32 v59, v58;
	v45 =	vld [tilespmem:s4+$0x13450];
	[tilespmem:s4+$0x12C30] =	vst v40  }
0x2fb: {  	v47 =	vld [tilespmem:s4+$0x3450];
	[tilespmem:s4+$0x12C40] =	vst v42;
	v46 =	vadd.f32 v1, v60  }
0x2fc: {  	v49 =	vld [tilespmem:s4+$0x13460];
	[tilespmem:s4+$0x12C50] =	vst v44;
	v48 =	vadd.f32 v4, v3  }
0x2fd: {  	v53 =	vld [tilespmem:s4+$0x13470];
	v50 =	vadd.f32 v6, v5;
	[tilespmem:s4+$0x12C60] =	vst v46  }
0x2fe: {  	v55 =	vld [tilespmem:s4+$0x3470];
	v52 =	vadd.f32 v8, v7;
	[tilespmem:s4+$0x12C70] =	vst v48  }
0x2ff: {  	v57 =	vld [tilespmem:s4+$0x13800];
	[tilespmem:s4+$0x13000] =	vst v50;
	v54 =	vadd.f32 v10, v9  }
0x300: {  	v59 =	vld [tilespmem:s4+$0x3800];
	[tilespmem:s4+$0x13010] =	vst v52;
	v56 =	vadd.f32 v12, v11  }
0x301: {  	v36 =	vld [tilespmem:s4+$0x3830];
	v58 =	vadd.f32 v14, v13;
	[tilespmem:s4+$0x13020] =	vst v54  }
0x302: {  	v63 =	vld [tilespmem:s4+$0x3060];
	v60 =	vadd.f32 v16, v15;
	[tilespmem:s4+$0x13030] =	vst v56  }
0x303: {  	v61 =	vld [tilespmem:s4+$0x13810];
	v19 =	vadd.f32 v20, v19;
	[tilespmem:s4+$0x13040] =	vst v58  }
0x304: {  	v32 =	vld [tilespmem:s4+$0x3820];
	v22 =	vadd.f32 v22, v21;
	[tilespmem:s4+$0x13050] =	vst v60  }
0x305: {  	v34 =	vld [tilespmem:s4+$0x13830];
	v33 =	vadd.f32 v24, v23;
	[tilespmem:s4+$0x13070] =	vst v19  }
0x306: {  	v38 =	vld [tilespmem:s4+$0x13840];
	v35 =	vadd.f32 v35, v25;
	[tilespmem:s4+$0x13400] =	vst v22  }
0x307: {  	v40 =	vld [tilespmem:s4+$0x13850];
	v37 =	vadd.f32 v39, v37;
	[tilespmem:s4+$0x13410] =	vst v33  }
0x308: {  	v20 =	vld [tilespmem:s4+$0x13820];
	v39 =	vadd.f32 v43, v41;
	[tilespmem:s4+$0x13420] =	vst v35  }
0x309: {  	v1 =	vadd.f32 v47, v45;
	v41 =	vld [tilespmem:s4+$0x3850];
	[tilespmem:s4+$0x13430] =	vst v37  }
0x30a: {  	v42 =	vadd.f32 v51, v49;
	v43 =	vld [tilespmem:s4+$0x13860];
	[tilespmem:s4+$0x13440] =	vst v39  }
0x30b: {  	v44 =	vadd.f32 v55, v53;
	v45 =	vld [tilespmem:s4+$0x3860];
	[tilespmem:s4+$0x13450] =	vst v1  }
0x30c: {  	v46 =	vadd.f32 v59, v57;
	v47 =	vld [tilespmem:s4+$0x13870];
	[tilespmem:s4+$0x13460] =	vst v42  }
0x30d: {  	v49 =	vld [tilespmem:s4+$0x3870];
	v62 =	vadd.f32 v63, v17;
	[tilespmem:s4+$0x13470] =	vst v44  }
0x30e: {  	v63 =	vld [tilespmem:s4+$0x3810];
	[tilespmem:s4+$0x13800] =	vst v46;
	v52 =	vadd.f32 v36, v34  }
0x30f: {  	v51 =	vld [tilespmem:s4+$0x3840];
	[tilespmem:s4+$0x13060] =	vst v62;
	v50 =	vadd.f32 v32, v20  }
0x310: {  	[tilespmem:s4+$0x13830] =	vst v52;
	v53 =	vadd.f32 v41, v40  }
0x311: {  	v54 =	vadd.f32 v45, v43;
	[tilespmem:s4+$0x13820] =	vst v50  }
0x312: {  	s22 =	sand.u32 $0x7, s25;
	v55 =	vadd.f32 v49, v47;
	[tilespmem:s4+$0x13850] =	vst v53  }
0x313: {  	s7 =	sshll.u32 s22, $0x7;
	v48 =	vadd.f32 v63, v61;
	[tilespmem:s4+$0x13860] =	vst v54  }
0x314: {  	s7 =	sadd.s32 s7, s28;
	v56 =	vadd.f32 v51, v38;
	[tilespmem:s4+$0x13870] =	vst v55  }
0x315: {  	s22 =	sor.u32 $0x1C00, s7;
	[tilespmem:s4+$0x13810] =	vst v48  }
0x316: {  	[tilespmem:s4+$0x13840] =	vst v56;
	v0 =	vld [tilespmem:s22+$0x12000]  }
0x317: {  	v1 =	vld [tilespmem:s22+$0x2000];
	_ =	sdelay $0x4  }
0x318: {  	v0 =	vadd.f32 v1, v0;
	_ =	sdelay $0x1  }
0x319: {  	s29 =	sor.u32 $0x1C10, s7;
	[tilespmem:s22+$0x12000] =	vst v0  }
0x31a: {  	v0 =	vld [tilespmem:s29+$0x12000]  }
0x31b: {  	v57 =	vld [tilespmem:s29+$0x2000];
	_ =	sdelay $0x4  }
0x31c: {  	v0 =	vadd.f32 v57, v0;
	_ =	sdelay $0x1  }
0x31d: {  	s30 =	sor.u32 $0x1C20, s7;
	[tilespmem:s29+$0x12000] =	vst v0  }
0x31e: {  	v0 =	vld [tilespmem:s30+$0x12000]  }
0x31f: {  	v58 =	vld [tilespmem:s30+$0x2000];
	_ =	sdelay $0x4  }
0x320: {  	v0 =	vadd.f32 v58, v0;
	_ =	sdelay $0x1  }
0x321: {  	s31 =	sor.u32 $0x1C30, s7;
	[tilespmem:s30+$0x12000] =	vst v0  }
0x322: {  	v0 =	vld [tilespmem:s31+$0x12000]  }
0x323: {  	v59 =	vld [tilespmem:s31+$0x2000];
	_ =	sdelay $0x4  }
0x324: {  	v0 =	vadd.f32 v59, v0;
	_ =	sdelay $0x1  }
0x325: {  	s22 =	sor.u32 $0x1C40, s7;
	[tilespmem:s31+$0x12000] =	vst v0  }
0x326: {  	v0 =	vld [tilespmem:s22+$0x12000]  }
0x327: {  	v60 =	vld [tilespmem:s22+$0x2000];
	_ =	sdelay $0x4  }
0x328: {  	v0 =	vadd.f32 v60, v0;
	_ =	sdelay $0x1  }
0x329: {  	s29 =	sor.u32 $0x1C50, s7;
	[tilespmem:s22+$0x12000] =	vst v0  }
0x32a: {  	v0 =	vld [tilespmem:s29+$0x12000]  }
0x32b: {  	v61 =	vld [tilespmem:s29+$0x2000];
	_ =	sdelay $0x4  }
0x32c: {  	v0 =	vadd.f32 v61, v0;
	_ =	sdelay $0x1  }
0x32d: {  	s30 =	sor.u32 $0x1C60, s7;
	[tilespmem:s29+$0x12000] =	vst v0  }
0x32e: {  	v0 =	vld [tilespmem:s30+$0x12000]  }
0x32f: {  	v62 =	vld [tilespmem:s30+$0x2000];
	_ =	sdelay $0x4  }
0x330: {  	v0 =	vadd.f32 v62, v0;
	_ =	sdelay $0x1  }
0x331: {  	s31 =	sor.u32 $0x1C70, s7;
	[tilespmem:s30+$0x12000] =	vst v0  }
0x332: {  	v0 =	vld [tilespmem:s31+$0x12000]  }
0x333: {  	v63 =	vld [tilespmem:s31+$0x2000];
	_ =	sdelay $0x1  }
0x334: {  	p1 =	sne.s32 s0, $0x780  }
.Ltmp4:
0x335: {  	_ = 	snop;
	(pc) =	sbr.rel @p1 .LBB2_11-.Ltmp4, $4  }
0x336: {  	_ = 	snop  }
0x337: {  	v0 =	vadd.f32 v63, v0  }
0x338: {  	s25 =	sadd.s32 $0x1, s25  }
0x339: {  	s26 =	sadd.s32 $0x400, s26;
	s0 =	sadd.s32 $0x80, s0;
	s28 =	sadd.s32 $0x400, s28;
	[tilespmem:s31+$0x12000] =	vst v0  }
0x33a: {  	s0 =	sadd.s32 s2, s24  }
0x33b: {  	[hbm4b:s0+s3] =	stream.linear.scatter [tilespmem:s13], [sflag:$0x8], $0x4000, $0x38;
	[tilespmem:$0x16000] =	vst v63  }
0x33c: {  	_ =	swait.ge [sflag:s18], $0x4000  }
0x33d: {  	[sflag:s18] =	ssyncset.done $0x0  }
0x33e: {  	[sflag:s18] =	ssyncadd.s32 $0xFFFFC000  }
0x33f: {  	_ =	swait.ge [sflag:s19], $0x4000  }
0x340: {  	[sflag:s19] =	ssyncset.done $0x0  }
0x341: {  	s23 =	sadd.s32 $0x1, s23;
	[sflag:s19] =	ssyncadd.s32 $0xFFFFC000  }
0x342: {  	p1 =	sne.s32 s23, $0x18;
	_ =	swait.ge [sflag:s20], $0x4000  }
.Ltmp5:
0x343: {  	[sflag:s20] =	ssyncset.done $0x0;
	(pc) =	sbr.rel @p1 .LBB2_2-.Ltmp5, $4  }
0x344: {  	[sflag:s20] =	ssyncadd.s32 $0xFFFFC000  }
0x345: {  	_ =	swait.ge [sflag:s21], $0x4000  }
0x346: {  	[sflag:s21] =	ssyncset.done $0x0  }
0x347: {  	p0 =	por !p0, !p0;
	[sflag:s21] =	ssyncadd.s32 $0xFFFFC000  }
0x348: {  	s4 =	rddreg [dreg:$0x5]  }
0x349: {  	s0 =	rddreg [dreg:$0x4];
	s4 =	sadd.s32 $0x1, s4  }
0x34a: {  	p0 =	sne.s32 s4, s0  }
.Ltmp6:
0x34b: {  	_ = 	snop;
	(pc) =	sbr.rel @p0 .LBB2_1-.Ltmp6, $1  }
0x34c: {  	_ =	sdelay $0x3  }
0x34d: {  	_ =	sfence.sel $0x180000  }
0x34e: {  	[bflag:$0x0] =	sbarrier.arrive $0xFFFF  }
0x34f: {  	_ =	strace $0x90000047  }
0x350: {  	s0 =	stileid.u32;
	[bflag:$0x2] =	sbarrier.arrive $0xFFFF  }
0x351: {  	p0 =	sne.s32 s0, $0x0;
	s0 =	rddreg [dreg:$0x3]  }
0x352: {  	s0 =	sadd.s32 @!p0 $0x100000, s0  }
0x353: {  	[sflag:s0] =	ssyncadd.tile.s32 @!p0 $0x1;
	_ =	shalt  }
.Lfunc_end2:
_tile_overlayer_lowered:
.L_overlay_start_2:
0x354: {  	(tag) =	ssettag $0x2  }
0x355: {  	s0 =	rddreg [dreg:$0x0];
	s2 =	stileid.u32  }
0x356: {  	s1 =	rddreg [dreg:$0x1];
	p0 =	sne.s32 s2, $0x0  }
0x357: {  	s3 =	rddreg [dreg:$0x2];
	[bflag:$0x3] =	sbarrier.arrive $0xFFFF;
	s2 =	simm.s32 @!p0 $0x1C09  }
0x358: {  	[timem:s3], [sflag:s2] =	dma.local @!p0 [hbm:s0], s1  }
0x359: {  	s0 =	simm.s32 @!p0 $0x9  }
0x35a: {  	_ =	swait.ge @!p0 [sflag:s0], s1  }
0x35b: {  	s1 =	ssub.s32 @!p0 $0x0, s1;
	[sflag:s0] =	ssyncset.done @!p0 $0x0  }
0x35c: {  	[sflag:s0] =	ssyncadd.s32 @!p0 s1  }
0x35d: {  	[bflag:$0x3] =	sbarrier.arrive $0xFFFF  }
0x35e: {  	_ =	shalt  }

</sc_bundles>
